<compile_context>
chip_gen: v7x
topology: tpu7x:2x2x1
jax: 0.10.2.dev20260603
libtpu: 0.0.44.dev20260713+nightly
codegen_flags: <defaults>
</compile_context>

<pallas_src>
import functools
import math

import jax
import jax.numpy as jnp
from jax import lax
from jax.experimental import pallas as pl
from jax.experimental.pallas import tpu as pltpu
from jax.experimental.pallas import tpu_sc as plsc

A, M, S, C = 128, 6, 64, 128
AS = A * S
N = AS * M
E0 = 8192
H, D = 8, 16
NFREQ = 64
TWO_PI = 2.0 * math.pi
GW = 128

BN = 384
B0 = 128
BE = B0 * M * M
BN2 = 512

_CC = (9.9999999992e-01, -1.9739208758e+01, 6.4939390114e+01,
       -8.5456685405e+01, 6.0242465017e+01, -2.6406763170e+01,
       7.8066153849e+00, -1.4609568669e+00)
_SC = (6.2831853069e+00, -4.1341702187e+01, 8.1605246127e+01,
       -7.6705776705e+01, 4.2057534962e+01, -1.5085473646e+01,
       3.7785522298e+00, -6.1797809643e-01)


def _cis2pi(t):
    m = t - jnp.floor(t + 0.5)
    u = m * m
    c = jnp.float32(_CC[7])
    sp = jnp.float32(_SC[7])
    for k in range(6, -1, -1):
        c = c * u + _CC[k]
        sp = sp * u + _SC[k]
    return c, m * sp


def _ln(h, g, b):
    mu = jnp.mean(h, axis=-1, keepdims=True)
    var = jnp.mean((h - mu) * (h - mu), axis=-1, keepdims=True)
    return (h - mu) * jax.lax.rsqrt(var + 1e-5) * g + b


def _k1_body(step_ref, x_ref, mode_ref, time_ref, wq_ref, bq_ref, wk_ref,
             wv_ref, bv_ref, pg_ref, pb_ref,
             xf_ref, xs_ref, q_ref, k_ref, v_ref):
    step = step_ref[0]
    trow = time_ref[pl.ds(step, 1), :]
    mtile = jnp.tile(mode_ref[...], (BN // M, 1))
    xf = x_ref[...] + mtile + trow
    xf_ref[...] = xf
    xs = _ln(xf, pg_ref[...], pb_ref[...])
    xs_ref[...] = xs
    q_ref[...] = jnp.dot(xs, wq_ref[...], preferred_element_type=jnp.float32) + bq_ref[...]
    k_ref[...] = jnp.dot(xs, wk_ref[...], preferred_element_type=jnp.float32)
    v_ref[...] = jnp.dot(xs, wv_ref[...], preferred_element_type=jnp.float32) + bv_ref[...]


def _node_pre(x_r, step, mode_emb, time_emb, WqT, bq, WkT, WvT, bv, pg, pb):
    nblk = N // BN
    row_spec = pl.BlockSpec((BN, C), lambda i: (i, 0))
    full = lambda s: pl.BlockSpec(s, lambda i: tuple(0 for _ in s))
    outs = [jax.ShapeDtypeStruct((N, C), jnp.float32) for _ in range(5)]
    return pl.pallas_call(
        _k1_body,
        grid=(nblk,),
        in_specs=[
            pl.BlockSpec(memory_space=pltpu.SMEM),
            row_spec, full((M, C)), full(time_emb.shape),
            full((C, C)), full((1, C)), full((C, C)),
            full((C, C)), full((1, C)), full((1, C)), full((1, C)),
        ],
        out_specs=[row_spec] * 5,
        out_shape=outs,
    )(step, x_r, mode_emb, time_emb, WqT, bq, WkT, WvT, bv, pg, pb)


CHUNK = 64
NWORK = 32
EPW = E0 // NWORK


def _sc_gather_body(tk, tv, tq, gt, src, dst, gk, gv, gq, gs, gd,
                    idx_s, idx_d, rows, grow, sem):
    nc = 2
    wid = lax.axis_index("s") * nc + lax.axis_index("c")
    for ci in range(EPW // CHUNK):
        base = wid * EPW + ci * CHUNK
        pltpu.sync_copy(src.at[pl.ds(base, CHUNK)], idx_s)
        pltpu.sync_copy(dst.at[pl.ds(base, CHUNK)], idx_d)
        pltpu.async_copy(tk.at[idx_s], rows, sem).wait()
        pltpu.sync_copy(rows, gk.at[pl.ds(base, CHUNK)])
        pltpu.async_copy(tv.at[idx_s], rows, sem).wait()
        pltpu.sync_copy(rows, gv.at[pl.ds(base, CHUNK)])
        pltpu.async_copy(tq.at[idx_d], rows, sem).wait()
        pltpu.sync_copy(rows, gq.at[pl.ds(base, CHUNK)])
        pltpu.async_copy(gt.at[idx_s], grow, sem).wait()
        pltpu.sync_copy(grow, gs.at[pl.ds(base, CHUNK)])
        pltpu.async_copy(gt.at[idx_d], grow, sem).wait()
        pltpu.sync_copy(grow, gd.at[pl.ds(base, CHUNK)])


def _sc_gather(tk, tv, tq, gt, src, dst):
    mesh = plsc.VectorSubcoreMesh(core_axis_name="c", subcore_axis_name="s")
    wide = M * C
    f = functools.partial(
        pl.kernel,
        mesh=mesh,
        out_type=[
            jax.ShapeDtypeStruct((E0, wide), jnp.float32),
            jax.ShapeDtypeStruct((E0, wide), jnp.float32),
            jax.ShapeDtypeStruct((E0, wide), jnp.float32),
            jax.ShapeDtypeStruct((E0, GW), jnp.float32),
            jax.ShapeDtypeStruct((E0, GW), jnp.float32),
        ],
        scratch_types=[
            pltpu.VMEM((CHUNK,), jnp.int32),
            pltpu.VMEM((CHUNK,), jnp.int32),
            pltpu.VMEM((CHUNK, wide), jnp.float32),
            pltpu.VMEM((CHUNK, GW), jnp.float32),
            pltpu.SemaphoreType.DMA,
        ],
    )(_sc_gather_body)
    return f(tk, tv, tq, gt, src, dst)


def _k3_body(gk_ref, gv_ref, gq_ref, gs_ref, gd_ref,
             fr_ref, w1_ref, b1_ref, g1_ref, t1_ref, w2_ref, b2s_ref,
             og_ref, ob_ref, wfo_ref, bfo_ref, prg_ref, prb_ref,
             wkr_ref, wvr_ref, bvr_ref,
             pv_ref, pe_ref):
    SK = gk_ref[...]
    SV = gv_ref[...]
    DQ = gq_ref[...]
    SG = gs_ref[...]
    DG = gd_ref[...]

    def cat(parts):
        return jnp.concatenate(parts, axis=0)

    k_src = cat([SK[:, (j % M) * C:(j % M) * C + C] for j in range(M * M)])
    v_src = cat([SV[:, (j % M) * C:(j % M) * C + C] for j in range(M * M)])
    q_i = cat([DQ[:, (j // M) * C:(j // M) * C + C] for j in range(M * M)])

    def lane36(tab, off, fn):
        return jnp.concatenate(
            [tab[:, off + fn(j):off + fn(j) + 1] for j in range(M * M)],
            axis=1)

    px_s = lane36(SG, 0, lambda j: j % M)
    py_s = lane36(SG, 6, lambda j: j % M)
    hd_s = lane36(SG, 12, lambda j: j % M)
    px_d = lane36(DG, 0, lambda j: j // M)
    py_d = lane36(DG, 6, lambda j: j // M)
    hd_d = lane36(DG, 12, lambda j: j // M)

    rx = px_s - px_d
    ry = py_s - py_d
    dist = jnp.sqrt(rx * rx + ry * ry)
    ch, sh = _cis2pi(hd_d * (1.0 / TWO_PI))
    direction = jnp.arctan2(ch * ry - sh * rx, ch * rx + sh * ry)
    dh = hd_s - hd_d + math.pi
    rel_head = dh - TWO_PI * jnp.floor(dh / TWO_PI) - math.pi

    def col(mat):
        return cat([mat[:, j:j + 1] for j in range(M * M)])

    rels = [col(dist), col(direction), col(rel_head)]

    W1 = w1_ref[...]
    B1 = b1_ref[...]
    G1 = g1_ref[...]
    T1 = t1_ref[...]
    W2 = w2_ref[...]
    FR = fr_ref[...]
    h2 = jnp.zeros((BE, C), jnp.float32)
    for i in range(3):
        cosv, sinv = _cis2pi(rels[i] * FR[i:i + 1, :])
        xx = jnp.concatenate([cosv, sinv, rels[i]], axis=1)
        h = jnp.dot(xx.astype(jnp.bfloat16), W1[i],
                    preferred_element_type=jnp.float32) + B1[i:i + 1, :]
        h = jax.nn.relu(_ln(h, G1[i:i + 1, :], T1[i:i + 1, :]))
        h2 = h2 + jnp.dot(h.astype(jnp.bfloat16), W2[i],
                          preferred_element_type=jnp.float32)
    h2 = h2 + b2s_ref[...]
    r = jax.nn.relu(_ln(h2, og_ref[...], ob_ref[...]))
    r = jnp.dot(r.astype(jnp.bfloat16), wfo_ref[...],
                preferred_element_type=jnp.float32) + bfo_ref[...]
    rr = _ln(r, prg_ref[...], prb_ref[...])
    rrb = rr.astype(jnp.bfloat16)
    kr = jnp.dot(rrb, wkr_ref[...], preferred_element_type=jnp.float32)
    vr = jnp.dot(rrb, wvr_ref[...], preferred_element_type=jnp.float32) + bvr_ref[...]

    k_j = k_src + kr
    v_j = v_src + vr
    hsel = (lax.broadcasted_iota(jnp.int32, (C, H), 0) // D
            == lax.broadcasted_iota(jnp.int32, (C, H), 1)).astype(jnp.float32)
    hselT = (lax.broadcasted_iota(jnp.int32, (H, C), 0)
             == lax.broadcasted_iota(jnp.int32, (H, C), 1) // D).astype(jnp.float32)
    sim = jnp.dot(q_i * k_j, hsel, preferred_element_type=jnp.float32) * (D ** -0.5)
    ex = jnp.exp(sim)
    pay_v = v_j * jnp.dot(ex, hselT, preferred_element_type=jnp.float32)

    pv_parts = []
    pe_parts = []
    for md in range(M):
        sv = pay_v[md * M * B0:(md * M + 1) * B0, :]
        se = ex[md * M * B0:(md * M + 1) * B0, :]
        for ms in range(1, M):
            o = (md * M + ms) * B0
            sv = sv + pay_v[o:o + B0, :]
            se = se + ex[o:o + B0, :]
        pv_parts.append(sv.reshape(1, B0, C))
        pe_parts.append(se.reshape(1, B0, H))
    pv_ref[...] = jnp.concatenate(pv_parts, axis=0)
    pe_ref[...] = jnp.concatenate(pe_parts, axis=0)


def _edge_stage(gk, gv, gq, gs, gd, freqs, W1T, b1, g1, t1, W2T, b2s,
                og, ob, WfoT, bfo, prg, prb, WkrT, WvrT, bvr):
    nblk = E0 // B0
    row = lambda w: pl.BlockSpec((B0, w), lambda i: (i, 0))
    full = lambda s: pl.BlockSpec(s, lambda i: tuple(0 for _ in s))
    return pl.pallas_call(
        _k3_body,
        grid=(nblk,),
        in_specs=[
            row(M * C), row(M * C), row(M * C), row(GW), row(GW),
            full((3, NFREQ)), full((3, 2 * NFREQ + 1, C)), full((3, C)),
            full((3, C)), full((3, C)), full((3, C, C)), full((1, C)),
            full((1, C)), full((1, C)), full((C, C)), full((1, C)),
            full((1, C)), full((1, C)), full((C, C)), full((C, C)),
            full((1, C)),
        ],
        out_specs=[
            pl.BlockSpec((M, B0, C), lambda i: (0, i, 0)),
            pl.BlockSpec((M, B0, H), lambda i: (0, i, 0)),
        ],
        out_shape=[
            jax.ShapeDtypeStruct((M, E0, C), jnp.float32),
            jax.ShapeDtypeStruct((M, E0, H), jnp.float32),
        ],
    )(gk, gv, gq, gs, gd, freqs, W1T, b1, g1, t1, W2T, b2s,
      og, ob, WfoT, bfo, prg, prb, WkrT, WvrT, bvr)


def _k4_body(dst_ref, pv_ref, pe_ref, av_ref, ae_ref):
    pid = pl.program_id(0)

    @pl.when(pid == 0)
    def _():
        av_ref[...] = jnp.zeros((AS, M * C), jnp.float32)
        ae_ref[...] = jnp.zeros((AS, M * H), jnp.float32)

    def body(j, _):
        d = dst_ref[pid * B0 + j]
        av_ref[pl.ds(d, 1), :] += pv_ref[pl.ds(j, 1), :]
        ae_ref[pl.ds(d, 1), :] += pe_ref[pl.ds(j, 1), :]
        return 0

    lax.fori_loop(0, B0, body, 0)


def _scatter(dst, PV, PE):
    nblk = E0 // B0
    grid_spec = pltpu.PrefetchScalarGridSpec(
        num_scalar_prefetch=1,
        grid=(nblk,),
        in_specs=[
            pl.BlockSpec((B0, M * C), lambda i, *_: (i, 0)),
            pl.BlockSpec((B0, M * H), lambda i, *_: (i, 0)),
        ],
        out_specs=[
            pl.BlockSpec((AS, M * C), lambda i, *_: (0, 0)),
            pl.BlockSpec((AS, M * H), lambda i, *_: (0, 0)),
        ],
    )
    return pl.pallas_call(
        _k4_body,
        grid_spec=grid_spec,
        out_shape=[
            jax.ShapeDtypeStruct((AS, M * C), jnp.float32),
            jax.ShapeDtypeStruct((AS, M * H), jnp.float32),
        ],
    )(dst, PV, PE)


def _k5_body(xf_ref, xs_ref, av_ref, ae_ref,
             ws_ref, bs_ref, wga_ref, wgx_ref, bg_ref, wo_ref, bo_ref,
             pog_ref, pob_ref, fpg_ref, fpb_ref, w1_ref, b1_ref,
             w2_ref, b2_ref, fqg_ref, fqb_ref, out_ref):
    xf = xf_ref[...]
    xs = xs_ref[...]
    hselT = (lax.broadcasted_iota(jnp.int32, (H, C), 0)
             == lax.broadcasted_iota(jnp.int32, (H, C), 1) // D).astype(jnp.float32)
    den = jnp.dot(ae_ref[...], hselT, preferred_element_type=jnp.float32)
    agg = av_ref[...] / (den + 1e-16)
    g = jax.nn.sigmoid(
        jnp.dot(agg, wga_ref[...], preferred_element_type=jnp.float32)
        + jnp.dot(xs, wgx_ref[...], preferred_element_type=jnp.float32)
        + bg_ref[...])
    sproj = jnp.dot(xs, ws_ref[...], preferred_element_type=jnp.float32) + bs_ref[...]
    o = agg + g * (sproj - agg)
    o = jnp.dot(o, wo_ref[...], preferred_element_type=jnp.float32) + bo_ref[...]
    x1 = xf + _ln(o, pog_ref[...], pob_ref[...])
    ffh = _ln(x1, fpg_ref[...], fpb_ref[...])
    ffo = jax.nn.relu(
        jnp.dot(ffh, w1_ref[...], preferred_element_type=jnp.float32) + b1_ref[...])
    ffo = jnp.dot(ffo, w2_ref[...], preferred_element_type=jnp.float32) + b2_ref[...]
    out_ref[...] = x1 + _ln(ffo, fqg_ref[...], fqb_ref[...])


def _node_post(xf, xs, av, ae, WsT, bs, WgaT, WgxT, bg, WoT, bo,
               pog, pob, fpg, fpb, ffw1T, ffb1, ffw2T, ffb2, fqg, fqb):
    nblk = N // BN2
    row = lambda w: pl.BlockSpec((BN2, w), lambda i: (i, 0))
    full = lambda s: pl.BlockSpec(s, lambda i: tuple(0 for _ in s))
    return pl.pallas_call(
        _k5_body,
        grid=(nblk,),
        in_specs=[
            row(C), row(C), row(C), row(H),
            full((C, C)), full((1, C)), full((C, C)), full((C, C)),
            full((1, C)), full((C, C)), full((1, C)),
            full((1, C)), full((1, C)), full((1, C)), full((1, C)),
            full((C, 4 * C)), full((1, 4 * C)), full((4 * C, C)),
            full((1, C)), full((1, C)), full((1, C)),
        ],
        out_specs=[row(C)],
        out_shape=[jax.ShapeDtypeStruct((N, C), jnp.float32)],
    )(xf, xs, av, ae, WsT, bs, WgaT, WgxT, bg, WoT, bo,
      pog, pob, fpg, fpb, ffw1T, ffb1, ffw2T, ffb2, fqg, fqb)


def kernel(x, pos, head, edges, pred_step, mode_emb, time_emb, freqs,
           fe_w1, fe_b1, fe_ln1_g, fe_ln1_b, fe_w2, fe_b2,
           fe_out_ln_g, fe_out_ln_b, fe_out_w, fe_out_b,
           Wq, bq, Wk, Wv, bv, Wkr, Wvr, bvr, Ws, bs, Wg, bg, Wo, bo,
           ff_w1, ff_b1, ff_w2, ff_b2,
           pre_x_g, pre_x_b, pre_r_g, pre_r_b, post_g, post_b,
           ffpre_g, ffpre_b, ffpost_g, ffpost_b):
    r1 = lambda a: a.reshape(1, -1)
    x_r = jnp.transpose(x, (0, 2, 1, 3)).reshape(N, C)
    pos_r = jnp.transpose(pos, (0, 2, 1, 3)).reshape(AS, M, 2)
    head_r = jnp.transpose(head, (0, 2, 1)).reshape(AS, M)
    gt = jnp.concatenate(
        [pos_r[:, :, 0], pos_r[:, :, 1], head_r,
         jnp.zeros((AS, GW - 3 * M), jnp.float32)], axis=1)
    step = jnp.asarray(pred_step, jnp.int32).reshape(1)

    xf, xs, q, k, v = _node_pre(
        x_r, step, mode_emb, time_emb, Wq.T, r1(bq), Wk.T, Wv.T, r1(bv),
        r1(pre_x_g), r1(pre_x_b))

    src = edges[0]
    dst = edges[1]
    gk, gv, gq, gs, gd = _sc_gather(
        k.reshape(AS, M * C), v.reshape(AS, M * C), q.reshape(AS, M * C),
        gt, src, dst)

    PV, PE = _edge_stage(
        gk, gv, gq, gs, gd, freqs,
        jnp.transpose(fe_w1, (0, 2, 1)).astype(jnp.bfloat16), fe_b1,
        fe_ln1_g, fe_ln1_b,
        jnp.transpose(fe_w2, (0, 2, 1)).astype(jnp.bfloat16), r1(fe_b2.sum(0)),
        r1(fe_out_ln_g), r1(fe_out_ln_b), fe_out_w.T.astype(jnp.bfloat16),
        r1(fe_out_b), r1(pre_r_g), r1(pre_r_b), Wkr.T.astype(jnp.bfloat16),
        Wvr.T.astype(jnp.bfloat16), r1(bvr))

    av, ae = _scatter(dst,
                      jnp.transpose(PV, (1, 0, 2)).reshape(E0, M * C),
                      jnp.transpose(PE, (1, 0, 2)).reshape(E0, M * H))
    avn = av.reshape(N, C)
    aen = ae.reshape(N, H)

    out = _node_post(
        xf, xs, avn, aen, Ws.T, r1(bs), Wg[:, :C].T, Wg[:, C:].T, r1(bg),
        Wo.T, r1(bo), r1(post_g), r1(post_b), r1(ffpre_g), r1(ffpre_b),
        ff_w1.T, r1(ff_b1), ff_w2.T, r1(ff_b2), r1(ffpost_g), r1(ffpost_b))[0]

    return out.reshape(A, S, M, C).transpose(0, 2, 1, 3)

# --- scband reference (transcript-rebuilt; emitter-appended) ---
"""Pipeline reference for scband-mode-attention-62088047231246 (READ-ONLY COPY).

The authoritative reference and input builder live on the scoring server;
editing this copy changes nothing except your own understanding.
"""

import math
import jax
import jax.numpy as jnp
import numpy as np

A, M, S, C = 128, 6, 64, 128
E0 = 8192
H, D = 8, 16
NFREQ = 64
PRED_STEPS = 64

FLOAT_KEYS = ["x","pos","head","mode_emb","time_emb","freqs","fe_w1","fe_b1","fe_ln1_g","fe_ln1_b","fe_w2","fe_b2","fe_out_ln_g","fe_out_ln_b","fe_out_w","fe_out_b","Wq","bq","Wk","Wv","bv","Wkr","Wvr","bvr","Ws","bs","Wg","bg","Wo","bo","ff_w1","ff_b1","ff_w2","ff_b2","pre_x_g","pre_x_b","pre_r_g","pre_r_b","post_g","post_b","ffpre_g","ffpre_b","ffpost_g","ffpost_b"]


def _ln(x, g, b, eps=1e-5):
    mu = x.mean(-1, keepdims=True)
    var = x.var(-1, keepdims=True)
    return (x - mu) / jnp.sqrt(var + eps) * g + b


def wrap_angle(a):
    return (a + math.pi) % (2 * math.pi) - math.pi


def setup_inputs(seed: int = 0):
    key = jax.random.key(seed)
    def nxt():
        nonlocal key
        key, sub = jax.random.split(key)
        return sub
    w = lambda shape, s=0.02: jax.random.normal(nxt(), shape, dtype=jnp.float32) * s
    d = {}
    d["x"] = jax.random.normal(nxt(), (A, M, S, C), dtype=jnp.float32)
    d["pos"] = jax.random.normal(nxt(), (A, M, S, 2), dtype=jnp.float32) * 10.0
    d["head"] = jax.random.uniform(nxt(), (A, M, S), dtype=jnp.float32, minval=-math.pi, maxval=math.pi)
    d["edges"] = jax.random.randint(nxt(), (2, E0), 0, A * S, dtype=jnp.int32)
    d["pred_step"] = 10
    d["mode_emb"] = w((M, C), 1.0)
    d["time_emb"] = w((PRED_STEPS + 1, C), 1.0)
    d["freqs"] = w((3, NFREQ), 1.0)
    d["fe_w1"] = w((3, C, 2 * NFREQ + 1))
    d["fe_b1"] = jnp.zeros((3, C), jnp.float32)
    d["fe_ln1_g"] = jnp.ones((3, C), jnp.float32)
    d["fe_ln1_b"] = jnp.zeros((3, C), jnp.float32)
    d["fe_w2"] = w((3, C, C))
    d["fe_b2"] = jnp.zeros((3, C), jnp.float32)
    d["fe_out_ln_g"] = jnp.ones((C,), jnp.float32)
    d["fe_out_ln_b"] = jnp.zeros((C,), jnp.float32)
    d["fe_out_w"] = w((C, C))
    d["fe_out_b"] = jnp.zeros((C,), jnp.float32)
    d["Wq"] = w((H * D, C)); d["bq"] = jnp.zeros((H * D,), jnp.float32)
    d["Wk"] = w((H * D, C))
    d["Wv"] = w((H * D, C)); d["bv"] = jnp.zeros((H * D,), jnp.float32)
    d["Wkr"] = w((H * D, C))
    d["Wvr"] = w((H * D, C)); d["bvr"] = jnp.zeros((H * D,), jnp.float32)
    d["Ws"] = w((H * D, C)); d["bs"] = jnp.zeros((H * D,), jnp.float32)
    d["Wg"] = w((H * D, H * D + C)); d["bg"] = jnp.zeros((H * D,), jnp.float32)
    d["Wo"] = w((C, H * D)); d["bo"] = jnp.zeros((C,), jnp.float32)
    d["ff_w1"] = w((4 * C, C)); d["ff_b1"] = jnp.zeros((4 * C,), jnp.float32)
    d["ff_w2"] = w((C, 4 * C)); d["ff_b2"] = jnp.zeros((C,), jnp.float32)
    for nm in ["pre_x", "pre_r", "post", "ffpre", "ffpost"]:
        d[nm + "_g"] = jnp.ones((C,), jnp.float32)
        d[nm + "_b"] = jnp.zeros((C,), jnp.float32)
    return d


def _forward(p, edges, pred_step):
    x = p["x"]; pos = p["pos"]; head = p["head"]
    nA, nM, nS, nC = x.shape
    e0 = edges.shape[1]
    if nM > 1:
        rep = nM * jnp.repeat(edges, nM * nM, axis=1)
        off_src = jnp.tile(jnp.tile(jnp.arange(nM, dtype=edges.dtype), nM), e0)
        off_dst = jnp.tile(jnp.repeat(jnp.arange(nM, dtype=edges.dtype), nM), e0)
        edges = jnp.stack([rep[0] + off_src, rep[1] + off_dst])
        x = x + p["mode_emb"][None, :, None, :]
    x = x + p["time_emb"][pred_step]
    xf = jnp.transpose(x, (0, 2, 1, 3)).reshape(-1, nC)
    posf = jnp.transpose(pos, (0, 2, 1, 3)).reshape(-1, 2)
    headf = jnp.transpose(head, (0, 2, 1)).reshape(-1)
    src, dst = edges[0], edges[1]
    dhv = jnp.stack([jnp.cos(headf), jnp.sin(headf)], axis=-1)
    rel_pos = posf[src] - posf[dst]
    dist = jnp.linalg.norm(rel_pos, axis=-1)
    ctr = dhv[dst]
    direction = jnp.arctan2(ctr[:, 0] * rel_pos[:, 1] - ctr[:, 1] * rel_pos[:, 0], jnp.sum(ctr * rel_pos, axis=-1))
    rel_head = wrap_angle(headf[src] - headf[dst])
    rel = jnp.stack([dist, direction, rel_head], axis=-1)
    # FourierEmbedding(input_dim=3, hidden_dim=C, num_freq_bands=NFREQ)
    xx = rel[..., None] * p["freqs"][None] * (2 * math.pi)
    xx = jnp.concatenate([jnp.cos(xx), jnp.sin(xx), rel[..., None]], axis=-1)
    h = jnp.einsum('eif,iof->eio', xx, p["fe_w1"]) + p["fe_b1"][None]
    h = _ln(h, p["fe_ln1_g"], p["fe_ln1_b"])
    h = jax.nn.relu(h)
    h = jnp.einsum('eic,ioc->eio', h, p["fe_w2"]) + p["fe_b2"][None]
    h = h.sum(axis=1)
    h = _ln(h, p["fe_out_ln_g"], p["fe_out_ln_b"])
    r = jax.nn.relu(h) @ p["fe_out_w"].T + p["fe_out_b"]
    # AttentionLayer (non-bipartite, has_pos_emb=True, pre-norm graph attention)
    N = xf.shape[0]
    xs = _ln(xf, p["pre_x_g"], p["pre_x_b"])
    rr = _ln(r, p["pre_r_g"], p["pre_r_b"])
    q = (xs @ p["Wq"].T + p["bq"]).reshape(N, H, D)
    k = (xs @ p["Wk"].T).reshape(N, H, D)
    v = (xs @ p["Wv"].T + p["bv"]).reshape(N, H, D)
    kr = (rr @ p["Wkr"].T).reshape(-1, H, D)
    vr = (rr @ p["Wvr"].T + p["bvr"]).reshape(-1, H, D)
    k_j = k[src] + kr
    v_j = v[src] + vr
    q_i = q[dst]
    sim = jnp.sum(q_i * k_j, axis=-1) * (D ** -0.5)
    mx = jax.ops.segment_max(sim, dst, num_segments=N)
    mx = jnp.where(jnp.isfinite(mx), mx, 0.0)
    ex = jnp.exp(sim - mx[dst])
    den = jax.ops.segment_sum(ex, dst, num_segments=N)
    attn = ex / (den[dst] + 1e-16)
    agg = jax.ops.segment_sum(v_j * attn[..., None], dst, num_segments=N).reshape(N, H * D)
    g = jax.nn.sigmoid(jnp.concatenate([agg, xs], axis=-1) @ p["Wg"].T + p["bg"])
    o = agg + g * ((xs @ p["Ws"].T + p["bs"]) - agg)
    o = o @ p["Wo"].T + p["bo"]
    x1 = xf + _ln(o, p["post_g"], p["post_b"])
    ffh = _ln(x1, p["ffpre_g"], p["ffpre_b"])
    ffo = jax.nn.relu(ffh @ p["ff_w1"].T + p["ff_b1"]) @ p["ff_w2"].T + p["ff_b2"]
    out = x1 + _ln(ffo, p["ffpost_g"], p["ffpost_b"])
    return out.reshape(nA, nS, nM, nC).transpose(0, 2, 1, 3)


def reference(x, pos, head, edges, pred_step, mode_emb, time_emb, freqs,
              fe_w1, fe_b1, fe_ln1_g, fe_ln1_b, fe_w2, fe_b2,
              fe_out_ln_g, fe_out_ln_b, fe_out_w, fe_out_b,
              Wq, bq, Wk, Wv, bv, Wkr, Wvr, bvr, Ws, bs, Wg, bg, Wo, bo,
              ff_w1, ff_b1, ff_w2, ff_b2,
              pre_x_g, pre_x_b, pre_r_g, pre_r_b, post_g, post_b,
              ffpre_g, ffpre_b, ffpost_g, ffpost_b):
    p = dict(locals())
    return _forward(p, p["edges"], p["pred_step"])


if False:  # reference __main__ guard neutralized (emitter)
    inp = setup_inputs()
    out = reference(**inp)
    print(out.shape, out.dtype)

if __name__ == "__main__":
    import jax
    _d = setup_inputs()
    print(jax.jit(kernel)(*tuple(_d.values())))

</pallas_src>

<mosaic_0001>
#map = affine_map<(d0, d1) -> (0, 0)>
#map1 = affine_map<(d0, d1) -> (0)>
module attributes {stable_mosaic.version = 14 : i64} {
  func.func @_sc_gather_body(%arg0: i32, %arg1: i32, %arg2: memref<8192x768xf32, #tpu.memory_space<hbm>>, %arg3: memref<8192x768xf32, #tpu.memory_space<hbm>>, %arg4: memref<8192x768xf32, #tpu.memory_space<hbm>>, %arg5: memref<8192x128xf32, #tpu.memory_space<hbm>>, %arg6: memref<8192xi32, #tpu.memory_space<hbm>>, %arg7: memref<8192xi32, #tpu.memory_space<hbm>>, %arg8: memref<8192x768xf32, #tpu.memory_space<hbm>>, %arg9: memref<8192x768xf32, #tpu.memory_space<hbm>>, %arg10: memref<8192x768xf32, #tpu.memory_space<hbm>>, %arg11: memref<8192x128xf32, #tpu.memory_space<hbm>>, %arg12: memref<8192x128xf32, #tpu.memory_space<hbm>>, %arg13: memref<64xi32, #tpu.memory_space<vmem>>, %arg14: memref<64xi32, #tpu.memory_space<vmem>>, %arg15: memref<64x768xf32, #tpu.memory_space<vmem>>, %arg16: memref<64x128xf32, #tpu.memory_space<vmem>>, %arg17: memref<!tpu.dma_semaphore, #tpu.memory_space<semaphore_mem>>) attributes {dimension_semantics = [#tpu.dimension_semantics<core_parallel>, #tpu.dimension_semantics<subcore_parallel>], iteration_bounds = array<i64: 2, 16>, scalar_prefetch = 0 : i64, scratch_operands = 5 : i64, tpu.core_type = #tpu.core_type<sc_vector_subcore>, window_params = [{transform_indices = #map}, {transform_indices = #map}, {transform_indices = #map}, {transform_indices = #map}, {transform_indices = #map1}, {transform_indices = #map1}, {transform_indices = #map}, {transform_indices = #map}, {transform_indices = #map}, {transform_indices = #map}, {transform_indices = #map}]} {
    %mul3A = arith.constant 2 : i32
    %mul3A_0 = arith.muli %arg1, %mul3A : i32
    %add3A = arith.addi %mul3A_0, %arg0 : i32
    %mul3A_1 = arith.constant 256 : i32
    %mul3A_2 = arith.muli %add3A, %mul3A_1 : i32
    %add3A_3 = arith.constant 0 : i32
    %add3A_4 = arith.addi %mul3A_2, %add3A_3 : i32
    "tpu.region"() ({
      %run_scoped3A = tpu.sem_alloc : memref<!tpu.dma_semaphore, #tpu.memory_space<semaphore_mem>>
      %dma_start3A_135 = tpu.memref_slice %arg6[%add3A_4] : memref<8192xi32, #tpu.memory_space<hbm>> -> memref<64xi32, #tpu.memory_space<hbm>>
      %dma_start3A_136 = tpu.memref_slice %arg6[%add3A_4] : memref<8192xi32, #tpu.memory_space<hbm>> -> memref<64xi32, #tpu.memory_space<hbm>>
      tpu.enqueue_dma source(%dma_start3A_136 : memref<64xi32, #tpu.memory_space<hbm>>) target(%arg13 : memref<64xi32, #tpu.memory_space<vmem>>) target_semaphore(%run_scoped3A : memref<!tpu.dma_semaphore, #tpu.memory_space<semaphore_mem>>)
      %dma_wait3A_137 = tpu.memref_slice %arg6[%add3A_4] : memref<8192xi32, #tpu.memory_space<hbm>> -> memref<64xi32, #tpu.memory_space<hbm>>
      %dma_wait3A_138 = tpu.memref_slice %arg6[%add3A_4] : memref<8192xi32, #tpu.memory_space<hbm>> -> memref<64xi32, #tpu.memory_space<hbm>>
      tpu.wait_dma2 semaphore(%run_scoped3A : memref<!tpu.dma_semaphore, #tpu.memory_space<semaphore_mem>>) src(%dma_wait3A_138 : memref<64xi32, #tpu.memory_space<hbm>>) dst(%arg13 : memref<64xi32, #tpu.memory_space<vmem>>)
      tpu.yield
    }) : () -> ()
    "tpu.region"() ({
      %run_scoped3A = tpu.sem_alloc : memref<!tpu.dma_semaphore, #tpu.memory_space<semaphore_mem>>
      %dma_start3A_135 = tpu.memref_slice %arg7[%add3A_4] : memref<8192xi32, #tpu.memory_space<hbm>> -> memref<64xi32, #tpu.memory_space<hbm>>
      %dma_start3A_136 = tpu.memref_slice %arg7[%add3A_4] : memref<8192xi32, #tpu.memory_space<hbm>> -> memref<64xi32, #tpu.memory_space<hbm>>
      tpu.enqueue_dma source(%dma_start3A_136 : memref<64xi32, #tpu.memory_space<hbm>>) target(%arg14 : memref<64xi32, #tpu.memory_space<vmem>>) target_semaphore(%run_scoped3A : memref<!tpu.dma_semaphore, #tpu.memory_space<semaphore_mem>>)
      %dma_wait3A_137 = tpu.memref_slice %arg7[%add3A_4] : memref<8192xi32, #tpu.memory_space<hbm>> -> memref<64xi32, #tpu.memory_space<hbm>>
      %dma_wait3A_138 = tpu.memref_slice %arg7[%add3A_4] : memref<8192xi32, #tpu.memory_space<hbm>> -> memref<64xi32, #tpu.memory_space<hbm>>
      tpu.wait_dma2 semaphore(%run_scoped3A : memref<!tpu.dma_semaphore, #tpu.memory_space<semaphore_mem>>) src(%dma_wait3A_138 : memref<64xi32, #tpu.memory_space<hbm>>) dst(%arg14 : memref<64xi32, #tpu.memory_space<vmem>>)
      tpu.yield
    }) : () -> ()
    %dma_start3A = arith.constant 0 : i32
    %dma_start3A_5 = arith.constant 0 : i32
    %dma_start3A_6 = tpu.memref_slice %arg2[%dma_start3A, %dma_start3A_5] : memref<8192x768xf32, #tpu.memory_space<hbm>> -> memref<8192x768xf32, #tpu.memory_space<hbm>>
    tpu.enqueue_indirect_dma source(%dma_start3A_6 : memref<8192x768xf32, #tpu.memory_space<hbm>>) target(%arg15 : memref<64x768xf32, #tpu.memory_space<vmem>>) offsets(%arg13 : memref<64xi32, #tpu.memory_space<vmem>>) semaphore(%arg17 : memref<!tpu.dma_semaphore, #tpu.memory_space<semaphore_mem>>)
    %dma_wait3A = arith.constant 0 : i32
    %dma_wait3A_7 = arith.constant 0 : i32
    %dma_wait3A_8 = tpu.memref_slice %arg2[%dma_wait3A, %dma_wait3A_7] : memref<8192x768xf32, #tpu.memory_space<hbm>> -> memref<8192x768xf32, #tpu.memory_space<hbm>>
    tpu.wait_indirect_dma semaphore(%arg17 : memref<!tpu.dma_semaphore, #tpu.memory_space<semaphore_mem>>) src(%dma_wait3A_8 : memref<8192x768xf32, #tpu.memory_space<hbm>>) dst(%arg15 : memref<64x768xf32, #tpu.memory_space<vmem>>)
    "tpu.region"() ({
      %run_scoped3A = tpu.sem_alloc : memref<!tpu.dma_semaphore, #tpu.memory_space<semaphore_mem>>
      %dma_start3A_135 = arith.constant 0 : i32
      %dma_start3A_136 = tpu.memref_slice %arg8[%add3A_4, %dma_start3A_135] : memref<8192x768xf32, #tpu.memory_space<hbm>> -> memref<64x768xf32, #tpu.memory_space<hbm>>
      %dma_start3A_137 = arith.constant 0 : i32
      %dma_start3A_138 = tpu.memref_slice %arg8[%add3A_4, %dma_start3A_137] : memref<8192x768xf32, #tpu.memory_space<hbm>> -> memref<64x768xf32, #tpu.memory_space<hbm>>
      tpu.enqueue_dma source(%arg15 : memref<64x768xf32, #tpu.memory_space<vmem>>) target(%dma_start3A_138 : memref<64x768xf32, #tpu.memory_space<hbm>>) target_semaphore(%run_scoped3A : memref<!tpu.dma_semaphore, #tpu.memory_space<semaphore_mem>>)
      %dma_wait3A_139 = arith.constant 0 : i32
      %dma_wait3A_140 = tpu.memref_slice %arg8[%add3A_4, %dma_wait3A_139] : memref<8192x768xf32, #tpu.memory_space<hbm>> -> memref<64x768xf32, #tpu.memory_space<hbm>>
      %dma_wait3A_141 = arith.constant 0 : i32
      %dma_wait3A_142 = tpu.memref_slice %arg8[%add3A_4, %dma_wait3A_141] : memref<8192x768xf32, #tpu.memory_space<hbm>> -> memref<64x768xf32, #tpu.memory_space<hbm>>
      tpu.wait_dma2 semaphore(%run_scoped3A : memref<!tpu.dma_semaphore, #tpu.memory_space<semaphore_mem>>) src(%arg15 : memref<64x768xf32, #tpu.memory_space<vmem>>) dst(%dma_wait3A_142 : memref<64x768xf32, #tpu.memory_space<hbm>>)
      tpu.yield
    }) : () -> ()
    %dma_start3A_9 = arith.constant 0 : i32
    %dma_start3A_10 = arith.constant 0 : i32
    %dma_start3A_11 = tpu.memref_slice %arg3[%dma_start3A_9, %dma_start3A_10] : memref<8192x768xf32, #tpu.memory_space<hbm>> -> memref<8192x768xf32, #tpu.memory_space<hbm>>
    tpu.enqueue_indirect_dma source(%dma_start3A_11 : memref<8192x768xf32, #tpu.memory_space<hbm>>) target(%arg15 : memref<64x768xf32, #tpu.memory_space<vmem>>) offsets(%arg13 : memref<64xi32, #tpu.memory_space<vmem>>) semaphore(%arg17 : memref<!tpu.dma_semaphore, #tpu.memory_space<semaphore_mem>>)
    %dma_wait3A_12 = arith.constant 0 : i32
    %dma_wait3A_13 = arith.constant 0 : i32
    %dma_wait3A_14 = tpu.memref_slice %arg3[%dma_wait3A_12, %dma_wait3A_13] : memref<8192x768xf32, #tpu.memory_space<hbm>> -> memref<8192x768xf32, #tpu.memory_space<hbm>>
    tpu.wait_indirect_dma semaphore(%arg17 : memref<!tpu.dma_semaphore, #tpu.memory_space<semaphore_mem>>) src(%dma_wait3A_14 : memref<8192x768xf32, #tpu.memory_space<hbm>>) dst(%arg15 : memref<64x768xf32, #tpu.memory_space<vmem>>)
    "tpu.region"() ({
      %run_scoped3A = tpu.sem_alloc : memref<!tpu.dma_semaphore, #tpu.memory_space<semaphore_mem>>
      %dma_start3A_135 = arith.constant 0 : i32
      %dma_start3A_136 = tpu.memref_slice %arg9[%add3A_4, %dma_start3A_135] : memref<8192x768xf32, #tpu.memory_space<hbm>> -> memref<64x768xf32, #tpu.memory_space<hbm>>
      %dma_start3A_137 = arith.constant 0 : i32
      %dma_start3A_138 = tpu.memref_slice %arg9[%add3A_4, %dma_start3A_137] : memref<8192x768xf32, #tpu.memory_space<hbm>> -> memref<64x768xf32, #tpu.memory_space<hbm>>
      tpu.enqueue_dma source(%arg15 : memref<64x768xf32, #tpu.memory_space<vmem>>) target(%dma_start3A_138 : memref<64x768xf32, #tpu.memory_space<hbm>>) target_semaphore(%run_scoped3A : memref<!tpu.dma_semaphore, #tpu.memory_space<semaphore_mem>>)
      %dma_wait3A_139 = arith.constant 0 : i32
      %dma_wait3A_140 = tpu.memref_slice %arg9[%add3A_4, %dma_wait3A_139] : memref<8192x768xf32, #tpu.memory_space<hbm>> -> memref<64x768xf32, #tpu.memory_space<hbm>>
      %dma_wait3A_141 = arith.constant 0 : i32
      %dma_wait3A_142 = tpu.memref_slice %arg9[%add3A_4, %dma_wait3A_141] : memref<8192x768xf32, #tpu.memory_space<hbm>> -> memref<64x768xf32, #tpu.memory_space<hbm>>
      tpu.wait_dma2 semaphore(%run_scoped3A : memref<!tpu.dma_semaphore, #tpu.memory_space<semaphore_mem>>) src(%arg15 : memref<64x768xf32, #tpu.memory_space<vmem>>) dst(%dma_wait3A_142 : memref<64x768xf32, #tpu.memory_space<hbm>>)
      tpu.yield
    }) : () -> ()
    %dma_start3A_15 = arith.constant 0 : i32
    %dma_start3A_16 = arith.constant 0 : i32
    %dma_start3A_17 = tpu.memref_slice %arg4[%dma_start3A_15, %dma_start3A_16] : memref<8192x768xf32, #tpu.memory_space<hbm>> -> memref<8192x768xf32, #tpu.memory_space<hbm>>
    tpu.enqueue_indirect_dma source(%dma_start3A_17 : memref<8192x768xf32, #tpu.memory_space<hbm>>) target(%arg15 : memref<64x768xf32, #tpu.memory_space<vmem>>) offsets(%arg14 : memref<64xi32, #tpu.memory_space<vmem>>) semaphore(%arg17 : memref<!tpu.dma_semaphore, #tpu.memory_space<semaphore_mem>>)
    %dma_wait3A_18 = arith.constant 0 : i32
    %dma_wait3A_19 = arith.constant 0 : i32
    %dma_wait3A_20 = tpu.memref_slice %arg4[%dma_wait3A_18, %dma_wait3A_19] : memref<8192x768xf32, #tpu.memory_space<hbm>> -> memref<8192x768xf32, #tpu.memory_space<hbm>>
    tpu.wait_indirect_dma semaphore(%arg17 : memref<!tpu.dma_semaphore, #tpu.memory_space<semaphore_mem>>) src(%dma_wait3A_20 : memref<8192x768xf32, #tpu.memory_space<hbm>>) dst(%arg15 : memref<64x768xf32, #tpu.memory_space<vmem>>)
    "tpu.region"() ({
      %run_scoped3A = tpu.sem_alloc : memref<!tpu.dma_semaphore, #tpu.memory_space<semaphore_mem>>
      %dma_start3A_135 = arith.constant 0 : i32
      %dma_start3A_136 = tpu.memref_slice %arg10[%add3A_4, %dma_start3A_135] : memref<8192x768xf32, #tpu.memory_space<hbm>> -> memref<64x768xf32, #tpu.memory_space<hbm>>
      %dma_start3A_137 = arith.constant 0 : i32
      %dma_start3A_138 = tpu.memref_slice %arg10[%add3A_4, %dma_start3A_137] : memref<8192x768xf32, #tpu.memory_space<hbm>> -> memref<64x768xf32, #tpu.memory_space<hbm>>
      tpu.enqueue_dma source(%arg15 : memref<64x768xf32, #tpu.memory_space<vmem>>) target(%dma_start3A_138 : memref<64x768xf32, #tpu.memory_space<hbm>>) target_semaphore(%run_scoped3A : memref<!tpu.dma_semaphore, #tpu.memory_space<semaphore_mem>>)
      %dma_wait3A_139 = arith.constant 0 : i32
      %dma_wait3A_140 = tpu.memref_slice %arg10[%add3A_4, %dma_wait3A_139] : memref<8192x768xf32, #tpu.memory_space<hbm>> -> memref<64x768xf32, #tpu.memory_space<hbm>>
      %dma_wait3A_141 = arith.constant 0 : i32
      %dma_wait3A_142 = tpu.memref_slice %arg10[%add3A_4, %dma_wait3A_141] : memref<8192x768xf32, #tpu.memory_space<hbm>> -> memref<64x768xf32, #tpu.memory_space<hbm>>
      tpu.wait_dma2 semaphore(%run_scoped3A : memref<!tpu.dma_semaphore, #tpu.memory_space<semaphore_mem>>) src(%arg15 : memref<64x768xf32, #tpu.memory_space<vmem>>) dst(%dma_wait3A_142 : memref<64x768xf32, #tpu.memory_space<hbm>>)
      tpu.yield
    }) : () -> ()
    %dma_start3A_21 = arith.constant 0 : i32
    %dma_start3A_22 = arith.constant 0 : i32
    %dma_start3A_23 = tpu.memref_slice %arg5[%dma_start3A_21, %dma_start3A_22] : memref<8192x128xf32, #tpu.memory_space<hbm>> -> memref<8192x128xf32, #tpu.memory_space<hbm>>
    tpu.enqueue_indirect_dma source(%dma_start3A_23 : memref<8192x128xf32, #tpu.memory_space<hbm>>) target(%arg16 : memref<64x128xf32, #tpu.memory_space<vmem>>) offsets(%arg13 : memref<64xi32, #tpu.memory_space<vmem>>) semaphore(%arg17 : memref<!tpu.dma_semaphore, #tpu.memory_space<semaphore_mem>>)
    %dma_wait3A_24 = arith.constant 0 : i32
    %dma_wait3A_25 = arith.constant 0 : i32
    %dma_wait3A_26 = tpu.memref_slice %arg5[%dma_wait3A_24, %dma_wait3A_25] : memref<8192x128xf32, #tpu.memory_space<hbm>> -> memref<8192x128xf32, #tpu.memory_space<hbm>>
    tpu.wait_indirect_dma semaphore(%arg17 : memref<!tpu.dma_semaphore, #tpu.memory_space<semaphore_mem>>) src(%dma_wait3A_26 : memref<8192x128xf32, #tpu.memory_space<hbm>>) dst(%arg16 : memref<64x128xf32, #tpu.memory_space<vmem>>)
    "tpu.region"() ({
      %run_scoped3A = tpu.sem_alloc : memref<!tpu.dma_semaphore, #tpu.memory_space<semaphore_mem>>
      %dma_start3A_135 = arith.constant 0 : i32
      %dma_start3A_136 = tpu.memref_slice %arg11[%add3A_4, %dma_start3A_135] : memref<8192x128xf32, #tpu.memory_space<hbm>> -> memref<64x128xf32, #tpu.memory_space<hbm>>
      %dma_start3A_137 = arith.constant 0 : i32
      %dma_start3A_138 = tpu.memref_slice %arg11[%add3A_4, %dma_start3A_137] : memref<8192x128xf32, #tpu.memory_space<hbm>> -> memref<64x128xf32, #tpu.memory_space<hbm>>
      tpu.enqueue_dma source(%arg16 : memref<64x128xf32, #tpu.memory_space<vmem>>) target(%dma_start3A_138 : memref<64x128xf32, #tpu.memory_space<hbm>>) target_semaphore(%run_scoped3A : memref<!tpu.dma_semaphore, #tpu.memory_space<semaphore_mem>>)
      %dma_wait3A_139 = arith.constant 0 : i32
      %dma_wait3A_140 = tpu.memref_slice %arg11[%add3A_4, %dma_wait3A_139] : memref<8192x128xf32, #tpu.memory_space<hbm>> -> memref<64x128xf32, #tpu.memory_space<hbm>>
      %dma_wait3A_141 = arith.constant 0 : i32
      %dma_wait3A_142 = tpu.memref_slice %arg11[%add3A_4, %dma_wait3A_141] : memref<8192x128xf32, #tpu.memory_space<hbm>> -> memref<64x128xf32, #tpu.memory_space<hbm>>
      tpu.wait_dma2 semaphore(%run_scoped3A : memref<!tpu.dma_semaphore, #tpu.memory_space<semaphore_mem>>) src(%arg16 : memref<64x128xf32, #tpu.memory_space<vmem>>) dst(%dma_wait3A_142 : memref<64x128xf32, #tpu.memory_space<hbm>>)
      tpu.yield
    }) : () -> ()
    %dma_start3A_27 = arith.constant 0 : i32
    %dma_start3A_28 = arith.constant 0 : i32
    %dma_start3A_29 = tpu.memref_slice %arg5[%dma_start3A_27, %dma_start3A_28] : memref<8192x128xf32, #tpu.memory_space<hbm>> -> memref<8192x128xf32, #tpu.memory_space<hbm>>
    tpu.enqueue_indirect_dma source(%dma_start3A_29 : memref<8192x128xf32, #tpu.memory_space<hbm>>) target(%arg16 : memref<64x128xf32, #tpu.memory_space<vmem>>) offsets(%arg14 : memref<64xi32, #tpu.memory_space<vmem>>) semaphore(%arg17 : memref<!tpu.dma_semaphore, #tpu.memory_space<semaphore_mem>>)
    %dma_wait3A_30 = arith.constant 0 : i32
    %dma_wait3A_31 = arith.constant 0 : i32
    %dma_wait3A_32 = tpu.memref_slice %arg5[%dma_wait3A_30, %dma_wait3A_31] : memref<8192x128xf32, #tpu.memory_space<hbm>> -> memref<8192x128xf32, #tpu.memory_space<hbm>>
    tpu.wait_indirect_dma semaphore(%arg17 : memref<!tpu.dma_semaphore, #tpu.memory_space<semaphore_mem>>) src(%dma_wait3A_32 : memref<8192x128xf32, #tpu.memory_space<hbm>>) dst(%arg16 : memref<64x128xf32, #tpu.memory_space<vmem>>)
    "tpu.region"() ({
      %run_scoped3A = tpu.sem_alloc : memref<!tpu.dma_semaphore, #tpu.memory_space<semaphore_mem>>
      %dma_start3A_135 = arith.constant 0 : i32
      %dma_start3A_136 = tpu.memref_slice %arg12[%add3A_4, %dma_start3A_135] : memref<8192x128xf32, #tpu.memory_space<hbm>> -> memref<64x128xf32, #tpu.memory_space<hbm>>
      %dma_start3A_137 = arith.constant 0 : i32
      %dma_start3A_138 = tpu.memref_slice %arg12[%add3A_4, %dma_start3A_137] : memref<8192x128xf32, #tpu.memory_space<hbm>> -> memref<64x128xf32, #tpu.memory_space<hbm>>
      tpu.enqueue_dma source(%arg16 : memref<64x128xf32, #tpu.memory_space<vmem>>) target(%dma_start3A_138 : memref<64x128xf32, #tpu.memory_space<hbm>>) target_semaphore(%run_scoped3A : memref<!tpu.dma_semaphore, #tpu.memory_space<semaphore_mem>>)
      %dma_wait3A_139 = arith.constant 0 : i32
      %dma_wait3A_140 = tpu.memref_slice %arg12[%add3A_4, %dma_wait3A_139] : memref<8192x128xf32, #tpu.memory_space<hbm>> -> memref<64x128xf32, #tpu.memory_space<hbm>>
      %dma_wait3A_141 = arith.constant 0 : i32
      %dma_wait3A_142 = tpu.memref_slice %arg12[%add3A_4, %dma_wait3A_141] : memref<8192x128xf32, #tpu.memory_space<hbm>> -> memref<64x128xf32, #tpu.memory_space<hbm>>
      tpu.wait_dma2 semaphore(%run_scoped3A : memref<!tpu.dma_semaphore, #tpu.memory_space<semaphore_mem>>) src(%arg16 : memref<64x128xf32, #tpu.memory_space<vmem>>) dst(%dma_wait3A_142 : memref<64x128xf32, #tpu.memory_space<hbm>>)
      tpu.yield
    }) : () -> ()
    %mul3A_33 = arith.constant 256 : i32
    %mul3A_34 = arith.muli %add3A, %mul3A_33 : i32
    %add3A_35 = arith.constant 64 : i32
    %add3A_36 = arith.addi %mul3A_34, %add3A_35 : i32
    "tpu.region"() ({
      %run_scoped3A = tpu.sem_alloc : memref<!tpu.dma_semaphore, #tpu.memory_space<semaphore_mem>>
      %dma_start3A_135 = tpu.memref_slice %arg6[%add3A_36] : memref<8192xi32, #tpu.memory_space<hbm>> -> memref<64xi32, #tpu.memory_space<hbm>>
      %dma_start3A_136 = tpu.memref_slice %arg6[%add3A_36] : memref<8192xi32, #tpu.memory_space<hbm>> -> memref<64xi32, #tpu.memory_space<hbm>>
      tpu.enqueue_dma source(%dma_start3A_136 : memref<64xi32, #tpu.memory_space<hbm>>) target(%arg13 : memref<64xi32, #tpu.memory_space<vmem>>) target_semaphore(%run_scoped3A : memref<!tpu.dma_semaphore, #tpu.memory_space<semaphore_mem>>)
      %dma_wait3A_137 = tpu.memref_slice %arg6[%add3A_36] : memref<8192xi32, #tpu.memory_space<hbm>> -> memref<64xi32, #tpu.memory_space<hbm>>
      %dma_wait3A_138 = tpu.memref_slice %arg6[%add3A_36] : memref<8192xi32, #tpu.memory_space<hbm>> -> memref<64xi32, #tpu.memory_space<hbm>>
      tpu.wait_dma2 semaphore(%run_scoped3A : memref<!tpu.dma_semaphore, #tpu.memory_space<semaphore_mem>>) src(%dma_wait3A_138 : memref<64xi32, #tpu.memory_space<hbm>>) dst(%arg13 : memref<64xi32, #tpu.memory_space<vmem>>)
      tpu.yield
    }) : () -> ()
    "tpu.region"() ({
      %run_scoped3A = tpu.sem_alloc : memref<!tpu.dma_semaphore, #tpu.memory_space<semaphore_mem>>
      %dma_start3A_135 = tpu.memref_slice %arg7[%add3A_36] : memref<8192xi32, #tpu.memory_space<hbm>> -> memref<64xi32, #tpu.memory_space<hbm>>
      %dma_start3A_136 = tpu.memref_slice %arg7[%add3A_36] : memref<8192xi32, #tpu.memory_space<hbm>> -> memref<64xi32, #tpu.memory_space<hbm>>
      tpu.enqueue_dma source(%dma_start3A_136 : memref<64xi32, #tpu.memory_space<hbm>>) target(%arg14 : memref<64xi32, #tpu.memory_space<vmem>>) target_semaphore(%run_scoped3A : memref<!tpu.dma_semaphore, #tpu.memory_space<semaphore_mem>>)
      %dma_wait3A_137 = tpu.memref_slice %arg7[%add3A_36] : memref<8192xi32, #tpu.memory_space<hbm>> -> memref<64xi32, #tpu.memory_space<hbm>>
      %dma_wait3A_138 = tpu.memref_slice %arg7[%add3A_36] : memref<8192xi32, #tpu.memory_space<hbm>> -> memref<64xi32, #tpu.memory_space<hbm>>
      tpu.wait_dma2 semaphore(%run_scoped3A : memref<!tpu.dma_semaphore, #tpu.memory_space<semaphore_mem>>) src(%dma_wait3A_138 : memref<64xi32, #tpu.memory_space<hbm>>) dst(%arg14 : memref<64xi32, #tpu.memory_space<vmem>>)
      tpu.yield
    }) : () -> ()
    %dma_start3A_37 = arith.constant 0 : i32
    %dma_start3A_38 = arith.constant 0 : i32
    %dma_start3A_39 = tpu.memref_slice %arg2[%dma_start3A_37, %dma_start3A_38] : memref<8192x768xf32, #tpu.memory_space<hbm>> -> memref<8192x768xf32, #tpu.memory_space<hbm>>
    tpu.enqueue_indirect_dma source(%dma_start3A_39 : memref<8192x768xf32, #tpu.memory_space<hbm>>) target(%arg15 : memref<64x768xf32, #tpu.memory_space<vmem>>) offsets(%arg13 : memref<64xi32, #tpu.memory_space<vmem>>) semaphore(%arg17 : memref<!tpu.dma_semaphore, #tpu.memory_space<semaphore_mem>>)
    %dma_wait3A_40 = arith.constant 0 : i32
    %dma_wait3A_41 = arith.constant 0 : i32
    %dma_wait3A_42 = tpu.memref_slice %arg2[%dma_wait3A_40, %dma_wait3A_41] : memref<8192x768xf32, #tpu.memory_space<hbm>> -> memref<8192x768xf32, #tpu.memory_space<hbm>>
    tpu.wait_indirect_dma semaphore(%arg17 : memref<!tpu.dma_semaphore, #tpu.memory_space<semaphore_mem>>) src(%dma_wait3A_42 : memref<8192x768xf32, #tpu.memory_space<hbm>>) dst(%arg15 : memref<64x768xf32, #tpu.memory_space<vmem>>)
    "tpu.region"() ({
      %run_scoped3A = tpu.sem_alloc : memref<!tpu.dma_semaphore, #tpu.memory_space<semaphore_mem>>
      %dma_start3A_135 = arith.constant 0 : i32
      %dma_start3A_136 = tpu.memref_slice %arg8[%add3A_36, %dma_start3A_135] : memref<8192x768xf32, #tpu.memory_space<hbm>> -> memref<64x768xf32, #tpu.memory_space<hbm>>
      %dma_start3A_137 = arith.constant 0 : i32
      %dma_start3A_138 = tpu.memref_slice %arg8[%add3A_36, %dma_start3A_137] : memref<8192x768xf32, #tpu.memory_space<hbm>> -> memref<64x768xf32, #tpu.memory_space<hbm>>
      tpu.enqueue_dma source(%arg15 : memref<64x768xf32, #tpu.memory_space<vmem>>) target(%dma_start3A_138 : memref<64x768xf32, #tpu.memory_space<hbm>>) target_semaphore(%run_scoped3A : memref<!tpu.dma_semaphore, #tpu.memory_space<semaphore_mem>>)
      %dma_wait3A_139 = arith.constant 0 : i32
      %dma_wait3A_140 = tpu.memref_slice %arg8[%add3A_36, %dma_wait3A_139] : memref<8192x768xf32, #tpu.memory_space<hbm>> -> memref<64x768xf32, #tpu.memory_space<hbm>>
      %dma_wait3A_141 = arith.constant 0 : i32
      %dma_wait3A_142 = tpu.memref_slice %arg8[%add3A_36, %dma_wait3A_141] : memref<8192x768xf32, #tpu.memory_space<hbm>> -> memref<64x768xf32, #tpu.memory_space<hbm>>
      tpu.wait_dma2 semaphore(%run_scoped3A : memref<!tpu.dma_semaphore, #tpu.memory_space<semaphore_mem>>) src(%arg15 : memref<64x768xf32, #tpu.memory_space<vmem>>) dst(%dma_wait3A_142 : memref<64x768xf32, #tpu.memory_space<hbm>>)
      tpu.yield
    }) : () -> ()
    %dma_start3A_43 = arith.constant 0 : i32
    %dma_start3A_44 = arith.constant 0 : i32
    %dma_start3A_45 = tpu.memref_slice %arg3[%dma_start3A_43, %dma_start3A_44] : memref<8192x768xf32, #tpu.memory_space<hbm>> -> memref<8192x768xf32, #tpu.memory_space<hbm>>
    tpu.enqueue_indirect_dma source(%dma_start3A_45 : memref<8192x768xf32, #tpu.memory_space<hbm>>) target(%arg15 : memref<64x768xf32, #tpu.memory_space<vmem>>) offsets(%arg13 : memref<64xi32, #tpu.memory_space<vmem>>) semaphore(%arg17 : memref<!tpu.dma_semaphore, #tpu.memory_space<semaphore_mem>>)
    %dma_wait3A_46 = arith.constant 0 : i32
    %dma_wait3A_47 = arith.constant 0 : i32
    %dma_wait3A_48 = tpu.memref_slice %arg3[%dma_wait3A_46, %dma_wait3A_47] : memref<8192x768xf32, #tpu.memory_space<hbm>> -> memref<8192x768xf32, #tpu.memory_space<hbm>>
    tpu.wait_indirect_dma semaphore(%arg17 : memref<!tpu.dma_semaphore, #tpu.memory_space<semaphore_mem>>) src(%dma_wait3A_48 : memref<8192x768xf32, #tpu.memory_space<hbm>>) dst(%arg15 : memref<64x768xf32, #tpu.memory_space<vmem>>)
    "tpu.region"() ({
      %run_scoped3A = tpu.sem_alloc : memref<!tpu.dma_semaphore, #tpu.memory_space<semaphore_mem>>
      %dma_start3A_135 = arith.constant 0 : i32
      %dma_start3A_136 = tpu.memref_slice %arg9[%add3A_36, %dma_start3A_135] : memref<8192x768xf32, #tpu.memory_space<hbm>> -> memref<64x768xf32, #tpu.memory_space<hbm>>
      %dma_start3A_137 = arith.constant 0 : i32
      %dma_start3A_138 = tpu.memref_slice %arg9[%add3A_36, %dma_start3A_137] : memref<8192x768xf32, #tpu.memory_space<hbm>> -> memref<64x768xf32, #tpu.memory_space<hbm>>
      tpu.enqueue_dma source(%arg15 : memref<64x768xf32, #tpu.memory_space<vmem>>) target(%dma_start3A_138 : memref<64x768xf32, #tpu.memory_space<hbm>>) target_semaphore(%run_scoped3A : memref<!tpu.dma_semaphore, #tpu.memory_space<semaphore_mem>>)
      %dma_wait3A_139 = arith.constant 0 : i32
      %dma_wait3A_140 = tpu.memref_slice %arg9[%add3A_36, %dma_wait3A_139] : memref<8192x768xf32, #tpu.memory_space<hbm>> -> memref<64x768xf32, #tpu.memory_space<hbm>>
      %dma_wait3A_141 = arith.constant 0 : i32
      %dma_wait3A_142 = tpu.memref_slice %arg9[%add3A_36, %dma_wait3A_141] : memref<8192x768xf32, #tpu.memory_space<hbm>> -> memref<64x768xf32, #tpu.memory_space<hbm>>
      tpu.wait_dma2 semaphore(%run_scoped3A : memref<!tpu.dma_semaphore, #tpu.memory_space<semaphore_mem>>) src(%arg15 : memref<64x768xf32, #tpu.memory_space<vmem>>) dst(%dma_wait3A_142 : memref<64x768xf32, #tpu.memory_space<hbm>>)
      tpu.yield
    }) : () -> ()
    %dma_start3A_49 = arith.constant 0 : i32
    %dma_start3A_50 = arith.constant 0 : i32
    %dma_start3A_51 = tpu.memref_slice %arg4[%dma_start3A_49, %dma_start3A_50] : memref<8192x768xf32, #tpu.memory_space<hbm>> -> memref<8192x768xf32, #tpu.memory_space<hbm>>
    tpu.enqueue_indirect_dma source(%dma_start3A_51 : memref<8192x768xf32, #tpu.memory_space<hbm>>) target(%arg15 : memref<64x768xf32, #tpu.memory_space<vmem>>) offsets(%arg14 : memref<64xi32, #tpu.memory_space<vmem>>) semaphore(%arg17 : memref<!tpu.dma_semaphore, #tpu.memory_space<semaphore_mem>>)
    %dma_wait3A_52 = arith.constant 0 : i32
    %dma_wait3A_53 = arith.constant 0 : i32
    %dma_wait3A_54 = tpu.memref_slice %arg4[%dma_wait3A_52, %dma_wait3A_53] : memref<8192x768xf32, #tpu.memory_space<hbm>> -> memref<8192x768xf32, #tpu.memory_space<hbm>>
    tpu.wait_indirect_dma semaphore(%arg17 : memref<!tpu.dma_semaphore, #tpu.memory_space<semaphore_mem>>) src(%dma_wait3A_54 : memref<8192x768xf32, #tpu.memory_space<hbm>>) dst(%arg15 : memref<64x768xf32, #tpu.memory_space<vmem>>)
    "tpu.region"() ({
      %run_scoped3A = tpu.sem_alloc : memref<!tpu.dma_semaphore, #tpu.memory_space<semaphore_mem>>
      %dma_start3A_135 = arith.constant 0 : i32
      %dma_start3A_136 = tpu.memref_slice %arg10[%add3A_36, %dma_start3A_135] : memref<8192x768xf32, #tpu.memory_space<hbm>> -> memref<64x768xf32, #tpu.memory_space<hbm>>
      %dma_start3A_137 = arith.constant 0 : i32
      %dma_start3A_138 = tpu.memref_slice %arg10[%add3A_36, %dma_start3A_137] : memref<8192x768xf32, #tpu.memory_space<hbm>> -> memref<64x768xf32, #tpu.memory_space<hbm>>
      tpu.enqueue_dma source(%arg15 : memref<64x768xf32, #tpu.memory_space<vmem>>) target(%dma_start3A_138 : memref<64x768xf32, #tpu.memory_space<hbm>>) target_semaphore(%run_scoped3A : memref<!tpu.dma_semaphore, #tpu.memory_space<semaphore_mem>>)
      %dma_wait3A_139 = arith.constant 0 : i32
      %dma_wait3A_140 = tpu.memref_slice %arg10[%add3A_36, %dma_wait3A_139] : memref<8192x768xf32, #tpu.memory_space<hbm>> -> memref<64x768xf32, #tpu.memory_space<hbm>>
      %dma_wait3A_141 = arith.constant 0 : i32
      %dma_wait3A_142 = tpu.memref_slice %arg10[%add3A_36, %dma_wait3A_141] : memref<8192x768xf32, #tpu.memory_space<hbm>> -> memref<64x768xf32, #tpu.memory_space<hbm>>
      tpu.wait_dma2 semaphore(%run_scoped3A : memref<!tpu.dma_semaphore, #tpu.memory_space<semaphore_mem>>) src(%arg15 : memref<64x768xf32, #tpu.memory_space<vmem>>) dst(%dma_wait3A_142 : memref<64x768xf32, #tpu.memory_space<hbm>>)
      tpu.yield
    }) : () -> ()
    %dma_start3A_55 = arith.constant 0 : i32
    %dma_start3A_56 = arith.constant 0 : i32
    %dma_start3A_57 = tpu.memref_slice %arg5[%dma_start3A_55, %dma_start3A_56] : memref<8192x128xf32, #tpu.memory_space<hbm>> -> memref<8192x128xf32, #tpu.memory_space<hbm>>
    tpu.enqueue_indirect_dma source(%dma_start3A_57 : memref<8192x128xf32, #tpu.memory_space<hbm>>) target(%arg16 : memref<64x128xf32, #tpu.memory_space<vmem>>) offsets(%arg13 : memref<64xi32, #tpu.memory_space<vmem>>) semaphore(%arg17 : memref<!tpu.dma_semaphore, #tpu.memory_space<semaphore_mem>>)
    %dma_wait3A_58 = arith.constant 0 : i32
    %dma_wait3A_59 = arith.constant 0 : i32
    %dma_wait3A_60 = tpu.memref_slice %arg5[%dma_wait3A_58, %dma_wait3A_59] : memref<8192x128xf32, #tpu.memory_space<hbm>> -> memref<8192x128xf32, #tpu.memory_space<hbm>>
    tpu.wait_indirect_dma semaphore(%arg17 : memref<!tpu.dma_semaphore, #tpu.memory_space<semaphore_mem>>) src(%dma_wait3A_60 : memref<8192x128xf32, #tpu.memory_space<hbm>>) dst(%arg16 : memref<64x128xf32, #tpu.memory_space<vmem>>)
    "tpu.region"() ({
      %run_scoped3A = tpu.sem_alloc : memref<!tpu.dma_semaphore, #tpu.memory_space<semaphore_mem>>
      %dma_start3A_135 = arith.constant 0 : i32
      %dma_start3A_136 = tpu.memref_slice %arg11[%add3A_36, %dma_start3A_135] : memref<8192x128xf32, #tpu.memory_space<hbm>> -> memref<64x128xf32, #tpu.memory_space<hbm>>
      %dma_start3A_137 = arith.constant 0 : i32
      %dma_start3A_138 = tpu.memref_slice %arg11[%add3A_36, %dma_start3A_137] : memref<8192x128xf32, #tpu.memory_space<hbm>> -> memref<64x128xf32, #tpu.memory_space<hbm>>
      tpu.enqueue_dma source(%arg16 : memref<64x128xf32, #tpu.memory_space<vmem>>) target(%dma_start3A_138 : memref<64x128xf32, #tpu.memory_space<hbm>>) target_semaphore(%run_scoped3A : memref<!tpu.dma_semaphore, #tpu.memory_space<semaphore_mem>>)
      %dma_wait3A_139 = arith.constant 0 : i32
      %dma_wait3A_140 = tpu.memref_slice %arg11[%add3A_36, %dma_wait3A_139] : memref<8192x128xf32, #tpu.memory_space<hbm>> -> memref<64x128xf32, #tpu.memory_space<hbm>>
      %dma_wait3A_141 = arith.constant 0 : i32
      %dma_wait3A_142 = tpu.memref_slice %arg11[%add3A_36, %dma_wait3A_141] : memref<8192x128xf32, #tpu.memory_space<hbm>> -> memref<64x128xf32, #tpu.memory_space<hbm>>
      tpu.wait_dma2 semaphore(%run_scoped3A : memref<!tpu.dma_semaphore, #tpu.memory_space<semaphore_mem>>) src(%arg16 : memref<64x128xf32, #tpu.memory_space<vmem>>) dst(%dma_wait3A_142 : memref<64x128xf32, #tpu.memory_space<hbm>>)
      tpu.yield
    }) : () -> ()
    %dma_start3A_61 = arith.constant 0 : i32
    %dma_start3A_62 = arith.constant 0 : i32
    %dma_start3A_63 = tpu.memref_slice %arg5[%dma_start3A_61, %dma_start3A_62] : memref<8192x128xf32, #tpu.memory_space<hbm>> -> memref<8192x128xf32, #tpu.memory_space<hbm>>
    tpu.enqueue_indirect_dma source(%dma_start3A_63 : memref<8192x128xf32, #tpu.memory_space<hbm>>) target(%arg16 : memref<64x128xf32, #tpu.memory_space<vmem>>) offsets(%arg14 : memref<64xi32, #tpu.memory_space<vmem>>) semaphore(%arg17 : memref<!tpu.dma_semaphore, #tpu.memory_space<semaphore_mem>>)
    %dma_wait3A_64 = arith.constant 0 : i32
    %dma_wait3A_65 = arith.constant 0 : i32
    %dma_wait3A_66 = tpu.memref_slice %arg5[%dma_wait3A_64, %dma_wait3A_65] : memref<8192x128xf32, #tpu.memory_space<hbm>> -> memref<8192x128xf32, #tpu.memory_space<hbm>>
    tpu.wait_indirect_dma semaphore(%arg17 : memref<!tpu.dma_semaphore, #tpu.memory_space<semaphore_mem>>) src(%dma_wait3A_66 : memref<8192x128xf32, #tpu.memory_space<hbm>>) dst(%arg16 : memref<64x128xf32, #tpu.memory_space<vmem>>)
    "tpu.region"() ({
      %run_scoped3A = tpu.sem_alloc : memref<!tpu.dma_semaphore, #tpu.memory_space<semaphore_mem>>
      %dma_start3A_135 = arith.constant 0 : i32
      %dma_start3A_136 = tpu.memref_slice %arg12[%add3A_36, %dma_start3A_135] : memref<8192x128xf32, #tpu.memory_space<hbm>> -> memref<64x128xf32, #tpu.memory_space<hbm>>
      %dma_start3A_137 = arith.constant 0 : i32
      %dma_start3A_138 = tpu.memref_slice %arg12[%add3A_36, %dma_start3A_137] : memref<8192x128xf32, #tpu.memory_space<hbm>> -> memref<64x128xf32, #tpu.memory_space<hbm>>
      tpu.enqueue_dma source(%arg16 : memref<64x128xf32, #tpu.memory_space<vmem>>) target(%dma_start3A_138 : memref<64x128xf32, #tpu.memory_space<hbm>>) target_semaphore(%run_scoped3A : memref<!tpu.dma_semaphore, #tpu.memory_space<semaphore_mem>>)
      %dma_wait3A_139 = arith.constant 0 : i32
      %dma_wait3A_140 = tpu.memref_slice %arg12[%add3A_36, %dma_wait3A_139] : memref<8192x128xf32, #tpu.memory_space<hbm>> -> memref<64x128xf32, #tpu.memory_space<hbm>>
      %dma_wait3A_141 = arith.constant 0 : i32
      %dma_wait3A_142 = tpu.memref_slice %arg12[%add3A_36, %dma_wait3A_141] : memref<8192x128xf32, #tpu.memory_space<hbm>> -> memref<64x128xf32, #tpu.memory_space<hbm>>
      tpu.wait_dma2 semaphore(%run_scoped3A : memref<!tpu.dma_semaphore, #tpu.memory_space<semaphore_mem>>) src(%arg16 : memref<64x128xf32, #tpu.memory_space<vmem>>) dst(%dma_wait3A_142 : memref<64x128xf32, #tpu.memory_space<hbm>>)
      tpu.yield
    }) : () -> ()
    %mul3A_67 = arith.constant 256 : i32
    %mul3A_68 = arith.muli %add3A, %mul3A_67 : i32
    %add3A_69 = arith.constant 128 : i32
    %add3A_70 = arith.addi %mul3A_68, %add3A_69 : i32
    "tpu.region"() ({
      %run_scoped3A = tpu.sem_alloc : memref<!tpu.dma_semaphore, #tpu.memory_space<semaphore_mem>>
      %dma_start3A_135 = tpu.memref_slice %arg6[%add3A_70] : memref<8192xi32, #tpu.memory_space<hbm>> -> memref<64xi32, #tpu.memory_space<hbm>>
      %dma_start3A_136 = tpu.memref_slice %arg6[%add3A_70] : memref<8192xi32, #tpu.memory_space<hbm>> -> memref<64xi32, #tpu.memory_space<hbm>>
      tpu.enqueue_dma source(%dma_start3A_136 : memref<64xi32, #tpu.memory_space<hbm>>) target(%arg13 : memref<64xi32, #tpu.memory_space<vmem>>) target_semaphore(%run_scoped3A : memref<!tpu.dma_semaphore, #tpu.memory_space<semaphore_mem>>)
      %dma_wait3A_137 = tpu.memref_slice %arg6[%add3A_70] : memref<8192xi32, #tpu.memory_space<hbm>> -> memref<64xi32, #tpu.memory_space<hbm>>
      %dma_wait3A_138 = tpu.memref_slice %arg6[%add3A_70] : memref<8192xi32, #tpu.memory_space<hbm>> -> memref<64xi32, #tpu.memory_space<hbm>>
      tpu.wait_dma2 semaphore(%run_scoped3A : memref<!tpu.dma_semaphore, #tpu.memory_space<semaphore_mem>>) src(%dma_wait3A_138 : memref<64xi32, #tpu.memory_space<hbm>>) dst(%arg13 : memref<64xi32, #tpu.memory_space<vmem>>)
      tpu.yield
    }) : () -> ()
    "tpu.region"() ({
      %run_scoped3A = tpu.sem_alloc : memref<!tpu.dma_semaphore, #tpu.memory_space<semaphore_mem>>
      %dma_start3A_135 = tpu.memref_slice %arg7[%add3A_70] : memref<8192xi32, #tpu.memory_space<hbm>> -> memref<64xi32, #tpu.memory_space<hbm>>
      %dma_start3A_136 = tpu.memref_slice %arg7[%add3A_70] : memref<8192xi32, #tpu.memory_space<hbm>> -> memref<64xi32, #tpu.memory_space<hbm>>
      tpu.enqueue_dma source(%dma_start3A_136 : memref<64xi32, #tpu.memory_space<hbm>>) target(%arg14 : memref<64xi32, #tpu.memory_space<vmem>>) target_semaphore(%run_scoped3A : memref<!tpu.dma_semaphore, #tpu.memory_space<semaphore_mem>>)
      %dma_wait3A_137 = tpu.memref_slice %arg7[%add3A_70] : memref<8192xi32, #tpu.memory_space<hbm>> -> memref<64xi32, #tpu.memory_space<hbm>>
      %dma_wait3A_138 = tpu.memref_slice %arg7[%add3A_70] : memref<8192xi32, #tpu.memory_space<hbm>> -> memref<64xi32, #tpu.memory_space<hbm>>
      tpu.wait_dma2 semaphore(%run_scoped3A : memref<!tpu.dma_semaphore, #tpu.memory_space<semaphore_mem>>) src(%dma_wait3A_138 : memref<64xi32, #tpu.memory_space<hbm>>) dst(%arg14 : memref<64xi32, #tpu.memory_space<vmem>>)
      tpu.yield
    }) : () -> ()
    %dma_start3A_71 = arith.constant 0 : i32
    %dma_start3A_72 = arith.constant 0 : i32
    %dma_start3A_73 = tpu.memref_slice %arg2[%dma_start3A_71, %dma_start3A_72] : memref<8192x768xf32, #tpu.memory_space<hbm>> -> memref<8192x768xf32, #tpu.memory_space<hbm>>
    tpu.enqueue_indirect_dma source(%dma_start3A_73 : memref<8192x768xf32, #tpu.memory_space<hbm>>) target(%arg15 : memref<64x768xf32, #tpu.memory_space<vmem>>) offsets(%arg13 : memref<64xi32, #tpu.memory_space<vmem>>) semaphore(%arg17 : memref<!tpu.dma_semaphore, #tpu.memory_space<semaphore_mem>>)
    %dma_wait3A_74 = arith.constant 0 : i32
    %dma_wait3A_75 = arith.constant 0 : i32
    %dma_wait3A_76 = tpu.memref_slice %arg2[%dma_wait3A_74, %dma_wait3A_75] : memref<8192x768xf32, #tpu.memory_space<hbm>> -> memref<8192x768xf32, #tpu.memory_space<hbm>>
    tpu.wait_indirect_dma semaphore(%arg17 : memref<!tpu.dma_semaphore, #tpu.memory_space<semaphore_mem>>) src(%dma_wait3A_76 : memref<8192x768xf32, #tpu.memory_space<hbm>>) dst(%arg15 : memref<64x768xf32, #tpu.memory_space<vmem>>)
    "tpu.region"() ({
      %run_scoped3A = tpu.sem_alloc : memref<!tpu.dma_semaphore, #tpu.memory_space<semaphore_mem>>
      %dma_start3A_135 = arith.constant 0 : i32
      %dma_start3A_136 = tpu.memref_slice %arg8[%add3A_70, %dma_start3A_135] : memref<8192x768xf32, #tpu.memory_space<hbm>> -> memref<64x768xf32, #tpu.memory_space<hbm>>
      %dma_start3A_137 = arith.constant 0 : i32
      %dma_start3A_138 = tpu.memref_slice %arg8[%add3A_70, %dma_start3A_137] : memref<8192x768xf32, #tpu.memory_space<hbm>> -> memref<64x768xf32, #tpu.memory_space<hbm>>
      tpu.enqueue_dma source(%arg15 : memref<64x768xf32, #tpu.memory_space<vmem>>) target(%dma_start3A_138 : memref<64x768xf32, #tpu.memory_space<hbm>>) target_semaphore(%run_scoped3A : memref<!tpu.dma_semaphore, #tpu.memory_space<semaphore_mem>>)
      %dma_wait3A_139 = arith.constant 0 : i32
      %dma_wait3A_140 = tpu.memref_slice %arg8[%add3A_70, %dma_wait3A_139] : memref<8192x768xf32, #tpu.memory_space<hbm>> -> memref<64x768xf32, #tpu.memory_space<hbm>>
      %dma_wait3A_141 = arith.constant 0 : i32
      %dma_wait3A_142 = tpu.memref_slice %arg8[%add3A_70, %dma_wait3A_141] : memref<8192x768xf32, #tpu.memory_space<hbm>> -> memref<64x768xf32, #tpu.memory_space<hbm>>
      tpu.wait_dma2 semaphore(%run_scoped3A : memref<!tpu.dma_semaphore, #tpu.memory_space<semaphore_mem>>) src(%arg15 : memref<64x768xf32, #tpu.memory_space<vmem>>) dst(%dma_wait3A_142 : memref<64x768xf32, #tpu.memory_space<hbm>>)
      tpu.yield
    }) : () -> ()
    %dma_start3A_77 = arith.constant 0 : i32
    %dma_start3A_78 = arith.constant 0 : i32
    %dma_start3A_79 = tpu.memref_slice %arg3[%dma_start3A_77, %dma_start3A_78] : memref<8192x768xf32, #tpu.memory_space<hbm>> -> memref<8192x768xf32, #tpu.memory_space<hbm>>
    tpu.enqueue_indirect_dma source(%dma_start3A_79 : memref<8192x768xf32, #tpu.memory_space<hbm>>) target(%arg15 : memref<64x768xf32, #tpu.memory_space<vmem>>) offsets(%arg13 : memref<64xi32, #tpu.memory_space<vmem>>) semaphore(%arg17 : memref<!tpu.dma_semaphore, #tpu.memory_space<semaphore_mem>>)
    %dma_wait3A_80 = arith.constant 0 : i32
    %dma_wait3A_81 = arith.constant 0 : i32
    %dma_wait3A_82 = tpu.memref_slice %arg3[%dma_wait3A_80, %dma_wait3A_81] : memref<8192x768xf32, #tpu.memory_space<hbm>> -> memref<8192x768xf32, #tpu.memory_space<hbm>>
    tpu.wait_indirect_dma semaphore(%arg17 : memref<!tpu.dma_semaphore, #tpu.memory_space<semaphore_mem>>) src(%dma_wait3A_82 : memref<8192x768xf32, #tpu.memory_space<hbm>>) dst(%arg15 : memref<64x768xf32, #tpu.memory_space<vmem>>)
    "tpu.region"() ({
      %run_scoped3A = tpu.sem_alloc : memref<!tpu.dma_semaphore, #tpu.memory_space<semaphore_mem>>
      %dma_start3A_135 = arith.constant 0 : i32
      %dma_start3A_136 = tpu.memref_slice %arg9[%add3A_70, %dma_start3A_135] : memref<8192x768xf32, #tpu.memory_space<hbm>> -> memref<64x768xf32, #tpu.memory_space<hbm>>
      %dma_start3A_137 = arith.constant 0 : i32
      %dma_start3A_138 = tpu.memref_slice %arg9[%add3A_70, %dma_start3A_137] : memref<8192x768xf32, #tpu.memory_space<hbm>> -> memref<64x768xf32, #tpu.memory_space<hbm>>
      tpu.enqueue_dma source(%arg15 : memref<64x768xf32, #tpu.memory_space<vmem>>) target(%dma_start3A_138 : memref<64x768xf32, #tpu.memory_space<hbm>>) target_semaphore(%run_scoped3A : memref<!tpu.dma_semaphore, #tpu.memory_space<semaphore_mem>>)
      %dma_wait3A_139 = arith.constant 0 : i32
      %dma_wait3A_140 = tpu.memref_slice %arg9[%add3A_70, %dma_wait3A_139] : memref<8192x768xf32, #tpu.memory_space<hbm>> -> memref<64x768xf32, #tpu.memory_space<hbm>>
      %dma_wait3A_141 = arith.constant 0 : i32
      %dma_wait3A_142 = tpu.memref_slice %arg9[%add3A_70, %dma_wait3A_141] : memref<8192x768xf32, #tpu.memory_space<hbm>> -> memref<64x768xf32, #tpu.memory_space<hbm>>
      tpu.wait_dma2 semaphore(%run_scoped3A : memref<!tpu.dma_semaphore, #tpu.memory_space<semaphore_mem>>) src(%arg15 : memref<64x768xf32, #tpu.memory_space<vmem>>) dst(%dma_wait3A_142 : memref<64x768xf32, #tpu.memory_space<hbm>>)
      tpu.yield
    }) : () -> ()
    %dma_start3A_83 = arith.constant 0 : i32
    %dma_start3A_84 = arith.constant 0 : i32
    %dma_start3A_85 = tpu.memref_slice %arg4[%dma_start3A_83, %dma_start3A_84] : memref<8192x768xf32, #tpu.memory_space<hbm>> -> memref<8192x768xf32, #tpu.memory_space<hbm>>
    tpu.enqueue_indirect_dma source(%dma_start3A_85 : memref<8192x768xf32, #tpu.memory_space<hbm>>) target(%arg15 : memref<64x768xf32, #tpu.memory_space<vmem>>) offsets(%arg14 : memref<64xi32, #tpu.memory_space<vmem>>) semaphore(%arg17 : memref<!tpu.dma_semaphore, #tpu.memory_space<semaphore_mem>>)
    %dma_wait3A_86 = arith.constant 0 : i32
    %dma_wait3A_87 = arith.constant 0 : i32
    %dma_wait3A_88 = tpu.memref_slice %arg4[%dma_wait3A_86, %dma_wait3A_87] : memref<8192x768xf32, #tpu.memory_space<hbm>> -> memref<8192x768xf32, #tpu.memory_space<hbm>>
    tpu.wait_indirect_dma semaphore(%arg17 : memref<!tpu.dma_semaphore, #tpu.memory_space<semaphore_mem>>) src(%dma_wait3A_88 : memref<8192x768xf32, #tpu.memory_space<hbm>>) dst(%arg15 : memref<64x768xf32, #tpu.memory_space<vmem>>)
    "tpu.region"() ({
      %run_scoped3A = tpu.sem_alloc : memref<!tpu.dma_semaphore, #tpu.memory_space<semaphore_mem>>
      %dma_start3A_135 = arith.constant 0 : i32
      %dma_start3A_136 = tpu.memref_slice %arg10[%add3A_70, %dma_start3A_135] : memref<8192x768xf32, #tpu.memory_space<hbm>> -> memref<64x768xf32, #tpu.memory_space<hbm>>
      %dma_start3A_137 = arith.constant 0 : i32
      %dma_start3A_138 = tpu.memref_slice %arg10[%add3A_70, %dma_start3A_137] : memref<8192x768xf32, #tpu.memory_space<hbm>> -> memref<64x768xf32, #tpu.memory_space<hbm>>
      tpu.enqueue_dma source(%arg15 : memref<64x768xf32, #tpu.memory_space<vmem>>) target(%dma_start3A_138 : memref<64x768xf32, #tpu.memory_space<hbm>>) target_semaphore(%run_scoped3A : memref<!tpu.dma_semaphore, #tpu.memory_space<semaphore_mem>>)
      %dma_wait3A_139 = arith.constant 0 : i32
      %dma_wait3A_140 = tpu.memref_slice %arg10[%add3A_70, %dma_wait3A_139] : memref<8192x768xf32, #tpu.memory_space<hbm>> -> memref<64x768xf32, #tpu.memory_space<hbm>>
      %dma_wait3A_141 = arith.constant 0 : i32
      %dma_wait3A_142 = tpu.memref_slice %arg10[%add3A_70, %dma_wait3A_141] : memref<8192x768xf32, #tpu.memory_space<hbm>> -> memref<64x768xf32, #tpu.memory_space<hbm>>
      tpu.wait_dma2 semaphore(%run_scoped3A : memref<!tpu.dma_semaphore, #tpu.memory_space<semaphore_mem>>) src(%arg15 : memref<64x768xf32, #tpu.memory_space<vmem>>) dst(%dma_wait3A_142 : memref<64x768xf32, #tpu.memory_space<hbm>>)
      tpu.yield
    }) : () -> ()
    %dma_start3A_89 = arith.constant 0 : i32
    %dma_start3A_90 = arith.constant 0 : i32
    %dma_start3A_91 = tpu.memref_slice %arg5[%dma_start3A_89, %dma_start3A_90] : memref<8192x128xf32, #tpu.memory_space<hbm>> -> memref<8192x128xf32, #tpu.memory_space<hbm>>
    tpu.enqueue_indirect_dma source(%dma_start3A_91 : memref<8192x128xf32, #tpu.memory_space<hbm>>) target(%arg16 : memref<64x128xf32, #tpu.memory_space<vmem>>) offsets(%arg13 : memref<64xi32, #tpu.memory_space<vmem>>) semaphore(%arg17 : memref<!tpu.dma_semaphore, #tpu.memory_space<semaphore_mem>>)
    %dma_wait3A_92 = arith.constant 0 : i32
    %dma_wait3A_93 = arith.constant 0 : i32
    %dma_wait3A_94 = tpu.memref_slice %arg5[%dma_wait3A_92, %dma_wait3A_93] : memref<8192x128xf32, #tpu.memory_space<hbm>> -> memref<8192x128xf32, #tpu.memory_space<hbm>>
    tpu.wait_indirect_dma semaphore(%arg17 : memref<!tpu.dma_semaphore, #tpu.memory_space<semaphore_mem>>) src(%dma_wait3A_94 : memref<8192x128xf32, #tpu.memory_space<hbm>>) dst(%arg16 : memref<64x128xf32, #tpu.memory_space<vmem>>)
    "tpu.region"() ({
      %run_scoped3A = tpu.sem_alloc : memref<!tpu.dma_semaphore, #tpu.memory_space<semaphore_mem>>
      %dma_start3A_135 = arith.constant 0 : i32
      %dma_start3A_136 = tpu.memref_slice %arg11[%add3A_70, %dma_start3A_135] : memref<8192x128xf32, #tpu.memory_space<hbm>> -> memref<64x128xf32, #tpu.memory_space<hbm>>
      %dma_start3A_137 = arith.constant 0 : i32
      %dma_start3A_138 = tpu.memref_slice %arg11[%add3A_70, %dma_start3A_137] : memref<8192x128xf32, #tpu.memory_space<hbm>> -> memref<64x128xf32, #tpu.memory_space<hbm>>
      tpu.enqueue_dma source(%arg16 : memref<64x128xf32, #tpu.memory_space<vmem>>) target(%dma_start3A_138 : memref<64x128xf32, #tpu.memory_space<hbm>>) target_semaphore(%run_scoped3A : memref<!tpu.dma_semaphore, #tpu.memory_space<semaphore_mem>>)
      %dma_wait3A_139 = arith.constant 0 : i32
      %dma_wait3A_140 = tpu.memref_slice %arg11[%add3A_70, %dma_wait3A_139] : memref<8192x128xf32, #tpu.memory_space<hbm>> -> memref<64x128xf32, #tpu.memory_space<hbm>>
      %dma_wait3A_141 = arith.constant 0 : i32
      %dma_wait3A_142 = tpu.memref_slice %arg11[%add3A_70, %dma_wait3A_141] : memref<8192x128xf32, #tpu.memory_space<hbm>> -> memref<64x128xf32, #tpu.memory_space<hbm>>
      tpu.wait_dma2 semaphore(%run_scoped3A : memref<!tpu.dma_semaphore, #tpu.memory_space<semaphore_mem>>) src(%arg16 : memref<64x128xf32, #tpu.memory_space<vmem>>) dst(%dma_wait3A_142 : memref<64x128xf32, #tpu.memory_space<hbm>>)
      tpu.yield
    }) : () -> ()
    %dma_start3A_95 = arith.constant 0 : i32
    %dma_start3A_96 = arith.constant 0 : i32
    %dma_start3A_97 = tpu.memref_slice %arg5[%dma_start3A_95, %dma_start3A_96] : memref<8192x128xf32, #tpu.memory_space<hbm>> -> memref<8192x128xf32, #tpu.memory_space<hbm>>
    tpu.enqueue_indirect_dma source(%dma_start3A_97 : memref<8192x128xf32, #tpu.memory_space<hbm>>) target(%arg16 : memref<64x128xf32, #tpu.memory_space<vmem>>) offsets(%arg14 : memref<64xi32, #tpu.memory_space<vmem>>) semaphore(%arg17 : memref<!tpu.dma_semaphore, #tpu.memory_space<semaphore_mem>>)
    %dma_wait3A_98 = arith.constant 0 : i32
    %dma_wait3A_99 = arith.constant 0 : i32
    %dma_wait3A_100 = tpu.memref_slice %arg5[%dma_wait3A_98, %dma_wait3A_99] : memref<8192x128xf32, #tpu.memory_space<hbm>> -> memref<8192x128xf32, #tpu.memory_space<hbm>>
    tpu.wait_indirect_dma semaphore(%arg17 : memref<!tpu.dma_semaphore, #tpu.memory_space<semaphore_mem>>) src(%dma_wait3A_100 : memref<8192x128xf32, #tpu.memory_space<hbm>>) dst(%arg16 : memref<64x128xf32, #tpu.memory_space<vmem>>)
    "tpu.region"() ({
      %run_scoped3A = tpu.sem_alloc : memref<!tpu.dma_semaphore, #tpu.memory_space<semaphore_mem>>
      %dma_start3A_135 = arith.constant 0 : i32
      %dma_start3A_136 = tpu.memref_slice %arg12[%add3A_70, %dma_start3A_135] : memref<8192x128xf32, #tpu.memory_space<hbm>> -> memref<64x128xf32, #tpu.memory_space<hbm>>
      %dma_start3A_137 = arith.constant 0 : i32
      %dma_start3A_138 = tpu.memref_slice %arg12[%add3A_70, %dma_start3A_137] : memref<8192x128xf32, #tpu.memory_space<hbm>> -> memref<64x128xf32, #tpu.memory_space<hbm>>
      tpu.enqueue_dma source(%arg16 : memref<64x128xf32, #tpu.memory_space<vmem>>) target(%dma_start3A_138 : memref<64x128xf32, #tpu.memory_space<hbm>>) target_semaphore(%run_scoped3A : memref<!tpu.dma_semaphore, #tpu.memory_space<semaphore_mem>>)
      %dma_wait3A_139 = arith.constant 0 : i32
      %dma_wait3A_140 = tpu.memref_slice %arg12[%add3A_70, %dma_wait3A_139] : memref<8192x128xf32, #tpu.memory_space<hbm>> -> memref<64x128xf32, #tpu.memory_space<hbm>>
      %dma_wait3A_141 = arith.constant 0 : i32
      %dma_wait3A_142 = tpu.memref_slice %arg12[%add3A_70, %dma_wait3A_141] : memref<8192x128xf32, #tpu.memory_space<hbm>> -> memref<64x128xf32, #tpu.memory_space<hbm>>
      tpu.wait_dma2 semaphore(%run_scoped3A : memref<!tpu.dma_semaphore, #tpu.memory_space<semaphore_mem>>) src(%arg16 : memref<64x128xf32, #tpu.memory_space<vmem>>) dst(%dma_wait3A_142 : memref<64x128xf32, #tpu.memory_space<hbm>>)
      tpu.yield
    }) : () -> ()
    %mul3A_101 = arith.constant 256 : i32
    %mul3A_102 = arith.muli %add3A, %mul3A_101 : i32
    %add3A_103 = arith.constant 192 : i32
    %add3A_104 = arith.addi %mul3A_102, %add3A_103 : i32
    "tpu.region"() ({
      %run_scoped3A = tpu.sem_alloc : memref<!tpu.dma_semaphore, #tpu.memory_space<semaphore_mem>>
      %dma_start3A_135 = tpu.memref_slice %arg6[%add3A_104] : memref<8192xi32, #tpu.memory_space<hbm>> -> memref<64xi32, #tpu.memory_space<hbm>>
      %dma_start3A_136 = tpu.memref_slice %arg6[%add3A_104] : memref<8192xi32, #tpu.memory_space<hbm>> -> memref<64xi32, #tpu.memory_space<hbm>>
      tpu.enqueue_dma source(%dma_start3A_136 : memref<64xi32, #tpu.memory_space<hbm>>) target(%arg13 : memref<64xi32, #tpu.memory_space<vmem>>) target_semaphore(%run_scoped3A : memref<!tpu.dma_semaphore, #tpu.memory_space<semaphore_mem>>)
      %dma_wait3A_137 = tpu.memref_slice %arg6[%add3A_104] : memref<8192xi32, #tpu.memory_space<hbm>> -> memref<64xi32, #tpu.memory_space<hbm>>
      %dma_wait3A_138 = tpu.memref_slice %arg6[%add3A_104] : memref<8192xi32, #tpu.memory_space<hbm>> -> memref<64xi32, #tpu.memory_space<hbm>>
      tpu.wait_dma2 semaphore(%run_scoped3A : memref<!tpu.dma_semaphore, #tpu.memory_space<semaphore_mem>>) src(%dma_wait3A_138 : memref<64xi32, #tpu.memory_space<hbm>>) dst(%arg13 : memref<64xi32, #tpu.memory_space<vmem>>)
      tpu.yield
    }) : () -> ()
    "tpu.region"() ({
      %run_scoped3A = tpu.sem_alloc : memref<!tpu.dma_semaphore, #tpu.memory_space<semaphore_mem>>
      %dma_start3A_135 = tpu.memref_slice %arg7[%add3A_104] : memref<8192xi32, #tpu.memory_space<hbm>> -> memref<64xi32, #tpu.memory_space<hbm>>
      %dma_start3A_136 = tpu.memref_slice %arg7[%add3A_104] : memref<8192xi32, #tpu.memory_space<hbm>> -> memref<64xi32, #tpu.memory_space<hbm>>
      tpu.enqueue_dma source(%dma_start3A_136 : memref<64xi32, #tpu.memory_space<hbm>>) target(%arg14 : memref<64xi32, #tpu.memory_space<vmem>>) target_semaphore(%run_scoped3A : memref<!tpu.dma_semaphore, #tpu.memory_space<semaphore_mem>>)
      %dma_wait3A_137 = tpu.memref_slice %arg7[%add3A_104] : memref<8192xi32, #tpu.memory_space<hbm>> -> memref<64xi32, #tpu.memory_space<hbm>>
      %dma_wait3A_138 = tpu.memref_slice %arg7[%add3A_104] : memref<8192xi32, #tpu.memory_space<hbm>> -> memref<64xi32, #tpu.memory_space<hbm>>
      tpu.wait_dma2 semaphore(%run_scoped3A : memref<!tpu.dma_semaphore, #tpu.memory_space<semaphore_mem>>) src(%dma_wait3A_138 : memref<64xi32, #tpu.memory_space<hbm>>) dst(%arg14 : memref<64xi32, #tpu.memory_space<vmem>>)
      tpu.yield
    }) : () -> ()
    %dma_start3A_105 = arith.constant 0 : i32
    %dma_start3A_106 = arith.constant 0 : i32
    %dma_start3A_107 = tpu.memref_slice %arg2[%dma_start3A_105, %dma_start3A_106] : memref<8192x768xf32, #tpu.memory_space<hbm>> -> memref<8192x768xf32, #tpu.memory_space<hbm>>
    tpu.enqueue_indirect_dma source(%dma_start3A_107 : memref<8192x768xf32, #tpu.memory_space<hbm>>) target(%arg15 : memref<64x768xf32, #tpu.memory_space<vmem>>) offsets(%arg13 : memref<64xi32, #tpu.memory_space<vmem>>) semaphore(%arg17 : memref<!tpu.dma_semaphore, #tpu.memory_space<semaphore_mem>>)
    %dma_wait3A_108 = arith.constant 0 : i32
    %dma_wait3A_109 = arith.constant 0 : i32
    %dma_wait3A_110 = tpu.memref_slice %arg2[%dma_wait3A_108, %dma_wait3A_109] : memref<8192x768xf32, #tpu.memory_space<hbm>> -> memref<8192x768xf32, #tpu.memory_space<hbm>>
    tpu.wait_indirect_dma semaphore(%arg17 : memref<!tpu.dma_semaphore, #tpu.memory_space<semaphore_mem>>) src(%dma_wait3A_110 : memref<8192x768xf32, #tpu.memory_space<hbm>>) dst(%arg15 : memref<64x768xf32, #tpu.memory_space<vmem>>)
    "tpu.region"() ({
      %run_scoped3A = tpu.sem_alloc : memref<!tpu.dma_semaphore, #tpu.memory_space<semaphore_mem>>
      %dma_start3A_135 = arith.constant 0 : i32
      %dma_start3A_136 = tpu.memref_slice %arg8[%add3A_104, %dma_start3A_135] : memref<8192x768xf32, #tpu.memory_space<hbm>> -> memref<64x768xf32, #tpu.memory_space<hbm>>
      %dma_start3A_137 = arith.constant 0 : i32
      %dma_start3A_138 = tpu.memref_slice %arg8[%add3A_104, %dma_start3A_137] : memref<8192x768xf32, #tpu.memory_space<hbm>> -> memref<64x768xf32, #tpu.memory_space<hbm>>
      tpu.enqueue_dma source(%arg15 : memref<64x768xf32, #tpu.memory_space<vmem>>) target(%dma_start3A_138 : memref<64x768xf32, #tpu.memory_space<hbm>>) target_semaphore(%run_scoped3A : memref<!tpu.dma_semaphore, #tpu.memory_space<semaphore_mem>>)
      %dma_wait3A_139 = arith.constant 0 : i32
      %dma_wait3A_140 = tpu.memref_slice %arg8[%add3A_104, %dma_wait3A_139] : memref<8192x768xf32, #tpu.memory_space<hbm>> -> memref<64x768xf32, #tpu.memory_space<hbm>>
      %dma_wait3A_141 = arith.constant 0 : i32
      %dma_wait3A_142 = tpu.memref_slice %arg8[%add3A_104, %dma_wait3A_141] : memref<8192x768xf32, #tpu.memory_space<hbm>> -> memref<64x768xf32, #tpu.memory_space<hbm>>
      tpu.wait_dma2 semaphore(%run_scoped3A : memref<!tpu.dma_semaphore, #tpu.memory_space<semaphore_mem>>) src(%arg15 : memref<64x768xf32, #tpu.memory_space<vmem>>) dst(%dma_wait3A_142 : memref<64x768xf32, #tpu.memory_space<hbm>>)
      tpu.yield
    }) : () -> ()
    %dma_start3A_111 = arith.constant 0 : i32
    %dma_start3A_112 = arith.constant 0 : i32
    %dma_start3A_113 = tpu.memref_slice %arg3[%dma_start3A_111, %dma_start3A_112] : memref<8192x768xf32, #tpu.memory_space<hbm>> -> memref<8192x768xf32, #tpu.memory_space<hbm>>
    tpu.enqueue_indirect_dma source(%dma_start3A_113 : memref<8192x768xf32, #tpu.memory_space<hbm>>) target(%arg15 : memref<64x768xf32, #tpu.memory_space<vmem>>) offsets(%arg13 : memref<64xi32, #tpu.memory_space<vmem>>) semaphore(%arg17 : memref<!tpu.dma_semaphore, #tpu.memory_space<semaphore_mem>>)
    %dma_wait3A_114 = arith.constant 0 : i32
    %dma_wait3A_115 = arith.constant 0 : i32
    %dma_wait3A_116 = tpu.memref_slice %arg3[%dma_wait3A_114, %dma_wait3A_115] : memref<8192x768xf32, #tpu.memory_space<hbm>> -> memref<8192x768xf32, #tpu.memory_space<hbm>>
    tpu.wait_indirect_dma semaphore(%arg17 : memref<!tpu.dma_semaphore, #tpu.memory_space<semaphore_mem>>) src(%dma_wait3A_116 : memref<8192x768xf32, #tpu.memory_space<hbm>>) dst(%arg15 : memref<64x768xf32, #tpu.memory_space<vmem>>)
    "tpu.region"() ({
      %run_scoped3A = tpu.sem_alloc : memref<!tpu.dma_semaphore, #tpu.memory_space<semaphore_mem>>
      %dma_start3A_135 = arith.constant 0 : i32
      %dma_start3A_136 = tpu.memref_slice %arg9[%add3A_104, %dma_start3A_135] : memref<8192x768xf32, #tpu.memory_space<hbm>> -> memref<64x768xf32, #tpu.memory_space<hbm>>
      %dma_start3A_137 = arith.constant 0 : i32
      %dma_start3A_138 = tpu.memref_slice %arg9[%add3A_104, %dma_start3A_137] : memref<8192x768xf32, #tpu.memory_space<hbm>> -> memref<64x768xf32, #tpu.memory_space<hbm>>
      tpu.enqueue_dma source(%arg15 : memref<64x768xf32, #tpu.memory_space<vmem>>) target(%dma_start3A_138 : memref<64x768xf32, #tpu.memory_space<hbm>>) target_semaphore(%run_scoped3A : memref<!tpu.dma_semaphore, #tpu.memory_space<semaphore_mem>>)
      %dma_wait3A_139 = arith.constant 0 : i32
      %dma_wait3A_140 = tpu.memref_slice %arg9[%add3A_104, %dma_wait3A_139] : memref<8192x768xf32, #tpu.memory_space<hbm>> -> memref<64x768xf32, #tpu.memory_space<hbm>>
      %dma_wait3A_141 = arith.constant 0 : i32
      %dma_wait3A_142 = tpu.memref_slice %arg9[%add3A_104, %dma_wait3A_141] : memref<8192x768xf32, #tpu.memory_space<hbm>> -> memref<64x768xf32, #tpu.memory_space<hbm>>
      tpu.wait_dma2 semaphore(%run_scoped3A : memref<!tpu.dma_semaphore, #tpu.memory_space<semaphore_mem>>) src(%arg15 : memref<64x768xf32, #tpu.memory_space<vmem>>) dst(%dma_wait3A_142 : memref<64x768xf32, #tpu.memory_space<hbm>>)
      tpu.yield
    }) : () -> ()
    %dma_start3A_117 = arith.constant 0 : i32
    %dma_start3A_118 = arith.constant 0 : i32
    %dma_start3A_119 = tpu.memref_slice %arg4[%dma_start3A_117, %dma_start3A_118] : memref<8192x768xf32, #tpu.memory_space<hbm>> -> memref<8192x768xf32, #tpu.memory_space<hbm>>
    tpu.enqueue_indirect_dma source(%dma_start3A_119 : memref<8192x768xf32, #tpu.memory_space<hbm>>) target(%arg15 : memref<64x768xf32, #tpu.memory_space<vmem>>) offsets(%arg14 : memref<64xi32, #tpu.memory_space<vmem>>) semaphore(%arg17 : memref<!tpu.dma_semaphore, #tpu.memory_space<semaphore_mem>>)
    %dma_wait3A_120 = arith.constant 0 : i32
    %dma_wait3A_121 = arith.constant 0 : i32
    %dma_wait3A_122 = tpu.memref_slice %arg4[%dma_wait3A_120, %dma_wait3A_121] : memref<8192x768xf32, #tpu.memory_space<hbm>> -> memref<8192x768xf32, #tpu.memory_space<hbm>>
    tpu.wait_indirect_dma semaphore(%arg17 : memref<!tpu.dma_semaphore, #tpu.memory_space<semaphore_mem>>) src(%dma_wait3A_122 : memref<8192x768xf32, #tpu.memory_space<hbm>>) dst(%arg15 : memref<64x768xf32, #tpu.memory_space<vmem>>)
    "tpu.region"() ({
      %run_scoped3A = tpu.sem_alloc : memref<!tpu.dma_semaphore, #tpu.memory_space<semaphore_mem>>
      %dma_start3A_135 = arith.constant 0 : i32
      %dma_start3A_136 = tpu.memref_slice %arg10[%add3A_104, %dma_start3A_135] : memref<8192x768xf32, #tpu.memory_space<hbm>> -> memref<64x768xf32, #tpu.memory_space<hbm>>
      %dma_start3A_137 = arith.constant 0 : i32
      %dma_start3A_138 = tpu.memref_slice %arg10[%add3A_104, %dma_start3A_137] : memref<8192x768xf32, #tpu.memory_space<hbm>> -> memref<64x768xf32, #tpu.memory_space<hbm>>
      tpu.enqueue_dma source(%arg15 : memref<64x768xf32, #tpu.memory_space<vmem>>) target(%dma_start3A_138 : memref<64x768xf32, #tpu.memory_space<hbm>>) target_semaphore(%run_scoped3A : memref<!tpu.dma_semaphore, #tpu.memory_space<semaphore_mem>>)
      %dma_wait3A_139 = arith.constant 0 : i32
      %dma_wait3A_140 = tpu.memref_slice %arg10[%add3A_104, %dma_wait3A_139] : memref<8192x768xf32, #tpu.memory_space<hbm>> -> memref<64x768xf32, #tpu.memory_space<hbm>>
      %dma_wait3A_141 = arith.constant 0 : i32
      %dma_wait3A_142 = tpu.memref_slice %arg10[%add3A_104, %dma_wait3A_141] : memref<8192x768xf32, #tpu.memory_space<hbm>> -> memref<64x768xf32, #tpu.memory_space<hbm>>
      tpu.wait_dma2 semaphore(%run_scoped3A : memref<!tpu.dma_semaphore, #tpu.memory_space<semaphore_mem>>) src(%arg15 : memref<64x768xf32, #tpu.memory_space<vmem>>) dst(%dma_wait3A_142 : memref<64x768xf32, #tpu.memory_space<hbm>>)
      tpu.yield
    }) : () -> ()
    %dma_start3A_123 = arith.constant 0 : i32
    %dma_start3A_124 = arith.constant 0 : i32
    %dma_start3A_125 = tpu.memref_slice %arg5[%dma_start3A_123, %dma_start3A_124] : memref<8192x128xf32, #tpu.memory_space<hbm>> -> memref<8192x128xf32, #tpu.memory_space<hbm>>
    tpu.enqueue_indirect_dma source(%dma_start3A_125 : memref<8192x128xf32, #tpu.memory_space<hbm>>) target(%arg16 : memref<64x128xf32, #tpu.memory_space<vmem>>) offsets(%arg13 : memref<64xi32, #tpu.memory_space<vmem>>) semaphore(%arg17 : memref<!tpu.dma_semaphore, #tpu.memory_space<semaphore_mem>>)
    %dma_wait3A_126 = arith.constant 0 : i32
    %dma_wait3A_127 = arith.constant 0 : i32
    %dma_wait3A_128 = tpu.memref_slice %arg5[%dma_wait3A_126, %dma_wait3A_127] : memref<8192x128xf32, #tpu.memory_space<hbm>> -> memref<8192x128xf32, #tpu.memory_space<hbm>>
    tpu.wait_indirect_dma semaphore(%arg17 : memref<!tpu.dma_semaphore, #tpu.memory_space<semaphore_mem>>) src(%dma_wait3A_128 : memref<8192x128xf32, #tpu.memory_space<hbm>>) dst(%arg16 : memref<64x128xf32, #tpu.memory_space<vmem>>)
    "tpu.region"() ({
      %run_scoped3A = tpu.sem_alloc : memref<!tpu.dma_semaphore, #tpu.memory_space<semaphore_mem>>
      %dma_start3A_135 = arith.constant 0 : i32
      %dma_start3A_136 = tpu.memref_slice %arg11[%add3A_104, %dma_start3A_135] : memref<8192x128xf32, #tpu.memory_space<hbm>> -> memref<64x128xf32, #tpu.memory_space<hbm>>
      %dma_start3A_137 = arith.constant 0 : i32
      %dma_start3A_138 = tpu.memref_slice %arg11[%add3A_104, %dma_start3A_137] : memref<8192x128xf32, #tpu.memory_space<hbm>> -> memref<64x128xf32, #tpu.memory_space<hbm>>
      tpu.enqueue_dma source(%arg16 : memref<64x128xf32, #tpu.memory_space<vmem>>) target(%dma_start3A_138 : memref<64x128xf32, #tpu.memory_space<hbm>>) target_semaphore(%run_scoped3A : memref<!tpu.dma_semaphore, #tpu.memory_space<semaphore_mem>>)
      %dma_wait3A_139 = arith.constant 0 : i32
      %dma_wait3A_140 = tpu.memref_slice %arg11[%add3A_104, %dma_wait3A_139] : memref<8192x128xf32, #tpu.memory_space<hbm>> -> memref<64x128xf32, #tpu.memory_space<hbm>>
      %dma_wait3A_141 = arith.constant 0 : i32
      %dma_wait3A_142 = tpu.memref_slice %arg11[%add3A_104, %dma_wait3A_141] : memref<8192x128xf32, #tpu.memory_space<hbm>> -> memref<64x128xf32, #tpu.memory_space<hbm>>
      tpu.wait_dma2 semaphore(%run_scoped3A : memref<!tpu.dma_semaphore, #tpu.memory_space<semaphore_mem>>) src(%arg16 : memref<64x128xf32, #tpu.memory_space<vmem>>) dst(%dma_wait3A_142 : memref<64x128xf32, #tpu.memory_space<hbm>>)
      tpu.yield
    }) : () -> ()
    %dma_start3A_129 = arith.constant 0 : i32
    %dma_start3A_130 = arith.constant 0 : i32
    %dma_start3A_131 = tpu.memref_slice %arg5[%dma_start3A_129, %dma_start3A_130] : memref<8192x128xf32, #tpu.memory_space<hbm>> -> memref<8192x128xf32, #tpu.memory_space<hbm>>
    tpu.enqueue_indirect_dma source(%dma_start3A_131 : memref<8192x128xf32, #tpu.memory_space<hbm>>) target(%arg16 : memref<64x128xf32, #tpu.memory_space<vmem>>) offsets(%arg14 : memref<64xi32, #tpu.memory_space<vmem>>) semaphore(%arg17 : memref<!tpu.dma_semaphore, #tpu.memory_space<semaphore_mem>>)
    %dma_wait3A_132 = arith.constant 0 : i32
    %dma_wait3A_133 = arith.constant 0 : i32
    %dma_wait3A_134 = tpu.memref_slice %arg5[%dma_wait3A_132, %dma_wait3A_133] : memref<8192x128xf32, #tpu.memory_space<hbm>> -> memref<8192x128xf32, #tpu.memory_space<hbm>>
    tpu.wait_indirect_dma semaphore(%arg17 : memref<!tpu.dma_semaphore, #tpu.memory_space<semaphore_mem>>) src(%dma_wait3A_134 : memref<8192x128xf32, #tpu.memory_space<hbm>>) dst(%arg16 : memref<64x128xf32, #tpu.memory_space<vmem>>)
    "tpu.region"() ({
      %run_scoped3A = tpu.sem_alloc : memref<!tpu.dma_semaphore, #tpu.memory_space<semaphore_mem>>
      %dma_start3A_135 = arith.constant 0 : i32
      %dma_start3A_136 = tpu.memref_slice %arg12[%add3A_104, %dma_start3A_135] : memref<8192x128xf32, #tpu.memory_space<hbm>> -> memref<64x128xf32, #tpu.memory_space<hbm>>
      %dma_start3A_137 = arith.constant 0 : i32
      %dma_start3A_138 = tpu.memref_slice %arg12[%add3A_104, %dma_start3A_137] : memref<8192x128xf32, #tpu.memory_space<hbm>> -> memref<64x128xf32, #tpu.memory_space<hbm>>
      tpu.enqueue_dma source(%arg16 : memref<64x128xf32, #tpu.memory_space<vmem>>) target(%dma_start3A_138 : memref<64x128xf32, #tpu.memory_space<hbm>>) target_semaphore(%run_scoped3A : memref<!tpu.dma_semaphore, #tpu.memory_space<semaphore_mem>>)
      %dma_wait3A_139 = arith.constant 0 : i32
      %dma_wait3A_140 = tpu.memref_slice %arg12[%add3A_104, %dma_wait3A_139] : memref<8192x128xf32, #tpu.memory_space<hbm>> -> memref<64x128xf32, #tpu.memory_space<hbm>>
      %dma_wait3A_141 = arith.constant 0 : i32
      %dma_wait3A_142 = tpu.memref_slice %arg12[%add3A_104, %dma_wait3A_141] : memref<8192x128xf32, #tpu.memory_space<hbm>> -> memref<64x128xf32, #tpu.memory_space<hbm>>
      tpu.wait_dma2 semaphore(%run_scoped3A : memref<!tpu.dma_semaphore, #tpu.memory_space<semaphore_mem>>) src(%arg16 : memref<64x128xf32, #tpu.memory_space<vmem>>) dst(%dma_wait3A_142 : memref<64x128xf32, #tpu.memory_space<hbm>>)
      tpu.yield
    }) : () -> ()
    return
  }
}

module attributes {stable_mosaic.version = 14 : i64} {
  func.func @_k1_body(%arg0: i32, %arg1: memref<1xi32, #tpu.memory_space<smem>>, %arg2: memref<384x128xf32, #tpu.memory_space<vmem>>, %arg3: memref<6x128xf32, #tpu.memory_space<vmem>>, %arg4: memref<65x128xf32, #tpu.memory_space<vmem>>, %arg5: memref<128x128xf32, #tpu.memory_space<vmem>>, %arg6: memref<1x128xf32, #tpu.memory_space<vmem>>, %arg7: memref<128x128xf32, #tpu.memory_space<vmem>>, %arg8: memref<128x128xf32, #tpu.memory_space<vmem>>, %arg9: memref<1x128xf32, #tpu.memory_space<vmem>>, %arg10: memref<1x128xf32, #tpu.memory_space<vmem>>, %arg11: memref<1x128xf32, #tpu.memory_space<vmem>>, %arg12: memref<384x128xf32, #tpu.memory_space<vmem>>, %arg13: memref<384x128xf32, #tpu.memory_space<vmem>>, %arg14: memref<384x128xf32, #tpu.memory_space<vmem>>, %arg15: memref<384x128xf32, #tpu.memory_space<vmem>>, %arg16: memref<384x128xf32, #tpu.memory_space<vmem>>) attributes {dimension_semantics = [#tpu.dimension_semantics<arbitrary>], iteration_bounds = array<i64: 128>, scalar_prefetch = 0 : i64, scratch_operands = 0 : i64, tpu.core_type = #tpu.core_type<tc>, window_params = [{transform_indices = @transform_0, window_bounds = array<i64: 1>}, {transform_indices = @transform_1, window_bounds = array<i64: 384, 128>}, {pipeline_mode = #tpu.pipeline_mode<synchronous>, transform_indices = @transform_2, window_bounds = array<i64: 6, 128>}, {pipeline_mode = #tpu.pipeline_mode<synchronous>, transform_indices = @transform_3, window_bounds = array<i64: 65, 128>}, {pipeline_mode = #tpu.pipeline_mode<synchronous>, transform_indices = @transform_4, window_bounds = array<i64: 128, 128>}, {pipeline_mode = #tpu.pipeline_mode<synchronous>, transform_indices = @transform_5, window_bounds = array<i64: 1, 128>}, {pipeline_mode = #tpu.pipeline_mode<synchronous>, transform_indices = @transform_6, window_bounds = array<i64: 128, 128>}, {pipeline_mode = #tpu.pipeline_mode<synchronous>, transform_indices = @transform_7, window_bounds = array<i64: 128, 128>}, {pipeline_mode = #tpu.pipeline_mode<synchronous>, transform_indices = @transform_8, window_bounds = array<i64: 1, 128>}, {pipeline_mode = #tpu.pipeline_mode<synchronous>, transform_indices = @transform_9, window_bounds = array<i64: 1, 128>}, {pipeline_mode = #tpu.pipeline_mode<synchronous>, transform_indices = @transform_10, window_bounds = array<i64: 1, 128>}, {transform_indices = @transform_11, window_bounds = array<i64: 384, 128>}, {transform_indices = @transform_12, window_bounds = array<i64: 384, 128>}, {transform_indices = @transform_13, window_bounds = array<i64: 384, 128>}, {transform_indices = @transform_14, window_bounds = array<i64: 384, 128>}, {transform_indices = @transform_15, window_bounds = array<i64: 384, 128>}]} {
    %get3A = arith.constant 0 : index
    %get3A_0 = memref.load %arg1[%get3A] : memref<1xi32, #tpu.memory_space<smem>>
    %get3A_1 = arith.index_cast %get3A_0 : i32 to index
    %get3A_2 = arith.constant 0 : index
    %get3A_3 = vector.load %arg4[%get3A_1, %get3A_2] : memref<65x128xf32, #tpu.memory_space<vmem>>, vector<1x128xf32>
    %get3A_4 = arith.constant 0 : index
    %get3A_5 = arith.constant 0 : index
    %get3A_6 = vector.load %arg3[%get3A_4, %get3A_5] : memref<6x128xf32, #tpu.memory_space<vmem>>, vector<6x128xf32>
    %tile3A = tpu.concatenate %get3A_6, %get3A_6, %get3A_6, %get3A_6, %get3A_6, %get3A_6, %get3A_6, %get3A_6, %get3A_6, %get3A_6, %get3A_6, %get3A_6, %get3A_6, %get3A_6, %get3A_6, %get3A_6, %get3A_6, %get3A_6, %get3A_6, %get3A_6, %get3A_6, %get3A_6, %get3A_6, %get3A_6, %get3A_6, %get3A_6, %get3A_6, %get3A_6, %get3A_6, %get3A_6, %get3A_6, %get3A_6, %get3A_6, %get3A_6, %get3A_6, %get3A_6, %get3A_6, %get3A_6, %get3A_6, %get3A_6, %get3A_6, %get3A_6, %get3A_6, %get3A_6, %get3A_6, %get3A_6, %get3A_6, %get3A_6, %get3A_6, %get3A_6, %get3A_6, %get3A_6, %get3A_6, %get3A_6, %get3A_6, %get3A_6, %get3A_6, %get3A_6, %get3A_6, %get3A_6, %get3A_6, %get3A_6, %get3A_6, %get3A_6 in 0 : vector<6x128xf32>, vector<6x128xf32>, vector<6x128xf32>, vector<6x128xf32>, vector<6x128xf32>, vector<6x128xf32>, vector<6x128xf32>, vector<6x128xf32>, vector<6x128xf32>, vector<6x128xf32>, vector<6x128xf32>, vector<6x128xf32>, vector<6x128xf32>, vector<6x128xf32>, vector<6x128xf32>, vector<6x128xf32>, vector<6x128xf32>, vector<6x128xf32>, vector<6x128xf32>, vector<6x128xf32>, vector<6x128xf32>, vector<6x128xf32>, vector<6x128xf32>, vector<6x128xf32>, vector<6x128xf32>, vector<6x128xf32>, vector<6x128xf32>, vector<6x128xf32>, vector<6x128xf32>, vector<6x128xf32>, vector<6x128xf32>, vector<6x128xf32>, vector<6x128xf32>, vector<6x128xf32>, vector<6x128xf32>, vector<6x128xf32>, vector<6x128xf32>, vector<6x128xf32>, vector<6x128xf32>, vector<6x128xf32>, vector<6x128xf32>, vector<6x128xf32>, vector<6x128xf32>, vector<6x128xf32>, vector<6x128xf32>, vector<6x128xf32>, vector<6x128xf32>, vector<6x128xf32>, vector<6x128xf32>, vector<6x128xf32>, vector<6x128xf32>, vector<6x128xf32>, vector<6x128xf32>, vector<6x128xf32>, vector<6x128xf32>, vector<6x128xf32>, vector<6x128xf32>, vector<6x128xf32>, vector<6x128xf32>, vector<6x128xf32>, vector<6x128xf32>, vector<6x128xf32>, vector<6x128xf32>, vector<6x128xf32> -> vector<384x128xf32>
    %get3A_7 = arith.constant 0 : index
    %get3A_8 = arith.constant 0 : index
    %get3A_9 = vector.load %arg2[%get3A_7, %get3A_8] : memref<384x128xf32, #tpu.memory_space<vmem>>, vector<384x128xf32>
    %add3A = arith.addf %get3A_9, %tile3A : vector<384x128xf32>
    %add3A_10 = vector.broadcast %get3A_3 : vector<1x128xf32> to vector<384x128xf32>
    %add3A_11 = arith.addf %add3A, %add3A_10 : vector<384x128xf32>
    %swap3A = arith.constant 0 : index
    %swap3A_12 = arith.constant 0 : index
    %swap3A_13 = vector.load %arg12[%swap3A, %swap3A_12] : memref<384x128xf32, #tpu.memory_space<vmem>>, vector<384x128xf32>
    tpu.vector_store %arg12[%swap3A, %swap3A_12], %add3A_11 {strides = array<i32>} : memref<384x128xf32, #tpu.memory_space<vmem>>, vector<384x128xf32>,
    %get3A_14 = arith.constant 0 : index
    %get3A_15 = arith.constant 0 : index
    %get3A_16 = vector.load %arg10[%get3A_14, %get3A_15] : memref<1x128xf32, #tpu.memory_space<vmem>>, vector<1x128xf32>
    %get3A_17 = arith.constant 0 : index
    %get3A_18 = arith.constant 0 : index
    %get3A_19 = vector.load %arg11[%get3A_17, %get3A_18] : memref<1x128xf32, #tpu.memory_space<vmem>>, vector<1x128xf32>
    %reduce_sum3A = arith.constant dense<0.000000e+00> : vector<384xf32>
    %reduce_sum3A_20 = vector.multi_reduction <add>, %add3A_11, %reduce_sum3A [1] : vector<384x128xf32> to vector<384xf32>
    %broadcast_in_dim3A = vector.shape_cast %reduce_sum3A_20 : vector<384xf32> to vector<384x1xf32>
    %div3A = arith.constant 1.280000e+02 : f32
    %div3A_21 = vector.broadcast %div3A : f32 to vector<384x1xf32>
    %div3A_22 = arith.divf %broadcast_in_dim3A, %div3A_21 : vector<384x1xf32>
    %jit3A = arith.constant 0 : i32
    %reduce_sum3A_23 = arith.constant dense<0.000000e+00> : vector<384xf32>
    %reduce_sum3A_24 = vector.multi_reduction <add>, %add3A_11, %reduce_sum3A_23 [1] : vector<384x128xf32> to vector<384xf32>
    %broadcast_in_dim3A_25 = vector.shape_cast %reduce_sum3A_24 : vector<384xf32> to vector<384x1xf32>
    %div3A_26 = arith.constant 1.280000e+02 : f32
    %div3A_27 = vector.broadcast %div3A_26 : f32 to vector<384x1xf32>
    %div3A_28 = arith.divf %broadcast_in_dim3A_25, %div3A_27 : vector<384x1xf32>
    %sub3A = vector.broadcast %div3A_28 : vector<384x1xf32> to vector<384x128xf32>
    %sub3A_29 = arith.subf %add3A_11, %sub3A : vector<384x128xf32>
    %square3A = arith.mulf %sub3A_29, %sub3A_29 : vector<384x128xf32>
    %convert_element_type3A = arith.sitofp %jit3A : i32 to f32
    %sub3A_30 = arith.constant 1.280000e+02 : f32
    %sub3A_31 = arith.subf %sub3A_30, %convert_element_type3A : f32
    %reduce_sum3A_32 = arith.constant dense<0.000000e+00> : vector<384xf32>
    %reduce_sum3A_33 = vector.multi_reduction <add>, %square3A, %reduce_sum3A_32 [1] : vector<384x128xf32> to vector<384xf32>
    %broadcast_in_dim3A_34 = vector.shape_cast %reduce_sum3A_33 : vector<384xf32> to vector<384x1xf32>
    %div3A_35 = vector.broadcast %sub3A_31 : f32 to vector<384x1xf32>
    %div3A_36 = arith.divf %broadcast_in_dim3A_34, %div3A_35 : vector<384x1xf32>
    %gt3A = arith.constant 0.000000e+00 : f32
    %gt3A_37 = arith.cmpf ogt, %sub3A_31, %gt3A : f32
    %jit3A_38 = arith.constant 0x7FC00000 : f32
    %broadcast_in_dim3A_39 = vector.broadcast %jit3A_38 : f32 to vector<384x1xf32>
    %select_n3A = arith.select %gt3A_37, %div3A_36, %broadcast_in_dim3A_39 : vector<384x1xf32>
    %sub3A_40 = vector.broadcast %div3A_22 : vector<384x1xf32> to vector<384x128xf32>
    %sub3A_41 = arith.subf %add3A_11, %sub3A_40 : vector<384x128xf32>
    %add3A_42 = arith.constant 9.99999974E-6 : f32
    %add3A_43 = vector.broadcast %add3A_42 : f32 to vector<384x1xf32>
    %add3A_44 = arith.addf %select_n3A, %add3A_43 : vector<384x1xf32>
    %sqrt3A = math.sqrt %add3A_44 : vector<384x1xf32>
    %div3A_45 = vector.broadcast %sqrt3A : vector<384x1xf32> to vector<384x128xf32>
    %div3A_46 = arith.divf %sub3A_41, %div3A_45 : vector<384x128xf32>
    %mul3A = vector.broadcast %get3A_16 : vector<1x128xf32> to vector<384x128xf32>
    %mul3A_47 = arith.mulf %div3A_46, %mul3A : vector<384x128xf32>
    %add3A_48 = vector.broadcast %get3A_19 : vector<1x128xf32> to vector<384x128xf32>
    %add3A_49 = arith.addf %mul3A_47, %add3A_48 : vector<384x128xf32>
    %swap3A_50 = arith.constant 0 : index
    %swap3A_51 = arith.constant 0 : index
    %swap3A_52 = vector.load %arg13[%swap3A_50, %swap3A_51] : memref<384x128xf32, #tpu.memory_space<vmem>>, vector<384x128xf32>
    tpu.vector_store %arg13[%swap3A_50, %swap3A_51], %add3A_49 {strides = array<i32>} : memref<384x128xf32, #tpu.memory_space<vmem>>, vector<384x128xf32>,
    %get3A_53 = arith.constant 0 : index
    %get3A_54 = arith.constant 0 : index
    %get3A_55 = vector.load %arg5[%get3A_53, %get3A_54] : memref<128x128xf32, #tpu.memory_space<vmem>>, vector<128x128xf32>
    %dot_general3A = arith.constant dense<0.000000e+00> : vector<384x128xf32>
    %dot_general3A_56 = tpu.matmul %add3A_49, %get3A_55, %dot_general3A {dimension_numbers = #tpu.dot_dimension_numbers<[1], [0], [0], [1], [0, 0, 1, 1], [], []>, transpose_lhs_hint = false} : vector<384x128xf32>, vector<128x128xf32>, vector<384x128xf32> -> vector<384x128xf32>
    %get3A_57 = arith.constant 0 : index
    %get3A_58 = arith.constant 0 : index
    %get3A_59 = vector.load %arg6[%get3A_57, %get3A_58] : memref<1x128xf32, #tpu.memory_space<vmem>>, vector<1x128xf32>
    %add3A_60 = vector.broadcast %get3A_59 : vector<1x128xf32> to vector<384x128xf32>
    %add3A_61 = arith.addf %dot_general3A_56, %add3A_60 : vector<384x128xf32>
    %swap3A_62 = arith.constant 0 : index
    %swap3A_63 = arith.constant 0 : index
    %swap3A_64 = vector.load %arg14[%swap3A_62, %swap3A_63] : memref<384x128xf32, #tpu.memory_space<vmem>>, vector<384x128xf32>
    tpu.vector_store %arg14[%swap3A_62, %swap3A_63], %add3A_61 {strides = array<i32>} : memref<384x128xf32, #tpu.memory_space<vmem>>, vector<384x128xf32>,
    %get3A_65 = arith.constant 0 : index
    %get3A_66 = arith.constant 0 : index
    %get3A_67 = vector.load %arg7[%get3A_65, %get3A_66] : memref<128x128xf32, #tpu.memory_space<vmem>>, vector<128x128xf32>
    %dot_general3A_68 = arith.constant dense<0.000000e+00> : vector<384x128xf32>
    %dot_general3A_69 = tpu.matmul %add3A_49, %get3A_67, %dot_general3A_68 {dimension_numbers = #tpu.dot_dimension_numbers<[1], [0], [0], [1], [0, 0, 1, 1], [], []>, transpose_lhs_hint = false} : vector<384x128xf32>, vector<128x128xf32>, vector<384x128xf32> -> vector<384x128xf32>
    %swap3A_70 = arith.constant 0 : index
    %swap3A_71 = arith.constant 0 : index
    %swap3A_72 = vector.load %arg15[%swap3A_70, %swap3A_71] : memref<384x128xf32, #tpu.memory_space<vmem>>, vector<384x128xf32>
    tpu.vector_store %arg15[%swap3A_70, %swap3A_71], %dot_general3A_69 {strides = array<i32>} : memref<384x128xf32, #tpu.memory_space<vmem>>, vector<384x128xf32>,
    %get3A_73 = arith.constant 0 : index
    %get3A_74 = arith.constant 0 : index
    %get3A_75 = vector.load %arg8[%get3A_73, %get3A_74] : memref<128x128xf32, #tpu.memory_space<vmem>>, vector<128x128xf32>
    %dot_general3A_76 = arith.constant dense<0.000000e+00> : vector<384x128xf32>
    %dot_general3A_77 = tpu.matmul %add3A_49, %get3A_75, %dot_general3A_76 {dimension_numbers = #tpu.dot_dimension_numbers<[1], [0], [0], [1], [0, 0, 1, 1], [], []>, transpose_lhs_hint = false} : vector<384x128xf32>, vector<128x128xf32>, vector<384x128xf32> -> vector<384x128xf32>
    %get3A_78 = arith.constant 0 : index
    %get3A_79 = arith.constant 0 : index
    %get3A_80 = vector.load %arg9[%get3A_78, %get3A_79] : memref<1x128xf32, #tpu.memory_space<vmem>>, vector<1x128xf32>
    %add3A_81 = vector.broadcast %get3A_80 : vector<1x128xf32> to vector<384x128xf32>
    %add3A_82 = arith.addf %dot_general3A_77, %add3A_81 : vector<384x128xf32>
    %swap3A_83 = arith.constant 0 : index
    %swap3A_84 = arith.constant 0 : index
    %swap3A_85 = vector.load %arg16[%swap3A_83, %swap3A_84] : memref<384x128xf32, #tpu.memory_space<vmem>>, vector<384x128xf32>
    tpu.vector_store %arg16[%swap3A_83, %swap3A_84], %add3A_82 {strides = array<i32>} : memref<384x128xf32, #tpu.memory_space<vmem>>, vector<384x128xf32>,
    return
  }
  func.func @transform_0(%arg0: i32) -> i32 {
    %c0_i32 = arith.constant 0 : i32
    %c0_i32_0 = arith.constant 0 : i32
    return %c0_i32 : i32
  }
  func.func @transform_1(%arg0: i32) -> (i32, i32) {
    %c0_i32 = arith.constant 0 : i32
    %c0_i32_0 = arith.constant 0 : i32
    return %arg0, %c0_i32 : i32, i32
  }
  func.func @transform_2(%arg0: i32) -> (i32, i32) {
    %c0_i32 = arith.constant 0 : i32
    %c0_i32_0 = arith.constant 0 : i32
    %c0_i32_1 = arith.constant 0 : i32
    return %c0_i32, %c0_i32_0 : i32, i32
  }
  func.func @transform_3(%arg0: i32) -> (i32, i32) {
    %c0_i32 = arith.constant 0 : i32
    %c0_i32_0 = arith.constant 0 : i32
    %c0_i32_1 = arith.constant 0 : i32
    return %c0_i32, %c0_i32_0 : i32, i32
  }
  func.func @transform_4(%arg0: i32) -> (i32, i32) {
    %c0_i32 = arith.constant 0 : i32
    %c0_i32_0 = arith.constant 0 : i32
    %c0_i32_1 = arith.constant 0 : i32
    return %c0_i32, %c0_i32_0 : i32, i32
  }
  func.func @transform_5(%arg0: i32) -> (i32, i32) {
    %c0_i32 = arith.constant 0 : i32
    %c0_i32_0 = arith.constant 0 : i32
    %c0_i32_1 = arith.constant 0 : i32
    return %c0_i32, %c0_i32_0 : i32, i32
  }
  func.func @transform_6(%arg0: i32) -> (i32, i32) {
    %c0_i32 = arith.constant 0 : i32
    %c0_i32_0 = arith.constant 0 : i32
    %c0_i32_1 = arith.constant 0 : i32
    return %c0_i32, %c0_i32_0 : i32, i32
  }
  func.func @transform_7(%arg0: i32) -> (i32, i32) {
    %c0_i32 = arith.constant 0 : i32
    %c0_i32_0 = arith.constant 0 : i32
    %c0_i32_1 = arith.constant 0 : i32
    return %c0_i32, %c0_i32_0 : i32, i32
  }
  func.func @transform_8(%arg0: i32) -> (i32, i32) {
    %c0_i32 = arith.constant 0 : i32
    %c0_i32_0 = arith.constant 0 : i32
    %c0_i32_1 = arith.constant 0 : i32
    return %c0_i32, %c0_i32_0 : i32, i32
  }
  func.func @transform_9(%arg0: i32) -> (i32, i32) {
    %c0_i32 = arith.constant 0 : i32
    %c0_i32_0 = arith.constant 0 : i32
    %c0_i32_1 = arith.constant 0 : i32
    return %c0_i32, %c0_i32_0 : i32, i32
  }
  func.func @transform_10(%arg0: i32) -> (i32, i32) {
    %c0_i32 = arith.constant 0 : i32
    %c0_i32_0 = arith.constant 0 : i32
    %c0_i32_1 = arith.constant 0 : i32
    return %c0_i32, %c0_i32_0 : i32, i32
  }
  func.func @transform_11(%arg0: i32) -> (i32, i32) {
    %c0_i32 = arith.constant 0 : i32
    %c0_i32_0 = arith.constant 0 : i32
    return %arg0, %c0_i32 : i32, i32
  }
  func.func @transform_12(%arg0: i32) -> (i32, i32) {
    %c0_i32 = arith.constant 0 : i32
    %c0_i32_0 = arith.constant 0 : i32
    return %arg0, %c0_i32 : i32, i32
  }
  func.func @transform_13(%arg0: i32) -> (i32, i32) {
    %c0_i32 = arith.constant 0 : i32
    %c0_i32_0 = arith.constant 0 : i32
    return %arg0, %c0_i32 : i32, i32
  }
  func.func @transform_14(%arg0: i32) -> (i32, i32) {
    %c0_i32 = arith.constant 0 : i32
    %c0_i32_0 = arith.constant 0 : i32
    return %arg0, %c0_i32 : i32, i32
  }
  func.func @transform_15(%arg0: i32) -> (i32, i32) {
    %c0_i32 = arith.constant 0 : i32
    %c0_i32_0 = arith.constant 0 : i32
    return %arg0, %c0_i32 : i32, i32
  }
}

module attributes {stable_mosaic.version = 14 : i64} {
  func.func @_k3_body(%arg0: i32, %arg1: memref<128x768xf32, #tpu.memory_space<vmem>>, %arg2: memref<128x768xf32, #tpu.memory_space<vmem>>, %arg3: memref<128x768xf32, #tpu.memory_space<vmem>>, %arg4: memref<128x128xf32, #tpu.memory_space<vmem>>, %arg5: memref<128x128xf32, #tpu.memory_space<vmem>>, %arg6: memref<3x64xf32, #tpu.memory_space<vmem>>, %arg7: memref<3x129x128xbf16, #tpu.memory_space<vmem>>, %arg8: memref<3x128xf32, #tpu.memory_space<vmem>>, %arg9: memref<3x128xf32, #tpu.memory_space<vmem>>, %arg10: memref<3x128xf32, #tpu.memory_space<vmem>>, %arg11: memref<3x128x128xbf16, #tpu.memory_space<vmem>>, %arg12: memref<1x128xf32, #tpu.memory_space<vmem>>, %arg13: memref<1x128xf32, #tpu.memory_space<vmem>>, %arg14: memref<1x128xf32, #tpu.memory_space<vmem>>, %arg15: memref<128x128xbf16, #tpu.memory_space<vmem>>, %arg16: memref<1x128xf32, #tpu.memory_space<vmem>>, %arg17: memref<1x128xf32, #tpu.memory_space<vmem>>, %arg18: memref<1x128xf32, #tpu.memory_space<vmem>>, %arg19: memref<128x128xbf16, #tpu.memory_space<vmem>>, %arg20: memref<128x128xbf16, #tpu.memory_space<vmem>>, %arg21: memref<1x128xf32, #tpu.memory_space<vmem>>, %arg22: memref<6x128x128xf32, #tpu.memory_space<vmem>>, %arg23: memref<6x128x8xf32, #tpu.memory_space<vmem>>) attributes {dimension_semantics = [#tpu.dimension_semantics<arbitrary>], iteration_bounds = array<i64: 64>, scalar_prefetch = 0 : i64, scratch_operands = 0 : i64, tpu.core_type = #tpu.core_type<tc>, window_params = [{transform_indices = @transform_0, window_bounds = array<i64: 128, 768>}, {transform_indices = @transform_1, window_bounds = array<i64: 128, 768>}, {transform_indices = @transform_2, window_bounds = array<i64: 128, 768>}, {transform_indices = @transform_3, window_bounds = array<i64: 128, 128>}, {transform_indices = @transform_4, window_bounds = array<i64: 128, 128>}, {pipeline_mode = #tpu.pipeline_mode<synchronous>, transform_indices = @transform_5, window_bounds = array<i64: 3, 64>}, {pipeline_mode = #tpu.pipeline_mode<synchronous>, transform_indices = @transform_6, window_bounds = array<i64: 3, 129, 128>}, {pipeline_mode = #tpu.pipeline_mode<synchronous>, transform_indices = @transform_7, window_bounds = array<i64: 3, 128>}, {pipeline_mode = #tpu.pipeline_mode<synchronous>, transform_indices = @transform_8, window_bounds = array<i64: 3, 128>}, {pipeline_mode = #tpu.pipeline_mode<synchronous>, transform_indices = @transform_9, window_bounds = array<i64: 3, 128>}, {pipeline_mode = #tpu.pipeline_mode<synchronous>, transform_indices = @transform_10, window_bounds = array<i64: 3, 128, 128>}, {pipeline_mode = #tpu.pipeline_mode<synchronous>, transform_indices = @transform_11, window_bounds = array<i64: 1, 128>}, {pipeline_mode = #tpu.pipeline_mode<synchronous>, transform_indices = @transform_12, window_bounds = array<i64: 1, 128>}, {pipeline_mode = #tpu.pipeline_mode<synchronous>, transform_indices = @transform_13, window_bounds = array<i64: 1, 128>}, {pipeline_mode = #tpu.pipeline_mode<synchronous>, transform_indices = @transform_14, window_bounds = array<i64: 128, 128>}, {pipeline_mode = #tpu.pipeline_mode<synchronous>, transform_indices = @transform_15, window_bounds = array<i64: 1, 128>}, {pipeline_mode = #tpu.pipeline_mode<synchronous>, transform_indices = @transform_16, window_bounds = array<i64: 1, 128>}, {pipeline_mode = #tpu.pipeline_mode<synchronous>, transform_indices = @transform_17, window_bounds = array<i64: 1, 128>}, {pipeline_mode = #tpu.pipeline_mode<synchronous>, transform_indices = @transform_18, window_bounds = array<i64: 128, 128>}, {pipeline_mode = #tpu.pipeline_mode<synchronous>, transform_indices = @transform_19, window_bounds = array<i64: 128, 128>}, {pipeline_mode = #tpu.pipeline_mode<synchronous>, transform_indices = @transform_20, window_bounds = array<i64: 1, 128>}, {transform_indices = @transform_21, window_bounds = array<i64: 6, 128, 128>}, {transform_indices = @transform_22, window_bounds = array<i64: 6, 128, 8>}]} {
    %get3A = arith.constant 0 : index
    %get3A_0 = arith.constant 0 : index
    %get3A_1 = vector.load %arg1[%get3A, %get3A_0] : memref<128x768xf32, #tpu.memory_space<vmem>>, vector<128x768xf32>
    %get3A_2 = arith.constant 0 : index
    %get3A_3 = arith.constant 0 : index
    %get3A_4 = vector.load %arg2[%get3A_2, %get3A_3] : memref<128x768xf32, #tpu.memory_space<vmem>>, vector<128x768xf32>
    %get3A_5 = arith.constant 0 : index
    %get3A_6 = arith.constant 0 : index
    %get3A_7 = vector.load %arg3[%get3A_5, %get3A_6] : memref<128x768xf32, #tpu.memory_space<vmem>>, vector<128x768xf32>
    %get3A_8 = arith.constant 0 : index
    %get3A_9 = arith.constant 0 : index
    %get3A_10 = vector.load %arg4[%get3A_8, %get3A_9] : memref<128x128xf32, #tpu.memory_space<vmem>>, vector<128x128xf32>
    %get3A_11 = arith.constant 0 : index
    %get3A_12 = arith.constant 0 : index
    %get3A_13 = vector.load %arg5[%get3A_11, %get3A_12] : memref<128x128xf32, #tpu.memory_space<vmem>>, vector<128x128xf32>
    %slice3A = vector.extract_strided_slice %get3A_1 {offsets = [0, 0], sizes = [128, 128], strides = [1, 1]} : vector<128x768xf32> to vector<128x128xf32>
    %slice3A_14 = vector.extract_strided_slice %get3A_1 {offsets = [0, 128], sizes = [128, 128], strides = [1, 1]} : vector<128x768xf32> to vector<128x128xf32>
    %slice3A_15 = vector.extract_strided_slice %get3A_1 {offsets = [0, 256], sizes = [128, 128], strides = [1, 1]} : vector<128x768xf32> to vector<128x128xf32>
    %slice3A_16 = vector.extract_strided_slice %get3A_1 {offsets = [0, 384], sizes = [128, 128], strides = [1, 1]} : vector<128x768xf32> to vector<128x128xf32>
    %slice3A_17 = vector.extract_strided_slice %get3A_1 {offsets = [0, 512], sizes = [128, 128], strides = [1, 1]} : vector<128x768xf32> to vector<128x128xf32>
    %slice3A_18 = vector.extract_strided_slice %get3A_1 {offsets = [0, 640], sizes = [128, 128], strides = [1, 1]} : vector<128x768xf32> to vector<128x128xf32>
    %slice3A_19 = vector.extract_strided_slice %get3A_1 {offsets = [0, 0], sizes = [128, 128], strides = [1, 1]} : vector<128x768xf32> to vector<128x128xf32>
    %slice3A_20 = vector.extract_strided_slice %get3A_1 {offsets = [0, 128], sizes = [128, 128], strides = [1, 1]} : vector<128x768xf32> to vector<128x128xf32>
    %slice3A_21 = vector.extract_strided_slice %get3A_1 {offsets = [0, 256], sizes = [128, 128], strides = [1, 1]} : vector<128x768xf32> to vector<128x128xf32>
    %slice3A_22 = vector.extract_strided_slice %get3A_1 {offsets = [0, 384], sizes = [128, 128], strides = [1, 1]} : vector<128x768xf32> to vector<128x128xf32>
    %slice3A_23 = vector.extract_strided_slice %get3A_1 {offsets = [0, 512], sizes = [128, 128], strides = [1, 1]} : vector<128x768xf32> to vector<128x128xf32>
    %slice3A_24 = vector.extract_strided_slice %get3A_1 {offsets = [0, 640], sizes = [128, 128], strides = [1, 1]} : vector<128x768xf32> to vector<128x128xf32>
    %slice3A_25 = vector.extract_strided_slice %get3A_1 {offsets = [0, 0], sizes = [128, 128], strides = [1, 1]} : vector<128x768xf32> to vector<128x128xf32>
    %slice3A_26 = vector.extract_strided_slice %get3A_1 {offsets = [0, 128], sizes = [128, 128], strides = [1, 1]} : vector<128x768xf32> to vector<128x128xf32>
    %slice3A_27 = vector.extract_strided_slice %get3A_1 {offsets = [0, 256], sizes = [128, 128], strides = [1, 1]} : vector<128x768xf32> to vector<128x128xf32>
    %slice3A_28 = vector.extract_strided_slice %get3A_1 {offsets = [0, 384], sizes = [128, 128], strides = [1, 1]} : vector<128x768xf32> to vector<128x128xf32>
    %slice3A_29 = vector.extract_strided_slice %get3A_1 {offsets = [0, 512], sizes = [128, 128], strides = [1, 1]} : vector<128x768xf32> to vector<128x128xf32>
    %slice3A_30 = vector.extract_strided_slice %get3A_1 {offsets = [0, 640], sizes = [128, 128], strides = [1, 1]} : vector<128x768xf32> to vector<128x128xf32>
    %slice3A_31 = vector.extract_strided_slice %get3A_1 {offsets = [0, 0], sizes = [128, 128], strides = [1, 1]} : vector<128x768xf32> to vector<128x128xf32>
    %slice3A_32 = vector.extract_strided_slice %get3A_1 {offsets = [0, 128], sizes = [128, 128], strides = [1, 1]} : vector<128x768xf32> to vector<128x128xf32>
    %slice3A_33 = vector.extract_strided_slice %get3A_1 {offsets = [0, 256], sizes = [128, 128], strides = [1, 1]} : vector<128x768xf32> to vector<128x128xf32>
    %slice3A_34 = vector.extract_strided_slice %get3A_1 {offsets = [0, 384], sizes = [128, 128], strides = [1, 1]} : vector<128x768xf32> to vector<128x128xf32>
    %slice3A_35 = vector.extract_strided_slice %get3A_1 {offsets = [0, 512], sizes = [128, 128], strides = [1, 1]} : vector<128x768xf32> to vector<128x128xf32>
    %slice3A_36 = vector.extract_strided_slice %get3A_1 {offsets = [0, 640], sizes = [128, 128], strides = [1, 1]} : vector<128x768xf32> to vector<128x128xf32>
    %slice3A_37 = vector.extract_strided_slice %get3A_1 {offsets = [0, 0], sizes = [128, 128], strides = [1, 1]} : vector<128x768xf32> to vector<128x128xf32>
    %slice3A_38 = vector.extract_strided_slice %get3A_1 {offsets = [0, 128], sizes = [128, 128], strides = [1, 1]} : vector<128x768xf32> to vector<128x128xf32>
    %slice3A_39 = vector.extract_strided_slice %get3A_1 {offsets = [0, 256], sizes = [128, 128], strides = [1, 1]} : vector<128x768xf32> to vector<128x128xf32>
    %slice3A_40 = vector.extract_strided_slice %get3A_1 {offsets = [0, 384], sizes = [128, 128], strides = [1, 1]} : vector<128x768xf32> to vector<128x128xf32>
    %slice3A_41 = vector.extract_strided_slice %get3A_1 {offsets = [0, 512], sizes = [128, 128], strides = [1, 1]} : vector<128x768xf32> to vector<128x128xf32>
    %slice3A_42 = vector.extract_strided_slice %get3A_1 {offsets = [0, 640], sizes = [128, 128], strides = [1, 1]} : vector<128x768xf32> to vector<128x128xf32>
    %slice3A_43 = vector.extract_strided_slice %get3A_1 {offsets = [0, 0], sizes = [128, 128], strides = [1, 1]} : vector<128x768xf32> to vector<128x128xf32>
    %slice3A_44 = vector.extract_strided_slice %get3A_1 {offsets = [0, 128], sizes = [128, 128], strides = [1, 1]} : vector<128x768xf32> to vector<128x128xf32>
    %slice3A_45 = vector.extract_strided_slice %get3A_1 {offsets = [0, 256], sizes = [128, 128], strides = [1, 1]} : vector<128x768xf32> to vector<128x128xf32>
    %slice3A_46 = vector.extract_strided_slice %get3A_1 {offsets = [0, 384], sizes = [128, 128], strides = [1, 1]} : vector<128x768xf32> to vector<128x128xf32>
    %slice3A_47 = vector.extract_strided_slice %get3A_1 {offsets = [0, 512], sizes = [128, 128], strides = [1, 1]} : vector<128x768xf32> to vector<128x128xf32>
    %slice3A_48 = vector.extract_strided_slice %get3A_1 {offsets = [0, 640], sizes = [128, 128], strides = [1, 1]} : vector<128x768xf32> to vector<128x128xf32>
    %concatenate3A = tpu.concatenate %slice3A, %slice3A_14, %slice3A_15, %slice3A_16, %slice3A_17, %slice3A_18, %slice3A_19, %slice3A_20, %slice3A_21, %slice3A_22, %slice3A_23, %slice3A_24, %slice3A_25, %slice3A_26, %slice3A_27, %slice3A_28, %slice3A_29, %slice3A_30, %slice3A_31, %slice3A_32, %slice3A_33, %slice3A_34, %slice3A_35, %slice3A_36, %slice3A_37, %slice3A_38, %slice3A_39, %slice3A_40, %slice3A_41, %slice3A_42, %slice3A_43, %slice3A_44, %slice3A_45, %slice3A_46, %slice3A_47, %slice3A_48 in 0 : vector<128x128xf32>, vector<128x128xf32>, vector<128x128xf32>, vector<128x128xf32>, vector<128x128xf32>, vector<128x128xf32>, vector<128x128xf32>, vector<128x128xf32>, vector<128x128xf32>, vector<128x128xf32>, vector<128x128xf32>, vector<128x128xf32>, vector<128x128xf32>, vector<128x128xf32>, vector<128x128xf32>, vector<128x128xf32>, vector<128x128xf32>, vector<128x128xf32>, vector<128x128xf32>, vector<128x128xf32>, vector<128x128xf32>, vector<128x128xf32>, vector<128x128xf32>, vector<128x128xf32>, vector<128x128xf32>, vector<128x128xf32>, vector<128x128xf32>, vector<128x128xf32>, vector<128x128xf32>, vector<128x128xf32>, vector<128x128xf32>, vector<128x128xf32>, vector<128x128xf32>, vector<128x128xf32>, vector<128x128xf32>, vector<128x128xf32> -> vector<4608x128xf32>
    %slice3A_49 = vector.extract_strided_slice %get3A_4 {offsets = [0, 0], sizes = [128, 128], strides = [1, 1]} : vector<128x768xf32> to vector<128x128xf32>
    %slice3A_50 = vector.extract_strided_slice %get3A_4 {offsets = [0, 128], sizes = [128, 128], strides = [1, 1]} : vector<128x768xf32> to vector<128x128xf32>
    %slice3A_51 = vector.extract_strided_slice %get3A_4 {offsets = [0, 256], sizes = [128, 128], strides = [1, 1]} : vector<128x768xf32> to vector<128x128xf32>
    %slice3A_52 = vector.extract_strided_slice %get3A_4 {offsets = [0, 384], sizes = [128, 128], strides = [1, 1]} : vector<128x768xf32> to vector<128x128xf32>
    %slice3A_53 = vector.extract_strided_slice %get3A_4 {offsets = [0, 512], sizes = [128, 128], strides = [1, 1]} : vector<128x768xf32> to vector<128x128xf32>
    %slice3A_54 = vector.extract_strided_slice %get3A_4 {offsets = [0, 640], sizes = [128, 128], strides = [1, 1]} : vector<128x768xf32> to vector<128x128xf32>
    %slice3A_55 = vector.extract_strided_slice %get3A_4 {offsets = [0, 0], sizes = [128, 128], strides = [1, 1]} : vector<128x768xf32> to vector<128x128xf32>
    %slice3A_56 = vector.extract_strided_slice %get3A_4 {offsets = [0, 128], sizes = [128, 128], strides = [1, 1]} : vector<128x768xf32> to vector<128x128xf32>
    %slice3A_57 = vector.extract_strided_slice %get3A_4 {offsets = [0, 256], sizes = [128, 128], strides = [1, 1]} : vector<128x768xf32> to vector<128x128xf32>
    %slice3A_58 = vector.extract_strided_slice %get3A_4 {offsets = [0, 384], sizes = [128, 128], strides = [1, 1]} : vector<128x768xf32> to vector<128x128xf32>
    %slice3A_59 = vector.extract_strided_slice %get3A_4 {offsets = [0, 512], sizes = [128, 128], strides = [1, 1]} : vector<128x768xf32> to vector<128x128xf32>
    %slice3A_60 = vector.extract_strided_slice %get3A_4 {offsets = [0, 640], sizes = [128, 128], strides = [1, 1]} : vector<128x768xf32> to vector<128x128xf32>
    %slice3A_61 = vector.extract_strided_slice %get3A_4 {offsets = [0, 0], sizes = [128, 128], strides = [1, 1]} : vector<128x768xf32> to vector<128x128xf32>
    %slice3A_62 = vector.extract_strided_slice %get3A_4 {offsets = [0, 128], sizes = [128, 128], strides = [1, 1]} : vector<128x768xf32> to vector<128x128xf32>
    %slice3A_63 = vector.extract_strided_slice %get3A_4 {offsets = [0, 256], sizes = [128, 128], strides = [1, 1]} : vector<128x768xf32> to vector<128x128xf32>
    %slice3A_64 = vector.extract_strided_slice %get3A_4 {offsets = [0, 384], sizes = [128, 128], strides = [1, 1]} : vector<128x768xf32> to vector<128x128xf32>
    %slice3A_65 = vector.extract_strided_slice %get3A_4 {offsets = [0, 512], sizes = [128, 128], strides = [1, 1]} : vector<128x768xf32> to vector<128x128xf32>
    %slice3A_66 = vector.extract_strided_slice %get3A_4 {offsets = [0, 640], sizes = [128, 128], strides = [1, 1]} : vector<128x768xf32> to vector<128x128xf32>
    %slice3A_67 = vector.extract_strided_slice %get3A_4 {offsets = [0, 0], sizes = [128, 128], strides = [1, 1]} : vector<128x768xf32> to vector<128x128xf32>
    %slice3A_68 = vector.extract_strided_slice %get3A_4 {offsets = [0, 128], sizes = [128, 128], strides = [1, 1]} : vector<128x768xf32> to vector<128x128xf32>
    %slice3A_69 = vector.extract_strided_slice %get3A_4 {offsets = [0, 256], sizes = [128, 128], strides = [1, 1]} : vector<128x768xf32> to vector<128x128xf32>
    %slice3A_70 = vector.extract_strided_slice %get3A_4 {offsets = [0, 384], sizes = [128, 128], strides = [1, 1]} : vector<128x768xf32> to vector<128x128xf32>
    %slice3A_71 = vector.extract_strided_slice %get3A_4 {offsets = [0, 512], sizes = [128, 128], strides = [1, 1]} : vector<128x768xf32> to vector<128x128xf32>
    %slice3A_72 = vector.extract_strided_slice %get3A_4 {offsets = [0, 640], sizes = [128, 128], strides = [1, 1]} : vector<128x768xf32> to vector<128x128xf32>
    %slice3A_73 = vector.extract_strided_slice %get3A_4 {offsets = [0, 0], sizes = [128, 128], strides = [1, 1]} : vector<128x768xf32> to vector<128x128xf32>
    %slice3A_74 = vector.extract_strided_slice %get3A_4 {offsets = [0, 128], sizes = [128, 128], strides = [1, 1]} : vector<128x768xf32> to vector<128x128xf32>
    %slice3A_75 = vector.extract_strided_slice %get3A_4 {offsets = [0, 256], sizes = [128, 128], strides = [1, 1]} : vector<128x768xf32> to vector<128x128xf32>
    %slice3A_76 = vector.extract_strided_slice %get3A_4 {offsets = [0, 384], sizes = [128, 128], strides = [1, 1]} : vector<128x768xf32> to vector<128x128xf32>
    %slice3A_77 = vector.extract_strided_slice %get3A_4 {offsets = [0, 512], sizes = [128, 128], strides = [1, 1]} : vector<128x768xf32> to vector<128x128xf32>
    %slice3A_78 = vector.extract_strided_slice %get3A_4 {offsets = [0, 640], sizes = [128, 128], strides = [1, 1]} : vector<128x768xf32> to vector<128x128xf32>
    %slice3A_79 = vector.extract_strided_slice %get3A_4 {offsets = [0, 0], sizes = [128, 128], strides = [1, 1]} : vector<128x768xf32> to vector<128x128xf32>
    %slice3A_80 = vector.extract_strided_slice %get3A_4 {offsets = [0, 128], sizes = [128, 128], strides = [1, 1]} : vector<128x768xf32> to vector<128x128xf32>
    %slice3A_81 = vector.extract_strided_slice %get3A_4 {offsets = [0, 256], sizes = [128, 128], strides = [1, 1]} : vector<128x768xf32> to vector<128x128xf32>
    %slice3A_82 = vector.extract_strided_slice %get3A_4 {offsets = [0, 384], sizes = [128, 128], strides = [1, 1]} : vector<128x768xf32> to vector<128x128xf32>
    %slice3A_83 = vector.extract_strided_slice %get3A_4 {offsets = [0, 512], sizes = [128, 128], strides = [1, 1]} : vector<128x768xf32> to vector<128x128xf32>
    %slice3A_84 = vector.extract_strided_slice %get3A_4 {offsets = [0, 640], sizes = [128, 128], strides = [1, 1]} : vector<128x768xf32> to vector<128x128xf32>
    %concatenate3A_85 = tpu.concatenate %slice3A_49, %slice3A_50, %slice3A_51, %slice3A_52, %slice3A_53, %slice3A_54, %slice3A_55, %slice3A_56, %slice3A_57, %slice3A_58, %slice3A_59, %slice3A_60, %slice3A_61, %slice3A_62, %slice3A_63, %slice3A_64, %slice3A_65, %slice3A_66, %slice3A_67, %slice3A_68, %slice3A_69, %slice3A_70, %slice3A_71, %slice3A_72, %slice3A_73, %slice3A_74, %slice3A_75, %slice3A_76, %slice3A_77, %slice3A_78, %slice3A_79, %slice3A_80, %slice3A_81, %slice3A_82, %slice3A_83, %slice3A_84 in 0 : vector<128x128xf32>, vector<128x128xf32>, vector<128x128xf32>, vector<128x128xf32>, vector<128x128xf32>, vector<128x128xf32>, vector<128x128xf32>, vector<128x128xf32>, vector<128x128xf32>, vector<128x128xf32>, vector<128x128xf32>, vector<128x128xf32>, vector<128x128xf32>, vector<128x128xf32>, vector<128x128xf32>, vector<128x128xf32>, vector<128x128xf32>, vector<128x128xf32>, vector<128x128xf32>, vector<128x128xf32>, vector<128x128xf32>, vector<128x128xf32>, vector<128x128xf32>, vector<128x128xf32>, vector<128x128xf32>, vector<128x128xf32>, vector<128x128xf32>, vector<128x128xf32>, vector<128x128xf32>, vector<128x128xf32>, vector<128x128xf32>, vector<128x128xf32>, vector<128x128xf32>, vector<128x128xf32>, vector<128x128xf32>, vector<128x128xf32> -> vector<4608x128xf32>
    %slice3A_86 = vector.extract_strided_slice %get3A_7 {offsets = [0, 0], sizes = [128, 128], strides = [1, 1]} : vector<128x768xf32> to vector<128x128xf32>
    %slice3A_87 = vector.extract_strided_slice %get3A_7 {offsets = [0, 0], sizes = [128, 128], strides = [1, 1]} : vector<128x768xf32> to vector<128x128xf32>
    %slice3A_88 = vector.extract_strided_slice %get3A_7 {offsets = [0, 0], sizes = [128, 128], strides = [1, 1]} : vector<128x768xf32> to vector<128x128xf32>
    %slice3A_89 = vector.extract_strided_slice %get3A_7 {offsets = [0, 0], sizes = [128, 128], strides = [1, 1]} : vector<128x768xf32> to vector<128x128xf32>
    %slice3A_90 = vector.extract_strided_slice %get3A_7 {offsets = [0, 0], sizes = [128, 128], strides = [1, 1]} : vector<128x768xf32> to vector<128x128xf32>
    %slice3A_91 = vector.extract_strided_slice %get3A_7 {offsets = [0, 0], sizes = [128, 128], strides = [1, 1]} : vector<128x768xf32> to vector<128x128xf32>
    %slice3A_92 = vector.extract_strided_slice %get3A_7 {offsets = [0, 128], sizes = [128, 128], strides = [1, 1]} : vector<128x768xf32> to vector<128x128xf32>
    %slice3A_93 = vector.extract_strided_slice %get3A_7 {offsets = [0, 128], sizes = [128, 128], strides = [1, 1]} : vector<128x768xf32> to vector<128x128xf32>
    %slice3A_94 = vector.extract_strided_slice %get3A_7 {offsets = [0, 128], sizes = [128, 128], strides = [1, 1]} : vector<128x768xf32> to vector<128x128xf32>
    %slice3A_95 = vector.extract_strided_slice %get3A_7 {offsets = [0, 128], sizes = [128, 128], strides = [1, 1]} : vector<128x768xf32> to vector<128x128xf32>
    %slice3A_96 = vector.extract_strided_slice %get3A_7 {offsets = [0, 128], sizes = [128, 128], strides = [1, 1]} : vector<128x768xf32> to vector<128x128xf32>
    %slice3A_97 = vector.extract_strided_slice %get3A_7 {offsets = [0, 128], sizes = [128, 128], strides = [1, 1]} : vector<128x768xf32> to vector<128x128xf32>
    %slice3A_98 = vector.extract_strided_slice %get3A_7 {offsets = [0, 256], sizes = [128, 128], strides = [1, 1]} : vector<128x768xf32> to vector<128x128xf32>
    %slice3A_99 = vector.extract_strided_slice %get3A_7 {offsets = [0, 256], sizes = [128, 128], strides = [1, 1]} : vector<128x768xf32> to vector<128x128xf32>
    %slice3A_100 = vector.extract_strided_slice %get3A_7 {offsets = [0, 256], sizes = [128, 128], strides = [1, 1]} : vector<128x768xf32> to vector<128x128xf32>
    %slice3A_101 = vector.extract_strided_slice %get3A_7 {offsets = [0, 256], sizes = [128, 128], strides = [1, 1]} : vector<128x768xf32> to vector<128x128xf32>
    %slice3A_102 = vector.extract_strided_slice %get3A_7 {offsets = [0, 256], sizes = [128, 128], strides = [1, 1]} : vector<128x768xf32> to vector<128x128xf32>
    %slice3A_103 = vector.extract_strided_slice %get3A_7 {offsets = [0, 256], sizes = [128, 128], strides = [1, 1]} : vector<128x768xf32> to vector<128x128xf32>
    %slice3A_104 = vector.extract_strided_slice %get3A_7 {offsets = [0, 384], sizes = [128, 128], strides = [1, 1]} : vector<128x768xf32> to vector<128x128xf32>
    %slice3A_105 = vector.extract_strided_slice %get3A_7 {offsets = [0, 384], sizes = [128, 128], strides = [1, 1]} : vector<128x768xf32> to vector<128x128xf32>
    %slice3A_106 = vector.extract_strided_slice %get3A_7 {offsets = [0, 384], sizes = [128, 128], strides = [1, 1]} : vector<128x768xf32> to vector<128x128xf32>
    %slice3A_107 = vector.extract_strided_slice %get3A_7 {offsets = [0, 384], sizes = [128, 128], strides = [1, 1]} : vector<128x768xf32> to vector<128x128xf32>
    %slice3A_108 = vector.extract_strided_slice %get3A_7 {offsets = [0, 384], sizes = [128, 128], strides = [1, 1]} : vector<128x768xf32> to vector<128x128xf32>
    %slice3A_109 = vector.extract_strided_slice %get3A_7 {offsets = [0, 384], sizes = [128, 128], strides = [1, 1]} : vector<128x768xf32> to vector<128x128xf32>
    %slice3A_110 = vector.extract_strided_slice %get3A_7 {offsets = [0, 512], sizes = [128, 128], strides = [1, 1]} : vector<128x768xf32> to vector<128x128xf32>
    %slice3A_111 = vector.extract_strided_slice %get3A_7 {offsets = [0, 512], sizes = [128, 128], strides = [1, 1]} : vector<128x768xf32> to vector<128x128xf32>
    %slice3A_112 = vector.extract_strided_slice %get3A_7 {offsets = [0, 512], sizes = [128, 128], strides = [1, 1]} : vector<128x768xf32> to vector<128x128xf32>
    %slice3A_113 = vector.extract_strided_slice %get3A_7 {offsets = [0, 512], sizes = [128, 128], strides = [1, 1]} : vector<128x768xf32> to vector<128x128xf32>
    %slice3A_114 = vector.extract_strided_slice %get3A_7 {offsets = [0, 512], sizes = [128, 128], strides = [1, 1]} : vector<128x768xf32> to vector<128x128xf32>
    %slice3A_115 = vector.extract_strided_slice %get3A_7 {offsets = [0, 512], sizes = [128, 128], strides = [1, 1]} : vector<128x768xf32> to vector<128x128xf32>
    %slice3A_116 = vector.extract_strided_slice %get3A_7 {offsets = [0, 640], sizes = [128, 128], strides = [1, 1]} : vector<128x768xf32> to vector<128x128xf32>
    %slice3A_117 = vector.extract_strided_slice %get3A_7 {offsets = [0, 640], sizes = [128, 128], strides = [1, 1]} : vector<128x768xf32> to vector<128x128xf32>
    %slice3A_118 = vector.extract_strided_slice %get3A_7 {offsets = [0, 640], sizes = [128, 128], strides = [1, 1]} : vector<128x768xf32> to vector<128x128xf32>
    %slice3A_119 = vector.extract_strided_slice %get3A_7 {offsets = [0, 640], sizes = [128, 128], strides = [1, 1]} : vector<128x768xf32> to vector<128x128xf32>
    %slice3A_120 = vector.extract_strided_slice %get3A_7 {offsets = [0, 640], sizes = [128, 128], strides = [1, 1]} : vector<128x768xf32> to vector<128x128xf32>
    %slice3A_121 = vector.extract_strided_slice %get3A_7 {offsets = [0, 640], sizes = [128, 128], strides = [1, 1]} : vector<128x768xf32> to vector<128x128xf32>
    %concatenate3A_122 = tpu.concatenate %slice3A_86, %slice3A_87, %slice3A_88, %slice3A_89, %slice3A_90, %slice3A_91, %slice3A_92, %slice3A_93, %slice3A_94, %slice3A_95, %slice3A_96, %slice3A_97, %slice3A_98, %slice3A_99, %slice3A_100, %slice3A_101, %slice3A_102, %slice3A_103, %slice3A_104, %slice3A_105, %slice3A_106, %slice3A_107, %slice3A_108, %slice3A_109, %slice3A_110, %slice3A_111, %slice3A_112, %slice3A_113, %slice3A_114, %slice3A_115, %slice3A_116, %slice3A_117, %slice3A_118, %slice3A_119, %slice3A_120, %slice3A_121 in 0 : vector<128x128xf32>, vector<128x128xf32>, vector<128x128xf32>, vector<128x128xf32>, vector<128x128xf32>, vector<128x128xf32>, vector<128x128xf32>, vector<128x128xf32>, vector<128x128xf32>, vector<128x128xf32>, vector<128x128xf32>, vector<128x128xf32>, vector<128x128xf32>, vector<128x128xf32>, vector<128x128xf32>, vector<128x128xf32>, vector<128x128xf32>, vector<128x128xf32>, vector<128x128xf32>, vector<128x128xf32>, vector<128x128xf32>, vector<128x128xf32>, vector<128x128xf32>, vector<128x128xf32>, vector<128x128xf32>, vector<128x128xf32>, vector<128x128xf32>, vector<128x128xf32>, vector<128x128xf32>, vector<128x128xf32>, vector<128x128xf32>, vector<128x128xf32>, vector<128x128xf32>, vector<128x128xf32>, vector<128x128xf32>, vector<128x128xf32> -> vector<4608x128xf32>
    %slice3A_123 = vector.extract_strided_slice %get3A_10 {offsets = [0, 0], sizes = [128, 1], strides = [1, 1]} : vector<128x128xf32> to vector<128x1xf32>
    %slice3A_124 = vector.extract_strided_slice %get3A_10 {offsets = [0, 1], sizes = [128, 1], strides = [1, 1]} : vector<128x128xf32> to vector<128x1xf32>
    %slice3A_125 = vector.extract_strided_slice %get3A_10 {offsets = [0, 2], sizes = [128, 1], strides = [1, 1]} : vector<128x128xf32> to vector<128x1xf32>
    %slice3A_126 = vector.extract_strided_slice %get3A_10 {offsets = [0, 3], sizes = [128, 1], strides = [1, 1]} : vector<128x128xf32> to vector<128x1xf32>
    %slice3A_127 = vector.extract_strided_slice %get3A_10 {offsets = [0, 4], sizes = [128, 1], strides = [1, 1]} : vector<128x128xf32> to vector<128x1xf32>
    %slice3A_128 = vector.extract_strided_slice %get3A_10 {offsets = [0, 5], sizes = [128, 1], strides = [1, 1]} : vector<128x128xf32> to vector<128x1xf32>
    %slice3A_129 = vector.extract_strided_slice %get3A_10 {offsets = [0, 0], sizes = [128, 1], strides = [1, 1]} : vector<128x128xf32> to vector<128x1xf32>
    %slice3A_130 = vector.extract_strided_slice %get3A_10 {offsets = [0, 1], sizes = [128, 1], strides = [1, 1]} : vector<128x128xf32> to vector<128x1xf32>
    %slice3A_131 = vector.extract_strided_slice %get3A_10 {offsets = [0, 2], sizes = [128, 1], strides = [1, 1]} : vector<128x128xf32> to vector<128x1xf32>
    %slice3A_132 = vector.extract_strided_slice %get3A_10 {offsets = [0, 3], sizes = [128, 1], strides = [1, 1]} : vector<128x128xf32> to vector<128x1xf32>
    %slice3A_133 = vector.extract_strided_slice %get3A_10 {offsets = [0, 4], sizes = [128, 1], strides = [1, 1]} : vector<128x128xf32> to vector<128x1xf32>
    %slice3A_134 = vector.extract_strided_slice %get3A_10 {offsets = [0, 5], sizes = [128, 1], strides = [1, 1]} : vector<128x128xf32> to vector<128x1xf32>
    %slice3A_135 = vector.extract_strided_slice %get3A_10 {offsets = [0, 0], sizes = [128, 1], strides = [1, 1]} : vector<128x128xf32> to vector<128x1xf32>
    %slice3A_136 = vector.extract_strided_slice %get3A_10 {offsets = [0, 1], sizes = [128, 1], strides = [1, 1]} : vector<128x128xf32> to vector<128x1xf32>
    %slice3A_137 = vector.extract_strided_slice %get3A_10 {offsets = [0, 2], sizes = [128, 1], strides = [1, 1]} : vector<128x128xf32> to vector<128x1xf32>
    %slice3A_138 = vector.extract_strided_slice %get3A_10 {offsets = [0, 3], sizes = [128, 1], strides = [1, 1]} : vector<128x128xf32> to vector<128x1xf32>
    %slice3A_139 = vector.extract_strided_slice %get3A_10 {offsets = [0, 4], sizes = [128, 1], strides = [1, 1]} : vector<128x128xf32> to vector<128x1xf32>
    %slice3A_140 = vector.extract_strided_slice %get3A_10 {offsets = [0, 5], sizes = [128, 1], strides = [1, 1]} : vector<128x128xf32> to vector<128x1xf32>
    %slice3A_141 = vector.extract_strided_slice %get3A_10 {offsets = [0, 0], sizes = [128, 1], strides = [1, 1]} : vector<128x128xf32> to vector<128x1xf32>
    %slice3A_142 = vector.extract_strided_slice %get3A_10 {offsets = [0, 1], sizes = [128, 1], strides = [1, 1]} : vector<128x128xf32> to vector<128x1xf32>
    %slice3A_143 = vector.extract_strided_slice %get3A_10 {offsets = [0, 2], sizes = [128, 1], strides = [1, 1]} : vector<128x128xf32> to vector<128x1xf32>
    %slice3A_144 = vector.extract_strided_slice %get3A_10 {offsets = [0, 3], sizes = [128, 1], strides = [1, 1]} : vector<128x128xf32> to vector<128x1xf32>
    %slice3A_145 = vector.extract_strided_slice %get3A_10 {offsets = [0, 4], sizes = [128, 1], strides = [1, 1]} : vector<128x128xf32> to vector<128x1xf32>
    %slice3A_146 = vector.extract_strided_slice %get3A_10 {offsets = [0, 5], sizes = [128, 1], strides = [1, 1]} : vector<128x128xf32> to vector<128x1xf32>
    %slice3A_147 = vector.extract_strided_slice %get3A_10 {offsets = [0, 0], sizes = [128, 1], strides = [1, 1]} : vector<128x128xf32> to vector<128x1xf32>
    %slice3A_148 = vector.extract_strided_slice %get3A_10 {offsets = [0, 1], sizes = [128, 1], strides = [1, 1]} : vector<128x128xf32> to vector<128x1xf32>
    %slice3A_149 = vector.extract_strided_slice %get3A_10 {offsets = [0, 2], sizes = [128, 1], strides = [1, 1]} : vector<128x128xf32> to vector<128x1xf32>
    %slice3A_150 = vector.extract_strided_slice %get3A_10 {offsets = [0, 3], sizes = [128, 1], strides = [1, 1]} : vector<128x128xf32> to vector<128x1xf32>
    %slice3A_151 = vector.extract_strided_slice %get3A_10 {offsets = [0, 4], sizes = [128, 1], strides = [1, 1]} : vector<128x128xf32> to vector<128x1xf32>
    %slice3A_152 = vector.extract_strided_slice %get3A_10 {offsets = [0, 5], sizes = [128, 1], strides = [1, 1]} : vector<128x128xf32> to vector<128x1xf32>
    %slice3A_153 = vector.extract_strided_slice %get3A_10 {offsets = [0, 0], sizes = [128, 1], strides = [1, 1]} : vector<128x128xf32> to vector<128x1xf32>
    %slice3A_154 = vector.extract_strided_slice %get3A_10 {offsets = [0, 1], sizes = [128, 1], strides = [1, 1]} : vector<128x128xf32> to vector<128x1xf32>
    %slice3A_155 = vector.extract_strided_slice %get3A_10 {offsets = [0, 2], sizes = [128, 1], strides = [1, 1]} : vector<128x128xf32> to vector<128x1xf32>
    %slice3A_156 = vector.extract_strided_slice %get3A_10 {offsets = [0, 3], sizes = [128, 1], strides = [1, 1]} : vector<128x128xf32> to vector<128x1xf32>
    %slice3A_157 = vector.extract_strided_slice %get3A_10 {offsets = [0, 4], sizes = [128, 1], strides = [1, 1]} : vector<128x128xf32> to vector<128x1xf32>
    %slice3A_158 = vector.extract_strided_slice %get3A_10 {offsets = [0, 5], sizes = [128, 1], strides = [1, 1]} : vector<128x128xf32> to vector<128x1xf32>
    %concatenate3A_159 = tpu.concatenate %slice3A_123, %slice3A_124, %slice3A_125, %slice3A_126, %slice3A_127, %slice3A_128, %slice3A_129, %slice3A_130, %slice3A_131, %slice3A_132, %slice3A_133, %slice3A_134, %slice3A_135, %slice3A_136, %slice3A_137, %slice3A_138, %slice3A_139, %slice3A_140, %slice3A_141, %slice3A_142, %slice3A_143, %slice3A_144, %slice3A_145, %slice3A_146, %slice3A_147, %slice3A_148, %slice3A_149, %slice3A_150, %slice3A_151, %slice3A_152, %slice3A_153, %slice3A_154, %slice3A_155, %slice3A_156, %slice3A_157, %slice3A_158 in 1 : vector<128x1xf32>, vector<128x1xf32>, vector<128x1xf32>, vector<128x1xf32>, vector<128x1xf32>, vector<128x1xf32>, vector<128x1xf32>, vector<128x1xf32>, vector<128x1xf32>, vector<128x1xf32>, vector<128x1xf32>, vector<128x1xf32>, vector<128x1xf32>, vector<128x1xf32>, vector<128x1xf32>, vector<128x1xf32>, vector<128x1xf32>, vector<128x1xf32>, vector<128x1xf32>, vector<128x1xf32>, vector<128x1xf32>, vector<128x1xf32>, vector<128x1xf32>, vector<128x1xf32>, vector<128x1xf32>, vector<128x1xf32>, vector<128x1xf32>, vector<128x1xf32>, vector<128x1xf32>, vector<128x1xf32>, vector<128x1xf32>, vector<128x1xf32>, vector<128x1xf32>, vector<128x1xf32>, vector<128x1xf32>, vector<128x1xf32> -> vector<128x36xf32>
    %slice3A_160 = vector.extract_strided_slice %get3A_10 {offsets = [0, 6], sizes = [128, 1], strides = [1, 1]} : vector<128x128xf32> to vector<128x1xf32>
    %slice3A_161 = vector.extract_strided_slice %get3A_10 {offsets = [0, 7], sizes = [128, 1], strides = [1, 1]} : vector<128x128xf32> to vector<128x1xf32>
    %slice3A_162 = vector.extract_strided_slice %get3A_10 {offsets = [0, 8], sizes = [128, 1], strides = [1, 1]} : vector<128x128xf32> to vector<128x1xf32>
    %slice3A_163 = vector.extract_strided_slice %get3A_10 {offsets = [0, 9], sizes = [128, 1], strides = [1, 1]} : vector<128x128xf32> to vector<128x1xf32>
    %slice3A_164 = vector.extract_strided_slice %get3A_10 {offsets = [0, 10], sizes = [128, 1], strides = [1, 1]} : vector<128x128xf32> to vector<128x1xf32>
    %slice3A_165 = vector.extract_strided_slice %get3A_10 {offsets = [0, 11], sizes = [128, 1], strides = [1, 1]} : vector<128x128xf32> to vector<128x1xf32>
    %slice3A_166 = vector.extract_strided_slice %get3A_10 {offsets = [0, 6], sizes = [128, 1], strides = [1, 1]} : vector<128x128xf32> to vector<128x1xf32>
    %slice3A_167 = vector.extract_strided_slice %get3A_10 {offsets = [0, 7], sizes = [128, 1], strides = [1, 1]} : vector<128x128xf32> to vector<128x1xf32>
    %slice3A_168 = vector.extract_strided_slice %get3A_10 {offsets = [0, 8], sizes = [128, 1], strides = [1, 1]} : vector<128x128xf32> to vector<128x1xf32>
    %slice3A_169 = vector.extract_strided_slice %get3A_10 {offsets = [0, 9], sizes = [128, 1], strides = [1, 1]} : vector<128x128xf32> to vector<128x1xf32>
    %slice3A_170 = vector.extract_strided_slice %get3A_10 {offsets = [0, 10], sizes = [128, 1], strides = [1, 1]} : vector<128x128xf32> to vector<128x1xf32>
    %slice3A_171 = vector.extract_strided_slice %get3A_10 {offsets = [0, 11], sizes = [128, 1], strides = [1, 1]} : vector<128x128xf32> to vector<128x1xf32>
    %slice3A_172 = vector.extract_strided_slice %get3A_10 {offsets = [0, 6], sizes = [128, 1], strides = [1, 1]} : vector<128x128xf32> to vector<128x1xf32>
    %slice3A_173 = vector.extract_strided_slice %get3A_10 {offsets = [0, 7], sizes = [128, 1], strides = [1, 1]} : vector<128x128xf32> to vector<128x1xf32>
    %slice3A_174 = vector.extract_strided_slice %get3A_10 {offsets = [0, 8], sizes = [128, 1], strides = [1, 1]} : vector<128x128xf32> to vector<128x1xf32>
    %slice3A_175 = vector.extract_strided_slice %get3A_10 {offsets = [0, 9], sizes = [128, 1], strides = [1, 1]} : vector<128x128xf32> to vector<128x1xf32>
    %slice3A_176 = vector.extract_strided_slice %get3A_10 {offsets = [0, 10], sizes = [128, 1], strides = [1, 1]} : vector<128x128xf32> to vector<128x1xf32>
    %slice3A_177 = vector.extract_strided_slice %get3A_10 {offsets = [0, 11], sizes = [128, 1], strides = [1, 1]} : vector<128x128xf32> to vector<128x1xf32>
    %slice3A_178 = vector.extract_strided_slice %get3A_10 {offsets = [0, 6], sizes = [128, 1], strides = [1, 1]} : vector<128x128xf32> to vector<128x1xf32>
    %slice3A_179 = vector.extract_strided_slice %get3A_10 {offsets = [0, 7], sizes = [128, 1], strides = [1, 1]} : vector<128x128xf32> to vector<128x1xf32>
    %slice3A_180 = vector.extract_strided_slice %get3A_10 {offsets = [0, 8], sizes = [128, 1], strides = [1, 1]} : vector<128x128xf32> to vector<128x1xf32>
    %slice3A_181 = vector.extract_strided_slice %get3A_10 {offsets = [0, 9], sizes = [128, 1], strides = [1, 1]} : vector<128x128xf32> to vector<128x1xf32>
    %slice3A_182 = vector.extract_strided_slice %get3A_10 {offsets = [0, 10], sizes = [128, 1], strides = [1, 1]} : vector<128x128xf32> to vector<128x1xf32>
    %slice3A_183 = vector.extract_strided_slice %get3A_10 {offsets = [0, 11], sizes = [128, 1], strides = [1, 1]} : vector<128x128xf32> to vector<128x1xf32>
    %slice3A_184 = vector.extract_strided_slice %get3A_10 {offsets = [0, 6], sizes = [128, 1], strides = [1, 1]} : vector<128x128xf32> to vector<128x1xf32>
    %slice3A_185 = vector.extract_strided_slice %get3A_10 {offsets = [0, 7], sizes = [128, 1], strides = [1, 1]} : vector<128x128xf32> to vector<128x1xf32>
    %slice3A_186 = vector.extract_strided_slice %get3A_10 {offsets = [0, 8], sizes = [128, 1], strides = [1, 1]} : vector<128x128xf32> to vector<128x1xf32>
    %slice3A_187 = vector.extract_strided_slice %get3A_10 {offsets = [0, 9], sizes = [128, 1], strides = [1, 1]} : vector<128x128xf32> to vector<128x1xf32>
    %slice3A_188 = vector.extract_strided_slice %get3A_10 {offsets = [0, 10], sizes = [128, 1], strides = [1, 1]} : vector<128x128xf32> to vector<128x1xf32>
    %slice3A_189 = vector.extract_strided_slice %get3A_10 {offsets = [0, 11], sizes = [128, 1], strides = [1, 1]} : vector<128x128xf32> to vector<128x1xf32>
    %slice3A_190 = vector.extract_strided_slice %get3A_10 {offsets = [0, 6], sizes = [128, 1], strides = [1, 1]} : vector<128x128xf32> to vector<128x1xf32>
    %slice3A_191 = vector.extract_strided_slice %get3A_10 {offsets = [0, 7], sizes = [128, 1], strides = [1, 1]} : vector<128x128xf32> to vector<128x1xf32>
    %slice3A_192 = vector.extract_strided_slice %get3A_10 {offsets = [0, 8], sizes = [128, 1], strides = [1, 1]} : vector<128x128xf32> to vector<128x1xf32>
    %slice3A_193 = vector.extract_strided_slice %get3A_10 {offsets = [0, 9], sizes = [128, 1], strides = [1, 1]} : vector<128x128xf32> to vector<128x1xf32>
    %slice3A_194 = vector.extract_strided_slice %get3A_10 {offsets = [0, 10], sizes = [128, 1], strides = [1, 1]} : vector<128x128xf32> to vector<128x1xf32>
    %slice3A_195 = vector.extract_strided_slice %get3A_10 {offsets = [0, 11], sizes = [128, 1], strides = [1, 1]} : vector<128x128xf32> to vector<128x1xf32>
    %concatenate3A_196 = tpu.concatenate %slice3A_160, %slice3A_161, %slice3A_162, %slice3A_163, %slice3A_164, %slice3A_165, %slice3A_166, %slice3A_167, %slice3A_168, %slice3A_169, %slice3A_170, %slice3A_171, %slice3A_172, %slice3A_173, %slice3A_174, %slice3A_175, %slice3A_176, %slice3A_177, %slice3A_178, %slice3A_179, %slice3A_180, %slice3A_181, %slice3A_182, %slice3A_183, %slice3A_184, %slice3A_185, %slice3A_186, %slice3A_187, %slice3A_188, %slice3A_189, %slice3A_190, %slice3A_191, %slice3A_192, %slice3A_193, %slice3A_194, %slice3A_195 in 1 : vector<128x1xf32>, vector<128x1xf32>, vector<128x1xf32>, vector<128x1xf32>, vector<128x1xf32>, vector<128x1xf32>, vector<128x1xf32>, vector<128x1xf32>, vector<128x1xf32>, vector<128x1xf32>, vector<128x1xf32>, vector<128x1xf32>, vector<128x1xf32>, vector<128x1xf32>, vector<128x1xf32>, vector<128x1xf32>, vector<128x1xf32>, vector<128x1xf32>, vector<128x1xf32>, vector<128x1xf32>, vector<128x1xf32>, vector<128x1xf32>, vector<128x1xf32>, vector<128x1xf32>, vector<128x1xf32>, vector<128x1xf32>, vector<128x1xf32>, vector<128x1xf32>, vector<128x1xf32>, vector<128x1xf32>, vector<128x1xf32>, vector<128x1xf32>, vector<128x1xf32>, vector<128x1xf32>, vector<128x1xf32>, vector<128x1xf32> -> vector<128x36xf32>
    %slice3A_197 = vector.extract_strided_slice %get3A_10 {offsets = [0, 12], sizes = [128, 1], strides = [1, 1]} : vector<128x128xf32> to vector<128x1xf32>
    %slice3A_198 = vector.extract_strided_slice %get3A_10 {offsets = [0, 13], sizes = [128, 1], strides = [1, 1]} : vector<128x128xf32> to vector<128x1xf32>
    %slice3A_199 = vector.extract_strided_slice %get3A_10 {offsets = [0, 14], sizes = [128, 1], strides = [1, 1]} : vector<128x128xf32> to vector<128x1xf32>
    %slice3A_200 = vector.extract_strided_slice %get3A_10 {offsets = [0, 15], sizes = [128, 1], strides = [1, 1]} : vector<128x128xf32> to vector<128x1xf32>
    %slice3A_201 = vector.extract_strided_slice %get3A_10 {offsets = [0, 16], sizes = [128, 1], strides = [1, 1]} : vector<128x128xf32> to vector<128x1xf32>
    %slice3A_202 = vector.extract_strided_slice %get3A_10 {offsets = [0, 17], sizes = [128, 1], strides = [1, 1]} : vector<128x128xf32> to vector<128x1xf32>
    %slice3A_203 = vector.extract_strided_slice %get3A_10 {offsets = [0, 12], sizes = [128, 1], strides = [1, 1]} : vector<128x128xf32> to vector<128x1xf32>
    %slice3A_204 = vector.extract_strided_slice %get3A_10 {offsets = [0, 13], sizes = [128, 1], strides = [1, 1]} : vector<128x128xf32> to vector<128x1xf32>
    %slice3A_205 = vector.extract_strided_slice %get3A_10 {offsets = [0, 14], sizes = [128, 1], strides = [1, 1]} : vector<128x128xf32> to vector<128x1xf32>
    %slice3A_206 = vector.extract_strided_slice %get3A_10 {offsets = [0, 15], sizes = [128, 1], strides = [1, 1]} : vector<128x128xf32> to vector<128x1xf32>
    %slice3A_207 = vector.extract_strided_slice %get3A_10 {offsets = [0, 16], sizes = [128, 1], strides = [1, 1]} : vector<128x128xf32> to vector<128x1xf32>
    %slice3A_208 = vector.extract_strided_slice %get3A_10 {offsets = [0, 17], sizes = [128, 1], strides = [1, 1]} : vector<128x128xf32> to vector<128x1xf32>
    %slice3A_209 = vector.extract_strided_slice %get3A_10 {offsets = [0, 12], sizes = [128, 1], strides = [1, 1]} : vector<128x128xf32> to vector<128x1xf32>
    %slice3A_210 = vector.extract_strided_slice %get3A_10 {offsets = [0, 13], sizes = [128, 1], strides = [1, 1]} : vector<128x128xf32> to vector<128x1xf32>
    %slice3A_211 = vector.extract_strided_slice %get3A_10 {offsets = [0, 14], sizes = [128, 1], strides = [1, 1]} : vector<128x128xf32> to vector<128x1xf32>
    %slice3A_212 = vector.extract_strided_slice %get3A_10 {offsets = [0, 15], sizes = [128, 1], strides = [1, 1]} : vector<128x128xf32> to vector<128x1xf32>
    %slice3A_213 = vector.extract_strided_slice %get3A_10 {offsets = [0, 16], sizes = [128, 1], strides = [1, 1]} : vector<128x128xf32> to vector<128x1xf32>
    %slice3A_214 = vector.extract_strided_slice %get3A_10 {offsets = [0, 17], sizes = [128, 1], strides = [1, 1]} : vector<128x128xf32> to vector<128x1xf32>
    %slice3A_215 = vector.extract_strided_slice %get3A_10 {offsets = [0, 12], sizes = [128, 1], strides = [1, 1]} : vector<128x128xf32> to vector<128x1xf32>
    %slice3A_216 = vector.extract_strided_slice %get3A_10 {offsets = [0, 13], sizes = [128, 1], strides = [1, 1]} : vector<128x128xf32> to vector<128x1xf32>
    %slice3A_217 = vector.extract_strided_slice %get3A_10 {offsets = [0, 14], sizes = [128, 1], strides = [1, 1]} : vector<128x128xf32> to vector<128x1xf32>
    %slice3A_218 = vector.extract_strided_slice %get3A_10 {offsets = [0, 15], sizes = [128, 1], strides = [1, 1]} : vector<128x128xf32> to vector<128x1xf32>
    %slice3A_219 = vector.extract_strided_slice %get3A_10 {offsets = [0, 16], sizes = [128, 1], strides = [1, 1]} : vector<128x128xf32> to vector<128x1xf32>
    %slice3A_220 = vector.extract_strided_slice %get3A_10 {offsets = [0, 17], sizes = [128, 1], strides = [1, 1]} : vector<128x128xf32> to vector<128x1xf32>
    %slice3A_221 = vector.extract_strided_slice %get3A_10 {offsets = [0, 12], sizes = [128, 1], strides = [1, 1]} : vector<128x128xf32> to vector<128x1xf32>
    %slice3A_222 = vector.extract_strided_slice %get3A_10 {offsets = [0, 13], sizes = [128, 1], strides = [1, 1]} : vector<128x128xf32> to vector<128x1xf32>
    %slice3A_223 = vector.extract_strided_slice %get3A_10 {offsets = [0, 14], sizes = [128, 1], strides = [1, 1]} : vector<128x128xf32> to vector<128x1xf32>
    %slice3A_224 = vector.extract_strided_slice %get3A_10 {offsets = [0, 15], sizes = [128, 1], strides = [1, 1]} : vector<128x128xf32> to vector<128x1xf32>
    %slice3A_225 = vector.extract_strided_slice %get3A_10 {offsets = [0, 16], sizes = [128, 1], strides = [1, 1]} : vector<128x128xf32> to vector<128x1xf32>
    %slice3A_226 = vector.extract_strided_slice %get3A_10 {offsets = [0, 17], sizes = [128, 1], strides = [1, 1]} : vector<128x128xf32> to vector<128x1xf32>
    %slice3A_227 = vector.extract_strided_slice %get3A_10 {offsets = [0, 12], sizes = [128, 1], strides = [1, 1]} : vector<128x128xf32> to vector<128x1xf32>
    %slice3A_228 = vector.extract_strided_slice %get3A_10 {offsets = [0, 13], sizes = [128, 1], strides = [1, 1]} : vector<128x128xf32> to vector<128x1xf32>
    %slice3A_229 = vector.extract_strided_slice %get3A_10 {offsets = [0, 14], sizes = [128, 1], strides = [1, 1]} : vector<128x128xf32> to vector<128x1xf32>
    %slice3A_230 = vector.extract_strided_slice %get3A_10 {offsets = [0, 15], sizes = [128, 1], strides = [1, 1]} : vector<128x128xf32> to vector<128x1xf32>
    %slice3A_231 = vector.extract_strided_slice %get3A_10 {offsets = [0, 16], sizes = [128, 1], strides = [1, 1]} : vector<128x128xf32> to vector<128x1xf32>
    %slice3A_232 = vector.extract_strided_slice %get3A_10 {offsets = [0, 17], sizes = [128, 1], strides = [1, 1]} : vector<128x128xf32> to vector<128x1xf32>
    %concatenate3A_233 = tpu.concatenate %slice3A_197, %slice3A_198, %slice3A_199, %slice3A_200, %slice3A_201, %slice3A_202, %slice3A_203, %slice3A_204, %slice3A_205, %slice3A_206, %slice3A_207, %slice3A_208, %slice3A_209, %slice3A_210, %slice3A_211, %slice3A_212, %slice3A_213, %slice3A_214, %slice3A_215, %slice3A_216, %slice3A_217, %slice3A_218, %slice3A_219, %slice3A_220, %slice3A_221, %slice3A_222, %slice3A_223, %slice3A_224, %slice3A_225, %slice3A_226, %slice3A_227, %slice3A_228, %slice3A_229, %slice3A_230, %slice3A_231, %slice3A_232 in 1 : vector<128x1xf32>, vector<128x1xf32>, vector<128x1xf32>, vector<128x1xf32>, vector<128x1xf32>, vector<128x1xf32>, vector<128x1xf32>, vector<128x1xf32>, vector<128x1xf32>, vector<128x1xf32>, vector<128x1xf32>, vector<128x1xf32>, vector<128x1xf32>, vector<128x1xf32>, vector<128x1xf32>, vector<128x1xf32>, vector<128x1xf32>, vector<128x1xf32>, vector<128x1xf32>, vector<128x1xf32>, vector<128x1xf32>, vector<128x1xf32>, vector<128x1xf32>, vector<128x1xf32>, vector<128x1xf32>, vector<128x1xf32>, vector<128x1xf32>, vector<128x1xf32>, vector<128x1xf32>, vector<128x1xf32>, vector<128x1xf32>, vector<128x1xf32>, vector<128x1xf32>, vector<128x1xf32>, vector<128x1xf32>, vector<128x1xf32> -> vector<128x36xf32>
    %slice3A_234 = vector.extract_strided_slice %get3A_13 {offsets = [0, 0], sizes = [128, 1], strides = [1, 1]} : vector<128x128xf32> to vector<128x1xf32>
    %slice3A_235 = vector.extract_strided_slice %get3A_13 {offsets = [0, 0], sizes = [128, 1], strides = [1, 1]} : vector<128x128xf32> to vector<128x1xf32>
    %slice3A_236 = vector.extract_strided_slice %get3A_13 {offsets = [0, 0], sizes = [128, 1], strides = [1, 1]} : vector<128x128xf32> to vector<128x1xf32>
    %slice3A_237 = vector.extract_strided_slice %get3A_13 {offsets = [0, 0], sizes = [128, 1], strides = [1, 1]} : vector<128x128xf32> to vector<128x1xf32>
    %slice3A_238 = vector.extract_strided_slice %get3A_13 {offsets = [0, 0], sizes = [128, 1], strides = [1, 1]} : vector<128x128xf32> to vector<128x1xf32>
    %slice3A_239 = vector.extract_strided_slice %get3A_13 {offsets = [0, 0], sizes = [128, 1], strides = [1, 1]} : vector<128x128xf32> to vector<128x1xf32>
    %slice3A_240 = vector.extract_strided_slice %get3A_13 {offsets = [0, 1], sizes = [128, 1], strides = [1, 1]} : vector<128x128xf32> to vector<128x1xf32>
    %slice3A_241 = vector.extract_strided_slice %get3A_13 {offsets = [0, 1], sizes = [128, 1], strides = [1, 1]} : vector<128x128xf32> to vector<128x1xf32>
    %slice3A_242 = vector.extract_strided_slice %get3A_13 {offsets = [0, 1], sizes = [128, 1], strides = [1, 1]} : vector<128x128xf32> to vector<128x1xf32>
    %slice3A_243 = vector.extract_strided_slice %get3A_13 {offsets = [0, 1], sizes = [128, 1], strides = [1, 1]} : vector<128x128xf32> to vector<128x1xf32>
    %slice3A_244 = vector.extract_strided_slice %get3A_13 {offsets = [0, 1], sizes = [128, 1], strides = [1, 1]} : vector<128x128xf32> to vector<128x1xf32>
    %slice3A_245 = vector.extract_strided_slice %get3A_13 {offsets = [0, 1], sizes = [128, 1], strides = [1, 1]} : vector<128x128xf32> to vector<128x1xf32>
    %slice3A_246 = vector.extract_strided_slice %get3A_13 {offsets = [0, 2], sizes = [128, 1], strides = [1, 1]} : vector<128x128xf32> to vector<128x1xf32>
    %slice3A_247 = vector.extract_strided_slice %get3A_13 {offsets = [0, 2], sizes = [128, 1], strides = [1, 1]} : vector<128x128xf32> to vector<128x1xf32>
    %slice3A_248 = vector.extract_strided_slice %get3A_13 {offsets = [0, 2], sizes = [128, 1], strides = [1, 1]} : vector<128x128xf32> to vector<128x1xf32>
    %slice3A_249 = vector.extract_strided_slice %get3A_13 {offsets = [0, 2], sizes = [128, 1], strides = [1, 1]} : vector<128x128xf32> to vector<128x1xf32>
    %slice3A_250 = vector.extract_strided_slice %get3A_13 {offsets = [0, 2], sizes = [128, 1], strides = [1, 1]} : vector<128x128xf32> to vector<128x1xf32>
    %slice3A_251 = vector.extract_strided_slice %get3A_13 {offsets = [0, 2], sizes = [128, 1], strides = [1, 1]} : vector<128x128xf32> to vector<128x1xf32>
    %slice3A_252 = vector.extract_strided_slice %get3A_13 {offsets = [0, 3], sizes = [128, 1], strides = [1, 1]} : vector<128x128xf32> to vector<128x1xf32>
    %slice3A_253 = vector.extract_strided_slice %get3A_13 {offsets = [0, 3], sizes = [128, 1], strides = [1, 1]} : vector<128x128xf32> to vector<128x1xf32>
    %slice3A_254 = vector.extract_strided_slice %get3A_13 {offsets = [0, 3], sizes = [128, 1], strides = [1, 1]} : vector<128x128xf32> to vector<128x1xf32>
    %slice3A_255 = vector.extract_strided_slice %get3A_13 {offsets = [0, 3], sizes = [128, 1], strides = [1, 1]} : vector<128x128xf32> to vector<128x1xf32>
    %slice3A_256 = vector.extract_strided_slice %get3A_13 {offsets = [0, 3], sizes = [128, 1], strides = [1, 1]} : vector<128x128xf32> to vector<128x1xf32>
    %slice3A_257 = vector.extract_strided_slice %get3A_13 {offsets = [0, 3], sizes = [128, 1], strides = [1, 1]} : vector<128x128xf32> to vector<128x1xf32>
    %slice3A_258 = vector.extract_strided_slice %get3A_13 {offsets = [0, 4], sizes = [128, 1], strides = [1, 1]} : vector<128x128xf32> to vector<128x1xf32>
    %slice3A_259 = vector.extract_strided_slice %get3A_13 {offsets = [0, 4], sizes = [128, 1], strides = [1, 1]} : vector<128x128xf32> to vector<128x1xf32>
    %slice3A_260 = vector.extract_strided_slice %get3A_13 {offsets = [0, 4], sizes = [128, 1], strides = [1, 1]} : vector<128x128xf32> to vector<128x1xf32>
    %slice3A_261 = vector.extract_strided_slice %get3A_13 {offsets = [0, 4], sizes = [128, 1], strides = [1, 1]} : vector<128x128xf32> to vector<128x1xf32>
    %slice3A_262 = vector.extract_strided_slice %get3A_13 {offsets = [0, 4], sizes = [128, 1], strides = [1, 1]} : vector<128x128xf32> to vector<128x1xf32>
    %slice3A_263 = vector.extract_strided_slice %get3A_13 {offsets = [0, 4], sizes = [128, 1], strides = [1, 1]} : vector<128x128xf32> to vector<128x1xf32>
    %slice3A_264 = vector.extract_strided_slice %get3A_13 {offsets = [0, 5], sizes = [128, 1], strides = [1, 1]} : vector<128x128xf32> to vector<128x1xf32>
    %slice3A_265 = vector.extract_strided_slice %get3A_13 {offsets = [0, 5], sizes = [128, 1], strides = [1, 1]} : vector<128x128xf32> to vector<128x1xf32>
    %slice3A_266 = vector.extract_strided_slice %get3A_13 {offsets = [0, 5], sizes = [128, 1], strides = [1, 1]} : vector<128x128xf32> to vector<128x1xf32>
    %slice3A_267 = vector.extract_strided_slice %get3A_13 {offsets = [0, 5], sizes = [128, 1], strides = [1, 1]} : vector<128x128xf32> to vector<128x1xf32>
    %slice3A_268 = vector.extract_strided_slice %get3A_13 {offsets = [0, 5], sizes = [128, 1], strides = [1, 1]} : vector<128x128xf32> to vector<128x1xf32>
    %slice3A_269 = vector.extract_strided_slice %get3A_13 {offsets = [0, 5], sizes = [128, 1], strides = [1, 1]} : vector<128x128xf32> to vector<128x1xf32>
    %concatenate3A_270 = tpu.concatenate %slice3A_234, %slice3A_235, %slice3A_236, %slice3A_237, %slice3A_238, %slice3A_239, %slice3A_240, %slice3A_241, %slice3A_242, %slice3A_243, %slice3A_244, %slice3A_245, %slice3A_246, %slice3A_247, %slice3A_248, %slice3A_249, %slice3A_250, %slice3A_251, %slice3A_252, %slice3A_253, %slice3A_254, %slice3A_255, %slice3A_256, %slice3A_257, %slice3A_258, %slice3A_259, %slice3A_260, %slice3A_261, %slice3A_262, %slice3A_263, %slice3A_264, %slice3A_265, %slice3A_266, %slice3A_267, %slice3A_268, %slice3A_269 in 1 : vector<128x1xf32>, vector<128x1xf32>, vector<128x1xf32>, vector<128x1xf32>, vector<128x1xf32>, vector<128x1xf32>, vector<128x1xf32>, vector<128x1xf32>, vector<128x1xf32>, vector<128x1xf32>, vector<128x1xf32>, vector<128x1xf32>, vector<128x1xf32>, vector<128x1xf32>, vector<128x1xf32>, vector<128x1xf32>, vector<128x1xf32>, vector<128x1xf32>, vector<128x1xf32>, vector<128x1xf32>, vector<128x1xf32>, vector<128x1xf32>, vector<128x1xf32>, vector<128x1xf32>, vector<128x1xf32>, vector<128x1xf32>, vector<128x1xf32>, vector<128x1xf32>, vector<128x1xf32>, vector<128x1xf32>, vector<128x1xf32>, vector<128x1xf32>, vector<128x1xf32>, vector<128x1xf32>, vector<128x1xf32>, vector<128x1xf32> -> vector<128x36xf32>
    %slice3A_271 = vector.extract_strided_slice %get3A_13 {offsets = [0, 6], sizes = [128, 1], strides = [1, 1]} : vector<128x128xf32> to vector<128x1xf32>
    %slice3A_272 = vector.extract_strided_slice %get3A_13 {offsets = [0, 6], sizes = [128, 1], strides = [1, 1]} : vector<128x128xf32> to vector<128x1xf32>
    %slice3A_273 = vector.extract_strided_slice %get3A_13 {offsets = [0, 6], sizes = [128, 1], strides = [1, 1]} : vector<128x128xf32> to vector<128x1xf32>
    %slice3A_274 = vector.extract_strided_slice %get3A_13 {offsets = [0, 6], sizes = [128, 1], strides = [1, 1]} : vector<128x128xf32> to vector<128x1xf32>
    %slice3A_275 = vector.extract_strided_slice %get3A_13 {offsets = [0, 6], sizes = [128, 1], strides = [1, 1]} : vector<128x128xf32> to vector<128x1xf32>
    %slice3A_276 = vector.extract_strided_slice %get3A_13 {offsets = [0, 6], sizes = [128, 1], strides = [1, 1]} : vector<128x128xf32> to vector<128x1xf32>
    %slice3A_277 = vector.extract_strided_slice %get3A_13 {offsets = [0, 7], sizes = [128, 1], strides = [1, 1]} : vector<128x128xf32> to vector<128x1xf32>
    %slice3A_278 = vector.extract_strided_slice %get3A_13 {offsets = [0, 7], sizes = [128, 1], strides = [1, 1]} : vector<128x128xf32> to vector<128x1xf32>
    %slice3A_279 = vector.extract_strided_slice %get3A_13 {offsets = [0, 7], sizes = [128, 1], strides = [1, 1]} : vector<128x128xf32> to vector<128x1xf32>
    %slice3A_280 = vector.extract_strided_slice %get3A_13 {offsets = [0, 7], sizes = [128, 1], strides = [1, 1]} : vector<128x128xf32> to vector<128x1xf32>
    %slice3A_281 = vector.extract_strided_slice %get3A_13 {offsets = [0, 7], sizes = [128, 1], strides = [1, 1]} : vector<128x128xf32> to vector<128x1xf32>
    %slice3A_282 = vector.extract_strided_slice %get3A_13 {offsets = [0, 7], sizes = [128, 1], strides = [1, 1]} : vector<128x128xf32> to vector<128x1xf32>
    %slice3A_283 = vector.extract_strided_slice %get3A_13 {offsets = [0, 8], sizes = [128, 1], strides = [1, 1]} : vector<128x128xf32> to vector<128x1xf32>
    %slice3A_284 = vector.extract_strided_slice %get3A_13 {offsets = [0, 8], sizes = [128, 1], strides = [1, 1]} : vector<128x128xf32> to vector<128x1xf32>
    %slice3A_285 = vector.extract_strided_slice %get3A_13 {offsets = [0, 8], sizes = [128, 1], strides = [1, 1]} : vector<128x128xf32> to vector<128x1xf32>
    %slice3A_286 = vector.extract_strided_slice %get3A_13 {offsets = [0, 8], sizes = [128, 1], strides = [1, 1]} : vector<128x128xf32> to vector<128x1xf32>
    %slice3A_287 = vector.extract_strided_slice %get3A_13 {offsets = [0, 8], sizes = [128, 1], strides = [1, 1]} : vector<128x128xf32> to vector<128x1xf32>
    %slice3A_288 = vector.extract_strided_slice %get3A_13 {offsets = [0, 8], sizes = [128, 1], strides = [1, 1]} : vector<128x128xf32> to vector<128x1xf32>
    %slice3A_289 = vector.extract_strided_slice %get3A_13 {offsets = [0, 9], sizes = [128, 1], strides = [1, 1]} : vector<128x128xf32> to vector<128x1xf32>
    %slice3A_290 = vector.extract_strided_slice %get3A_13 {offsets = [0, 9], sizes = [128, 1], strides = [1, 1]} : vector<128x128xf32> to vector<128x1xf32>
    %slice3A_291 = vector.extract_strided_slice %get3A_13 {offsets = [0, 9], sizes = [128, 1], strides = [1, 1]} : vector<128x128xf32> to vector<128x1xf32>
    %slice3A_292 = vector.extract_strided_slice %get3A_13 {offsets = [0, 9], sizes = [128, 1], strides = [1, 1]} : vector<128x128xf32> to vector<128x1xf32>
    %slice3A_293 = vector.extract_strided_slice %get3A_13 {offsets = [0, 9], sizes = [128, 1], strides = [1, 1]} : vector<128x128xf32> to vector<128x1xf32>
    %slice3A_294 = vector.extract_strided_slice %get3A_13 {offsets = [0, 9], sizes = [128, 1], strides = [1, 1]} : vector<128x128xf32> to vector<128x1xf32>
    %slice3A_295 = vector.extract_strided_slice %get3A_13 {offsets = [0, 10], sizes = [128, 1], strides = [1, 1]} : vector<128x128xf32> to vector<128x1xf32>
    %slice3A_296 = vector.extract_strided_slice %get3A_13 {offsets = [0, 10], sizes = [128, 1], strides = [1, 1]} : vector<128x128xf32> to vector<128x1xf32>
    %slice3A_297 = vector.extract_strided_slice %get3A_13 {offsets = [0, 10], sizes = [128, 1], strides = [1, 1]} : vector<128x128xf32> to vector<128x1xf32>
    %slice3A_298 = vector.extract_strided_slice %get3A_13 {offsets = [0, 10], sizes = [128, 1], strides = [1, 1]} : vector<128x128xf32> to vector<128x1xf32>
    %slice3A_299 = vector.extract_strided_slice %get3A_13 {offsets = [0, 10], sizes = [128, 1], strides = [1, 1]} : vector<128x128xf32> to vector<128x1xf32>
    %slice3A_300 = vector.extract_strided_slice %get3A_13 {offsets = [0, 10], sizes = [128, 1], strides = [1, 1]} : vector<128x128xf32> to vector<128x1xf32>
    %slice3A_301 = vector.extract_strided_slice %get3A_13 {offsets = [0, 11], sizes = [128, 1], strides = [1, 1]} : vector<128x128xf32> to vector<128x1xf32>
    %slice3A_302 = vector.extract_strided_slice %get3A_13 {offsets = [0, 11], sizes = [128, 1], strides = [1, 1]} : vector<128x128xf32> to vector<128x1xf32>
    %slice3A_303 = vector.extract_strided_slice %get3A_13 {offsets = [0, 11], sizes = [128, 1], strides = [1, 1]} : vector<128x128xf32> to vector<128x1xf32>
    %slice3A_304 = vector.extract_strided_slice %get3A_13 {offsets = [0, 11], sizes = [128, 1], strides = [1, 1]} : vector<128x128xf32> to vector<128x1xf32>
    %slice3A_305 = vector.extract_strided_slice %get3A_13 {offsets = [0, 11], sizes = [128, 1], strides = [1, 1]} : vector<128x128xf32> to vector<128x1xf32>
    %slice3A_306 = vector.extract_strided_slice %get3A_13 {offsets = [0, 11], sizes = [128, 1], strides = [1, 1]} : vector<128x128xf32> to vector<128x1xf32>
    %concatenate3A_307 = tpu.concatenate %slice3A_271, %slice3A_272, %slice3A_273, %slice3A_274, %slice3A_275, %slice3A_276, %slice3A_277, %slice3A_278, %slice3A_279, %slice3A_280, %slice3A_281, %slice3A_282, %slice3A_283, %slice3A_284, %slice3A_285, %slice3A_286, %slice3A_287, %slice3A_288, %slice3A_289, %slice3A_290, %slice3A_291, %slice3A_292, %slice3A_293, %slice3A_294, %slice3A_295, %slice3A_296, %slice3A_297, %slice3A_298, %slice3A_299, %slice3A_300, %slice3A_301, %slice3A_302, %slice3A_303, %slice3A_304, %slice3A_305, %slice3A_306 in 1 : vector<128x1xf32>, vector<128x1xf32>, vector<128x1xf32>, vector<128x1xf32>, vector<128x1xf32>, vector<128x1xf32>, vector<128x1xf32>, vector<128x1xf32>, vector<128x1xf32>, vector<128x1xf32>, vector<128x1xf32>, vector<128x1xf32>, vector<128x1xf32>, vector<128x1xf32>, vector<128x1xf32>, vector<128x1xf32>, vector<128x1xf32>, vector<128x1xf32>, vector<128x1xf32>, vector<128x1xf32>, vector<128x1xf32>, vector<128x1xf32>, vector<128x1xf32>, vector<128x1xf32>, vector<128x1xf32>, vector<128x1xf32>, vector<128x1xf32>, vector<128x1xf32>, vector<128x1xf32>, vector<128x1xf32>, vector<128x1xf32>, vector<128x1xf32>, vector<128x1xf32>, vector<128x1xf32>, vector<128x1xf32>, vector<128x1xf32> -> vector<128x36xf32>
    %slice3A_308 = vector.extract_strided_slice %get3A_13 {offsets = [0, 12], sizes = [128, 1], strides = [1, 1]} : vector<128x128xf32> to vector<128x1xf32>
    %slice3A_309 = vector.extract_strided_slice %get3A_13 {offsets = [0, 12], sizes = [128, 1], strides = [1, 1]} : vector<128x128xf32> to vector<128x1xf32>
    %slice3A_310 = vector.extract_strided_slice %get3A_13 {offsets = [0, 12], sizes = [128, 1], strides = [1, 1]} : vector<128x128xf32> to vector<128x1xf32>
    %slice3A_311 = vector.extract_strided_slice %get3A_13 {offsets = [0, 12], sizes = [128, 1], strides = [1, 1]} : vector<128x128xf32> to vector<128x1xf32>
    %slice3A_312 = vector.extract_strided_slice %get3A_13 {offsets = [0, 12], sizes = [128, 1], strides = [1, 1]} : vector<128x128xf32> to vector<128x1xf32>
    %slice3A_313 = vector.extract_strided_slice %get3A_13 {offsets = [0, 12], sizes = [128, 1], strides = [1, 1]} : vector<128x128xf32> to vector<128x1xf32>
    %slice3A_314 = vector.extract_strided_slice %get3A_13 {offsets = [0, 13], sizes = [128, 1], strides = [1, 1]} : vector<128x128xf32> to vector<128x1xf32>
    %slice3A_315 = vector.extract_strided_slice %get3A_13 {offsets = [0, 13], sizes = [128, 1], strides = [1, 1]} : vector<128x128xf32> to vector<128x1xf32>
    %slice3A_316 = vector.extract_strided_slice %get3A_13 {offsets = [0, 13], sizes = [128, 1], strides = [1, 1]} : vector<128x128xf32> to vector<128x1xf32>
    %slice3A_317 = vector.extract_strided_slice %get3A_13 {offsets = [0, 13], sizes = [128, 1], strides = [1, 1]} : vector<128x128xf32> to vector<128x1xf32>
    %slice3A_318 = vector.extract_strided_slice %get3A_13 {offsets = [0, 13], sizes = [128, 1], strides = [1, 1]} : vector<128x128xf32> to vector<128x1xf32>
    %slice3A_319 = vector.extract_strided_slice %get3A_13 {offsets = [0, 13], sizes = [128, 1], strides = [1, 1]} : vector<128x128xf32> to vector<128x1xf32>
    %slice3A_320 = vector.extract_strided_slice %get3A_13 {offsets = [0, 14], sizes = [128, 1], strides = [1, 1]} : vector<128x128xf32> to vector<128x1xf32>
    %slice3A_321 = vector.extract_strided_slice %get3A_13 {offsets = [0, 14], sizes = [128, 1], strides = [1, 1]} : vector<128x128xf32> to vector<128x1xf32>
    %slice3A_322 = vector.extract_strided_slice %get3A_13 {offsets = [0, 14], sizes = [128, 1], strides = [1, 1]} : vector<128x128xf32> to vector<128x1xf32>
    %slice3A_323 = vector.extract_strided_slice %get3A_13 {offsets = [0, 14], sizes = [128, 1], strides = [1, 1]} : vector<128x128xf32> to vector<128x1xf32>
    %slice3A_324 = vector.extract_strided_slice %get3A_13 {offsets = [0, 14], sizes = [128, 1], strides = [1, 1]} : vector<128x128xf32> to vector<128x1xf32>
    %slice3A_325 = vector.extract_strided_slice %get3A_13 {offsets = [0, 14], sizes = [128, 1], strides = [1, 1]} : vector<128x128xf32> to vector<128x1xf32>
    %slice3A_326 = vector.extract_strided_slice %get3A_13 {offsets = [0, 15], sizes = [128, 1], strides = [1, 1]} : vector<128x128xf32> to vector<128x1xf32>
    %slice3A_327 = vector.extract_strided_slice %get3A_13 {offsets = [0, 15], sizes = [128, 1], strides = [1, 1]} : vector<128x128xf32> to vector<128x1xf32>
    %slice3A_328 = vector.extract_strided_slice %get3A_13 {offsets = [0, 15], sizes = [128, 1], strides = [1, 1]} : vector<128x128xf32> to vector<128x1xf32>
    %slice3A_329 = vector.extract_strided_slice %get3A_13 {offsets = [0, 15], sizes = [128, 1], strides = [1, 1]} : vector<128x128xf32> to vector<128x1xf32>
    %slice3A_330 = vector.extract_strided_slice %get3A_13 {offsets = [0, 15], sizes = [128, 1], strides = [1, 1]} : vector<128x128xf32> to vector<128x1xf32>
    %slice3A_331 = vector.extract_strided_slice %get3A_13 {offsets = [0, 15], sizes = [128, 1], strides = [1, 1]} : vector<128x128xf32> to vector<128x1xf32>
    %slice3A_332 = vector.extract_strided_slice %get3A_13 {offsets = [0, 16], sizes = [128, 1], strides = [1, 1]} : vector<128x128xf32> to vector<128x1xf32>
    %slice3A_333 = vector.extract_strided_slice %get3A_13 {offsets = [0, 16], sizes = [128, 1], strides = [1, 1]} : vector<128x128xf32> to vector<128x1xf32>
    %slice3A_334 = vector.extract_strided_slice %get3A_13 {offsets = [0, 16], sizes = [128, 1], strides = [1, 1]} : vector<128x128xf32> to vector<128x1xf32>
    %slice3A_335 = vector.extract_strided_slice %get3A_13 {offsets = [0, 16], sizes = [128, 1], strides = [1, 1]} : vector<128x128xf32> to vector<128x1xf32>
    %slice3A_336 = vector.extract_strided_slice %get3A_13 {offsets = [0, 16], sizes = [128, 1], strides = [1, 1]} : vector<128x128xf32> to vector<128x1xf32>
    %slice3A_337 = vector.extract_strided_slice %get3A_13 {offsets = [0, 16], sizes = [128, 1], strides = [1, 1]} : vector<128x128xf32> to vector<128x1xf32>
    %slice3A_338 = vector.extract_strided_slice %get3A_13 {offsets = [0, 17], sizes = [128, 1], strides = [1, 1]} : vector<128x128xf32> to vector<128x1xf32>
    %slice3A_339 = vector.extract_strided_slice %get3A_13 {offsets = [0, 17], sizes = [128, 1], strides = [1, 1]} : vector<128x128xf32> to vector<128x1xf32>
    %slice3A_340 = vector.extract_strided_slice %get3A_13 {offsets = [0, 17], sizes = [128, 1], strides = [1, 1]} : vector<128x128xf32> to vector<128x1xf32>
    %slice3A_341 = vector.extract_strided_slice %get3A_13 {offsets = [0, 17], sizes = [128, 1], strides = [1, 1]} : vector<128x128xf32> to vector<128x1xf32>
    %slice3A_342 = vector.extract_strided_slice %get3A_13 {offsets = [0, 17], sizes = [128, 1], strides = [1, 1]} : vector<128x128xf32> to vector<128x1xf32>
    %slice3A_343 = vector.extract_strided_slice %get3A_13 {offsets = [0, 17], sizes = [128, 1], strides = [1, 1]} : vector<128x128xf32> to vector<128x1xf32>
    %concatenate3A_344 = tpu.concatenate %slice3A_308, %slice3A_309, %slice3A_310, %slice3A_311, %slice3A_312, %slice3A_313, %slice3A_314, %slice3A_315, %slice3A_316, %slice3A_317, %slice3A_318, %slice3A_319, %slice3A_320, %slice3A_321, %slice3A_322, %slice3A_323, %slice3A_324, %slice3A_325, %slice3A_326, %slice3A_327, %slice3A_328, %slice3A_329, %slice3A_330, %slice3A_331, %slice3A_332, %slice3A_333, %slice3A_334, %slice3A_335, %slice3A_336, %slice3A_337, %slice3A_338, %slice3A_339, %slice3A_340, %slice3A_341, %slice3A_342, %slice3A_343 in 1 : vector<128x1xf32>, vector<128x1xf32>, vector<128x1xf32>, vector<128x1xf32>, vector<128x1xf32>, vector<128x1xf32>, vector<128x1xf32>, vector<128x1xf32>, vector<128x1xf32>, vector<128x1xf32>, vector<128x1xf32>, vector<128x1xf32>, vector<128x1xf32>, vector<128x1xf32>, vector<128x1xf32>, vector<128x1xf32>, vector<128x1xf32>, vector<128x1xf32>, vector<128x1xf32>, vector<128x1xf32>, vector<128x1xf32>, vector<128x1xf32>, vector<128x1xf32>, vector<128x1xf32>, vector<128x1xf32>, vector<128x1xf32>, vector<128x1xf32>, vector<128x1xf32>, vector<128x1xf32>, vector<128x1xf32>, vector<128x1xf32>, vector<128x1xf32>, vector<128x1xf32>, vector<128x1xf32>, vector<128x1xf32>, vector<128x1xf32> -> vector<128x36xf32>
    %sub3A = arith.subf %concatenate3A_159, %concatenate3A_270 : vector<128x36xf32>
    %sub3A_345 = arith.subf %concatenate3A_196, %concatenate3A_307 : vector<128x36xf32>
    %mul3A = arith.mulf %sub3A, %sub3A : vector<128x36xf32>
    %mul3A_346 = arith.mulf %sub3A_345, %sub3A_345 : vector<128x36xf32>
    %add3A = arith.addf %mul3A, %mul3A_346 : vector<128x36xf32>
    %sqrt3A = math.sqrt %add3A : vector<128x36xf32>
    %mul3A_347 = arith.constant 0.159154937 : f32
    %mul3A_348 = vector.broadcast %mul3A_347 : f32 to vector<128x36xf32>
    %mul3A_349 = arith.mulf %concatenate3A_344, %mul3A_348 : vector<128x36xf32>
    %add3A_350 = arith.constant 5.000000e-01 : f32
    %add3A_351 = vector.broadcast %add3A_350 : f32 to vector<128x36xf32>
    %add3A_352 = arith.addf %mul3A_349, %add3A_351 : vector<128x36xf32>
    %floor3A = math.floor %add3A_352 : vector<128x36xf32>
    %sub3A_353 = arith.subf %mul3A_349, %floor3A : vector<128x36xf32>
    %mul3A_354 = arith.mulf %sub3A_353, %sub3A_353 : vector<128x36xf32>
    %mul3A_355 = arith.constant -1.46095681 : f32
    %mul3A_356 = vector.broadcast %mul3A_355 : f32 to vector<128x36xf32>
    %mul3A_357 = arith.mulf %mul3A_356, %mul3A_354 : vector<128x36xf32>
    %add3A_358 = arith.constant 7.80661535 : f32
    %add3A_359 = vector.broadcast %add3A_358 : f32 to vector<128x36xf32>
    %add3A_360 = arith.addf %mul3A_357, %add3A_359 : vector<128x36xf32>
    %mul3A_361 = arith.constant -0.617978096 : f32
    %mul3A_362 = vector.broadcast %mul3A_361 : f32 to vector<128x36xf32>
    %mul3A_363 = arith.mulf %mul3A_362, %mul3A_354 : vector<128x36xf32>
    %add3A_364 = arith.constant 3.77855229 : f32
    %add3A_365 = vector.broadcast %add3A_364 : f32 to vector<128x36xf32>
    %add3A_366 = arith.addf %mul3A_363, %add3A_365 : vector<128x36xf32>
    %mul3A_367 = arith.mulf %add3A_360, %mul3A_354 : vector<128x36xf32>
    %add3A_368 = arith.constant -26.4067631 : f32
    %add3A_369 = vector.broadcast %add3A_368 : f32 to vector<128x36xf32>
    %add3A_370 = arith.addf %mul3A_367, %add3A_369 : vector<128x36xf32>
    %mul3A_371 = arith.mulf %add3A_366, %mul3A_354 : vector<128x36xf32>
    %add3A_372 = arith.constant -15.085474 : f32
    %add3A_373 = vector.broadcast %add3A_372 : f32 to vector<128x36xf32>
    %add3A_374 = arith.addf %mul3A_371, %add3A_373 : vector<128x36xf32>
    %mul3A_375 = arith.mulf %add3A_370, %mul3A_354 : vector<128x36xf32>
    %add3A_376 = arith.constant 60.242466 : f32
    %add3A_377 = vector.broadcast %add3A_376 : f32 to vector<128x36xf32>
    %add3A_378 = arith.addf %mul3A_375, %add3A_377 : vector<128x36xf32>
    %mul3A_379 = arith.mulf %add3A_374, %mul3A_354 : vector<128x36xf32>
    %add3A_380 = arith.constant 42.0575333 : f32
    %add3A_381 = vector.broadcast %add3A_380 : f32 to vector<128x36xf32>
    %add3A_382 = arith.addf %mul3A_379, %add3A_381 : vector<128x36xf32>
    %mul3A_383 = arith.mulf %add3A_378, %mul3A_354 : vector<128x36xf32>
    %add3A_384 = arith.constant -85.4566879 : f32
    %add3A_385 = vector.broadcast %add3A_384 : f32 to vector<128x36xf32>
    %add3A_386 = arith.addf %mul3A_383, %add3A_385 : vector<128x36xf32>
    %mul3A_387 = arith.mulf %add3A_382, %mul3A_354 : vector<128x36xf32>
    %add3A_388 = arith.constant -76.70578 : f32
    %add3A_389 = vector.broadcast %add3A_388 : f32 to vector<128x36xf32>
    %add3A_390 = arith.addf %mul3A_387, %add3A_389 : vector<128x36xf32>
    %mul3A_391 = arith.mulf %add3A_386, %mul3A_354 : vector<128x36xf32>
    %add3A_392 = arith.constant 64.9393921 : f32
    %add3A_393 = vector.broadcast %add3A_392 : f32 to vector<128x36xf32>
    %add3A_394 = arith.addf %mul3A_391, %add3A_393 : vector<128x36xf32>
    %mul3A_395 = arith.mulf %add3A_390, %mul3A_354 : vector<128x36xf32>
    %add3A_396 = arith.constant 81.6052475 : f32
    %add3A_397 = vector.broadcast %add3A_396 : f32 to vector<128x36xf32>
    %add3A_398 = arith.addf %mul3A_395, %add3A_397 : vector<128x36xf32>
    %mul3A_399 = arith.mulf %add3A_394, %mul3A_354 : vector<128x36xf32>
    %add3A_400 = arith.constant -19.7392082 : f32
    %add3A_401 = vector.broadcast %add3A_400 : f32 to vector<128x36xf32>
    %add3A_402 = arith.addf %mul3A_399, %add3A_401 : vector<128x36xf32>
    %mul3A_403 = arith.mulf %add3A_398, %mul3A_354 : vector<128x36xf32>
    %add3A_404 = arith.constant -4.134170e+01 : f32
    %add3A_405 = vector.broadcast %add3A_404 : f32 to vector<128x36xf32>
    %add3A_406 = arith.addf %mul3A_403, %add3A_405 : vector<128x36xf32>
    %mul3A_407 = arith.mulf %add3A_402, %mul3A_354 : vector<128x36xf32>
    %add3A_408 = arith.constant 1.000000e+00 : f32
    %add3A_409 = vector.broadcast %add3A_408 : f32 to vector<128x36xf32>
    %add3A_410 = arith.addf %mul3A_407, %add3A_409 : vector<128x36xf32>
    %mul3A_411 = arith.mulf %add3A_406, %mul3A_354 : vector<128x36xf32>
    %add3A_412 = arith.constant 6.28318548 : f32
    %add3A_413 = vector.broadcast %add3A_412 : f32 to vector<128x36xf32>
    %add3A_414 = arith.addf %mul3A_411, %add3A_413 : vector<128x36xf32>
    %mul3A_415 = arith.mulf %sub3A_353, %add3A_414 : vector<128x36xf32>
    %mul3A_416 = arith.mulf %add3A_410, %sub3A_345 : vector<128x36xf32>
    %mul3A_417 = arith.mulf %mul3A_415, %sub3A : vector<128x36xf32>
    %sub3A_418 = arith.subf %mul3A_416, %mul3A_417 : vector<128x36xf32>
    %mul3A_419 = arith.mulf %add3A_410, %sub3A : vector<128x36xf32>
    %mul3A_420 = arith.mulf %mul3A_415, %sub3A_345 : vector<128x36xf32>
    %add3A_421 = arith.addf %mul3A_419, %mul3A_420 : vector<128x36xf32>
    %atan23A = math.atan2 %sub3A_418, %add3A_421 : vector<128x36xf32>
    %sub3A_422 = arith.subf %concatenate3A_233, %concatenate3A_344 : vector<128x36xf32>
    %add3A_423 = arith.constant 3.14159274 : f32
    %add3A_424 = vector.broadcast %add3A_423 : f32 to vector<128x36xf32>
    %add3A_425 = arith.addf %sub3A_422, %add3A_424 : vector<128x36xf32>
    %div3A = arith.constant 6.28318548 : f32
    %div3A_426 = vector.broadcast %div3A : f32 to vector<128x36xf32>
    %div3A_427 = arith.divf %add3A_425, %div3A_426 : vector<128x36xf32>
    %floor3A_428 = math.floor %div3A_427 : vector<128x36xf32>
    %mul3A_429 = arith.constant 6.28318548 : f32
    %mul3A_430 = vector.broadcast %mul3A_429 : f32 to vector<128x36xf32>
    %mul3A_431 = arith.mulf %mul3A_430, %floor3A_428 : vector<128x36xf32>
    %sub3A_432 = arith.subf %add3A_425, %mul3A_431 : vector<128x36xf32>
    %sub3A_433 = arith.constant 3.14159274 : f32
    %sub3A_434 = vector.broadcast %sub3A_433 : f32 to vector<128x36xf32>
    %sub3A_435 = arith.subf %sub3A_432, %sub3A_434 : vector<128x36xf32>
    %slice3A_436 = vector.extract_strided_slice %sqrt3A {offsets = [0, 0], sizes = [128, 1], strides = [1, 1]} : vector<128x36xf32> to vector<128x1xf32>
    %slice3A_437 = vector.extract_strided_slice %sqrt3A {offsets = [0, 1], sizes = [128, 1], strides = [1, 1]} : vector<128x36xf32> to vector<128x1xf32>
    %slice3A_438 = vector.extract_strided_slice %sqrt3A {offsets = [0, 2], sizes = [128, 1], strides = [1, 1]} : vector<128x36xf32> to vector<128x1xf32>
    %slice3A_439 = vector.extract_strided_slice %sqrt3A {offsets = [0, 3], sizes = [128, 1], strides = [1, 1]} : vector<128x36xf32> to vector<128x1xf32>
    %slice3A_440 = vector.extract_strided_slice %sqrt3A {offsets = [0, 4], sizes = [128, 1], strides = [1, 1]} : vector<128x36xf32> to vector<128x1xf32>
    %slice3A_441 = vector.extract_strided_slice %sqrt3A {offsets = [0, 5], sizes = [128, 1], strides = [1, 1]} : vector<128x36xf32> to vector<128x1xf32>
    %slice3A_442 = vector.extract_strided_slice %sqrt3A {offsets = [0, 6], sizes = [128, 1], strides = [1, 1]} : vector<128x36xf32> to vector<128x1xf32>
    %slice3A_443 = vector.extract_strided_slice %sqrt3A {offsets = [0, 7], sizes = [128, 1], strides = [1, 1]} : vector<128x36xf32> to vector<128x1xf32>
    %slice3A_444 = vector.extract_strided_slice %sqrt3A {offsets = [0, 8], sizes = [128, 1], strides = [1, 1]} : vector<128x36xf32> to vector<128x1xf32>
    %slice3A_445 = vector.extract_strided_slice %sqrt3A {offsets = [0, 9], sizes = [128, 1], strides = [1, 1]} : vector<128x36xf32> to vector<128x1xf32>
    %slice3A_446 = vector.extract_strided_slice %sqrt3A {offsets = [0, 10], sizes = [128, 1], strides = [1, 1]} : vector<128x36xf32> to vector<128x1xf32>
    %slice3A_447 = vector.extract_strided_slice %sqrt3A {offsets = [0, 11], sizes = [128, 1], strides = [1, 1]} : vector<128x36xf32> to vector<128x1xf32>
    %slice3A_448 = vector.extract_strided_slice %sqrt3A {offsets = [0, 12], sizes = [128, 1], strides = [1, 1]} : vector<128x36xf32> to vector<128x1xf32>
    %slice3A_449 = vector.extract_strided_slice %sqrt3A {offsets = [0, 13], sizes = [128, 1], strides = [1, 1]} : vector<128x36xf32> to vector<128x1xf32>
    %slice3A_450 = vector.extract_strided_slice %sqrt3A {offsets = [0, 14], sizes = [128, 1], strides = [1, 1]} : vector<128x36xf32> to vector<128x1xf32>
    %slice3A_451 = vector.extract_strided_slice %sqrt3A {offsets = [0, 15], sizes = [128, 1], strides = [1, 1]} : vector<128x36xf32> to vector<128x1xf32>
    %slice3A_452 = vector.extract_strided_slice %sqrt3A {offsets = [0, 16], sizes = [128, 1], strides = [1, 1]} : vector<128x36xf32> to vector<128x1xf32>
    %slice3A_453 = vector.extract_strided_slice %sqrt3A {offsets = [0, 17], sizes = [128, 1], strides = [1, 1]} : vector<128x36xf32> to vector<128x1xf32>
    %slice3A_454 = vector.extract_strided_slice %sqrt3A {offsets = [0, 18], sizes = [128, 1], strides = [1, 1]} : vector<128x36xf32> to vector<128x1xf32>
    %slice3A_455 = vector.extract_strided_slice %sqrt3A {offsets = [0, 19], sizes = [128, 1], strides = [1, 1]} : vector<128x36xf32> to vector<128x1xf32>
    %slice3A_456 = vector.extract_strided_slice %sqrt3A {offsets = [0, 20], sizes = [128, 1], strides = [1, 1]} : vector<128x36xf32> to vector<128x1xf32>
    %slice3A_457 = vector.extract_strided_slice %sqrt3A {offsets = [0, 21], sizes = [128, 1], strides = [1, 1]} : vector<128x36xf32> to vector<128x1xf32>
    %slice3A_458 = vector.extract_strided_slice %sqrt3A {offsets = [0, 22], sizes = [128, 1], strides = [1, 1]} : vector<128x36xf32> to vector<128x1xf32>
    %slice3A_459 = vector.extract_strided_slice %sqrt3A {offsets = [0, 23], sizes = [128, 1], strides = [1, 1]} : vector<128x36xf32> to vector<128x1xf32>
    %slice3A_460 = vector.extract_strided_slice %sqrt3A {offsets = [0, 24], sizes = [128, 1], strides = [1, 1]} : vector<128x36xf32> to vector<128x1xf32>
    %slice3A_461 = vector.extract_strided_slice %sqrt3A {offsets = [0, 25], sizes = [128, 1], strides = [1, 1]} : vector<128x36xf32> to vector<128x1xf32>
    %slice3A_462 = vector.extract_strided_slice %sqrt3A {offsets = [0, 26], sizes = [128, 1], strides = [1, 1]} : vector<128x36xf32> to vector<128x1xf32>
    %slice3A_463 = vector.extract_strided_slice %sqrt3A {offsets = [0, 27], sizes = [128, 1], strides = [1, 1]} : vector<128x36xf32> to vector<128x1xf32>
    %slice3A_464 = vector.extract_strided_slice %sqrt3A {offsets = [0, 28], sizes = [128, 1], strides = [1, 1]} : vector<128x36xf32> to vector<128x1xf32>
    %slice3A_465 = vector.extract_strided_slice %sqrt3A {offsets = [0, 29], sizes = [128, 1], strides = [1, 1]} : vector<128x36xf32> to vector<128x1xf32>
    %slice3A_466 = vector.extract_strided_slice %sqrt3A {offsets = [0, 30], sizes = [128, 1], strides = [1, 1]} : vector<128x36xf32> to vector<128x1xf32>
    %slice3A_467 = vector.extract_strided_slice %sqrt3A {offsets = [0, 31], sizes = [128, 1], strides = [1, 1]} : vector<128x36xf32> to vector<128x1xf32>
    %slice3A_468 = vector.extract_strided_slice %sqrt3A {offsets = [0, 32], sizes = [128, 1], strides = [1, 1]} : vector<128x36xf32> to vector<128x1xf32>
    %slice3A_469 = vector.extract_strided_slice %sqrt3A {offsets = [0, 33], sizes = [128, 1], strides = [1, 1]} : vector<128x36xf32> to vector<128x1xf32>
    %slice3A_470 = vector.extract_strided_slice %sqrt3A {offsets = [0, 34], sizes = [128, 1], strides = [1, 1]} : vector<128x36xf32> to vector<128x1xf32>
    %slice3A_471 = vector.extract_strided_slice %sqrt3A {offsets = [0, 35], sizes = [128, 1], strides = [1, 1]} : vector<128x36xf32> to vector<128x1xf32>
    %concatenate3A_472 = tpu.concatenate %slice3A_436, %slice3A_437, %slice3A_438, %slice3A_439, %slice3A_440, %slice3A_441, %slice3A_442, %slice3A_443, %slice3A_444, %slice3A_445, %slice3A_446, %slice3A_447, %slice3A_448, %slice3A_449, %slice3A_450, %slice3A_451, %slice3A_452, %slice3A_453, %slice3A_454, %slice3A_455, %slice3A_456, %slice3A_457, %slice3A_458, %slice3A_459, %slice3A_460, %slice3A_461, %slice3A_462, %slice3A_463, %slice3A_464, %slice3A_465, %slice3A_466, %slice3A_467, %slice3A_468, %slice3A_469, %slice3A_470, %slice3A_471 in 0 : vector<128x1xf32>, vector<128x1xf32>, vector<128x1xf32>, vector<128x1xf32>, vector<128x1xf32>, vector<128x1xf32>, vector<128x1xf32>, vector<128x1xf32>, vector<128x1xf32>, vector<128x1xf32>, vector<128x1xf32>, vector<128x1xf32>, vector<128x1xf32>, vector<128x1xf32>, vector<128x1xf32>, vector<128x1xf32>, vector<128x1xf32>, vector<128x1xf32>, vector<128x1xf32>, vector<128x1xf32>, vector<128x1xf32>, vector<128x1xf32>, vector<128x1xf32>, vector<128x1xf32>, vector<128x1xf32>, vector<128x1xf32>, vector<128x1xf32>, vector<128x1xf32>, vector<128x1xf32>, vector<128x1xf32>, vector<128x1xf32>, vector<128x1xf32>, vector<128x1xf32>, vector<128x1xf32>, vector<128x1xf32>, vector<128x1xf32> -> vector<4608x1xf32>
    %slice3A_473 = vector.extract_strided_slice %atan23A {offsets = [0, 0], sizes = [128, 1], strides = [1, 1]} : vector<128x36xf32> to vector<128x1xf32>
    %slice3A_474 = vector.extract_strided_slice %atan23A {offsets = [0, 1], sizes = [128, 1], strides = [1, 1]} : vector<128x36xf32> to vector<128x1xf32>
    %slice3A_475 = vector.extract_strided_slice %atan23A {offsets = [0, 2], sizes = [128, 1], strides = [1, 1]} : vector<128x36xf32> to vector<128x1xf32>
    %slice3A_476 = vector.extract_strided_slice %atan23A {offsets = [0, 3], sizes = [128, 1], strides = [1, 1]} : vector<128x36xf32> to vector<128x1xf32>
    %slice3A_477 = vector.extract_strided_slice %atan23A {offsets = [0, 4], sizes = [128, 1], strides = [1, 1]} : vector<128x36xf32> to vector<128x1xf32>
    %slice3A_478 = vector.extract_strided_slice %atan23A {offsets = [0, 5], sizes = [128, 1], strides = [1, 1]} : vector<128x36xf32> to vector<128x1xf32>
    %slice3A_479 = vector.extract_strided_slice %atan23A {offsets = [0, 6], sizes = [128, 1], strides = [1, 1]} : vector<128x36xf32> to vector<128x1xf32>
    %slice3A_480 = vector.extract_strided_slice %atan23A {offsets = [0, 7], sizes = [128, 1], strides = [1, 1]} : vector<128x36xf32> to vector<128x1xf32>
    %slice3A_481 = vector.extract_strided_slice %atan23A {offsets = [0, 8], sizes = [128, 1], strides = [1, 1]} : vector<128x36xf32> to vector<128x1xf32>
    %slice3A_482 = vector.extract_strided_slice %atan23A {offsets = [0, 9], sizes = [128, 1], strides = [1, 1]} : vector<128x36xf32> to vector<128x1xf32>
    %slice3A_483 = vector.extract_strided_slice %atan23A {offsets = [0, 10], sizes = [128, 1], strides = [1, 1]} : vector<128x36xf32> to vector<128x1xf32>
    %slice3A_484 = vector.extract_strided_slice %atan23A {offsets = [0, 11], sizes = [128, 1], strides = [1, 1]} : vector<128x36xf32> to vector<128x1xf32>
    %slice3A_485 = vector.extract_strided_slice %atan23A {offsets = [0, 12], sizes = [128, 1], strides = [1, 1]} : vector<128x36xf32> to vector<128x1xf32>
    %slice3A_486 = vector.extract_strided_slice %atan23A {offsets = [0, 13], sizes = [128, 1], strides = [1, 1]} : vector<128x36xf32> to vector<128x1xf32>
    %slice3A_487 = vector.extract_strided_slice %atan23A {offsets = [0, 14], sizes = [128, 1], strides = [1, 1]} : vector<128x36xf32> to vector<128x1xf32>
    %slice3A_488 = vector.extract_strided_slice %atan23A {offsets = [0, 15], sizes = [128, 1], strides = [1, 1]} : vector<128x36xf32> to vector<128x1xf32>
    %slice3A_489 = vector.extract_strided_slice %atan23A {offsets = [0, 16], sizes = [128, 1], strides = [1, 1]} : vector<128x36xf32> to vector<128x1xf32>
    %slice3A_490 = vector.extract_strided_slice %atan23A {offsets = [0, 17], sizes = [128, 1], strides = [1, 1]} : vector<128x36xf32> to vector<128x1xf32>
    %slice3A_491 = vector.extract_strided_slice %atan23A {offsets = [0, 18], sizes = [128, 1], strides = [1, 1]} : vector<128x36xf32> to vector<128x1xf32>
    %slice3A_492 = vector.extract_strided_slice %atan23A {offsets = [0, 19], sizes = [128, 1], strides = [1, 1]} : vector<128x36xf32> to vector<128x1xf32>
    %slice3A_493 = vector.extract_strided_slice %atan23A {offsets = [0, 20], sizes = [128, 1], strides = [1, 1]} : vector<128x36xf32> to vector<128x1xf32>
    %slice3A_494 = vector.extract_strided_slice %atan23A {offsets = [0, 21], sizes = [128, 1], strides = [1, 1]} : vector<128x36xf32> to vector<128x1xf32>
    %slice3A_495 = vector.extract_strided_slice %atan23A {offsets = [0, 22], sizes = [128, 1], strides = [1, 1]} : vector<128x36xf32> to vector<128x1xf32>
    %slice3A_496 = vector.extract_strided_slice %atan23A {offsets = [0, 23], sizes = [128, 1], strides = [1, 1]} : vector<128x36xf32> to vector<128x1xf32>
    %slice3A_497 = vector.extract_strided_slice %atan23A {offsets = [0, 24], sizes = [128, 1], strides = [1, 1]} : vector<128x36xf32> to vector<128x1xf32>
    %slice3A_498 = vector.extract_strided_slice %atan23A {offsets = [0, 25], sizes = [128, 1], strides = [1, 1]} : vector<128x36xf32> to vector<128x1xf32>
    %slice3A_499 = vector.extract_strided_slice %atan23A {offsets = [0, 26], sizes = [128, 1], strides = [1, 1]} : vector<128x36xf32> to vector<128x1xf32>
    %slice3A_500 = vector.extract_strided_slice %atan23A {offsets = [0, 27], sizes = [128, 1], strides = [1, 1]} : vector<128x36xf32> to vector<128x1xf32>
    %slice3A_501 = vector.extract_strided_slice %atan23A {offsets = [0, 28], sizes = [128, 1], strides = [1, 1]} : vector<128x36xf32> to vector<128x1xf32>
    %slice3A_502 = vector.extract_strided_slice %atan23A {offsets = [0, 29], sizes = [128, 1], strides = [1, 1]} : vector<128x36xf32> to vector<128x1xf32>
    %slice3A_503 = vector.extract_strided_slice %atan23A {offsets = [0, 30], sizes = [128, 1], strides = [1, 1]} : vector<128x36xf32> to vector<128x1xf32>
    %slice3A_504 = vector.extract_strided_slice %atan23A {offsets = [0, 31], sizes = [128, 1], strides = [1, 1]} : vector<128x36xf32> to vector<128x1xf32>
    %slice3A_505 = vector.extract_strided_slice %atan23A {offsets = [0, 32], sizes = [128, 1], strides = [1, 1]} : vector<128x36xf32> to vector<128x1xf32>
    %slice3A_506 = vector.extract_strided_slice %atan23A {offsets = [0, 33], sizes = [128, 1], strides = [1, 1]} : vector<128x36xf32> to vector<128x1xf32>
    %slice3A_507 = vector.extract_strided_slice %atan23A {offsets = [0, 34], sizes = [128, 1], strides = [1, 1]} : vector<128x36xf32> to vector<128x1xf32>
    %slice3A_508 = vector.extract_strided_slice %atan23A {offsets = [0, 35], sizes = [128, 1], strides = [1, 1]} : vector<128x36xf32> to vector<128x1xf32>
    %concatenate3A_509 = tpu.concatenate %slice3A_473, %slice3A_474, %slice3A_475, %slice3A_476, %slice3A_477, %slice3A_478, %slice3A_479, %slice3A_480, %slice3A_481, %slice3A_482, %slice3A_483, %slice3A_484, %slice3A_485, %slice3A_486, %slice3A_487, %slice3A_488, %slice3A_489, %slice3A_490, %slice3A_491, %slice3A_492, %slice3A_493, %slice3A_494, %slice3A_495, %slice3A_496, %slice3A_497, %slice3A_498, %slice3A_499, %slice3A_500, %slice3A_501, %slice3A_502, %slice3A_503, %slice3A_504, %slice3A_505, %slice3A_506, %slice3A_507, %slice3A_508 in 0 : vector<128x1xf32>, vector<128x1xf32>, vector<128x1xf32>, vector<128x1xf32>, vector<128x1xf32>, vector<128x1xf32>, vector<128x1xf32>, vector<128x1xf32>, vector<128x1xf32>, vector<128x1xf32>, vector<128x1xf32>, vector<128x1xf32>, vector<128x1xf32>, vector<128x1xf32>, vector<128x1xf32>, vector<128x1xf32>, vector<128x1xf32>, vector<128x1xf32>, vector<128x1xf32>, vector<128x1xf32>, vector<128x1xf32>, vector<128x1xf32>, vector<128x1xf32>, vector<128x1xf32>, vector<128x1xf32>, vector<128x1xf32>, vector<128x1xf32>, vector<128x1xf32>, vector<128x1xf32>, vector<128x1xf32>, vector<128x1xf32>, vector<128x1xf32>, vector<128x1xf32>, vector<128x1xf32>, vector<128x1xf32>, vector<128x1xf32> -> vector<4608x1xf32>
    %slice3A_510 = vector.extract_strided_slice %sub3A_435 {offsets = [0, 0], sizes = [128, 1], strides = [1, 1]} : vector<128x36xf32> to vector<128x1xf32>
    %slice3A_511 = vector.extract_strided_slice %sub3A_435 {offsets = [0, 1], sizes = [128, 1], strides = [1, 1]} : vector<128x36xf32> to vector<128x1xf32>
    %slice3A_512 = vector.extract_strided_slice %sub3A_435 {offsets = [0, 2], sizes = [128, 1], strides = [1, 1]} : vector<128x36xf32> to vector<128x1xf32>
    %slice3A_513 = vector.extract_strided_slice %sub3A_435 {offsets = [0, 3], sizes = [128, 1], strides = [1, 1]} : vector<128x36xf32> to vector<128x1xf32>
    %slice3A_514 = vector.extract_strided_slice %sub3A_435 {offsets = [0, 4], sizes = [128, 1], strides = [1, 1]} : vector<128x36xf32> to vector<128x1xf32>
    %slice3A_515 = vector.extract_strided_slice %sub3A_435 {offsets = [0, 5], sizes = [128, 1], strides = [1, 1]} : vector<128x36xf32> to vector<128x1xf32>
    %slice3A_516 = vector.extract_strided_slice %sub3A_435 {offsets = [0, 6], sizes = [128, 1], strides = [1, 1]} : vector<128x36xf32> to vector<128x1xf32>
    %slice3A_517 = vector.extract_strided_slice %sub3A_435 {offsets = [0, 7], sizes = [128, 1], strides = [1, 1]} : vector<128x36xf32> to vector<128x1xf32>
    %slice3A_518 = vector.extract_strided_slice %sub3A_435 {offsets = [0, 8], sizes = [128, 1], strides = [1, 1]} : vector<128x36xf32> to vector<128x1xf32>
    %slice3A_519 = vector.extract_strided_slice %sub3A_435 {offsets = [0, 9], sizes = [128, 1], strides = [1, 1]} : vector<128x36xf32> to vector<128x1xf32>
    %slice3A_520 = vector.extract_strided_slice %sub3A_435 {offsets = [0, 10], sizes = [128, 1], strides = [1, 1]} : vector<128x36xf32> to vector<128x1xf32>
    %slice3A_521 = vector.extract_strided_slice %sub3A_435 {offsets = [0, 11], sizes = [128, 1], strides = [1, 1]} : vector<128x36xf32> to vector<128x1xf32>
    %slice3A_522 = vector.extract_strided_slice %sub3A_435 {offsets = [0, 12], sizes = [128, 1], strides = [1, 1]} : vector<128x36xf32> to vector<128x1xf32>
    %slice3A_523 = vector.extract_strided_slice %sub3A_435 {offsets = [0, 13], sizes = [128, 1], strides = [1, 1]} : vector<128x36xf32> to vector<128x1xf32>
    %slice3A_524 = vector.extract_strided_slice %sub3A_435 {offsets = [0, 14], sizes = [128, 1], strides = [1, 1]} : vector<128x36xf32> to vector<128x1xf32>
    %slice3A_525 = vector.extract_strided_slice %sub3A_435 {offsets = [0, 15], sizes = [128, 1], strides = [1, 1]} : vector<128x36xf32> to vector<128x1xf32>
    %slice3A_526 = vector.extract_strided_slice %sub3A_435 {offsets = [0, 16], sizes = [128, 1], strides = [1, 1]} : vector<128x36xf32> to vector<128x1xf32>
    %slice3A_527 = vector.extract_strided_slice %sub3A_435 {offsets = [0, 17], sizes = [128, 1], strides = [1, 1]} : vector<128x36xf32> to vector<128x1xf32>
    %slice3A_528 = vector.extract_strided_slice %sub3A_435 {offsets = [0, 18], sizes = [128, 1], strides = [1, 1]} : vector<128x36xf32> to vector<128x1xf32>
    %slice3A_529 = vector.extract_strided_slice %sub3A_435 {offsets = [0, 19], sizes = [128, 1], strides = [1, 1]} : vector<128x36xf32> to vector<128x1xf32>
    %slice3A_530 = vector.extract_strided_slice %sub3A_435 {offsets = [0, 20], sizes = [128, 1], strides = [1, 1]} : vector<128x36xf32> to vector<128x1xf32>
    %slice3A_531 = vector.extract_strided_slice %sub3A_435 {offsets = [0, 21], sizes = [128, 1], strides = [1, 1]} : vector<128x36xf32> to vector<128x1xf32>
    %slice3A_532 = vector.extract_strided_slice %sub3A_435 {offsets = [0, 22], sizes = [128, 1], strides = [1, 1]} : vector<128x36xf32> to vector<128x1xf32>
    %slice3A_533 = vector.extract_strided_slice %sub3A_435 {offsets = [0, 23], sizes = [128, 1], strides = [1, 1]} : vector<128x36xf32> to vector<128x1xf32>
    %slice3A_534 = vector.extract_strided_slice %sub3A_435 {offsets = [0, 24], sizes = [128, 1], strides = [1, 1]} : vector<128x36xf32> to vector<128x1xf32>
    %slice3A_535 = vector.extract_strided_slice %sub3A_435 {offsets = [0, 25], sizes = [128, 1], strides = [1, 1]} : vector<128x36xf32> to vector<128x1xf32>
    %slice3A_536 = vector.extract_strided_slice %sub3A_435 {offsets = [0, 26], sizes = [128, 1], strides = [1, 1]} : vector<128x36xf32> to vector<128x1xf32>
    %slice3A_537 = vector.extract_strided_slice %sub3A_435 {offsets = [0, 27], sizes = [128, 1], strides = [1, 1]} : vector<128x36xf32> to vector<128x1xf32>
    %slice3A_538 = vector.extract_strided_slice %sub3A_435 {offsets = [0, 28], sizes = [128, 1], strides = [1, 1]} : vector<128x36xf32> to vector<128x1xf32>
    %slice3A_539 = vector.extract_strided_slice %sub3A_435 {offsets = [0, 29], sizes = [128, 1], strides = [1, 1]} : vector<128x36xf32> to vector<128x1xf32>
    %slice3A_540 = vector.extract_strided_slice %sub3A_435 {offsets = [0, 30], sizes = [128, 1], strides = [1, 1]} : vector<128x36xf32> to vector<128x1xf32>
    %slice3A_541 = vector.extract_strided_slice %sub3A_435 {offsets = [0, 31], sizes = [128, 1], strides = [1, 1]} : vector<128x36xf32> to vector<128x1xf32>
    %slice3A_542 = vector.extract_strided_slice %sub3A_435 {offsets = [0, 32], sizes = [128, 1], strides = [1, 1]} : vector<128x36xf32> to vector<128x1xf32>
    %slice3A_543 = vector.extract_strided_slice %sub3A_435 {offsets = [0, 33], sizes = [128, 1], strides = [1, 1]} : vector<128x36xf32> to vector<128x1xf32>
    %slice3A_544 = vector.extract_strided_slice %sub3A_435 {offsets = [0, 34], sizes = [128, 1], strides = [1, 1]} : vector<128x36xf32> to vector<128x1xf32>
    %slice3A_545 = vector.extract_strided_slice %sub3A_435 {offsets = [0, 35], sizes = [128, 1], strides = [1, 1]} : vector<128x36xf32> to vector<128x1xf32>
    %concatenate3A_546 = tpu.concatenate %slice3A_510, %slice3A_511, %slice3A_512, %slice3A_513, %slice3A_514, %slice3A_515, %slice3A_516, %slice3A_517, %slice3A_518, %slice3A_519, %slice3A_520, %slice3A_521, %slice3A_522, %slice3A_523, %slice3A_524, %slice3A_525, %slice3A_526, %slice3A_527, %slice3A_528, %slice3A_529, %slice3A_530, %slice3A_531, %slice3A_532, %slice3A_533, %slice3A_534, %slice3A_535, %slice3A_536, %slice3A_537, %slice3A_538, %slice3A_539, %slice3A_540, %slice3A_541, %slice3A_542, %slice3A_543, %slice3A_544, %slice3A_545 in 0 : vector<128x1xf32>, vector<128x1xf32>, vector<128x1xf32>, vector<128x1xf32>, vector<128x1xf32>, vector<128x1xf32>, vector<128x1xf32>, vector<128x1xf32>, vector<128x1xf32>, vector<128x1xf32>, vector<128x1xf32>, vector<128x1xf32>, vector<128x1xf32>, vector<128x1xf32>, vector<128x1xf32>, vector<128x1xf32>, vector<128x1xf32>, vector<128x1xf32>, vector<128x1xf32>, vector<128x1xf32>, vector<128x1xf32>, vector<128x1xf32>, vector<128x1xf32>, vector<128x1xf32>, vector<128x1xf32>, vector<128x1xf32>, vector<128x1xf32>, vector<128x1xf32>, vector<128x1xf32>, vector<128x1xf32>, vector<128x1xf32>, vector<128x1xf32>, vector<128x1xf32>, vector<128x1xf32>, vector<128x1xf32>, vector<128x1xf32> -> vector<4608x1xf32>
    %get3A_547 = arith.constant 0 : index
    %get3A_548 = arith.constant 0 : index
    %get3A_549 = arith.constant 0 : index
    %get3A_550 = vector.load %arg7[%get3A_547, %get3A_548, %get3A_549] : memref<3x129x128xbf16, #tpu.memory_space<vmem>>, vector<3x129x128xbf16>
    %get3A_551 = arith.constant 0 : index
    %get3A_552 = arith.constant 0 : index
    %get3A_553 = vector.load %arg8[%get3A_551, %get3A_552] : memref<3x128xf32, #tpu.memory_space<vmem>>, vector<3x128xf32>
    %get3A_554 = arith.constant 0 : index
    %get3A_555 = arith.constant 0 : index
    %get3A_556 = vector.load %arg9[%get3A_554, %get3A_555] : memref<3x128xf32, #tpu.memory_space<vmem>>, vector<3x128xf32>
    %get3A_557 = arith.constant 0 : index
    %get3A_558 = arith.constant 0 : index
    %get3A_559 = vector.load %arg10[%get3A_557, %get3A_558] : memref<3x128xf32, #tpu.memory_space<vmem>>, vector<3x128xf32>
    %get3A_560 = arith.constant 0 : index
    %get3A_561 = arith.constant 0 : index
    %get3A_562 = arith.constant 0 : index
    %get3A_563 = vector.load %arg11[%get3A_560, %get3A_561, %get3A_562] : memref<3x128x128xbf16, #tpu.memory_space<vmem>>, vector<3x128x128xbf16>
    %get3A_564 = arith.constant 0 : index
    %get3A_565 = arith.constant 0 : index
    %get3A_566 = vector.load %arg6[%get3A_564, %get3A_565] : memref<3x64xf32, #tpu.memory_space<vmem>>, vector<3x64xf32>
    %broadcast_in_dim3A = arith.constant 0.000000e+00 : f32
    %broadcast_in_dim3A_567 = vector.broadcast %broadcast_in_dim3A : f32 to vector<4608x128xf32>
    %slice3A_568 = vector.extract_strided_slice %get3A_566 {offsets = [0, 0], sizes = [1, 64], strides = [1, 1]} : vector<3x64xf32> to vector<1x64xf32>
    %mul3A_569 = vector.broadcast %concatenate3A_472 : vector<4608x1xf32> to vector<4608x64xf32>
    %mul3A_570 = vector.broadcast %slice3A_568 : vector<1x64xf32> to vector<4608x64xf32>
    %mul3A_571 = arith.mulf %mul3A_569, %mul3A_570 : vector<4608x64xf32>
    %add3A_572 = arith.constant 5.000000e-01 : f32
    %add3A_573 = vector.broadcast %add3A_572 : f32 to vector<4608x64xf32>
    %add3A_574 = arith.addf %mul3A_571, %add3A_573 : vector<4608x64xf32>
    %floor3A_575 = math.floor %add3A_574 : vector<4608x64xf32>
    %sub3A_576 = arith.subf %mul3A_571, %floor3A_575 : vector<4608x64xf32>
    %mul3A_577 = arith.mulf %sub3A_576, %sub3A_576 : vector<4608x64xf32>
    %mul3A_578 = arith.constant -1.46095681 : f32
    %mul3A_579 = vector.broadcast %mul3A_578 : f32 to vector<4608x64xf32>
    %mul3A_580 = arith.mulf %mul3A_579, %mul3A_577 : vector<4608x64xf32>
    %add3A_581 = arith.constant 7.80661535 : f32
    %add3A_582 = vector.broadcast %add3A_581 : f32 to vector<4608x64xf32>
    %add3A_583 = arith.addf %mul3A_580, %add3A_582 : vector<4608x64xf32>
    %mul3A_584 = arith.constant -0.617978096 : f32
    %mul3A_585 = vector.broadcast %mul3A_584 : f32 to vector<4608x64xf32>
    %mul3A_586 = arith.mulf %mul3A_585, %mul3A_577 : vector<4608x64xf32>
    %add3A_587 = arith.constant 3.77855229 : f32
    %add3A_588 = vector.broadcast %add3A_587 : f32 to vector<4608x64xf32>
    %add3A_589 = arith.addf %mul3A_586, %add3A_588 : vector<4608x64xf32>
    %mul3A_590 = arith.mulf %add3A_583, %mul3A_577 : vector<4608x64xf32>
    %add3A_591 = arith.constant -26.4067631 : f32
    %add3A_592 = vector.broadcast %add3A_591 : f32 to vector<4608x64xf32>
    %add3A_593 = arith.addf %mul3A_590, %add3A_592 : vector<4608x64xf32>
    %mul3A_594 = arith.mulf %add3A_589, %mul3A_577 : vector<4608x64xf32>
    %add3A_595 = arith.constant -15.085474 : f32
    %add3A_596 = vector.broadcast %add3A_595 : f32 to vector<4608x64xf32>
    %add3A_597 = arith.addf %mul3A_594, %add3A_596 : vector<4608x64xf32>
    %mul3A_598 = arith.mulf %add3A_593, %mul3A_577 : vector<4608x64xf32>
    %add3A_599 = arith.constant 60.242466 : f32
    %add3A_600 = vector.broadcast %add3A_599 : f32 to vector<4608x64xf32>
    %add3A_601 = arith.addf %mul3A_598, %add3A_600 : vector<4608x64xf32>
    %mul3A_602 = arith.mulf %add3A_597, %mul3A_577 : vector<4608x64xf32>
    %add3A_603 = arith.constant 42.0575333 : f32
    %add3A_604 = vector.broadcast %add3A_603 : f32 to vector<4608x64xf32>
    %add3A_605 = arith.addf %mul3A_602, %add3A_604 : vector<4608x64xf32>
    %mul3A_606 = arith.mulf %add3A_601, %mul3A_577 : vector<4608x64xf32>
    %add3A_607 = arith.constant -85.4566879 : f32
    %add3A_608 = vector.broadcast %add3A_607 : f32 to vector<4608x64xf32>
    %add3A_609 = arith.addf %mul3A_606, %add3A_608 : vector<4608x64xf32>
    %mul3A_610 = arith.mulf %add3A_605, %mul3A_577 : vector<4608x64xf32>
    %add3A_611 = arith.constant -76.70578 : f32
    %add3A_612 = vector.broadcast %add3A_611 : f32 to vector<4608x64xf32>
    %add3A_613 = arith.addf %mul3A_610, %add3A_612 : vector<4608x64xf32>
    %mul3A_614 = arith.mulf %add3A_609, %mul3A_577 : vector<4608x64xf32>
    %add3A_615 = arith.constant 64.9393921 : f32
    %add3A_616 = vector.broadcast %add3A_615 : f32 to vector<4608x64xf32>
    %add3A_617 = arith.addf %mul3A_614, %add3A_616 : vector<4608x64xf32>
    %mul3A_618 = arith.mulf %add3A_613, %mul3A_577 : vector<4608x64xf32>
    %add3A_619 = arith.constant 81.6052475 : f32
    %add3A_620 = vector.broadcast %add3A_619 : f32 to vector<4608x64xf32>
    %add3A_621 = arith.addf %mul3A_618, %add3A_620 : vector<4608x64xf32>
    %mul3A_622 = arith.mulf %add3A_617, %mul3A_577 : vector<4608x64xf32>
    %add3A_623 = arith.constant -19.7392082 : f32
    %add3A_624 = vector.broadcast %add3A_623 : f32 to vector<4608x64xf32>
    %add3A_625 = arith.addf %mul3A_622, %add3A_624 : vector<4608x64xf32>
    %mul3A_626 = arith.mulf %add3A_621, %mul3A_577 : vector<4608x64xf32>
    %add3A_627 = arith.constant -4.134170e+01 : f32
    %add3A_628 = vector.broadcast %add3A_627 : f32 to vector<4608x64xf32>
    %add3A_629 = arith.addf %mul3A_626, %add3A_628 : vector<4608x64xf32>
    %mul3A_630 = arith.mulf %add3A_625, %mul3A_577 : vector<4608x64xf32>
    %add3A_631 = arith.constant 1.000000e+00 : f32
    %add3A_632 = vector.broadcast %add3A_631 : f32 to vector<4608x64xf32>
    %add3A_633 = arith.addf %mul3A_630, %add3A_632 : vector<4608x64xf32>
    %mul3A_634 = arith.mulf %add3A_629, %mul3A_577 : vector<4608x64xf32>
    %add3A_635 = arith.constant 6.28318548 : f32
    %add3A_636 = vector.broadcast %add3A_635 : f32 to vector<4608x64xf32>
    %add3A_637 = arith.addf %mul3A_634, %add3A_636 : vector<4608x64xf32>
    %mul3A_638 = arith.mulf %sub3A_576, %add3A_637 : vector<4608x64xf32>
    %concatenate3A_639 = tpu.concatenate %add3A_633, %mul3A_638, %concatenate3A_472 in 1 : vector<4608x64xf32>, vector<4608x64xf32>, vector<4608x1xf32> -> vector<4608x129xf32>
    %convert_element_type3A = arith.truncf %concatenate3A_639 : vector<4608x129xf32> to vector<4608x129xbf16>
    %slice3A_640 = vector.extract_strided_slice %get3A_550 {offsets = [0, 0, 0], sizes = [1, 129, 128], strides = [1, 1, 1]} : vector<3x129x128xbf16> to vector<1x129x128xbf16>
    %squeeze3A = vector.shape_cast %slice3A_640 : vector<1x129x128xbf16> to vector<129x128xbf16>
    %dot_general3A = arith.constant dense<0.000000e+00> : vector<4608x128xf32>
    %dot_general3A_641 = tpu.matmul %convert_element_type3A, %squeeze3A, %dot_general3A {dimension_numbers = #tpu.dot_dimension_numbers<[1], [0], [0], [1], [0, 0, 1, 1], [], []>, transpose_lhs_hint = false} : vector<4608x129xbf16>, vector<129x128xbf16>, vector<4608x128xf32> -> vector<4608x128xf32>
    %slice3A_642 = vector.extract_strided_slice %get3A_553 {offsets = [0, 0], sizes = [1, 128], strides = [1, 1]} : vector<3x128xf32> to vector<1x128xf32>
    %add3A_643 = vector.broadcast %slice3A_642 : vector<1x128xf32> to vector<4608x128xf32>
    %add3A_644 = arith.addf %dot_general3A_641, %add3A_643 : vector<4608x128xf32>
    %slice3A_645 = vector.extract_strided_slice %get3A_556 {offsets = [0, 0], sizes = [1, 128], strides = [1, 1]} : vector<3x128xf32> to vector<1x128xf32>
    %slice3A_646 = vector.extract_strided_slice %get3A_559 {offsets = [0, 0], sizes = [1, 128], strides = [1, 1]} : vector<3x128xf32> to vector<1x128xf32>
    %reduce_sum3A = arith.constant dense<0.000000e+00> : vector<4608xf32>
    %reduce_sum3A_647 = vector.multi_reduction <add>, %add3A_644, %reduce_sum3A [1] : vector<4608x128xf32> to vector<4608xf32>
    %broadcast_in_dim3A_648 = vector.shape_cast %reduce_sum3A_647 : vector<4608xf32> to vector<4608x1xf32>
    %div3A_649 = arith.constant 1.280000e+02 : f32
    %div3A_650 = vector.broadcast %div3A_649 : f32 to vector<4608x1xf32>
    %div3A_651 = arith.divf %broadcast_in_dim3A_648, %div3A_650 : vector<4608x1xf32>
    %jit3A = arith.constant 0 : i32
    %reduce_sum3A_652 = arith.constant dense<0.000000e+00> : vector<4608xf32>
    %reduce_sum3A_653 = vector.multi_reduction <add>, %add3A_644, %reduce_sum3A_652 [1] : vector<4608x128xf32> to vector<4608xf32>
    %broadcast_in_dim3A_654 = vector.shape_cast %reduce_sum3A_653 : vector<4608xf32> to vector<4608x1xf32>
    %div3A_655 = arith.constant 1.280000e+02 : f32
    %div3A_656 = vector.broadcast %div3A_655 : f32 to vector<4608x1xf32>
    %div3A_657 = arith.divf %broadcast_in_dim3A_654, %div3A_656 : vector<4608x1xf32>
    %sub3A_658 = vector.broadcast %div3A_657 : vector<4608x1xf32> to vector<4608x128xf32>
    %sub3A_659 = arith.subf %add3A_644, %sub3A_658 : vector<4608x128xf32>
    %square3A = arith.mulf %sub3A_659, %sub3A_659 : vector<4608x128xf32>
    %convert_element_type3A_660 = arith.sitofp %jit3A : i32 to f32
    %sub3A_661 = arith.constant 1.280000e+02 : f32
    %sub3A_662 = arith.subf %sub3A_661, %convert_element_type3A_660 : f32
    %reduce_sum3A_663 = arith.constant dense<0.000000e+00> : vector<4608xf32>
    %reduce_sum3A_664 = vector.multi_reduction <add>, %square3A, %reduce_sum3A_663 [1] : vector<4608x128xf32> to vector<4608xf32>
    %broadcast_in_dim3A_665 = vector.shape_cast %reduce_sum3A_664 : vector<4608xf32> to vector<4608x1xf32>
    %div3A_666 = vector.broadcast %sub3A_662 : f32 to vector<4608x1xf32>
    %div3A_667 = arith.divf %broadcast_in_dim3A_665, %div3A_666 : vector<4608x1xf32>
    %gt3A = arith.constant 0.000000e+00 : f32
    %gt3A_668 = arith.cmpf ogt, %sub3A_662, %gt3A : f32
    %jit3A_669 = arith.constant 0x7FC00000 : f32
    %broadcast_in_dim3A_670 = vector.broadcast %jit3A_669 : f32 to vector<4608x1xf32>
    %select_n3A = arith.select %gt3A_668, %div3A_667, %broadcast_in_dim3A_670 : vector<4608x1xf32>
    %sub3A_671 = vector.broadcast %div3A_651 : vector<4608x1xf32> to vector<4608x128xf32>
    %sub3A_672 = arith.subf %add3A_644, %sub3A_671 : vector<4608x128xf32>
    %add3A_673 = arith.constant 9.99999974E-6 : f32
    %add3A_674 = vector.broadcast %add3A_673 : f32 to vector<4608x1xf32>
    %add3A_675 = arith.addf %select_n3A, %add3A_674 : vector<4608x1xf32>
    %sqrt3A_676 = math.sqrt %add3A_675 : vector<4608x1xf32>
    %div3A_677 = vector.broadcast %sqrt3A_676 : vector<4608x1xf32> to vector<4608x128xf32>
    %div3A_678 = arith.divf %sub3A_672, %div3A_677 : vector<4608x128xf32>
    %mul3A_679 = vector.broadcast %slice3A_645 : vector<1x128xf32> to vector<4608x128xf32>
    %mul3A_680 = arith.mulf %div3A_678, %mul3A_679 : vector<4608x128xf32>
    %add3A_681 = vector.broadcast %slice3A_646 : vector<1x128xf32> to vector<4608x128xf32>
    %add3A_682 = arith.addf %mul3A_680, %add3A_681 : vector<4608x128xf32>
    %max3A = arith.constant 0.000000e+00 : f32
    %max3A_683 = vector.broadcast %max3A : f32 to vector<4608x128xf32>
    %max3A_684 = arith.maximumf %add3A_682, %max3A_683 : vector<4608x128xf32>
    %convert_element_type3A_685 = arith.truncf %max3A_684 : vector<4608x128xf32> to vector<4608x128xbf16>
    %slice3A_686 = vector.extract_strided_slice %get3A_563 {offsets = [0, 0, 0], sizes = [1, 128, 128], strides = [1, 1, 1]} : vector<3x128x128xbf16> to vector<1x128x128xbf16>
    %squeeze3A_687 = vector.shape_cast %slice3A_686 : vector<1x128x128xbf16> to vector<128x128xbf16>
    %dot_general3A_688 = arith.constant dense<0.000000e+00> : vector<4608x128xf32>
    %dot_general3A_689 = tpu.matmul %convert_element_type3A_685, %squeeze3A_687, %dot_general3A_688 {dimension_numbers = #tpu.dot_dimension_numbers<[1], [0], [0], [1], [0, 0, 1, 1], [], []>, transpose_lhs_hint = false} : vector<4608x128xbf16>, vector<128x128xbf16>, vector<4608x128xf32> -> vector<4608x128xf32>
    %add3A_690 = arith.addf %broadcast_in_dim3A_567, %dot_general3A_689 : vector<4608x128xf32>
    %slice3A_691 = vector.extract_strided_slice %get3A_566 {offsets = [1, 0], sizes = [1, 64], strides = [1, 1]} : vector<3x64xf32> to vector<1x64xf32>
    %mul3A_692 = vector.broadcast %concatenate3A_509 : vector<4608x1xf32> to vector<4608x64xf32>
    %mul3A_693 = vector.broadcast %slice3A_691 : vector<1x64xf32> to vector<4608x64xf32>
    %mul3A_694 = arith.mulf %mul3A_692, %mul3A_693 : vector<4608x64xf32>
    %add3A_695 = arith.constant 5.000000e-01 : f32
    %add3A_696 = vector.broadcast %add3A_695 : f32 to vector<4608x64xf32>
    %add3A_697 = arith.addf %mul3A_694, %add3A_696 : vector<4608x64xf32>
    %floor3A_698 = math.floor %add3A_697 : vector<4608x64xf32>
    %sub3A_699 = arith.subf %mul3A_694, %floor3A_698 : vector<4608x64xf32>
    %mul3A_700 = arith.mulf %sub3A_699, %sub3A_699 : vector<4608x64xf32>
    %mul3A_701 = arith.constant -1.46095681 : f32
    %mul3A_702 = vector.broadcast %mul3A_701 : f32 to vector<4608x64xf32>
    %mul3A_703 = arith.mulf %mul3A_702, %mul3A_700 : vector<4608x64xf32>
    %add3A_704 = arith.constant 7.80661535 : f32
    %add3A_705 = vector.broadcast %add3A_704 : f32 to vector<4608x64xf32>
    %add3A_706 = arith.addf %mul3A_703, %add3A_705 : vector<4608x64xf32>
    %mul3A_707 = arith.constant -0.617978096 : f32
    %mul3A_708 = vector.broadcast %mul3A_707 : f32 to vector<4608x64xf32>
    %mul3A_709 = arith.mulf %mul3A_708, %mul3A_700 : vector<4608x64xf32>
    %add3A_710 = arith.constant 3.77855229 : f32
    %add3A_711 = vector.broadcast %add3A_710 : f32 to vector<4608x64xf32>
    %add3A_712 = arith.addf %mul3A_709, %add3A_711 : vector<4608x64xf32>
    %mul3A_713 = arith.mulf %add3A_706, %mul3A_700 : vector<4608x64xf32>
    %add3A_714 = arith.constant -26.4067631 : f32
    %add3A_715 = vector.broadcast %add3A_714 : f32 to vector<4608x64xf32>
    %add3A_716 = arith.addf %mul3A_713, %add3A_715 : vector<4608x64xf32>
    %mul3A_717 = arith.mulf %add3A_712, %mul3A_700 : vector<4608x64xf32>
    %add3A_718 = arith.constant -15.085474 : f32
    %add3A_719 = vector.broadcast %add3A_718 : f32 to vector<4608x64xf32>
    %add3A_720 = arith.addf %mul3A_717, %add3A_719 : vector<4608x64xf32>
    %mul3A_721 = arith.mulf %add3A_716, %mul3A_700 : vector<4608x64xf32>
    %add3A_722 = arith.constant 60.242466 : f32
    %add3A_723 = vector.broadcast %add3A_722 : f32 to vector<4608x64xf32>
    %add3A_724 = arith.addf %mul3A_721, %add3A_723 : vector<4608x64xf32>
    %mul3A_725 = arith.mulf %add3A_720, %mul3A_700 : vector<4608x64xf32>
    %add3A_726 = arith.constant 42.0575333 : f32
    %add3A_727 = vector.broadcast %add3A_726 : f32 to vector<4608x64xf32>
    %add3A_728 = arith.addf %mul3A_725, %add3A_727 : vector<4608x64xf32>
    %mul3A_729 = arith.mulf %add3A_724, %mul3A_700 : vector<4608x64xf32>
    %add3A_730 = arith.constant -85.4566879 : f32
    %add3A_731 = vector.broadcast %add3A_730 : f32 to vector<4608x64xf32>
    %add3A_732 = arith.addf %mul3A_729, %add3A_731 : vector<4608x64xf32>
    %mul3A_733 = arith.mulf %add3A_728, %mul3A_700 : vector<4608x64xf32>
    %add3A_734 = arith.constant -76.70578 : f32
    %add3A_735 = vector.broadcast %add3A_734 : f32 to vector<4608x64xf32>
    %add3A_736 = arith.addf %mul3A_733, %add3A_735 : vector<4608x64xf32>
    %mul3A_737 = arith.mulf %add3A_732, %mul3A_700 : vector<4608x64xf32>
    %add3A_738 = arith.constant 64.9393921 : f32
    %add3A_739 = vector.broadcast %add3A_738 : f32 to vector<4608x64xf32>
    %add3A_740 = arith.addf %mul3A_737, %add3A_739 : vector<4608x64xf32>
    %mul3A_741 = arith.mulf %add3A_736, %mul3A_700 : vector<4608x64xf32>
    %add3A_742 = arith.constant 81.6052475 : f32
    %add3A_743 = vector.broadcast %add3A_742 : f32 to vector<4608x64xf32>
    %add3A_744 = arith.addf %mul3A_741, %add3A_743 : vector<4608x64xf32>
    %mul3A_745 = arith.mulf %add3A_740, %mul3A_700 : vector<4608x64xf32>
    %add3A_746 = arith.constant -19.7392082 : f32
    %add3A_747 = vector.broadcast %add3A_746 : f32 to vector<4608x64xf32>
    %add3A_748 = arith.addf %mul3A_745, %add3A_747 : vector<4608x64xf32>
    %mul3A_749 = arith.mulf %add3A_744, %mul3A_700 : vector<4608x64xf32>
    %add3A_750 = arith.constant -4.134170e+01 : f32
    %add3A_751 = vector.broadcast %add3A_750 : f32 to vector<4608x64xf32>
    %add3A_752 = arith.addf %mul3A_749, %add3A_751 : vector<4608x64xf32>
    %mul3A_753 = arith.mulf %add3A_748, %mul3A_700 : vector<4608x64xf32>
    %add3A_754 = arith.constant 1.000000e+00 : f32
    %add3A_755 = vector.broadcast %add3A_754 : f32 to vector<4608x64xf32>
    %add3A_756 = arith.addf %mul3A_753, %add3A_755 : vector<4608x64xf32>
    %mul3A_757 = arith.mulf %add3A_752, %mul3A_700 : vector<4608x64xf32>
    %add3A_758 = arith.constant 6.28318548 : f32
    %add3A_759 = vector.broadcast %add3A_758 : f32 to vector<4608x64xf32>
    %add3A_760 = arith.addf %mul3A_757, %add3A_759 : vector<4608x64xf32>
    %mul3A_761 = arith.mulf %sub3A_699, %add3A_760 : vector<4608x64xf32>
    %concatenate3A_762 = tpu.concatenate %add3A_756, %mul3A_761, %concatenate3A_509 in 1 : vector<4608x64xf32>, vector<4608x64xf32>, vector<4608x1xf32> -> vector<4608x129xf32>
    %convert_element_type3A_763 = arith.truncf %concatenate3A_762 : vector<4608x129xf32> to vector<4608x129xbf16>
    %slice3A_764 = vector.extract_strided_slice %get3A_550 {offsets = [1, 0, 0], sizes = [1, 129, 128], strides = [1, 1, 1]} : vector<3x129x128xbf16> to vector<1x129x128xbf16>
    %squeeze3A_765 = vector.shape_cast %slice3A_764 : vector<1x129x128xbf16> to vector<129x128xbf16>
    %dot_general3A_766 = arith.constant dense<0.000000e+00> : vector<4608x128xf32>
    %dot_general3A_767 = tpu.matmul %convert_element_type3A_763, %squeeze3A_765, %dot_general3A_766 {dimension_numbers = #tpu.dot_dimension_numbers<[1], [0], [0], [1], [0, 0, 1, 1], [], []>, transpose_lhs_hint = false} : vector<4608x129xbf16>, vector<129x128xbf16>, vector<4608x128xf32> -> vector<4608x128xf32>
    %slice3A_768 = vector.extract_strided_slice %get3A_553 {offsets = [1, 0], sizes = [1, 128], strides = [1, 1]} : vector<3x128xf32> to vector<1x128xf32>
    %add3A_769 = vector.broadcast %slice3A_768 : vector<1x128xf32> to vector<4608x128xf32>
    %add3A_770 = arith.addf %dot_general3A_767, %add3A_769 : vector<4608x128xf32>
    %slice3A_771 = vector.extract_strided_slice %get3A_556 {offsets = [1, 0], sizes = [1, 128], strides = [1, 1]} : vector<3x128xf32> to vector<1x128xf32>
    %slice3A_772 = vector.extract_strided_slice %get3A_559 {offsets = [1, 0], sizes = [1, 128], strides = [1, 1]} : vector<3x128xf32> to vector<1x128xf32>
    %reduce_sum3A_773 = arith.constant dense<0.000000e+00> : vector<4608xf32>
    %reduce_sum3A_774 = vector.multi_reduction <add>, %add3A_770, %reduce_sum3A_773 [1] : vector<4608x128xf32> to vector<4608xf32>
    %broadcast_in_dim3A_775 = vector.shape_cast %reduce_sum3A_774 : vector<4608xf32> to vector<4608x1xf32>
    %div3A_776 = arith.constant 1.280000e+02 : f32
    %div3A_777 = vector.broadcast %div3A_776 : f32 to vector<4608x1xf32>
    %div3A_778 = arith.divf %broadcast_in_dim3A_775, %div3A_777 : vector<4608x1xf32>
    %jit3A_779 = arith.constant 0 : i32
    %reduce_sum3A_780 = arith.constant dense<0.000000e+00> : vector<4608xf32>
    %reduce_sum3A_781 = vector.multi_reduction <add>, %add3A_770, %reduce_sum3A_780 [1] : vector<4608x128xf32> to vector<4608xf32>
    %broadcast_in_dim3A_782 = vector.shape_cast %reduce_sum3A_781 : vector<4608xf32> to vector<4608x1xf32>
    %div3A_783 = arith.constant 1.280000e+02 : f32
    %div3A_784 = vector.broadcast %div3A_783 : f32 to vector<4608x1xf32>
    %div3A_785 = arith.divf %broadcast_in_dim3A_782, %div3A_784 : vector<4608x1xf32>
    %sub3A_786 = vector.broadcast %div3A_785 : vector<4608x1xf32> to vector<4608x128xf32>
    %sub3A_787 = arith.subf %add3A_770, %sub3A_786 : vector<4608x128xf32>
    %square3A_788 = arith.mulf %sub3A_787, %sub3A_787 : vector<4608x128xf32>
    %convert_element_type3A_789 = arith.sitofp %jit3A_779 : i32 to f32
    %sub3A_790 = arith.constant 1.280000e+02 : f32
    %sub3A_791 = arith.subf %sub3A_790, %convert_element_type3A_789 : f32
    %reduce_sum3A_792 = arith.constant dense<0.000000e+00> : vector<4608xf32>
    %reduce_sum3A_793 = vector.multi_reduction <add>, %square3A_788, %reduce_sum3A_792 [1] : vector<4608x128xf32> to vector<4608xf32>
    %broadcast_in_dim3A_794 = vector.shape_cast %reduce_sum3A_793 : vector<4608xf32> to vector<4608x1xf32>
    %div3A_795 = vector.broadcast %sub3A_791 : f32 to vector<4608x1xf32>
    %div3A_796 = arith.divf %broadcast_in_dim3A_794, %div3A_795 : vector<4608x1xf32>
    %gt3A_797 = arith.constant 0.000000e+00 : f32
    %gt3A_798 = arith.cmpf ogt, %sub3A_791, %gt3A_797 : f32
    %jit3A_799 = arith.constant 0x7FC00000 : f32
    %broadcast_in_dim3A_800 = vector.broadcast %jit3A_799 : f32 to vector<4608x1xf32>
    %select_n3A_801 = arith.select %gt3A_798, %div3A_796, %broadcast_in_dim3A_800 : vector<4608x1xf32>
    %sub3A_802 = vector.broadcast %div3A_778 : vector<4608x1xf32> to vector<4608x128xf32>
    %sub3A_803 = arith.subf %add3A_770, %sub3A_802 : vector<4608x128xf32>
    %add3A_804 = arith.constant 9.99999974E-6 : f32
    %add3A_805 = vector.broadcast %add3A_804 : f32 to vector<4608x1xf32>
    %add3A_806 = arith.addf %select_n3A_801, %add3A_805 : vector<4608x1xf32>
    %sqrt3A_807 = math.sqrt %add3A_806 : vector<4608x1xf32>
    %div3A_808 = vector.broadcast %sqrt3A_807 : vector<4608x1xf32> to vector<4608x128xf32>
    %div3A_809 = arith.divf %sub3A_803, %div3A_808 : vector<4608x128xf32>
    %mul3A_810 = vector.broadcast %slice3A_771 : vector<1x128xf32> to vector<4608x128xf32>
    %mul3A_811 = arith.mulf %div3A_809, %mul3A_810 : vector<4608x128xf32>
    %add3A_812 = vector.broadcast %slice3A_772 : vector<1x128xf32> to vector<4608x128xf32>
    %add3A_813 = arith.addf %mul3A_811, %add3A_812 : vector<4608x128xf32>
    %max3A_814 = arith.constant 0.000000e+00 : f32
    %max3A_815 = vector.broadcast %max3A_814 : f32 to vector<4608x128xf32>
    %max3A_816 = arith.maximumf %add3A_813, %max3A_815 : vector<4608x128xf32>
    %convert_element_type3A_817 = arith.truncf %max3A_816 : vector<4608x128xf32> to vector<4608x128xbf16>
    %slice3A_818 = vector.extract_strided_slice %get3A_563 {offsets = [1, 0, 0], sizes = [1, 128, 128], strides = [1, 1, 1]} : vector<3x128x128xbf16> to vector<1x128x128xbf16>
    %squeeze3A_819 = vector.shape_cast %slice3A_818 : vector<1x128x128xbf16> to vector<128x128xbf16>
    %dot_general3A_820 = arith.constant dense<0.000000e+00> : vector<4608x128xf32>
    %dot_general3A_821 = tpu.matmul %convert_element_type3A_817, %squeeze3A_819, %dot_general3A_820 {dimension_numbers = #tpu.dot_dimension_numbers<[1], [0], [0], [1], [0, 0, 1, 1], [], []>, transpose_lhs_hint = false} : vector<4608x128xbf16>, vector<128x128xbf16>, vector<4608x128xf32> -> vector<4608x128xf32>
    %add3A_822 = arith.addf %add3A_690, %dot_general3A_821 : vector<4608x128xf32>
    %slice3A_823 = vector.extract_strided_slice %get3A_566 {offsets = [2, 0], sizes = [1, 64], strides = [1, 1]} : vector<3x64xf32> to vector<1x64xf32>
    %mul3A_824 = vector.broadcast %concatenate3A_546 : vector<4608x1xf32> to vector<4608x64xf32>
    %mul3A_825 = vector.broadcast %slice3A_823 : vector<1x64xf32> to vector<4608x64xf32>
    %mul3A_826 = arith.mulf %mul3A_824, %mul3A_825 : vector<4608x64xf32>
    %add3A_827 = arith.constant 5.000000e-01 : f32
    %add3A_828 = vector.broadcast %add3A_827 : f32 to vector<4608x64xf32>
    %add3A_829 = arith.addf %mul3A_826, %add3A_828 : vector<4608x64xf32>
    %floor3A_830 = math.floor %add3A_829 : vector<4608x64xf32>
    %sub3A_831 = arith.subf %mul3A_826, %floor3A_830 : vector<4608x64xf32>
    %mul3A_832 = arith.mulf %sub3A_831, %sub3A_831 : vector<4608x64xf32>
    %mul3A_833 = arith.constant -1.46095681 : f32
    %mul3A_834 = vector.broadcast %mul3A_833 : f32 to vector<4608x64xf32>
    %mul3A_835 = arith.mulf %mul3A_834, %mul3A_832 : vector<4608x64xf32>
    %add3A_836 = arith.constant 7.80661535 : f32
    %add3A_837 = vector.broadcast %add3A_836 : f32 to vector<4608x64xf32>
    %add3A_838 = arith.addf %mul3A_835, %add3A_837 : vector<4608x64xf32>
    %mul3A_839 = arith.constant -0.617978096 : f32
    %mul3A_840 = vector.broadcast %mul3A_839 : f32 to vector<4608x64xf32>
    %mul3A_841 = arith.mulf %mul3A_840, %mul3A_832 : vector<4608x64xf32>
    %add3A_842 = arith.constant 3.77855229 : f32
    %add3A_843 = vector.broadcast %add3A_842 : f32 to vector<4608x64xf32>
    %add3A_844 = arith.addf %mul3A_841, %add3A_843 : vector<4608x64xf32>
    %mul3A_845 = arith.mulf %add3A_838, %mul3A_832 : vector<4608x64xf32>
    %add3A_846 = arith.constant -26.4067631 : f32
    %add3A_847 = vector.broadcast %add3A_846 : f32 to vector<4608x64xf32>
    %add3A_848 = arith.addf %mul3A_845, %add3A_847 : vector<4608x64xf32>
    %mul3A_849 = arith.mulf %add3A_844, %mul3A_832 : vector<4608x64xf32>
    %add3A_850 = arith.constant -15.085474 : f32
    %add3A_851 = vector.broadcast %add3A_850 : f32 to vector<4608x64xf32>
    %add3A_852 = arith.addf %mul3A_849, %add3A_851 : vector<4608x64xf32>
    %mul3A_853 = arith.mulf %add3A_848, %mul3A_832 : vector<4608x64xf32>
    %add3A_854 = arith.constant 60.242466 : f32
    %add3A_855 = vector.broadcast %add3A_854 : f32 to vector<4608x64xf32>
    %add3A_856 = arith.addf %mul3A_853, %add3A_855 : vector<4608x64xf32>
    %mul3A_857 = arith.mulf %add3A_852, %mul3A_832 : vector<4608x64xf32>
    %add3A_858 = arith.constant 42.0575333 : f32
    %add3A_859 = vector.broadcast %add3A_858 : f32 to vector<4608x64xf32>
    %add3A_860 = arith.addf %mul3A_857, %add3A_859 : vector<4608x64xf32>
    %mul3A_861 = arith.mulf %add3A_856, %mul3A_832 : vector<4608x64xf32>
    %add3A_862 = arith.constant -85.4566879 : f32
    %add3A_863 = vector.broadcast %add3A_862 : f32 to vector<4608x64xf32>
    %add3A_864 = arith.addf %mul3A_861, %add3A_863 : vector<4608x64xf32>
    %mul3A_865 = arith.mulf %add3A_860, %mul3A_832 : vector<4608x64xf32>
    %add3A_866 = arith.constant -76.70578 : f32
    %add3A_867 = vector.broadcast %add3A_866 : f32 to vector<4608x64xf32>
    %add3A_868 = arith.addf %mul3A_865, %add3A_867 : vector<4608x64xf32>
    %mul3A_869 = arith.mulf %add3A_864, %mul3A_832 : vector<4608x64xf32>
    %add3A_870 = arith.constant 64.9393921 : f32
    %add3A_871 = vector.broadcast %add3A_870 : f32 to vector<4608x64xf32>
    %add3A_872 = arith.addf %mul3A_869, %add3A_871 : vector<4608x64xf32>
    %mul3A_873 = arith.mulf %add3A_868, %mul3A_832 : vector<4608x64xf32>
    %add3A_874 = arith.constant 81.6052475 : f32
    %add3A_875 = vector.broadcast %add3A_874 : f32 to vector<4608x64xf32>
    %add3A_876 = arith.addf %mul3A_873, %add3A_875 : vector<4608x64xf32>
    %mul3A_877 = arith.mulf %add3A_872, %mul3A_832 : vector<4608x64xf32>
    %add3A_878 = arith.constant -19.7392082 : f32
    %add3A_879 = vector.broadcast %add3A_878 : f32 to vector<4608x64xf32>
    %add3A_880 = arith.addf %mul3A_877, %add3A_879 : vector<4608x64xf32>
    %mul3A_881 = arith.mulf %add3A_876, %mul3A_832 : vector<4608x64xf32>
    %add3A_882 = arith.constant -4.134170e+01 : f32
    %add3A_883 = vector.broadcast %add3A_882 : f32 to vector<4608x64xf32>
    %add3A_884 = arith.addf %mul3A_881, %add3A_883 : vector<4608x64xf32>
    %mul3A_885 = arith.mulf %add3A_880, %mul3A_832 : vector<4608x64xf32>
    %add3A_886 = arith.constant 1.000000e+00 : f32
    %add3A_887 = vector.broadcast %add3A_886 : f32 to vector<4608x64xf32>
    %add3A_888 = arith.addf %mul3A_885, %add3A_887 : vector<4608x64xf32>
    %mul3A_889 = arith.mulf %add3A_884, %mul3A_832 : vector<4608x64xf32>
    %add3A_890 = arith.constant 6.28318548 : f32
    %add3A_891 = vector.broadcast %add3A_890 : f32 to vector<4608x64xf32>
    %add3A_892 = arith.addf %mul3A_889, %add3A_891 : vector<4608x64xf32>
    %mul3A_893 = arith.mulf %sub3A_831, %add3A_892 : vector<4608x64xf32>
    %concatenate3A_894 = tpu.concatenate %add3A_888, %mul3A_893, %concatenate3A_546 in 1 : vector<4608x64xf32>, vector<4608x64xf32>, vector<4608x1xf32> -> vector<4608x129xf32>
    %convert_element_type3A_895 = arith.truncf %concatenate3A_894 : vector<4608x129xf32> to vector<4608x129xbf16>
    %slice3A_896 = vector.extract_strided_slice %get3A_550 {offsets = [2, 0, 0], sizes = [1, 129, 128], strides = [1, 1, 1]} : vector<3x129x128xbf16> to vector<1x129x128xbf16>
    %squeeze3A_897 = vector.shape_cast %slice3A_896 : vector<1x129x128xbf16> to vector<129x128xbf16>
    %dot_general3A_898 = arith.constant dense<0.000000e+00> : vector<4608x128xf32>
    %dot_general3A_899 = tpu.matmul %convert_element_type3A_895, %squeeze3A_897, %dot_general3A_898 {dimension_numbers = #tpu.dot_dimension_numbers<[1], [0], [0], [1], [0, 0, 1, 1], [], []>, transpose_lhs_hint = false} : vector<4608x129xbf16>, vector<129x128xbf16>, vector<4608x128xf32> -> vector<4608x128xf32>
    %slice3A_900 = vector.extract_strided_slice %get3A_553 {offsets = [2, 0], sizes = [1, 128], strides = [1, 1]} : vector<3x128xf32> to vector<1x128xf32>
    %add3A_901 = vector.broadcast %slice3A_900 : vector<1x128xf32> to vector<4608x128xf32>
    %add3A_902 = arith.addf %dot_general3A_899, %add3A_901 : vector<4608x128xf32>
    %slice3A_903 = vector.extract_strided_slice %get3A_556 {offsets = [2, 0], sizes = [1, 128], strides = [1, 1]} : vector<3x128xf32> to vector<1x128xf32>
    %slice3A_904 = vector.extract_strided_slice %get3A_559 {offsets = [2, 0], sizes = [1, 128], strides = [1, 1]} : vector<3x128xf32> to vector<1x128xf32>
    %reduce_sum3A_905 = arith.constant dense<0.000000e+00> : vector<4608xf32>
    %reduce_sum3A_906 = vector.multi_reduction <add>, %add3A_902, %reduce_sum3A_905 [1] : vector<4608x128xf32> to vector<4608xf32>
    %broadcast_in_dim3A_907 = vector.shape_cast %reduce_sum3A_906 : vector<4608xf32> to vector<4608x1xf32>
    %div3A_908 = arith.constant 1.280000e+02 : f32
    %div3A_909 = vector.broadcast %div3A_908 : f32 to vector<4608x1xf32>
    %div3A_910 = arith.divf %broadcast_in_dim3A_907, %div3A_909 : vector<4608x1xf32>
    %jit3A_911 = arith.constant 0 : i32
    %reduce_sum3A_912 = arith.constant dense<0.000000e+00> : vector<4608xf32>
    %reduce_sum3A_913 = vector.multi_reduction <add>, %add3A_902, %reduce_sum3A_912 [1] : vector<4608x128xf32> to vector<4608xf32>
    %broadcast_in_dim3A_914 = vector.shape_cast %reduce_sum3A_913 : vector<4608xf32> to vector<4608x1xf32>
    %div3A_915 = arith.constant 1.280000e+02 : f32
    %div3A_916 = vector.broadcast %div3A_915 : f32 to vector<4608x1xf32>
    %div3A_917 = arith.divf %broadcast_in_dim3A_914, %div3A_916 : vector<4608x1xf32>
    %sub3A_918 = vector.broadcast %div3A_917 : vector<4608x1xf32> to vector<4608x128xf32>
    %sub3A_919 = arith.subf %add3A_902, %sub3A_918 : vector<4608x128xf32>
    %square3A_920 = arith.mulf %sub3A_919, %sub3A_919 : vector<4608x128xf32>
    %convert_element_type3A_921 = arith.sitofp %jit3A_911 : i32 to f32
    %sub3A_922 = arith.constant 1.280000e+02 : f32
    %sub3A_923 = arith.subf %sub3A_922, %convert_element_type3A_921 : f32
    %reduce_sum3A_924 = arith.constant dense<0.000000e+00> : vector<4608xf32>
    %reduce_sum3A_925 = vector.multi_reduction <add>, %square3A_920, %reduce_sum3A_924 [1] : vector<4608x128xf32> to vector<4608xf32>
    %broadcast_in_dim3A_926 = vector.shape_cast %reduce_sum3A_925 : vector<4608xf32> to vector<4608x1xf32>
    %div3A_927 = vector.broadcast %sub3A_923 : f32 to vector<4608x1xf32>
    %div3A_928 = arith.divf %broadcast_in_dim3A_926, %div3A_927 : vector<4608x1xf32>
    %gt3A_929 = arith.constant 0.000000e+00 : f32
    %gt3A_930 = arith.cmpf ogt, %sub3A_923, %gt3A_929 : f32
    %jit3A_931 = arith.constant 0x7FC00000 : f32
    %broadcast_in_dim3A_932 = vector.broadcast %jit3A_931 : f32 to vector<4608x1xf32>
    %select_n3A_933 = arith.select %gt3A_930, %div3A_928, %broadcast_in_dim3A_932 : vector<4608x1xf32>
    %sub3A_934 = vector.broadcast %div3A_910 : vector<4608x1xf32> to vector<4608x128xf32>
    %sub3A_935 = arith.subf %add3A_902, %sub3A_934 : vector<4608x128xf32>
    %add3A_936 = arith.constant 9.99999974E-6 : f32
    %add3A_937 = vector.broadcast %add3A_936 : f32 to vector<4608x1xf32>
    %add3A_938 = arith.addf %select_n3A_933, %add3A_937 : vector<4608x1xf32>
    %sqrt3A_939 = math.sqrt %add3A_938 : vector<4608x1xf32>
    %div3A_940 = vector.broadcast %sqrt3A_939 : vector<4608x1xf32> to vector<4608x128xf32>
    %div3A_941 = arith.divf %sub3A_935, %div3A_940 : vector<4608x128xf32>
    %mul3A_942 = vector.broadcast %slice3A_903 : vector<1x128xf32> to vector<4608x128xf32>
    %mul3A_943 = arith.mulf %div3A_941, %mul3A_942 : vector<4608x128xf32>
    %add3A_944 = vector.broadcast %slice3A_904 : vector<1x128xf32> to vector<4608x128xf32>
    %add3A_945 = arith.addf %mul3A_943, %add3A_944 : vector<4608x128xf32>
    %max3A_946 = arith.constant 0.000000e+00 : f32
    %max3A_947 = vector.broadcast %max3A_946 : f32 to vector<4608x128xf32>
    %max3A_948 = arith.maximumf %add3A_945, %max3A_947 : vector<4608x128xf32>
    %convert_element_type3A_949 = arith.truncf %max3A_948 : vector<4608x128xf32> to vector<4608x128xbf16>
    %slice3A_950 = vector.extract_strided_slice %get3A_563 {offsets = [2, 0, 0], sizes = [1, 128, 128], strides = [1, 1, 1]} : vector<3x128x128xbf16> to vector<1x128x128xbf16>
    %squeeze3A_951 = vector.shape_cast %slice3A_950 : vector<1x128x128xbf16> to vector<128x128xbf16>
    %dot_general3A_952 = arith.constant dense<0.000000e+00> : vector<4608x128xf32>
    %dot_general3A_953 = tpu.matmul %convert_element_type3A_949, %squeeze3A_951, %dot_general3A_952 {dimension_numbers = #tpu.dot_dimension_numbers<[1], [0], [0], [1], [0, 0, 1, 1], [], []>, transpose_lhs_hint = false} : vector<4608x128xbf16>, vector<128x128xbf16>, vector<4608x128xf32> -> vector<4608x128xf32>
    %add3A_954 = arith.addf %add3A_822, %dot_general3A_953 : vector<4608x128xf32>
    %get3A_955 = arith.constant 0 : index
    %get3A_956 = arith.constant 0 : index
    %get3A_957 = vector.load %arg12[%get3A_955, %get3A_956] : memref<1x128xf32, #tpu.memory_space<vmem>>, vector<1x128xf32>
    %add3A_958 = vector.broadcast %get3A_957 : vector<1x128xf32> to vector<4608x128xf32>
    %add3A_959 = arith.addf %add3A_954, %add3A_958 : vector<4608x128xf32>
    %get3A_960 = arith.constant 0 : index
    %get3A_961 = arith.constant 0 : index
    %get3A_962 = vector.load %arg13[%get3A_960, %get3A_961] : memref<1x128xf32, #tpu.memory_space<vmem>>, vector<1x128xf32>
    %get3A_963 = arith.constant 0 : index
    %get3A_964 = arith.constant 0 : index
    %get3A_965 = vector.load %arg14[%get3A_963, %get3A_964] : memref<1x128xf32, #tpu.memory_space<vmem>>, vector<1x128xf32>
    %reduce_sum3A_966 = arith.constant dense<0.000000e+00> : vector<4608xf32>
    %reduce_sum3A_967 = vector.multi_reduction <add>, %add3A_959, %reduce_sum3A_966 [1] : vector<4608x128xf32> to vector<4608xf32>
    %broadcast_in_dim3A_968 = vector.shape_cast %reduce_sum3A_967 : vector<4608xf32> to vector<4608x1xf32>
    %div3A_969 = arith.constant 1.280000e+02 : f32
    %div3A_970 = vector.broadcast %div3A_969 : f32 to vector<4608x1xf32>
    %div3A_971 = arith.divf %broadcast_in_dim3A_968, %div3A_970 : vector<4608x1xf32>
    %jit3A_972 = arith.constant 0 : i32
    %reduce_sum3A_973 = arith.constant dense<0.000000e+00> : vector<4608xf32>
    %reduce_sum3A_974 = vector.multi_reduction <add>, %add3A_959, %reduce_sum3A_973 [1] : vector<4608x128xf32> to vector<4608xf32>
    %broadcast_in_dim3A_975 = vector.shape_cast %reduce_sum3A_974 : vector<4608xf32> to vector<4608x1xf32>
    %div3A_976 = arith.constant 1.280000e+02 : f32
    %div3A_977 = vector.broadcast %div3A_976 : f32 to vector<4608x1xf32>
    %div3A_978 = arith.divf %broadcast_in_dim3A_975, %div3A_977 : vector<4608x1xf32>
    %sub3A_979 = vector.broadcast %div3A_978 : vector<4608x1xf32> to vector<4608x128xf32>
    %sub3A_980 = arith.subf %add3A_959, %sub3A_979 : vector<4608x128xf32>
    %square3A_981 = arith.mulf %sub3A_980, %sub3A_980 : vector<4608x128xf32>
    %convert_element_type3A_982 = arith.sitofp %jit3A_972 : i32 to f32
    %sub3A_983 = arith.constant 1.280000e+02 : f32
    %sub3A_984 = arith.subf %sub3A_983, %convert_element_type3A_982 : f32
    %reduce_sum3A_985 = arith.constant dense<0.000000e+00> : vector<4608xf32>
    %reduce_sum3A_986 = vector.multi_reduction <add>, %square3A_981, %reduce_sum3A_985 [1] : vector<4608x128xf32> to vector<4608xf32>
    %broadcast_in_dim3A_987 = vector.shape_cast %reduce_sum3A_986 : vector<4608xf32> to vector<4608x1xf32>
    %div3A_988 = vector.broadcast %sub3A_984 : f32 to vector<4608x1xf32>
    %div3A_989 = arith.divf %broadcast_in_dim3A_987, %div3A_988 : vector<4608x1xf32>
    %gt3A_990 = arith.constant 0.000000e+00 : f32
    %gt3A_991 = arith.cmpf ogt, %sub3A_984, %gt3A_990 : f32
    %jit3A_992 = arith.constant 0x7FC00000 : f32
    %broadcast_in_dim3A_993 = vector.broadcast %jit3A_992 : f32 to vector<4608x1xf32>
    %select_n3A_994 = arith.select %gt3A_991, %div3A_989, %broadcast_in_dim3A_993 : vector<4608x1xf32>
    %sub3A_995 = vector.broadcast %div3A_971 : vector<4608x1xf32> to vector<4608x128xf32>
    %sub3A_996 = arith.subf %add3A_959, %sub3A_995 : vector<4608x128xf32>
    %add3A_997 = arith.constant 9.99999974E-6 : f32
    %add3A_998 = vector.broadcast %add3A_997 : f32 to vector<4608x1xf32>
    %add3A_999 = arith.addf %select_n3A_994, %add3A_998 : vector<4608x1xf32>
    %sqrt3A_1000 = math.sqrt %add3A_999 : vector<4608x1xf32>
    %div3A_1001 = vector.broadcast %sqrt3A_1000 : vector<4608x1xf32> to vector<4608x128xf32>
    %div3A_1002 = arith.divf %sub3A_996, %div3A_1001 : vector<4608x128xf32>
    %mul3A_1003 = vector.broadcast %get3A_962 : vector<1x128xf32> to vector<4608x128xf32>
    %mul3A_1004 = arith.mulf %div3A_1002, %mul3A_1003 : vector<4608x128xf32>
    %add3A_1005 = vector.broadcast %get3A_965 : vector<1x128xf32> to vector<4608x128xf32>
    %add3A_1006 = arith.addf %mul3A_1004, %add3A_1005 : vector<4608x128xf32>
    %max3A_1007 = arith.constant 0.000000e+00 : f32
    %max3A_1008 = vector.broadcast %max3A_1007 : f32 to vector<4608x128xf32>
    %max3A_1009 = arith.maximumf %add3A_1006, %max3A_1008 : vector<4608x128xf32>
    %convert_element_type3A_1010 = arith.truncf %max3A_1009 : vector<4608x128xf32> to vector<4608x128xbf16>
    %get3A_1011 = arith.constant 0 : index
    %get3A_1012 = arith.constant 0 : index
    %get3A_1013 = vector.load %arg15[%get3A_1011, %get3A_1012] : memref<128x128xbf16, #tpu.memory_space<vmem>>, vector<128x128xbf16>
    %dot_general3A_1014 = arith.constant dense<0.000000e+00> : vector<4608x128xf32>
    %dot_general3A_1015 = tpu.matmul %convert_element_type3A_1010, %get3A_1013, %dot_general3A_1014 {dimension_numbers = #tpu.dot_dimension_numbers<[1], [0], [0], [1], [0, 0, 1, 1], [], []>, transpose_lhs_hint = false} : vector<4608x128xbf16>, vector<128x128xbf16>, vector<4608x128xf32> -> vector<4608x128xf32>
    %get3A_1016 = arith.constant 0 : index
    %get3A_1017 = arith.constant 0 : index
    %get3A_1018 = vector.load %arg16[%get3A_1016, %get3A_1017] : memref<1x128xf32, #tpu.memory_space<vmem>>, vector<1x128xf32>
    %add3A_1019 = vector.broadcast %get3A_1018 : vector<1x128xf32> to vector<4608x128xf32>
    %add3A_1020 = arith.addf %dot_general3A_1015, %add3A_1019 : vector<4608x128xf32>
    %get3A_1021 = arith.constant 0 : index
    %get3A_1022 = arith.constant 0 : index
    %get3A_1023 = vector.load %arg17[%get3A_1021, %get3A_1022] : memref<1x128xf32, #tpu.memory_space<vmem>>, vector<1x128xf32>
    %get3A_1024 = arith.constant 0 : index
    %get3A_1025 = arith.constant 0 : index
    %get3A_1026 = vector.load %arg18[%get3A_1024, %get3A_1025] : memref<1x128xf32, #tpu.memory_space<vmem>>, vector<1x128xf32>
    %reduce_sum3A_1027 = arith.constant dense<0.000000e+00> : vector<4608xf32>
    %reduce_sum3A_1028 = vector.multi_reduction <add>, %add3A_1020, %reduce_sum3A_1027 [1] : vector<4608x128xf32> to vector<4608xf32>
    %broadcast_in_dim3A_1029 = vector.shape_cast %reduce_sum3A_1028 : vector<4608xf32> to vector<4608x1xf32>
    %div3A_1030 = arith.constant 1.280000e+02 : f32
    %div3A_1031 = vector.broadcast %div3A_1030 : f32 to vector<4608x1xf32>
    %div3A_1032 = arith.divf %broadcast_in_dim3A_1029, %div3A_1031 : vector<4608x1xf32>
    %jit3A_1033 = arith.constant 0 : i32
    %reduce_sum3A_1034 = arith.constant dense<0.000000e+00> : vector<4608xf32>
    %reduce_sum3A_1035 = vector.multi_reduction <add>, %add3A_1020, %reduce_sum3A_1034 [1] : vector<4608x128xf32> to vector<4608xf32>
    %broadcast_in_dim3A_1036 = vector.shape_cast %reduce_sum3A_1035 : vector<4608xf32> to vector<4608x1xf32>
    %div3A_1037 = arith.constant 1.280000e+02 : f32
    %div3A_1038 = vector.broadcast %div3A_1037 : f32 to vector<4608x1xf32>
    %div3A_1039 = arith.divf %broadcast_in_dim3A_1036, %div3A_1038 : vector<4608x1xf32>
    %sub3A_1040 = vector.broadcast %div3A_1039 : vector<4608x1xf32> to vector<4608x128xf32>
    %sub3A_1041 = arith.subf %add3A_1020, %sub3A_1040 : vector<4608x128xf32>
    %square3A_1042 = arith.mulf %sub3A_1041, %sub3A_1041 : vector<4608x128xf32>
    %convert_element_type3A_1043 = arith.sitofp %jit3A_1033 : i32 to f32
    %sub3A_1044 = arith.constant 1.280000e+02 : f32
    %sub3A_1045 = arith.subf %sub3A_1044, %convert_element_type3A_1043 : f32
    %reduce_sum3A_1046 = arith.constant dense<0.000000e+00> : vector<4608xf32>
    %reduce_sum3A_1047 = vector.multi_reduction <add>, %square3A_1042, %reduce_sum3A_1046 [1] : vector<4608x128xf32> to vector<4608xf32>
    %broadcast_in_dim3A_1048 = vector.shape_cast %reduce_sum3A_1047 : vector<4608xf32> to vector<4608x1xf32>
    %div3A_1049 = vector.broadcast %sub3A_1045 : f32 to vector<4608x1xf32>
    %div3A_1050 = arith.divf %broadcast_in_dim3A_1048, %div3A_1049 : vector<4608x1xf32>
    %gt3A_1051 = arith.constant 0.000000e+00 : f32
    %gt3A_1052 = arith.cmpf ogt, %sub3A_1045, %gt3A_1051 : f32
    %jit3A_1053 = arith.constant 0x7FC00000 : f32
    %broadcast_in_dim3A_1054 = vector.broadcast %jit3A_1053 : f32 to vector<4608x1xf32>
    %select_n3A_1055 = arith.select %gt3A_1052, %div3A_1050, %broadcast_in_dim3A_1054 : vector<4608x1xf32>
    %sub3A_1056 = vector.broadcast %div3A_1032 : vector<4608x1xf32> to vector<4608x128xf32>
    %sub3A_1057 = arith.subf %add3A_1020, %sub3A_1056 : vector<4608x128xf32>
    %add3A_1058 = arith.constant 9.99999974E-6 : f32
    %add3A_1059 = vector.broadcast %add3A_1058 : f32 to vector<4608x1xf32>
    %add3A_1060 = arith.addf %select_n3A_1055, %add3A_1059 : vector<4608x1xf32>
    %sqrt3A_1061 = math.sqrt %add3A_1060 : vector<4608x1xf32>
    %div3A_1062 = vector.broadcast %sqrt3A_1061 : vector<4608x1xf32> to vector<4608x128xf32>
    %div3A_1063 = arith.divf %sub3A_1057, %div3A_1062 : vector<4608x128xf32>
    %mul3A_1064 = vector.broadcast %get3A_1023 : vector<1x128xf32> to vector<4608x128xf32>
    %mul3A_1065 = arith.mulf %div3A_1063, %mul3A_1064 : vector<4608x128xf32>
    %add3A_1066 = vector.broadcast %get3A_1026 : vector<1x128xf32> to vector<4608x128xf32>
    %add3A_1067 = arith.addf %mul3A_1065, %add3A_1066 : vector<4608x128xf32>
    %convert_element_type3A_1068 = arith.truncf %add3A_1067 : vector<4608x128xf32> to vector<4608x128xbf16>
    %get3A_1069 = arith.constant 0 : index
    %get3A_1070 = arith.constant 0 : index
    %get3A_1071 = vector.load %arg19[%get3A_1069, %get3A_1070] : memref<128x128xbf16, #tpu.memory_space<vmem>>, vector<128x128xbf16>
    %dot_general3A_1072 = arith.constant dense<0.000000e+00> : vector<4608x128xf32>
    %dot_general3A_1073 = tpu.matmul %convert_element_type3A_1068, %get3A_1071, %dot_general3A_1072 {dimension_numbers = #tpu.dot_dimension_numbers<[1], [0], [0], [1], [0, 0, 1, 1], [], []>, transpose_lhs_hint = false} : vector<4608x128xbf16>, vector<128x128xbf16>, vector<4608x128xf32> -> vector<4608x128xf32>
    %get3A_1074 = arith.constant 0 : index
    %get3A_1075 = arith.constant 0 : index
    %get3A_1076 = vector.load %arg20[%get3A_1074, %get3A_1075] : memref<128x128xbf16, #tpu.memory_space<vmem>>, vector<128x128xbf16>
    %dot_general3A_1077 = arith.constant dense<0.000000e+00> : vector<4608x128xf32>
    %dot_general3A_1078 = tpu.matmul %convert_element_type3A_1068, %get3A_1076, %dot_general3A_1077 {dimension_numbers = #tpu.dot_dimension_numbers<[1], [0], [0], [1], [0, 0, 1, 1], [], []>, transpose_lhs_hint = false} : vector<4608x128xbf16>, vector<128x128xbf16>, vector<4608x128xf32> -> vector<4608x128xf32>
    %get3A_1079 = arith.constant 0 : index
    %get3A_1080 = arith.constant 0 : index
    %get3A_1081 = vector.load %arg21[%get3A_1079, %get3A_1080] : memref<1x128xf32, #tpu.memory_space<vmem>>, vector<1x128xf32>
    %add3A_1082 = vector.broadcast %get3A_1081 : vector<1x128xf32> to vector<4608x128xf32>
    %add3A_1083 = arith.addf %dot_general3A_1078, %add3A_1082 : vector<4608x128xf32>
    %add3A_1084 = arith.addf %concatenate3A, %dot_general3A_1073 : vector<4608x128xf32>
    %add3A_1085 = arith.addf %concatenate3A_85, %add3A_1083 : vector<4608x128xf32>
    %iota3A = tpu.iota {dimensions = array<i32: 0>} : vector<128x8xi32>
    %jit3A_1086 = arith.constant 16 : i32
    %div3A_1087 = vector.broadcast %jit3A_1086 : i32 to vector<128x8xi32>
    %div3A_1088 = arith.divsi %iota3A, %div3A_1087 : vector<128x8xi32>
    %sign3A = arith.constant 0 : i32
    %sign3A_1089 = vector.broadcast %sign3A : i32 to vector<128x8xi32>
    %sign3A_1090 = arith.cmpi sgt, %iota3A, %sign3A_1089 : vector<128x8xi32>
    %sign3A_1091 = arith.extui %sign3A_1090 : vector<128x8xi1> to vector<128x8xi32>
    %sign3A_1092 = arith.constant 0 : i32
    %sign3A_1093 = vector.broadcast %sign3A_1092 : i32 to vector<128x8xi32>
    %sign3A_1094 = arith.cmpi slt, %iota3A, %sign3A_1093 : vector<128x8xi32>
    %sign3A_1095 = arith.extui %sign3A_1094 : vector<128x8xi1> to vector<128x8xi32>
    %sign3A_1096 = arith.subi %sign3A_1091, %sign3A_1095 : vector<128x8xi32>
    %sign3A_1097 = arith.constant 0 : i32
    %sign3A_1098 = arith.cmpi sgt, %jit3A_1086, %sign3A_1097 : i32
    %sign3A_1099 = arith.extui %sign3A_1098 : i1 to i32
    %sign3A_1100 = arith.constant 0 : i32
    %sign3A_1101 = arith.cmpi slt, %jit3A_1086, %sign3A_1100 : i32
    %sign3A_1102 = arith.extui %sign3A_1101 : i1 to i32
    %sign3A_1103 = arith.subi %sign3A_1099, %sign3A_1102 : i32
    %ne3A = vector.broadcast %sign3A_1103 : i32 to vector<128x8xi32>
    %ne3A_1104 = arith.cmpi ne, %sign3A_1096, %ne3A : vector<128x8xi32>
    %rem3A = vector.broadcast %jit3A_1086 : i32 to vector<128x8xi32>
    %rem3A_1105 = arith.remsi %iota3A, %rem3A : vector<128x8xi32>
    %ne3A_1106 = arith.constant 0 : i32
    %ne3A_1107 = vector.broadcast %ne3A_1106 : i32 to vector<128x8xi32>
    %ne3A_1108 = arith.cmpi ne, %rem3A_1105, %ne3A_1107 : vector<128x8xi32>
    %and3A = arith.andi %ne3A_1104, %ne3A_1108 : vector<128x8xi1>
    %sub3A_1109 = arith.constant 1 : i32
    %sub3A_1110 = vector.broadcast %sub3A_1109 : i32 to vector<128x8xi32>
    %sub3A_1111 = arith.subi %div3A_1088, %sub3A_1110 : vector<128x8xi32>
    %select_n3A_1112 = arith.select %and3A, %sub3A_1111, %div3A_1088 : vector<128x8xi1>, vector<128x8xi32>
    %iota3A_1113 = tpu.iota {dimensions = array<i32: 1>} : vector<128x8xi32>
    %eq3A = arith.cmpi eq, %select_n3A_1112, %iota3A_1113 : vector<128x8xi32>
    %convert_element_type3A_1114 = arith.extui %eq3A : vector<128x8xi1> to vector<128x8xi32>
    %convert_element_type3A_1115 = arith.sitofp %convert_element_type3A_1114 : vector<128x8xi32> to vector<128x8xf32>
    %iota3A_1116 = tpu.iota {dimensions = array<i32: 0>} : vector<8x128xi32>
    %iota3A_1117 = tpu.iota {dimensions = array<i32: 1>} : vector<8x128xi32>
    %jit3A_1118 = arith.constant 16 : i32
    %div3A_1119 = vector.broadcast %jit3A_1118 : i32 to vector<8x128xi32>
    %div3A_1120 = arith.divsi %iota3A_1117, %div3A_1119 : vector<8x128xi32>
    %sign3A_1121 = arith.constant 0 : i32
    %sign3A_1122 = vector.broadcast %sign3A_1121 : i32 to vector<8x128xi32>
    %sign3A_1123 = arith.cmpi sgt, %iota3A_1117, %sign3A_1122 : vector<8x128xi32>
    %sign3A_1124 = arith.extui %sign3A_1123 : vector<8x128xi1> to vector<8x128xi32>
    %sign3A_1125 = arith.constant 0 : i32
    %sign3A_1126 = vector.broadcast %sign3A_1125 : i32 to vector<8x128xi32>
    %sign3A_1127 = arith.cmpi slt, %iota3A_1117, %sign3A_1126 : vector<8x128xi32>
    %sign3A_1128 = arith.extui %sign3A_1127 : vector<8x128xi1> to vector<8x128xi32>
    %sign3A_1129 = arith.subi %sign3A_1124, %sign3A_1128 : vector<8x128xi32>
    %sign3A_1130 = arith.constant 0 : i32
    %sign3A_1131 = arith.cmpi sgt, %jit3A_1118, %sign3A_1130 : i32
    %sign3A_1132 = arith.extui %sign3A_1131 : i1 to i32
    %sign3A_1133 = arith.constant 0 : i32
    %sign3A_1134 = arith.cmpi slt, %jit3A_1118, %sign3A_1133 : i32
    %sign3A_1135 = arith.extui %sign3A_1134 : i1 to i32
    %sign3A_1136 = arith.subi %sign3A_1132, %sign3A_1135 : i32
    %ne3A_1137 = vector.broadcast %sign3A_1136 : i32 to vector<8x128xi32>
    %ne3A_1138 = arith.cmpi ne, %sign3A_1129, %ne3A_1137 : vector<8x128xi32>
    %rem3A_1139 = vector.broadcast %jit3A_1118 : i32 to vector<8x128xi32>
    %rem3A_1140 = arith.remsi %iota3A_1117, %rem3A_1139 : vector<8x128xi32>
    %ne3A_1141 = arith.constant 0 : i32
    %ne3A_1142 = vector.broadcast %ne3A_1141 : i32 to vector<8x128xi32>
    %ne3A_1143 = arith.cmpi ne, %rem3A_1140, %ne3A_1142 : vector<8x128xi32>
    %and3A_1144 = arith.andi %ne3A_1138, %ne3A_1143 : vector<8x128xi1>
    %sub3A_1145 = arith.constant 1 : i32
    %sub3A_1146 = vector.broadcast %sub3A_1145 : i32 to vector<8x128xi32>
    %sub3A_1147 = arith.subi %div3A_1120, %sub3A_1146 : vector<8x128xi32>
    %select_n3A_1148 = arith.select %and3A_1144, %sub3A_1147, %div3A_1120 : vector<8x128xi1>, vector<8x128xi32>
    %eq3A_1149 = arith.cmpi eq, %iota3A_1116, %select_n3A_1148 : vector<8x128xi32>
    %convert_element_type3A_1150 = arith.extui %eq3A_1149 : vector<8x128xi1> to vector<8x128xi32>
    %convert_element_type3A_1151 = arith.sitofp %convert_element_type3A_1150 : vector<8x128xi32> to vector<8x128xf32>
    %mul3A_1152 = arith.mulf %concatenate3A_122, %add3A_1084 : vector<4608x128xf32>
    %dot_general3A_1153 = arith.constant dense<0.000000e+00> : vector<4608x8xf32>
    %dot_general3A_1154 = tpu.matmul %mul3A_1152, %convert_element_type3A_1115, %dot_general3A_1153 {dimension_numbers = #tpu.dot_dimension_numbers<[1], [0], [0], [1], [0, 0, 1, 1], [], []>, transpose_lhs_hint = false} : vector<4608x128xf32>, vector<128x8xf32>, vector<4608x8xf32> -> vector<4608x8xf32>
    %mul3A_1155 = arith.constant 2.500000e-01 : f32
    %mul3A_1156 = vector.broadcast %mul3A_1155 : f32 to vector<4608x8xf32>
    %mul3A_1157 = arith.mulf %dot_general3A_1154, %mul3A_1156 : vector<4608x8xf32>
    %exp3A = math.exp %mul3A_1157 : vector<4608x8xf32>
    %dot_general3A_1158 = arith.constant dense<0.000000e+00> : vector<4608x128xf32>
    %dot_general3A_1159 = tpu.matmul %exp3A, %convert_element_type3A_1151, %dot_general3A_1158 {dimension_numbers = #tpu.dot_dimension_numbers<[1], [0], [0], [1], [0, 0, 1, 1], [], []>, transpose_lhs_hint = false} : vector<4608x8xf32>, vector<8x128xf32>, vector<4608x128xf32> -> vector<4608x128xf32>
    %mul3A_1160 = arith.mulf %add3A_1085, %dot_general3A_1159 : vector<4608x128xf32>
    %slice3A_1161 = vector.extract_strided_slice %mul3A_1160 {offsets = [0, 0], sizes = [128, 128], strides = [1, 1]} : vector<4608x128xf32> to vector<128x128xf32>
    %slice3A_1162 = vector.extract_strided_slice %exp3A {offsets = [0, 0], sizes = [128, 8], strides = [1, 1]} : vector<4608x8xf32> to vector<128x8xf32>
    %slice3A_1163 = vector.extract_strided_slice %mul3A_1160 {offsets = [128, 0], sizes = [128, 128], strides = [1, 1]} : vector<4608x128xf32> to vector<128x128xf32>
    %add3A_1164 = arith.addf %slice3A_1161, %slice3A_1163 : vector<128x128xf32>
    %slice3A_1165 = vector.extract_strided_slice %exp3A {offsets = [128, 0], sizes = [128, 8], strides = [1, 1]} : vector<4608x8xf32> to vector<128x8xf32>
    %add3A_1166 = arith.addf %slice3A_1162, %slice3A_1165 : vector<128x8xf32>
    %slice3A_1167 = vector.extract_strided_slice %mul3A_1160 {offsets = [256, 0], sizes = [128, 128], strides = [1, 1]} : vector<4608x128xf32> to vector<128x128xf32>
    %add3A_1168 = arith.addf %add3A_1164, %slice3A_1167 : vector<128x128xf32>
    %slice3A_1169 = vector.extract_strided_slice %exp3A {offsets = [256, 0], sizes = [128, 8], strides = [1, 1]} : vector<4608x8xf32> to vector<128x8xf32>
    %add3A_1170 = arith.addf %add3A_1166, %slice3A_1169 : vector<128x8xf32>
    %slice3A_1171 = vector.extract_strided_slice %mul3A_1160 {offsets = [384, 0], sizes = [128, 128], strides = [1, 1]} : vector<4608x128xf32> to vector<128x128xf32>
    %add3A_1172 = arith.addf %add3A_1168, %slice3A_1171 : vector<128x128xf32>
    %slice3A_1173 = vector.extract_strided_slice %exp3A {offsets = [384, 0], sizes = [128, 8], strides = [1, 1]} : vector<4608x8xf32> to vector<128x8xf32>
    %add3A_1174 = arith.addf %add3A_1170, %slice3A_1173 : vector<128x8xf32>
    %slice3A_1175 = vector.extract_strided_slice %mul3A_1160 {offsets = [512, 0], sizes = [128, 128], strides = [1, 1]} : vector<4608x128xf32> to vector<128x128xf32>
    %add3A_1176 = arith.addf %add3A_1172, %slice3A_1175 : vector<128x128xf32>
    %slice3A_1177 = vector.extract_strided_slice %exp3A {offsets = [512, 0], sizes = [128, 8], strides = [1, 1]} : vector<4608x8xf32> to vector<128x8xf32>
    %add3A_1178 = arith.addf %add3A_1174, %slice3A_1177 : vector<128x8xf32>
    %slice3A_1179 = vector.extract_strided_slice %mul3A_1160 {offsets = [640, 0], sizes = [128, 128], strides = [1, 1]} : vector<4608x128xf32> to vector<128x128xf32>
    %add3A_1180 = arith.addf %add3A_1176, %slice3A_1179 : vector<128x128xf32>
    %slice3A_1181 = vector.extract_strided_slice %exp3A {offsets = [640, 0], sizes = [128, 8], strides = [1, 1]} : vector<4608x8xf32> to vector<128x8xf32>
    %add3A_1182 = arith.addf %add3A_1178, %slice3A_1181 : vector<128x8xf32>
    %reshape3A = vector.shape_cast %add3A_1180 : vector<128x128xf32> to vector<1x128x128xf32>
    %reshape3A_1183 = vector.shape_cast %add3A_1182 : vector<128x8xf32> to vector<1x128x8xf32>
    %slice3A_1184 = vector.extract_strided_slice %mul3A_1160 {offsets = [768, 0], sizes = [128, 128], strides = [1, 1]} : vector<4608x128xf32> to vector<128x128xf32>
    %slice3A_1185 = vector.extract_strided_slice %exp3A {offsets = [768, 0], sizes = [128, 8], strides = [1, 1]} : vector<4608x8xf32> to vector<128x8xf32>
    %slice3A_1186 = vector.extract_strided_slice %mul3A_1160 {offsets = [896, 0], sizes = [128, 128], strides = [1, 1]} : vector<4608x128xf32> to vector<128x128xf32>
    %add3A_1187 = arith.addf %slice3A_1184, %slice3A_1186 : vector<128x128xf32>
    %slice3A_1188 = vector.extract_strided_slice %exp3A {offsets = [896, 0], sizes = [128, 8], strides = [1, 1]} : vector<4608x8xf32> to vector<128x8xf32>
    %add3A_1189 = arith.addf %slice3A_1185, %slice3A_1188 : vector<128x8xf32>
    %slice3A_1190 = vector.extract_strided_slice %mul3A_1160 {offsets = [1024, 0], sizes = [128, 128], strides = [1, 1]} : vector<4608x128xf32> to vector<128x128xf32>
    %add3A_1191 = arith.addf %add3A_1187, %slice3A_1190 : vector<128x128xf32>
    %slice3A_1192 = vector.extract_strided_slice %exp3A {offsets = [1024, 0], sizes = [128, 8], strides = [1, 1]} : vector<4608x8xf32> to vector<128x8xf32>
    %add3A_1193 = arith.addf %add3A_1189, %slice3A_1192 : vector<128x8xf32>
    %slice3A_1194 = vector.extract_strided_slice %mul3A_1160 {offsets = [1152, 0], sizes = [128, 128], strides = [1, 1]} : vector<4608x128xf32> to vector<128x128xf32>
    %add3A_1195 = arith.addf %add3A_1191, %slice3A_1194 : vector<128x128xf32>
    %slice3A_1196 = vector.extract_strided_slice %exp3A {offsets = [1152, 0], sizes = [128, 8], strides = [1, 1]} : vector<4608x8xf32> to vector<128x8xf32>
    %add3A_1197 = arith.addf %add3A_1193, %slice3A_1196 : vector<128x8xf32>
    %slice3A_1198 = vector.extract_strided_slice %mul3A_1160 {offsets = [1280, 0], sizes = [128, 128], strides = [1, 1]} : vector<4608x128xf32> to vector<128x128xf32>
    %add3A_1199 = arith.addf %add3A_1195, %slice3A_1198 : vector<128x128xf32>
    %slice3A_1200 = vector.extract_strided_slice %exp3A {offsets = [1280, 0], sizes = [128, 8], strides = [1, 1]} : vector<4608x8xf32> to vector<128x8xf32>
    %add3A_1201 = arith.addf %add3A_1197, %slice3A_1200 : vector<128x8xf32>
    %slice3A_1202 = vector.extract_strided_slice %mul3A_1160 {offsets = [1408, 0], sizes = [128, 128], strides = [1, 1]} : vector<4608x128xf32> to vector<128x128xf32>
    %add3A_1203 = arith.addf %add3A_1199, %slice3A_1202 : vector<128x128xf32>
    %slice3A_1204 = vector.extract_strided_slice %exp3A {offsets = [1408, 0], sizes = [128, 8], strides = [1, 1]} : vector<4608x8xf32> to vector<128x8xf32>
    %add3A_1205 = arith.addf %add3A_1201, %slice3A_1204 : vector<128x8xf32>
    %reshape3A_1206 = vector.shape_cast %add3A_1203 : vector<128x128xf32> to vector<1x128x128xf32>
    %reshape3A_1207 = vector.shape_cast %add3A_1205 : vector<128x8xf32> to vector<1x128x8xf32>
    %slice3A_1208 = vector.extract_strided_slice %mul3A_1160 {offsets = [1536, 0], sizes = [128, 128], strides = [1, 1]} : vector<4608x128xf32> to vector<128x128xf32>
    %slice3A_1209 = vector.extract_strided_slice %exp3A {offsets = [1536, 0], sizes = [128, 8], strides = [1, 1]} : vector<4608x8xf32> to vector<128x8xf32>
    %slice3A_1210 = vector.extract_strided_slice %mul3A_1160 {offsets = [1664, 0], sizes = [128, 128], strides = [1, 1]} : vector<4608x128xf32> to vector<128x128xf32>
    %add3A_1211 = arith.addf %slice3A_1208, %slice3A_1210 : vector<128x128xf32>
    %slice3A_1212 = vector.extract_strided_slice %exp3A {offsets = [1664, 0], sizes = [128, 8], strides = [1, 1]} : vector<4608x8xf32> to vector<128x8xf32>
    %add3A_1213 = arith.addf %slice3A_1209, %slice3A_1212 : vector<128x8xf32>
    %slice3A_1214 = vector.extract_strided_slice %mul3A_1160 {offsets = [1792, 0], sizes = [128, 128], strides = [1, 1]} : vector<4608x128xf32> to vector<128x128xf32>
    %add3A_1215 = arith.addf %add3A_1211, %slice3A_1214 : vector<128x128xf32>
    %slice3A_1216 = vector.extract_strided_slice %exp3A {offsets = [1792, 0], sizes = [128, 8], strides = [1, 1]} : vector<4608x8xf32> to vector<128x8xf32>
    %add3A_1217 = arith.addf %add3A_1213, %slice3A_1216 : vector<128x8xf32>
    %slice3A_1218 = vector.extract_strided_slice %mul3A_1160 {offsets = [1920, 0], sizes = [128, 128], strides = [1, 1]} : vector<4608x128xf32> to vector<128x128xf32>
    %add3A_1219 = arith.addf %add3A_1215, %slice3A_1218 : vector<128x128xf32>
    %slice3A_1220 = vector.extract_strided_slice %exp3A {offsets = [1920, 0], sizes = [128, 8], strides = [1, 1]} : vector<4608x8xf32> to vector<128x8xf32>
    %add3A_1221 = arith.addf %add3A_1217, %slice3A_1220 : vector<128x8xf32>
    %slice3A_1222 = vector.extract_strided_slice %mul3A_1160 {offsets = [2048, 0], sizes = [128, 128], strides = [1, 1]} : vector<4608x128xf32> to vector<128x128xf32>
    %add3A_1223 = arith.addf %add3A_1219, %slice3A_1222 : vector<128x128xf32>
    %slice3A_1224 = vector.extract_strided_slice %exp3A {offsets = [2048, 0], sizes = [128, 8], strides = [1, 1]} : vector<4608x8xf32> to vector<128x8xf32>
    %add3A_1225 = arith.addf %add3A_1221, %slice3A_1224 : vector<128x8xf32>
    %slice3A_1226 = vector.extract_strided_slice %mul3A_1160 {offsets = [2176, 0], sizes = [128, 128], strides = [1, 1]} : vector<4608x128xf32> to vector<128x128xf32>
    %add3A_1227 = arith.addf %add3A_1223, %slice3A_1226 : vector<128x128xf32>
    %slice3A_1228 = vector.extract_strided_slice %exp3A {offsets = [2176, 0], sizes = [128, 8], strides = [1, 1]} : vector<4608x8xf32> to vector<128x8xf32>
    %add3A_1229 = arith.addf %add3A_1225, %slice3A_1228 : vector<128x8xf32>
    %reshape3A_1230 = vector.shape_cast %add3A_1227 : vector<128x128xf32> to vector<1x128x128xf32>
    %reshape3A_1231 = vector.shape_cast %add3A_1229 : vector<128x8xf32> to vector<1x128x8xf32>
    %slice3A_1232 = vector.extract_strided_slice %mul3A_1160 {offsets = [2304, 0], sizes = [128, 128], strides = [1, 1]} : vector<4608x128xf32> to vector<128x128xf32>
    %slice3A_1233 = vector.extract_strided_slice %exp3A {offsets = [2304, 0], sizes = [128, 8], strides = [1, 1]} : vector<4608x8xf32> to vector<128x8xf32>
    %slice3A_1234 = vector.extract_strided_slice %mul3A_1160 {offsets = [2432, 0], sizes = [128, 128], strides = [1, 1]} : vector<4608x128xf32> to vector<128x128xf32>
    %add3A_1235 = arith.addf %slice3A_1232, %slice3A_1234 : vector<128x128xf32>
    %slice3A_1236 = vector.extract_strided_slice %exp3A {offsets = [2432, 0], sizes = [128, 8], strides = [1, 1]} : vector<4608x8xf32> to vector<128x8xf32>
    %add3A_1237 = arith.addf %slice3A_1233, %slice3A_1236 : vector<128x8xf32>
    %slice3A_1238 = vector.extract_strided_slice %mul3A_1160 {offsets = [2560, 0], sizes = [128, 128], strides = [1, 1]} : vector<4608x128xf32> to vector<128x128xf32>
    %add3A_1239 = arith.addf %add3A_1235, %slice3A_1238 : vector<128x128xf32>
    %slice3A_1240 = vector.extract_strided_slice %exp3A {offsets = [2560, 0], sizes = [128, 8], strides = [1, 1]} : vector<4608x8xf32> to vector<128x8xf32>
    %add3A_1241 = arith.addf %add3A_1237, %slice3A_1240 : vector<128x8xf32>
    %slice3A_1242 = vector.extract_strided_slice %mul3A_1160 {offsets = [2688, 0], sizes = [128, 128], strides = [1, 1]} : vector<4608x128xf32> to vector<128x128xf32>
    %add3A_1243 = arith.addf %add3A_1239, %slice3A_1242 : vector<128x128xf32>
    %slice3A_1244 = vector.extract_strided_slice %exp3A {offsets = [2688, 0], sizes = [128, 8], strides = [1, 1]} : vector<4608x8xf32> to vector<128x8xf32>
    %add3A_1245 = arith.addf %add3A_1241, %slice3A_1244 : vector<128x8xf32>
    %slice3A_1246 = vector.extract_strided_slice %mul3A_1160 {offsets = [2816, 0], sizes = [128, 128], strides = [1, 1]} : vector<4608x128xf32> to vector<128x128xf32>
    %add3A_1247 = arith.addf %add3A_1243, %slice3A_1246 : vector<128x128xf32>
    %slice3A_1248 = vector.extract_strided_slice %exp3A {offsets = [2816, 0], sizes = [128, 8], strides = [1, 1]} : vector<4608x8xf32> to vector<128x8xf32>
    %add3A_1249 = arith.addf %add3A_1245, %slice3A_1248 : vector<128x8xf32>
    %slice3A_1250 = vector.extract_strided_slice %mul3A_1160 {offsets = [2944, 0], sizes = [128, 128], strides = [1, 1]} : vector<4608x128xf32> to vector<128x128xf32>
    %add3A_1251 = arith.addf %add3A_1247, %slice3A_1250 : vector<128x128xf32>
    %slice3A_1252 = vector.extract_strided_slice %exp3A {offsets = [2944, 0], sizes = [128, 8], strides = [1, 1]} : vector<4608x8xf32> to vector<128x8xf32>
    %add3A_1253 = arith.addf %add3A_1249, %slice3A_1252 : vector<128x8xf32>
    %reshape3A_1254 = vector.shape_cast %add3A_1251 : vector<128x128xf32> to vector<1x128x128xf32>
    %reshape3A_1255 = vector.shape_cast %add3A_1253 : vector<128x8xf32> to vector<1x128x8xf32>
    %slice3A_1256 = vector.extract_strided_slice %mul3A_1160 {offsets = [3072, 0], sizes = [128, 128], strides = [1, 1]} : vector<4608x128xf32> to vector<128x128xf32>
    %slice3A_1257 = vector.extract_strided_slice %exp3A {offsets = [3072, 0], sizes = [128, 8], strides = [1, 1]} : vector<4608x8xf32> to vector<128x8xf32>
    %slice3A_1258 = vector.extract_strided_slice %mul3A_1160 {offsets = [3200, 0], sizes = [128, 128], strides = [1, 1]} : vector<4608x128xf32> to vector<128x128xf32>
    %add3A_1259 = arith.addf %slice3A_1256, %slice3A_1258 : vector<128x128xf32>
    %slice3A_1260 = vector.extract_strided_slice %exp3A {offsets = [3200, 0], sizes = [128, 8], strides = [1, 1]} : vector<4608x8xf32> to vector<128x8xf32>
    %add3A_1261 = arith.addf %slice3A_1257, %slice3A_1260 : vector<128x8xf32>
    %slice3A_1262 = vector.extract_strided_slice %mul3A_1160 {offsets = [3328, 0], sizes = [128, 128], strides = [1, 1]} : vector<4608x128xf32> to vector<128x128xf32>
    %add3A_1263 = arith.addf %add3A_1259, %slice3A_1262 : vector<128x128xf32>
    %slice3A_1264 = vector.extract_strided_slice %exp3A {offsets = [3328, 0], sizes = [128, 8], strides = [1, 1]} : vector<4608x8xf32> to vector<128x8xf32>
    %add3A_1265 = arith.addf %add3A_1261, %slice3A_1264 : vector<128x8xf32>
    %slice3A_1266 = vector.extract_strided_slice %mul3A_1160 {offsets = [3456, 0], sizes = [128, 128], strides = [1, 1]} : vector<4608x128xf32> to vector<128x128xf32>
    %add3A_1267 = arith.addf %add3A_1263, %slice3A_1266 : vector<128x128xf32>
    %slice3A_1268 = vector.extract_strided_slice %exp3A {offsets = [3456, 0], sizes = [128, 8], strides = [1, 1]} : vector<4608x8xf32> to vector<128x8xf32>
    %add3A_1269 = arith.addf %add3A_1265, %slice3A_1268 : vector<128x8xf32>
    %slice3A_1270 = vector.extract_strided_slice %mul3A_1160 {offsets = [3584, 0], sizes = [128, 128], strides = [1, 1]} : vector<4608x128xf32> to vector<128x128xf32>
    %add3A_1271 = arith.addf %add3A_1267, %slice3A_1270 : vector<128x128xf32>
    %slice3A_1272 = vector.extract_strided_slice %exp3A {offsets = [3584, 0], sizes = [128, 8], strides = [1, 1]} : vector<4608x8xf32> to vector<128x8xf32>
    %add3A_1273 = arith.addf %add3A_1269, %slice3A_1272 : vector<128x8xf32>
    %slice3A_1274 = vector.extract_strided_slice %mul3A_1160 {offsets = [3712, 0], sizes = [128, 128], strides = [1, 1]} : vector<4608x128xf32> to vector<128x128xf32>
    %add3A_1275 = arith.addf %add3A_1271, %slice3A_1274 : vector<128x128xf32>
    %slice3A_1276 = vector.extract_strided_slice %exp3A {offsets = [3712, 0], sizes = [128, 8], strides = [1, 1]} : vector<4608x8xf32> to vector<128x8xf32>
    %add3A_1277 = arith.addf %add3A_1273, %slice3A_1276 : vector<128x8xf32>
    %reshape3A_1278 = vector.shape_cast %add3A_1275 : vector<128x128xf32> to vector<1x128x128xf32>
    %reshape3A_1279 = vector.shape_cast %add3A_1277 : vector<128x8xf32> to vector<1x128x8xf32>
    %slice3A_1280 = vector.extract_strided_slice %mul3A_1160 {offsets = [3840, 0], sizes = [128, 128], strides = [1, 1]} : vector<4608x128xf32> to vector<128x128xf32>
    %slice3A_1281 = vector.extract_strided_slice %exp3A {offsets = [3840, 0], sizes = [128, 8], strides = [1, 1]} : vector<4608x8xf32> to vector<128x8xf32>
    %slice3A_1282 = vector.extract_strided_slice %mul3A_1160 {offsets = [3968, 0], sizes = [128, 128], strides = [1, 1]} : vector<4608x128xf32> to vector<128x128xf32>
    %add3A_1283 = arith.addf %slice3A_1280, %slice3A_1282 : vector<128x128xf32>
    %slice3A_1284 = vector.extract_strided_slice %exp3A {offsets = [3968, 0], sizes = [128, 8], strides = [1, 1]} : vector<4608x8xf32> to vector<128x8xf32>
    %add3A_1285 = arith.addf %slice3A_1281, %slice3A_1284 : vector<128x8xf32>
    %slice3A_1286 = vector.extract_strided_slice %mul3A_1160 {offsets = [4096, 0], sizes = [128, 128], strides = [1, 1]} : vector<4608x128xf32> to vector<128x128xf32>
    %add3A_1287 = arith.addf %add3A_1283, %slice3A_1286 : vector<128x128xf32>
    %slice3A_1288 = vector.extract_strided_slice %exp3A {offsets = [4096, 0], sizes = [128, 8], strides = [1, 1]} : vector<4608x8xf32> to vector<128x8xf32>
    %add3A_1289 = arith.addf %add3A_1285, %slice3A_1288 : vector<128x8xf32>
    %slice3A_1290 = vector.extract_strided_slice %mul3A_1160 {offsets = [4224, 0], sizes = [128, 128], strides = [1, 1]} : vector<4608x128xf32> to vector<128x128xf32>
    %add3A_1291 = arith.addf %add3A_1287, %slice3A_1290 : vector<128x128xf32>
    %slice3A_1292 = vector.extract_strided_slice %exp3A {offsets = [4224, 0], sizes = [128, 8], strides = [1, 1]} : vector<4608x8xf32> to vector<128x8xf32>
    %add3A_1293 = arith.addf %add3A_1289, %slice3A_1292 : vector<128x8xf32>
    %slice3A_1294 = vector.extract_strided_slice %mul3A_1160 {offsets = [4352, 0], sizes = [128, 128], strides = [1, 1]} : vector<4608x128xf32> to vector<128x128xf32>
    %add3A_1295 = arith.addf %add3A_1291, %slice3A_1294 : vector<128x128xf32>
    %slice3A_1296 = vector.extract_strided_slice %exp3A {offsets = [4352, 0], sizes = [128, 8], strides = [1, 1]} : vector<4608x8xf32> to vector<128x8xf32>
    %add3A_1297 = arith.addf %add3A_1293, %slice3A_1296 : vector<128x8xf32>
    %slice3A_1298 = vector.extract_strided_slice %mul3A_1160 {offsets = [4480, 0], sizes = [128, 128], strides = [1, 1]} : vector<4608x128xf32> to vector<128x128xf32>
    %add3A_1299 = arith.addf %add3A_1295, %slice3A_1298 : vector<128x128xf32>
    %slice3A_1300 = vector.extract_strided_slice %exp3A {offsets = [4480, 0], sizes = [128, 8], strides = [1, 1]} : vector<4608x8xf32> to vector<128x8xf32>
    %add3A_1301 = arith.addf %add3A_1297, %slice3A_1300 : vector<128x8xf32>
    %reshape3A_1302 = vector.shape_cast %add3A_1299 : vector<128x128xf32> to vector<1x128x128xf32>
    %reshape3A_1303 = vector.shape_cast %add3A_1301 : vector<128x8xf32> to vector<1x128x8xf32>
    %concatenate3A_1304 = tpu.concatenate %reshape3A, %reshape3A_1206, %reshape3A_1230, %reshape3A_1254, %reshape3A_1278, %reshape3A_1302 in 0 : vector<1x128x128xf32>, vector<1x128x128xf32>, vector<1x128x128xf32>, vector<1x128x128xf32>, vector<1x128x128xf32>, vector<1x128x128xf32> -> vector<6x128x128xf32>
    %swap3A = arith.constant 0 : index
    %swap3A_1305 = arith.constant 0 : index
    %swap3A_1306 = arith.constant 0 : index
    %swap3A_1307 = vector.load %arg22[%swap3A, %swap3A_1305, %swap3A_1306] : memref<6x128x128xf32, #tpu.memory_space<vmem>>, vector<6x128x128xf32>
    tpu.vector_store %arg22[%swap3A, %swap3A_1305, %swap3A_1306], %concatenate3A_1304 {strides = array<i32>} : memref<6x128x128xf32, #tpu.memory_space<vmem>>, vector<6x128x128xf32>,
    %concatenate3A_1308 = tpu.concatenate %reshape3A_1183, %reshape3A_1207, %reshape3A_1231, %reshape3A_1255, %reshape3A_1279, %reshape3A_1303 in 0 : vector<1x128x8xf32>, vector<1x128x8xf32>, vector<1x128x8xf32>, vector<1x128x8xf32>, vector<1x128x8xf32>, vector<1x128x8xf32> -> vector<6x128x8xf32>
    %swap3A_1309 = arith.constant 0 : index
    %swap3A_1310 = arith.constant 0 : index
    %swap3A_1311 = arith.constant 0 : index
    %swap3A_1312 = vector.load %arg23[%swap3A_1309, %swap3A_1310, %swap3A_1311] : memref<6x128x8xf32, #tpu.memory_space<vmem>>, vector<6x128x8xf32>
    tpu.vector_store %arg23[%swap3A_1309, %swap3A_1310, %swap3A_1311], %concatenate3A_1308 {strides = array<i32>} : memref<6x128x8xf32, #tpu.memory_space<vmem>>, vector<6x128x8xf32>,
    return
  }
  func.func @transform_0(%arg0: i32) -> (i32, i32) {
    %c0_i32 = arith.constant 0 : i32
    %c0_i32_0 = arith.constant 0 : i32
    return %arg0, %c0_i32 : i32, i32
  }
  func.func @transform_1(%arg0: i32) -> (i32, i32) {
    %c0_i32 = arith.constant 0 : i32
    %c0_i32_0 = arith.constant 0 : i32
    return %arg0, %c0_i32 : i32, i32
  }
  func.func @transform_2(%arg0: i32) -> (i32, i32) {
    %c0_i32 = arith.constant 0 : i32
    %c0_i32_0 = arith.constant 0 : i32
    return %arg0, %c0_i32 : i32, i32
  }
  func.func @transform_3(%arg0: i32) -> (i32, i32) {
    %c0_i32 = arith.constant 0 : i32
    %c0_i32_0 = arith.constant 0 : i32
    return %arg0, %c0_i32 : i32, i32
  }
  func.func @transform_4(%arg0: i32) -> (i32, i32) {
    %c0_i32 = arith.constant 0 : i32
    %c0_i32_0 = arith.constant 0 : i32
    return %arg0, %c0_i32 : i32, i32
  }
  func.func @transform_5(%arg0: i32) -> (i32, i32) {
    %c0_i32 = arith.constant 0 : i32
    %c0_i32_0 = arith.constant 0 : i32
    %c0_i32_1 = arith.constant 0 : i32
    return %c0_i32, %c0_i32_0 : i32, i32
  }
  func.func @transform_6(%arg0: i32) -> (i32, i32, i32) {
    %c0_i32 = arith.constant 0 : i32
    %c0_i32_0 = arith.constant 0 : i32
    %c0_i32_1 = arith.constant 0 : i32
    %c0_i32_2 = arith.constant 0 : i32
    return %c0_i32, %c0_i32_0, %c0_i32_1 : i32, i32, i32
  }
  func.func @transform_7(%arg0: i32) -> (i32, i32) {
    %c0_i32 = arith.constant 0 : i32
    %c0_i32_0 = arith.constant 0 : i32
    %c0_i32_1 = arith.constant 0 : i32
    return %c0_i32, %c0_i32_0 : i32, i32
  }
  func.func @transform_8(%arg0: i32) -> (i32, i32) {
    %c0_i32 = arith.constant 0 : i32
    %c0_i32_0 = arith.constant 0 : i32
    %c0_i32_1 = arith.constant 0 : i32
    return %c0_i32, %c0_i32_0 : i32, i32
  }
  func.func @transform_9(%arg0: i32) -> (i32, i32) {
    %c0_i32 = arith.constant 0 : i32
    %c0_i32_0 = arith.constant 0 : i32
    %c0_i32_1 = arith.constant 0 : i32
    return %c0_i32, %c0_i32_0 : i32, i32
  }
  func.func @transform_10(%arg0: i32) -> (i32, i32, i32) {
    %c0_i32 = arith.constant 0 : i32
    %c0_i32_0 = arith.constant 0 : i32
    %c0_i32_1 = arith.constant 0 : i32
    %c0_i32_2 = arith.constant 0 : i32
    return %c0_i32, %c0_i32_0, %c0_i32_1 : i32, i32, i32
  }
  func.func @transform_11(%arg0: i32) -> (i32, i32) {
    %c0_i32 = arith.constant 0 : i32
    %c0_i32_0 = arith.constant 0 : i32
    %c0_i32_1 = arith.constant 0 : i32
    return %c0_i32, %c0_i32_0 : i32, i32
  }
  func.func @transform_12(%arg0: i32) -> (i32, i32) {
    %c0_i32 = arith.constant 0 : i32
    %c0_i32_0 = arith.constant 0 : i32
    %c0_i32_1 = arith.constant 0 : i32
    return %c0_i32, %c0_i32_0 : i32, i32
  }
  func.func @transform_13(%arg0: i32) -> (i32, i32) {
    %c0_i32 = arith.constant 0 : i32
    %c0_i32_0 = arith.constant 0 : i32
    %c0_i32_1 = arith.constant 0 : i32
    return %c0_i32, %c0_i32_0 : i32, i32
  }
  func.func @transform_14(%arg0: i32) -> (i32, i32) {
    %c0_i32 = arith.constant 0 : i32
    %c0_i32_0 = arith.constant 0 : i32
    %c0_i32_1 = arith.constant 0 : i32
    return %c0_i32, %c0_i32_0 : i32, i32
  }
  func.func @transform_15(%arg0: i32) -> (i32, i32) {
    %c0_i32 = arith.constant 0 : i32
    %c0_i32_0 = arith.constant 0 : i32
    %c0_i32_1 = arith.constant 0 : i32
    return %c0_i32, %c0_i32_0 : i32, i32
  }
  func.func @transform_16(%arg0: i32) -> (i32, i32) {
    %c0_i32 = arith.constant 0 : i32
    %c0_i32_0 = arith.constant 0 : i32
    %c0_i32_1 = arith.constant 0 : i32
    return %c0_i32, %c0_i32_0 : i32, i32
  }
  func.func @transform_17(%arg0: i32) -> (i32, i32) {
    %c0_i32 = arith.constant 0 : i32
    %c0_i32_0 = arith.constant 0 : i32
    %c0_i32_1 = arith.constant 0 : i32
    return %c0_i32, %c0_i32_0 : i32, i32
  }
  func.func @transform_18(%arg0: i32) -> (i32, i32) {
    %c0_i32 = arith.constant 0 : i32
    %c0_i32_0 = arith.constant 0 : i32
    %c0_i32_1 = arith.constant 0 : i32
    return %c0_i32, %c0_i32_0 : i32, i32
  }
  func.func @transform_19(%arg0: i32) -> (i32, i32) {
    %c0_i32 = arith.constant 0 : i32
    %c0_i32_0 = arith.constant 0 : i32
    %c0_i32_1 = arith.constant 0 : i32
    return %c0_i32, %c0_i32_0 : i32, i32
  }
  func.func @transform_20(%arg0: i32) -> (i32, i32) {
    %c0_i32 = arith.constant 0 : i32
    %c0_i32_0 = arith.constant 0 : i32
    %c0_i32_1 = arith.constant 0 : i32
    return %c0_i32, %c0_i32_0 : i32, i32
  }
  func.func @transform_21(%arg0: i32) -> (i32, i32, i32) {
    %c0_i32 = arith.constant 0 : i32
    %c0_i32_0 = arith.constant 0 : i32
    %c0_i32_1 = arith.constant 0 : i32
    return %c0_i32, %arg0, %c0_i32_0 : i32, i32, i32
  }
  func.func @transform_22(%arg0: i32) -> (i32, i32, i32) {
    %c0_i32 = arith.constant 0 : i32
    %c0_i32_0 = arith.constant 0 : i32
    %c0_i32_1 = arith.constant 0 : i32
    return %c0_i32, %arg0, %c0_i32_0 : i32, i32, i32
  }
}

module attributes {stable_mosaic.version = 14 : i64} {
  func.func @_k4_body(%arg0: i32, %arg1: memref<8192xi32, #tpu.memory_space<smem>>, %arg2: memref<128x768xf32, #tpu.memory_space<vmem>>, %arg3: memref<128x48xf32, #tpu.memory_space<vmem>>, %arg4: memref<8192x768xf32, #tpu.memory_space<vmem>>, %arg5: memref<8192x48xf32, #tpu.memory_space<vmem>>) attributes {dimension_semantics = [#tpu.dimension_semantics<arbitrary>], iteration_bounds = array<i64: 64>, scalar_prefetch = 1 : i64, scratch_operands = 0 : i64, tpu.core_type = #tpu.core_type<tc>, window_params = [{transform_indices = @transform_0, window_bounds = array<i64: 128, 768>}, {transform_indices = @transform_1, window_bounds = array<i64: 128, 48>}, {pipeline_mode = #tpu.pipeline_mode<synchronous>, transform_indices = @transform_2, window_bounds = array<i64: 8192, 768>}, {pipeline_mode = #tpu.pipeline_mode<synchronous>, transform_indices = @transform_3, window_bounds = array<i64: 8192, 48>}]} {
    %eq3A = arith.constant 0 : i32
    %eq3A_0 = arith.cmpi eq, %arg0, %eq3A : i32
    %convert_element_type3A = arith.extui %eq3A_0 : i1 to i32
    %cond3A = arith.constant 0 : i32
    %cond3A_1 = arith.cmpi ne, %convert_element_type3A, %cond3A : i32
    scf.if %cond3A_1 {
      %broadcast_in_dim3A = arith.constant 0.000000e+00 : f32
      %broadcast_in_dim3A_6 = vector.broadcast %broadcast_in_dim3A : f32 to vector<8192x768xf32>
      %swap3A = arith.constant 0 : index
      %swap3A_7 = arith.constant 0 : index
      %swap3A_8 = vector.load %arg4[%swap3A, %swap3A_7] : memref<8192x768xf32, #tpu.memory_space<vmem>>, vector<8192x768xf32>
      tpu.vector_store %arg4[%swap3A, %swap3A_7], %broadcast_in_dim3A_6 {strides = array<i32>} : memref<8192x768xf32, #tpu.memory_space<vmem>>, vector<8192x768xf32>,
      %broadcast_in_dim3A_9 = arith.constant 0.000000e+00 : f32
      %broadcast_in_dim3A_10 = vector.broadcast %broadcast_in_dim3A_9 : f32 to vector<8192x48xf32>
      %swap3A_11 = arith.constant 0 : index
      %swap3A_12 = arith.constant 0 : index
      %swap3A_13 = vector.load %arg5[%swap3A_11, %swap3A_12] : memref<8192x48xf32, #tpu.memory_space<vmem>>, vector<8192x48xf32>
      tpu.vector_store %arg5[%swap3A_11, %swap3A_12], %broadcast_in_dim3A_10 {strides = array<i32>} : memref<8192x48xf32, #tpu.memory_space<vmem>>, vector<8192x48xf32>,
    } else {
    }
    %scan3A = arith.constant 0 : i32
    %scan3A_2 = arith.constant 128 : i32
    %scan3A_3 = arith.addi %scan3A, %scan3A_2 : i32
    %scan3A_4 = arith.constant 1 : i32
    scf.for %scan3A_6 = %scan3A to %scan3A_3 step %scan3A_4  : i32 {
      %mul3A = arith.constant 128 : i32
      %mul3A_7 = arith.muli %arg0, %mul3A : i32
      %add3A = arith.addi %mul3A_7, %scan3A_6 : i32
      %get3A = arith.index_cast %add3A : i32 to index
      %get3A_8 = memref.load %arg1[%get3A] : memref<8192xi32, #tpu.memory_space<smem>>
      %get3A_9 = arith.index_cast %get3A_8 : i32 to index
      %get3A_10 = arith.constant 0 : index
      %get3A_11 = vector.load %arg4[%get3A_9, %get3A_10] : memref<8192x768xf32, #tpu.memory_space<vmem>>, vector<1x768xf32>
      %get3A_12 = arith.index_cast %scan3A_6 : i32 to index
      %get3A_13 = arith.constant 0 : index
      %get3A_14 = vector.load %arg2[%get3A_12, %get3A_13] : memref<128x768xf32, #tpu.memory_space<vmem>>, vector<1x768xf32>
      %add3A_15 = arith.addf %get3A_11, %get3A_14 : vector<1x768xf32>
      %swap3A = arith.index_cast %get3A_8 : i32 to index
      %swap3A_16 = arith.constant 0 : index
      %swap3A_17 = vector.load %arg4[%swap3A, %swap3A_16] : memref<8192x768xf32, #tpu.memory_space<vmem>>, vector<1x768xf32>
      tpu.vector_store %arg4[%swap3A, %swap3A_16], %add3A_15 {strides = array<i32>} : memref<8192x768xf32, #tpu.memory_space<vmem>>, vector<1x768xf32>,
      %get3A_18 = arith.index_cast %get3A_8 : i32 to index
      %get3A_19 = arith.constant 0 : index
      %get3A_20 = vector.load %arg5[%get3A_18, %get3A_19] : memref<8192x48xf32, #tpu.memory_space<vmem>>, vector<1x48xf32>
      %get3A_21 = arith.index_cast %scan3A_6 : i32 to index
      %get3A_22 = arith.constant 0 : index
      %get3A_23 = vector.load %arg3[%get3A_21, %get3A_22] : memref<128x48xf32, #tpu.memory_space<vmem>>, vector<1x48xf32>
      %add3A_24 = arith.addf %get3A_20, %get3A_23 : vector<1x48xf32>
      %swap3A_25 = arith.index_cast %get3A_8 : i32 to index
      %swap3A_26 = arith.constant 0 : index
      %swap3A_27 = vector.load %arg5[%swap3A_25, %swap3A_26] : memref<8192x48xf32, #tpu.memory_space<vmem>>, vector<1x48xf32>
      tpu.vector_store %arg5[%swap3A_25, %swap3A_26], %add3A_24 {strides = array<i32>} : memref<8192x48xf32, #tpu.memory_space<vmem>>, vector<1x48xf32>,
    }
    %scan3A_5 = arith.constant 128 : i32
    return
  }
  func.func @transform_0(%arg0: i32, %arg1: memref<8192xi32, #tpu.memory_space<smem>>) -> (i32, i32) {
    %c0_i32 = arith.constant 0 : i32
    %c0_i32_0 = arith.constant 0 : i32
    return %arg0, %c0_i32 : i32, i32
  }
  func.func @transform_1(%arg0: i32, %arg1: memref<8192xi32, #tpu.memory_space<smem>>) -> (i32, i32) {
    %c0_i32 = arith.constant 0 : i32
    %c0_i32_0 = arith.constant 0 : i32
    return %arg0, %c0_i32 : i32, i32
  }
  func.func @transform_2(%arg0: i32, %arg1: memref<8192xi32, #tpu.memory_space<smem>>) -> (i32, i32) {
    %c0_i32 = arith.constant 0 : i32
    %c0_i32_0 = arith.constant 0 : i32
    %c0_i32_1 = arith.constant 0 : i32
    return %c0_i32, %c0_i32_0 : i32, i32
  }
  func.func @transform_3(%arg0: i32, %arg1: memref<8192xi32, #tpu.memory_space<smem>>) -> (i32, i32) {
    %c0_i32 = arith.constant 0 : i32
    %c0_i32_0 = arith.constant 0 : i32
    %c0_i32_1 = arith.constant 0 : i32
    return %c0_i32, %c0_i32_0 : i32, i32
  }
}

module attributes {stable_mosaic.version = 14 : i64} {
  func.func @_k5_body(%arg0: i32, %arg1: memref<512x128xf32, #tpu.memory_space<vmem>>, %arg2: memref<512x128xf32, #tpu.memory_space<vmem>>, %arg3: memref<512x128xf32, #tpu.memory_space<vmem>>, %arg4: memref<512x8xf32, #tpu.memory_space<vmem>>, %arg5: memref<128x128xf32, #tpu.memory_space<vmem>>, %arg6: memref<1x128xf32, #tpu.memory_space<vmem>>, %arg7: memref<128x128xf32, #tpu.memory_space<vmem>>, %arg8: memref<128x128xf32, #tpu.memory_space<vmem>>, %arg9: memref<1x128xf32, #tpu.memory_space<vmem>>, %arg10: memref<128x128xf32, #tpu.memory_space<vmem>>, %arg11: memref<1x128xf32, #tpu.memory_space<vmem>>, %arg12: memref<1x128xf32, #tpu.memory_space<vmem>>, %arg13: memref<1x128xf32, #tpu.memory_space<vmem>>, %arg14: memref<1x128xf32, #tpu.memory_space<vmem>>, %arg15: memref<1x128xf32, #tpu.memory_space<vmem>>, %arg16: memref<128x512xf32, #tpu.memory_space<vmem>>, %arg17: memref<1x512xf32, #tpu.memory_space<vmem>>, %arg18: memref<512x128xf32, #tpu.memory_space<vmem>>, %arg19: memref<1x128xf32, #tpu.memory_space<vmem>>, %arg20: memref<1x128xf32, #tpu.memory_space<vmem>>, %arg21: memref<1x128xf32, #tpu.memory_space<vmem>>, %arg22: memref<512x128xf32, #tpu.memory_space<vmem>>) attributes {dimension_semantics = [#tpu.dimension_semantics<arbitrary>], iteration_bounds = array<i64: 96>, scalar_prefetch = 0 : i64, scratch_operands = 0 : i64, tpu.core_type = #tpu.core_type<tc>, window_params = [{transform_indices = @transform_0, window_bounds = array<i64: 512, 128>}, {transform_indices = @transform_1, window_bounds = array<i64: 512, 128>}, {transform_indices = @transform_2, window_bounds = array<i64: 512, 128>}, {transform_indices = @transform_3, window_bounds = array<i64: 512, 8>}, {pipeline_mode = #tpu.pipeline_mode<synchronous>, transform_indices = @transform_4, window_bounds = array<i64: 128, 128>}, {pipeline_mode = #tpu.pipeline_mode<synchronous>, transform_indices = @transform_5, window_bounds = array<i64: 1, 128>}, {pipeline_mode = #tpu.pipeline_mode<synchronous>, transform_indices = @transform_6, window_bounds = array<i64: 128, 128>}, {pipeline_mode = #tpu.pipeline_mode<synchronous>, transform_indices = @transform_7, window_bounds = array<i64: 128, 128>}, {pipeline_mode = #tpu.pipeline_mode<synchronous>, transform_indices = @transform_8, window_bounds = array<i64: 1, 128>}, {pipeline_mode = #tpu.pipeline_mode<synchronous>, transform_indices = @transform_9, window_bounds = array<i64: 128, 128>}, {pipeline_mode = #tpu.pipeline_mode<synchronous>, transform_indices = @transform_10, window_bounds = array<i64: 1, 128>}, {pipeline_mode = #tpu.pipeline_mode<synchronous>, transform_indices = @transform_11, window_bounds = array<i64: 1, 128>}, {pipeline_mode = #tpu.pipeline_mode<synchronous>, transform_indices = @transform_12, window_bounds = array<i64: 1, 128>}, {pipeline_mode = #tpu.pipeline_mode<synchronous>, transform_indices = @transform_13, window_bounds = array<i64: 1, 128>}, {pipeline_mode = #tpu.pipeline_mode<synchronous>, transform_indices = @transform_14, window_bounds = array<i64: 1, 128>}, {pipeline_mode = #tpu.pipeline_mode<synchronous>, transform_indices = @transform_15, window_bounds = array<i64: 128, 512>}, {pipeline_mode = #tpu.pipeline_mode<synchronous>, transform_indices = @transform_16, window_bounds = array<i64: 1, 512>}, {pipeline_mode = #tpu.pipeline_mode<synchronous>, transform_indices = @transform_17, window_bounds = array<i64: 512, 128>}, {pipeline_mode = #tpu.pipeline_mode<synchronous>, transform_indices = @transform_18, window_bounds = array<i64: 1, 128>}, {pipeline_mode = #tpu.pipeline_mode<synchronous>, transform_indices = @transform_19, window_bounds = array<i64: 1, 128>}, {pipeline_mode = #tpu.pipeline_mode<synchronous>, transform_indices = @transform_20, window_bounds = array<i64: 1, 128>}, {transform_indices = @transform_21, window_bounds = array<i64: 512, 128>}]} {
    %get3A = arith.constant 0 : index
    %get3A_0 = arith.constant 0 : index
    %get3A_1 = vector.load %arg1[%get3A, %get3A_0] : memref<512x128xf32, #tpu.memory_space<vmem>>, vector<512x128xf32>
    %get3A_2 = arith.constant 0 : index
    %get3A_3 = arith.constant 0 : index
    %get3A_4 = vector.load %arg2[%get3A_2, %get3A_3] : memref<512x128xf32, #tpu.memory_space<vmem>>, vector<512x128xf32>
    %iota3A = tpu.iota {dimensions = array<i32: 0>} : vector<8x128xi32>
    %iota3A_5 = tpu.iota {dimensions = array<i32: 1>} : vector<8x128xi32>
    %jit3A = arith.constant 16 : i32
    %div3A = vector.broadcast %jit3A : i32 to vector<8x128xi32>
    %div3A_6 = arith.divsi %iota3A_5, %div3A : vector<8x128xi32>
    %sign3A = arith.constant 0 : i32
    %sign3A_7 = vector.broadcast %sign3A : i32 to vector<8x128xi32>
    %sign3A_8 = arith.cmpi sgt, %iota3A_5, %sign3A_7 : vector<8x128xi32>
    %sign3A_9 = arith.extui %sign3A_8 : vector<8x128xi1> to vector<8x128xi32>
    %sign3A_10 = arith.constant 0 : i32
    %sign3A_11 = vector.broadcast %sign3A_10 : i32 to vector<8x128xi32>
    %sign3A_12 = arith.cmpi slt, %iota3A_5, %sign3A_11 : vector<8x128xi32>
    %sign3A_13 = arith.extui %sign3A_12 : vector<8x128xi1> to vector<8x128xi32>
    %sign3A_14 = arith.subi %sign3A_9, %sign3A_13 : vector<8x128xi32>
    %sign3A_15 = arith.constant 0 : i32
    %sign3A_16 = arith.cmpi sgt, %jit3A, %sign3A_15 : i32
    %sign3A_17 = arith.extui %sign3A_16 : i1 to i32
    %sign3A_18 = arith.constant 0 : i32
    %sign3A_19 = arith.cmpi slt, %jit3A, %sign3A_18 : i32
    %sign3A_20 = arith.extui %sign3A_19 : i1 to i32
    %sign3A_21 = arith.subi %sign3A_17, %sign3A_20 : i32
    %ne3A = vector.broadcast %sign3A_21 : i32 to vector<8x128xi32>
    %ne3A_22 = arith.cmpi ne, %sign3A_14, %ne3A : vector<8x128xi32>
    %rem3A = vector.broadcast %jit3A : i32 to vector<8x128xi32>
    %rem3A_23 = arith.remsi %iota3A_5, %rem3A : vector<8x128xi32>
    %ne3A_24 = arith.constant 0 : i32
    %ne3A_25 = vector.broadcast %ne3A_24 : i32 to vector<8x128xi32>
    %ne3A_26 = arith.cmpi ne, %rem3A_23, %ne3A_25 : vector<8x128xi32>
    %and3A = arith.andi %ne3A_22, %ne3A_26 : vector<8x128xi1>
    %sub3A = arith.constant 1 : i32
    %sub3A_27 = vector.broadcast %sub3A : i32 to vector<8x128xi32>
    %sub3A_28 = arith.subi %div3A_6, %sub3A_27 : vector<8x128xi32>
    %select_n3A = arith.select %and3A, %sub3A_28, %div3A_6 : vector<8x128xi1>, vector<8x128xi32>
    %eq3A = arith.cmpi eq, %iota3A, %select_n3A : vector<8x128xi32>
    %convert_element_type3A = arith.extui %eq3A : vector<8x128xi1> to vector<8x128xi32>
    %convert_element_type3A_29 = arith.sitofp %convert_element_type3A : vector<8x128xi32> to vector<8x128xf32>
    %get3A_30 = arith.constant 0 : index
    %get3A_31 = arith.constant 0 : index
    %get3A_32 = vector.load %arg4[%get3A_30, %get3A_31] : memref<512x8xf32, #tpu.memory_space<vmem>>, vector<512x8xf32>
    %dot_general3A = arith.constant dense<0.000000e+00> : vector<512x128xf32>
    %dot_general3A_33 = tpu.matmul %get3A_32, %convert_element_type3A_29, %dot_general3A {dimension_numbers = #tpu.dot_dimension_numbers<[1], [0], [0], [1], [0, 0, 1, 1], [], []>, transpose_lhs_hint = false} : vector<512x8xf32>, vector<8x128xf32>, vector<512x128xf32> -> vector<512x128xf32>
    %get3A_34 = arith.constant 0 : index
    %get3A_35 = arith.constant 0 : index
    %get3A_36 = vector.load %arg3[%get3A_34, %get3A_35] : memref<512x128xf32, #tpu.memory_space<vmem>>, vector<512x128xf32>
    %add3A = arith.constant 1.000000e-16 : f32
    %add3A_37 = vector.broadcast %add3A : f32 to vector<512x128xf32>
    %add3A_38 = arith.addf %dot_general3A_33, %add3A_37 : vector<512x128xf32>
    %div3A_39 = arith.divf %get3A_36, %add3A_38 : vector<512x128xf32>
    %get3A_40 = arith.constant 0 : index
    %get3A_41 = arith.constant 0 : index
    %get3A_42 = vector.load %arg7[%get3A_40, %get3A_41] : memref<128x128xf32, #tpu.memory_space<vmem>>, vector<128x128xf32>
    %dot_general3A_43 = arith.constant dense<0.000000e+00> : vector<512x128xf32>
    %dot_general3A_44 = tpu.matmul %div3A_39, %get3A_42, %dot_general3A_43 {dimension_numbers = #tpu.dot_dimension_numbers<[1], [0], [0], [1], [0, 0, 1, 1], [], []>, transpose_lhs_hint = false} : vector<512x128xf32>, vector<128x128xf32>, vector<512x128xf32> -> vector<512x128xf32>
    %get3A_45 = arith.constant 0 : index
    %get3A_46 = arith.constant 0 : index
    %get3A_47 = vector.load %arg8[%get3A_45, %get3A_46] : memref<128x128xf32, #tpu.memory_space<vmem>>, vector<128x128xf32>
    %dot_general3A_48 = arith.constant dense<0.000000e+00> : vector<512x128xf32>
    %dot_general3A_49 = tpu.matmul %get3A_4, %get3A_47, %dot_general3A_48 {dimension_numbers = #tpu.dot_dimension_numbers<[1], [0], [0], [1], [0, 0, 1, 1], [], []>, transpose_lhs_hint = false} : vector<512x128xf32>, vector<128x128xf32>, vector<512x128xf32> -> vector<512x128xf32>
    %add3A_50 = arith.addf %dot_general3A_44, %dot_general3A_49 : vector<512x128xf32>
    %get3A_51 = arith.constant 0 : index
    %get3A_52 = arith.constant 0 : index
    %get3A_53 = vector.load %arg9[%get3A_51, %get3A_52] : memref<1x128xf32, #tpu.memory_space<vmem>>, vector<1x128xf32>
    %add3A_54 = vector.broadcast %get3A_53 : vector<1x128xf32> to vector<512x128xf32>
    %add3A_55 = arith.addf %add3A_50, %add3A_54 : vector<512x128xf32>
    %logistic3A = arith.negf %add3A_55 : vector<512x128xf32>
    %logistic3A_56 = math.exp %logistic3A : vector<512x128xf32>
    %logistic3A_57 = arith.constant 1.000000e+00 : f32
    %logistic3A_58 = vector.broadcast %logistic3A_57 : f32 to vector<512x128xf32>
    %logistic3A_59 = arith.addf %logistic3A_58, %logistic3A_56 : vector<512x128xf32>
    %logistic3A_60 = arith.divf %logistic3A_58, %logistic3A_59 : vector<512x128xf32>
    %get3A_61 = arith.constant 0 : index
    %get3A_62 = arith.constant 0 : index
    %get3A_63 = vector.load %arg5[%get3A_61, %get3A_62] : memref<128x128xf32, #tpu.memory_space<vmem>>, vector<128x128xf32>
    %dot_general3A_64 = arith.constant dense<0.000000e+00> : vector<512x128xf32>
    %dot_general3A_65 = tpu.matmul %get3A_4, %get3A_63, %dot_general3A_64 {dimension_numbers = #tpu.dot_dimension_numbers<[1], [0], [0], [1], [0, 0, 1, 1], [], []>, transpose_lhs_hint = false} : vector<512x128xf32>, vector<128x128xf32>, vector<512x128xf32> -> vector<512x128xf32>
    %get3A_66 = arith.constant 0 : index
    %get3A_67 = arith.constant 0 : index
    %get3A_68 = vector.load %arg6[%get3A_66, %get3A_67] : memref<1x128xf32, #tpu.memory_space<vmem>>, vector<1x128xf32>
    %add3A_69 = vector.broadcast %get3A_68 : vector<1x128xf32> to vector<512x128xf32>
    %add3A_70 = arith.addf %dot_general3A_65, %add3A_69 : vector<512x128xf32>
    %sub3A_71 = arith.subf %add3A_70, %div3A_39 : vector<512x128xf32>
    %mul3A = arith.mulf %logistic3A_60, %sub3A_71 : vector<512x128xf32>
    %add3A_72 = arith.addf %div3A_39, %mul3A : vector<512x128xf32>
    %get3A_73 = arith.constant 0 : index
    %get3A_74 = arith.constant 0 : index
    %get3A_75 = vector.load %arg10[%get3A_73, %get3A_74] : memref<128x128xf32, #tpu.memory_space<vmem>>, vector<128x128xf32>
    %dot_general3A_76 = arith.constant dense<0.000000e+00> : vector<512x128xf32>
    %dot_general3A_77 = tpu.matmul %add3A_72, %get3A_75, %dot_general3A_76 {dimension_numbers = #tpu.dot_dimension_numbers<[1], [0], [0], [1], [0, 0, 1, 1], [], []>, transpose_lhs_hint = false} : vector<512x128xf32>, vector<128x128xf32>, vector<512x128xf32> -> vector<512x128xf32>
    %get3A_78 = arith.constant 0 : index
    %get3A_79 = arith.constant 0 : index
    %get3A_80 = vector.load %arg11[%get3A_78, %get3A_79] : memref<1x128xf32, #tpu.memory_space<vmem>>, vector<1x128xf32>
    %add3A_81 = vector.broadcast %get3A_80 : vector<1x128xf32> to vector<512x128xf32>
    %add3A_82 = arith.addf %dot_general3A_77, %add3A_81 : vector<512x128xf32>
    %get3A_83 = arith.constant 0 : index
    %get3A_84 = arith.constant 0 : index
    %get3A_85 = vector.load %arg12[%get3A_83, %get3A_84] : memref<1x128xf32, #tpu.memory_space<vmem>>, vector<1x128xf32>
    %get3A_86 = arith.constant 0 : index
    %get3A_87 = arith.constant 0 : index
    %get3A_88 = vector.load %arg13[%get3A_86, %get3A_87] : memref<1x128xf32, #tpu.memory_space<vmem>>, vector<1x128xf32>
    %reduce_sum3A = arith.constant dense<0.000000e+00> : vector<512xf32>
    %reduce_sum3A_89 = vector.multi_reduction <add>, %add3A_82, %reduce_sum3A [1] : vector<512x128xf32> to vector<512xf32>
    %broadcast_in_dim3A = vector.shape_cast %reduce_sum3A_89 : vector<512xf32> to vector<512x1xf32>
    %div3A_90 = arith.constant 1.280000e+02 : f32
    %div3A_91 = vector.broadcast %div3A_90 : f32 to vector<512x1xf32>
    %div3A_92 = arith.divf %broadcast_in_dim3A, %div3A_91 : vector<512x1xf32>
    %jit3A_93 = arith.constant 0 : i32
    %reduce_sum3A_94 = arith.constant dense<0.000000e+00> : vector<512xf32>
    %reduce_sum3A_95 = vector.multi_reduction <add>, %add3A_82, %reduce_sum3A_94 [1] : vector<512x128xf32> to vector<512xf32>
    %broadcast_in_dim3A_96 = vector.shape_cast %reduce_sum3A_95 : vector<512xf32> to vector<512x1xf32>
    %div3A_97 = arith.constant 1.280000e+02 : f32
    %div3A_98 = vector.broadcast %div3A_97 : f32 to vector<512x1xf32>
    %div3A_99 = arith.divf %broadcast_in_dim3A_96, %div3A_98 : vector<512x1xf32>
    %sub3A_100 = vector.broadcast %div3A_99 : vector<512x1xf32> to vector<512x128xf32>
    %sub3A_101 = arith.subf %add3A_82, %sub3A_100 : vector<512x128xf32>
    %square3A = arith.mulf %sub3A_101, %sub3A_101 : vector<512x128xf32>
    %convert_element_type3A_102 = arith.sitofp %jit3A_93 : i32 to f32
    %sub3A_103 = arith.constant 1.280000e+02 : f32
    %sub3A_104 = arith.subf %sub3A_103, %convert_element_type3A_102 : f32
    %reduce_sum3A_105 = arith.constant dense<0.000000e+00> : vector<512xf32>
    %reduce_sum3A_106 = vector.multi_reduction <add>, %square3A, %reduce_sum3A_105 [1] : vector<512x128xf32> to vector<512xf32>
    %broadcast_in_dim3A_107 = vector.shape_cast %reduce_sum3A_106 : vector<512xf32> to vector<512x1xf32>
    %div3A_108 = vector.broadcast %sub3A_104 : f32 to vector<512x1xf32>
    %div3A_109 = arith.divf %broadcast_in_dim3A_107, %div3A_108 : vector<512x1xf32>
    %gt3A = arith.constant 0.000000e+00 : f32
    %gt3A_110 = arith.cmpf ogt, %sub3A_104, %gt3A : f32
    %jit3A_111 = arith.constant 0x7FC00000 : f32
    %broadcast_in_dim3A_112 = vector.broadcast %jit3A_111 : f32 to vector<512x1xf32>
    %select_n3A_113 = arith.select %gt3A_110, %div3A_109, %broadcast_in_dim3A_112 : vector<512x1xf32>
    %sub3A_114 = vector.broadcast %div3A_92 : vector<512x1xf32> to vector<512x128xf32>
    %sub3A_115 = arith.subf %add3A_82, %sub3A_114 : vector<512x128xf32>
    %add3A_116 = arith.constant 9.99999974E-6 : f32
    %add3A_117 = vector.broadcast %add3A_116 : f32 to vector<512x1xf32>
    %add3A_118 = arith.addf %select_n3A_113, %add3A_117 : vector<512x1xf32>
    %sqrt3A = math.sqrt %add3A_118 : vector<512x1xf32>
    %div3A_119 = vector.broadcast %sqrt3A : vector<512x1xf32> to vector<512x128xf32>
    %div3A_120 = arith.divf %sub3A_115, %div3A_119 : vector<512x128xf32>
    %mul3A_121 = vector.broadcast %get3A_85 : vector<1x128xf32> to vector<512x128xf32>
    %mul3A_122 = arith.mulf %div3A_120, %mul3A_121 : vector<512x128xf32>
    %add3A_123 = vector.broadcast %get3A_88 : vector<1x128xf32> to vector<512x128xf32>
    %add3A_124 = arith.addf %mul3A_122, %add3A_123 : vector<512x128xf32>
    %add3A_125 = arith.addf %get3A_1, %add3A_124 : vector<512x128xf32>
    %get3A_126 = arith.constant 0 : index
    %get3A_127 = arith.constant 0 : index
    %get3A_128 = vector.load %arg14[%get3A_126, %get3A_127] : memref<1x128xf32, #tpu.memory_space<vmem>>, vector<1x128xf32>
    %get3A_129 = arith.constant 0 : index
    %get3A_130 = arith.constant 0 : index
    %get3A_131 = vector.load %arg15[%get3A_129, %get3A_130] : memref<1x128xf32, #tpu.memory_space<vmem>>, vector<1x128xf32>
    %reduce_sum3A_132 = arith.constant dense<0.000000e+00> : vector<512xf32>
    %reduce_sum3A_133 = vector.multi_reduction <add>, %add3A_125, %reduce_sum3A_132 [1] : vector<512x128xf32> to vector<512xf32>
    %broadcast_in_dim3A_134 = vector.shape_cast %reduce_sum3A_133 : vector<512xf32> to vector<512x1xf32>
    %div3A_135 = arith.constant 1.280000e+02 : f32
    %div3A_136 = vector.broadcast %div3A_135 : f32 to vector<512x1xf32>
    %div3A_137 = arith.divf %broadcast_in_dim3A_134, %div3A_136 : vector<512x1xf32>
    %jit3A_138 = arith.constant 0 : i32
    %reduce_sum3A_139 = arith.constant dense<0.000000e+00> : vector<512xf32>
    %reduce_sum3A_140 = vector.multi_reduction <add>, %add3A_125, %reduce_sum3A_139 [1] : vector<512x128xf32> to vector<512xf32>
    %broadcast_in_dim3A_141 = vector.shape_cast %reduce_sum3A_140 : vector<512xf32> to vector<512x1xf32>
    %div3A_142 = arith.constant 1.280000e+02 : f32
    %div3A_143 = vector.broadcast %div3A_142 : f32 to vector<512x1xf32>
    %div3A_144 = arith.divf %broadcast_in_dim3A_141, %div3A_143 : vector<512x1xf32>
    %sub3A_145 = vector.broadcast %div3A_144 : vector<512x1xf32> to vector<512x128xf32>
    %sub3A_146 = arith.subf %add3A_125, %sub3A_145 : vector<512x128xf32>
    %square3A_147 = arith.mulf %sub3A_146, %sub3A_146 : vector<512x128xf32>
    %convert_element_type3A_148 = arith.sitofp %jit3A_138 : i32 to f32
    %sub3A_149 = arith.constant 1.280000e+02 : f32
    %sub3A_150 = arith.subf %sub3A_149, %convert_element_type3A_148 : f32
    %reduce_sum3A_151 = arith.constant dense<0.000000e+00> : vector<512xf32>
    %reduce_sum3A_152 = vector.multi_reduction <add>, %square3A_147, %reduce_sum3A_151 [1] : vector<512x128xf32> to vector<512xf32>
    %broadcast_in_dim3A_153 = vector.shape_cast %reduce_sum3A_152 : vector<512xf32> to vector<512x1xf32>
    %div3A_154 = vector.broadcast %sub3A_150 : f32 to vector<512x1xf32>
    %div3A_155 = arith.divf %broadcast_in_dim3A_153, %div3A_154 : vector<512x1xf32>
    %gt3A_156 = arith.constant 0.000000e+00 : f32
    %gt3A_157 = arith.cmpf ogt, %sub3A_150, %gt3A_156 : f32
    %jit3A_158 = arith.constant 0x7FC00000 : f32
    %broadcast_in_dim3A_159 = vector.broadcast %jit3A_158 : f32 to vector<512x1xf32>
    %select_n3A_160 = arith.select %gt3A_157, %div3A_155, %broadcast_in_dim3A_159 : vector<512x1xf32>
    %sub3A_161 = vector.broadcast %div3A_137 : vector<512x1xf32> to vector<512x128xf32>
    %sub3A_162 = arith.subf %add3A_125, %sub3A_161 : vector<512x128xf32>
    %add3A_163 = arith.constant 9.99999974E-6 : f32
    %add3A_164 = vector.broadcast %add3A_163 : f32 to vector<512x1xf32>
    %add3A_165 = arith.addf %select_n3A_160, %add3A_164 : vector<512x1xf32>
    %sqrt3A_166 = math.sqrt %add3A_165 : vector<512x1xf32>
    %div3A_167 = vector.broadcast %sqrt3A_166 : vector<512x1xf32> to vector<512x128xf32>
    %div3A_168 = arith.divf %sub3A_162, %div3A_167 : vector<512x128xf32>
    %mul3A_169 = vector.broadcast %get3A_128 : vector<1x128xf32> to vector<512x128xf32>
    %mul3A_170 = arith.mulf %div3A_168, %mul3A_169 : vector<512x128xf32>
    %add3A_171 = vector.broadcast %get3A_131 : vector<1x128xf32> to vector<512x128xf32>
    %add3A_172 = arith.addf %mul3A_170, %add3A_171 : vector<512x128xf32>
    %get3A_173 = arith.constant 0 : index
    %get3A_174 = arith.constant 0 : index
    %get3A_175 = vector.load %arg16[%get3A_173, %get3A_174] : memref<128x512xf32, #tpu.memory_space<vmem>>, vector<128x512xf32>
    %dot_general3A_176 = arith.constant dense<0.000000e+00> : vector<512x512xf32>
    %dot_general3A_177 = tpu.matmul %add3A_172, %get3A_175, %dot_general3A_176 {dimension_numbers = #tpu.dot_dimension_numbers<[1], [0], [0], [1], [0, 0, 1, 1], [], []>, transpose_lhs_hint = false} : vector<512x128xf32>, vector<128x512xf32>, vector<512x512xf32> -> vector<512x512xf32>
    %get3A_178 = arith.constant 0 : index
    %get3A_179 = arith.constant 0 : index
    %get3A_180 = vector.load %arg17[%get3A_178, %get3A_179] : memref<1x512xf32, #tpu.memory_space<vmem>>, vector<1x512xf32>
    %add3A_181 = vector.broadcast %get3A_180 : vector<1x512xf32> to vector<512x512xf32>
    %add3A_182 = arith.addf %dot_general3A_177, %add3A_181 : vector<512x512xf32>
    %max3A = arith.constant 0.000000e+00 : f32
    %max3A_183 = vector.broadcast %max3A : f32 to vector<512x512xf32>
    %max3A_184 = arith.maximumf %add3A_182, %max3A_183 : vector<512x512xf32>
    %get3A_185 = arith.constant 0 : index
    %get3A_186 = arith.constant 0 : index
    %get3A_187 = vector.load %arg18[%get3A_185, %get3A_186] : memref<512x128xf32, #tpu.memory_space<vmem>>, vector<512x128xf32>
    %dot_general3A_188 = arith.constant dense<0.000000e+00> : vector<512x128xf32>
    %dot_general3A_189 = tpu.matmul %max3A_184, %get3A_187, %dot_general3A_188 {dimension_numbers = #tpu.dot_dimension_numbers<[1], [0], [0], [1], [0, 0, 1, 1], [], []>, transpose_lhs_hint = false} : vector<512x512xf32>, vector<512x128xf32>, vector<512x128xf32> -> vector<512x128xf32>
    %get3A_190 = arith.constant 0 : index
    %get3A_191 = arith.constant 0 : index
    %get3A_192 = vector.load %arg19[%get3A_190, %get3A_191] : memref<1x128xf32, #tpu.memory_space<vmem>>, vector<1x128xf32>
    %add3A_193 = vector.broadcast %get3A_192 : vector<1x128xf32> to vector<512x128xf32>
    %add3A_194 = arith.addf %dot_general3A_189, %add3A_193 : vector<512x128xf32>
    %get3A_195 = arith.constant 0 : index
    %get3A_196 = arith.constant 0 : index
    %get3A_197 = vector.load %arg20[%get3A_195, %get3A_196] : memref<1x128xf32, #tpu.memory_space<vmem>>, vector<1x128xf32>
    %get3A_198 = arith.constant 0 : index
    %get3A_199 = arith.constant 0 : index
    %get3A_200 = vector.load %arg21[%get3A_198, %get3A_199] : memref<1x128xf32, #tpu.memory_space<vmem>>, vector<1x128xf32>
    %reduce_sum3A_201 = arith.constant dense<0.000000e+00> : vector<512xf32>
    %reduce_sum3A_202 = vector.multi_reduction <add>, %add3A_194, %reduce_sum3A_201 [1] : vector<512x128xf32> to vector<512xf32>
    %broadcast_in_dim3A_203 = vector.shape_cast %reduce_sum3A_202 : vector<512xf32> to vector<512x1xf32>
    %div3A_204 = arith.constant 1.280000e+02 : f32
    %div3A_205 = vector.broadcast %div3A_204 : f32 to vector<512x1xf32>
    %div3A_206 = arith.divf %broadcast_in_dim3A_203, %div3A_205 : vector<512x1xf32>
    %jit3A_207 = arith.constant 0 : i32
    %reduce_sum3A_208 = arith.constant dense<0.000000e+00> : vector<512xf32>
    %reduce_sum3A_209 = vector.multi_reduction <add>, %add3A_194, %reduce_sum3A_208 [1] : vector<512x128xf32> to vector<512xf32>
    %broadcast_in_dim3A_210 = vector.shape_cast %reduce_sum3A_209 : vector<512xf32> to vector<512x1xf32>
    %div3A_211 = arith.constant 1.280000e+02 : f32
    %div3A_212 = vector.broadcast %div3A_211 : f32 to vector<512x1xf32>
    %div3A_213 = arith.divf %broadcast_in_dim3A_210, %div3A_212 : vector<512x1xf32>
    %sub3A_214 = vector.broadcast %div3A_213 : vector<512x1xf32> to vector<512x128xf32>
    %sub3A_215 = arith.subf %add3A_194, %sub3A_214 : vector<512x128xf32>
    %square3A_216 = arith.mulf %sub3A_215, %sub3A_215 : vector<512x128xf32>
    %convert_element_type3A_217 = arith.sitofp %jit3A_207 : i32 to f32
    %sub3A_218 = arith.constant 1.280000e+02 : f32
    %sub3A_219 = arith.subf %sub3A_218, %convert_element_type3A_217 : f32
    %reduce_sum3A_220 = arith.constant dense<0.000000e+00> : vector<512xf32>
    %reduce_sum3A_221 = vector.multi_reduction <add>, %square3A_216, %reduce_sum3A_220 [1] : vector<512x128xf32> to vector<512xf32>
    %broadcast_in_dim3A_222 = vector.shape_cast %reduce_sum3A_221 : vector<512xf32> to vector<512x1xf32>
    %div3A_223 = vector.broadcast %sub3A_219 : f32 to vector<512x1xf32>
    %div3A_224 = arith.divf %broadcast_in_dim3A_222, %div3A_223 : vector<512x1xf32>
    %gt3A_225 = arith.constant 0.000000e+00 : f32
    %gt3A_226 = arith.cmpf ogt, %sub3A_219, %gt3A_225 : f32
    %jit3A_227 = arith.constant 0x7FC00000 : f32
    %broadcast_in_dim3A_228 = vector.broadcast %jit3A_227 : f32 to vector<512x1xf32>
    %select_n3A_229 = arith.select %gt3A_226, %div3A_224, %broadcast_in_dim3A_228 : vector<512x1xf32>
    %sub3A_230 = vector.broadcast %div3A_206 : vector<512x1xf32> to vector<512x128xf32>
    %sub3A_231 = arith.subf %add3A_194, %sub3A_230 : vector<512x128xf32>
    %add3A_232 = arith.constant 9.99999974E-6 : f32
    %add3A_233 = vector.broadcast %add3A_232 : f32 to vector<512x1xf32>
    %add3A_234 = arith.addf %select_n3A_229, %add3A_233 : vector<512x1xf32>
    %sqrt3A_235 = math.sqrt %add3A_234 : vector<512x1xf32>
    %div3A_236 = vector.broadcast %sqrt3A_235 : vector<512x1xf32> to vector<512x128xf32>
    %div3A_237 = arith.divf %sub3A_231, %div3A_236 : vector<512x128xf32>
    %mul3A_238 = vector.broadcast %get3A_197 : vector<1x128xf32> to vector<512x128xf32>
    %mul3A_239 = arith.mulf %div3A_237, %mul3A_238 : vector<512x128xf32>
    %add3A_240 = vector.broadcast %get3A_200 : vector<1x128xf32> to vector<512x128xf32>
    %add3A_241 = arith.addf %mul3A_239, %add3A_240 : vector<512x128xf32>
    %add3A_242 = arith.addf %add3A_125, %add3A_241 : vector<512x128xf32>
    %swap3A = arith.constant 0 : index
    %swap3A_243 = arith.constant 0 : index
    %swap3A_244 = vector.load %arg22[%swap3A, %swap3A_243] : memref<512x128xf32, #tpu.memory_space<vmem>>, vector<512x128xf32>
    tpu.vector_store %arg22[%swap3A, %swap3A_243], %add3A_242 {strides = array<i32>} : memref<512x128xf32, #tpu.memory_space<vmem>>, vector<512x128xf32>,
    return
  }
  func.func @transform_0(%arg0: i32) -> (i32, i32) {
    %c0_i32 = arith.constant 0 : i32
    %c0_i32_0 = arith.constant 0 : i32
    return %arg0, %c0_i32 : i32, i32
  }
  func.func @transform_1(%arg0: i32) -> (i32, i32) {
    %c0_i32 = arith.constant 0 : i32
    %c0_i32_0 = arith.constant 0 : i32
    return %arg0, %c0_i32 : i32, i32
  }
  func.func @transform_2(%arg0: i32) -> (i32, i32) {
    %c0_i32 = arith.constant 0 : i32
    %c0_i32_0 = arith.constant 0 : i32
    return %arg0, %c0_i32 : i32, i32
  }
  func.func @transform_3(%arg0: i32) -> (i32, i32) {
    %c0_i32 = arith.constant 0 : i32
    %c0_i32_0 = arith.constant 0 : i32
    return %arg0, %c0_i32 : i32, i32
  }
  func.func @transform_4(%arg0: i32) -> (i32, i32) {
    %c0_i32 = arith.constant 0 : i32
    %c0_i32_0 = arith.constant 0 : i32
    %c0_i32_1 = arith.constant 0 : i32
    return %c0_i32, %c0_i32_0 : i32, i32
  }
  func.func @transform_5(%arg0: i32) -> (i32, i32) {
    %c0_i32 = arith.constant 0 : i32
    %c0_i32_0 = arith.constant 0 : i32
    %c0_i32_1 = arith.constant 0 : i32
    return %c0_i32, %c0_i32_0 : i32, i32
  }
  func.func @transform_6(%arg0: i32) -> (i32, i32) {
    %c0_i32 = arith.constant 0 : i32
    %c0_i32_0 = arith.constant 0 : i32
    %c0_i32_1 = arith.constant 0 : i32
    return %c0_i32, %c0_i32_0 : i32, i32
  }
  func.func @transform_7(%arg0: i32) -> (i32, i32) {
    %c0_i32 = arith.constant 0 : i32
    %c0_i32_0 = arith.constant 0 : i32
    %c0_i32_1 = arith.constant 0 : i32
    return %c0_i32, %c0_i32_0 : i32, i32
  }
  func.func @transform_8(%arg0: i32) -> (i32, i32) {
    %c0_i32 = arith.constant 0 : i32
    %c0_i32_0 = arith.constant 0 : i32
    %c0_i32_1 = arith.constant 0 : i32
    return %c0_i32, %c0_i32_0 : i32, i32
  }
  func.func @transform_9(%arg0: i32) -> (i32, i32) {
    %c0_i32 = arith.constant 0 : i32
    %c0_i32_0 = arith.constant 0 : i32
    %c0_i32_1 = arith.constant 0 : i32
    return %c0_i32, %c0_i32_0 : i32, i32
  }
  func.func @transform_10(%arg0: i32) -> (i32, i32) {
    %c0_i32 = arith.constant 0 : i32
    %c0_i32_0 = arith.constant 0 : i32
    %c0_i32_1 = arith.constant 0 : i32
    return %c0_i32, %c0_i32_0 : i32, i32
  }
  func.func @transform_11(%arg0: i32) -> (i32, i32) {
    %c0_i32 = arith.constant 0 : i32
    %c0_i32_0 = arith.constant 0 : i32
    %c0_i32_1 = arith.constant 0 : i32
    return %c0_i32, %c0_i32_0 : i32, i32
  }
  func.func @transform_12(%arg0: i32) -> (i32, i32) {
    %c0_i32 = arith.constant 0 : i32
    %c0_i32_0 = arith.constant 0 : i32
    %c0_i32_1 = arith.constant 0 : i32
    return %c0_i32, %c0_i32_0 : i32, i32
  }
  func.func @transform_13(%arg0: i32) -> (i32, i32) {
    %c0_i32 = arith.constant 0 : i32
    %c0_i32_0 = arith.constant 0 : i32
    %c0_i32_1 = arith.constant 0 : i32
    return %c0_i32, %c0_i32_0 : i32, i32
  }
  func.func @transform_14(%arg0: i32) -> (i32, i32) {
    %c0_i32 = arith.constant 0 : i32
    %c0_i32_0 = arith.constant 0 : i32
    %c0_i32_1 = arith.constant 0 : i32
    return %c0_i32, %c0_i32_0 : i32, i32
  }
  func.func @transform_15(%arg0: i32) -> (i32, i32) {
    %c0_i32 = arith.constant 0 : i32
    %c0_i32_0 = arith.constant 0 : i32
    %c0_i32_1 = arith.constant 0 : i32
    return %c0_i32, %c0_i32_0 : i32, i32
  }
  func.func @transform_16(%arg0: i32) -> (i32, i32) {
    %c0_i32 = arith.constant 0 : i32
    %c0_i32_0 = arith.constant 0 : i32
    %c0_i32_1 = arith.constant 0 : i32
    return %c0_i32, %c0_i32_0 : i32, i32
  }
  func.func @transform_17(%arg0: i32) -> (i32, i32) {
    %c0_i32 = arith.constant 0 : i32
    %c0_i32_0 = arith.constant 0 : i32
    %c0_i32_1 = arith.constant 0 : i32
    return %c0_i32, %c0_i32_0 : i32, i32
  }
  func.func @transform_18(%arg0: i32) -> (i32, i32) {
    %c0_i32 = arith.constant 0 : i32
    %c0_i32_0 = arith.constant 0 : i32
    %c0_i32_1 = arith.constant 0 : i32
    return %c0_i32, %c0_i32_0 : i32, i32
  }
  func.func @transform_19(%arg0: i32) -> (i32, i32) {
    %c0_i32 = arith.constant 0 : i32
    %c0_i32_0 = arith.constant 0 : i32
    %c0_i32_1 = arith.constant 0 : i32
    return %c0_i32, %c0_i32_0 : i32, i32
  }
  func.func @transform_20(%arg0: i32) -> (i32, i32) {
    %c0_i32 = arith.constant 0 : i32
    %c0_i32_0 = arith.constant 0 : i32
    %c0_i32_1 = arith.constant 0 : i32
    return %c0_i32, %c0_i32_0 : i32, i32
  }
  func.func @transform_21(%arg0: i32) -> (i32, i32) {
    %c0_i32 = arith.constant 0 : i32
    %c0_i32_0 = arith.constant 0 : i32
    return %arg0, %c0_i32 : i32, i32
  }
}

</mosaic_0001>

<sc_bundles>
// kernel: kernel.7.cloned.1.call-start
scs
__scs_entry_jumppad:
0x0: {  	(pc) =	sbr.rel $0x88, $3  }
0x1: {  	(tag) =	ssettag $0x0;
	lr =	simm.s32 $0x1  }
0x2: {  	[smem:$0x3F73] =	sst lr;
	_ =	strace $0xD0000000  }
0x3: {  	_ = 	snop  }
0x4: {  	_ = 	snop  }
0x5: {  	_ = 	snop  }
0x6: {  	_ = 	snop  }
0x7: {  	_ = 	snop  }
__scs_overlays_trampoline_lowered:
0x8: {  	[smem:$0x3F82] =	sst s0  }
0x9: {  	[smem:$0x3F83] =	sst s1  }
0xa: {  	[smem:$0x3F84] =	sst s2  }
0xb: {  	[smem:$0x3F85] =	sst s3  }
0xc: {  	[smem:$0x3F86] =	sst s4  }
0xd: {  	[smem:$0x3F87] =	sst s5  }
0xe: {  	[smem:$0x3F88] =	sst s6  }
0xf: {  	[smem:$0x3F89] =	sst s7  }
0x10: {  	[smem:$0x3F8A] =	sst s8  }
0x11: {  	[smem:$0x3F8B] =	sst s9;
	s0 =	simm.s32 @!p0 $0x0  }
0x12: {  	s1 =	sld [smem:$0x3F71];
	s0 =	simm.s32 @p0 $0x1  }
0x13: {  	[smem:$0x3F8C] =	sst s0;
	s0 =	simm.s32 @!p1 $0x0  }
0x14: {  	s2 =	sld [smem:$0x3F70];
	s0 =	simm.s32 @p1 $0x1  }
0x15: {  	[smem:$0x3F8D] =	sst s0;
	s0 =	simm.s32 @!p2 $0x0  }
0x16: {  	s3 =	sld [smem:$0x3FDB];
	s0 =	simm.s32 @p2 $0x1  }
0x17: {  	s4 =	simm.s32 $0x1BF5;
	[smem:$0x3F8F] =	sst s0  }
0x18: {  	s0 =	sld [smem:$0x3F72];
	_ =	swait.ge [sflag:s4], $0x0  }
0x19: {  	s7 =	sld [smem:$0x3F73]  }
0x1a: {  	s8 =	sadd.s32 $0xFFFFE003, lr  }
0x1b: {  	s9 =	sadd.s32 $0xFFFFFEF7, lr;
	s5 =	simm.s32 $0xFFFFFFFF;
	p2 =	slt.u32 s8, $0xFFFFF086  }
0x1c: {  	p1 =	slt.u32 s9, $0xF7A;
	s5 =	simm.s32 @!p2 $0x0  }
0x1d: {  	s5 =	simm.s32 @p1 $0x1;
	p0 =	seq.s32 s7, s2  }
0x1e: {  	s7 =	smul.u32 @!p0 $0xF7A, s2;
	p2 =	seq.s32 @!p0 s5, $0x0  }
0x1f: {  	s9 =	smul.u32 $0xF7A, s1;
	s8 =	simm.s32 @!p0 $0x1BF5;
	p2 =	por !p2, p0  }
0x20: {  	[sflag:s8] =	ssyncset.s32 @!p0 $0xFFFFF086;
	s6 =	sadd.s32 @!p0 s3, s7;
	s7 =	simm.s32 @!p0 $0x108  }
0x21: {  	s3 =	sadd.s32 s3, s9;
	s6 =	sadd.s32 @!p0 $0x88, s6;
	s7 =	simm.s32 @p2 $0x1082  }
0x22: {  	[simem:s7], [sflag:s8] =	dma.local @!p0 [hbm:s6], $0xF7A  }
0x23: {  	s9 =	sor.u32 $0xD0000000, s2;
	s6 =	simm.s32 $0x108;
	_ =	swait.ge @!p0 [sflag:s8], $0x0  }
0x24: {  	s3 =	sadd.s32 $0x88, s3;
	s6 =	simm.s32 @!p1 $0x1082;
	[sflag:s4] =	ssyncset.s32 $0xFFFFF086  }
0x25: {  	[simem:s6], [sflag:s4] =	dma.local [hbm:s3], $0xF7A  }
0x26: {  	[smem:$0x3F73] =	sst s1;
	(tag) =	ssettag s2;
	_ =	strace s9  }
0x27: {  	s1 =	sld [smem:$0x3F83]  }
0x28: {  	s2 =	sld [smem:$0x3F84]  }
0x29: {  	s4 =	sld [smem:$0x3F86]  }
0x2a: {  	p0 =	seq.s32 s5, $0x0;
	s5 =	sld [smem:$0x3F87]  }
0x2b: {  	s6 =	sld [smem:$0x3F88]  }
0x2c: {  	s7 =	sld [smem:$0x3F89]  }
0x2d: {  	s3 =	simm.s32 $0x108;
	s8 =	sld [smem:$0x3F8A]  }
0x2e: {  	s3 =	simm.s32 @!p0 $0x1082;
	s9 =	sld [smem:$0x3F8B]  }
0x2f: {  	lr =	sadd.s32 s0, s3;
	s0 =	sld [smem:$0x3F82]  }
0x30: {  	s3 =	sld [smem:$0x3F85]  }
0x31: {  	[smem:$0x3F8E] =	sst s10  }
0x32: {  	s10 =	sld [smem:$0x3F8C];
	_ =	sdelay $0x3  }
0x33: {  	p0 =	seq.s32 s10, $0x1;
	s10 =	sld [smem:$0x3F8E];
	_ =	sdelay $0x3  }
0x34: {  	[smem:$0x3F8E] =	sst s10  }
0x35: {  	s10 =	sld [smem:$0x3F8D];
	_ =	sdelay $0x3  }
0x36: {  	p1 =	seq.s32 s10, $0x1;
	s10 =	sld [smem:$0x3F8E];
	_ =	sdelay $0x3  }
0x37: {  	[smem:$0x3F8E] =	sst s10  }
0x38: {  	s10 =	sld [smem:$0x3F8F]  }
0x39: {  	_ = 	snop;
	(pc) =	sbr.ind lr, $3  }
0x3a: {  	_ = 	snop  }
0x3b: {  	_ = 	snop  }
0x3c: {  	p2 =	seq.s32 s10, $0x1;
	s10 =	sld [smem:$0x3F8E]  }
0x3d: {  	_ =	shalt  }
0x3e: {  	_ =	shalt  }
0x3f: {  	_ =	shalt  }
0x40: {  	_ =	shalt  }
0x41: {  	_ =	shalt  }
0x42: {  	_ =	shalt  }
0x43: {  	_ =	shalt  }
0x44: {  	_ =	shalt  }
0x45: {  	_ =	shalt  }
0x46: {  	_ =	shalt  }
0x47: {  	_ =	shalt  }
0x48: {  	_ =	shalt  }
0x49: {  	_ =	shalt  }
0x4a: {  	_ =	shalt  }
0x4b: {  	_ =	shalt  }
0x4c: {  	_ =	shalt  }
0x4d: {  	_ =	shalt  }
0x4e: {  	_ =	shalt  }
0x4f: {  	_ =	shalt  }
0x50: {  	_ =	shalt  }
0x51: {  	_ =	shalt  }
0x52: {  	_ =	shalt  }
0x53: {  	_ =	shalt  }
0x54: {  	_ =	shalt  }
0x55: {  	_ =	shalt  }
0x56: {  	_ =	shalt  }
0x57: {  	_ =	shalt  }
0x58: {  	_ =	shalt  }
0x59: {  	_ =	shalt  }
0x5a: {  	_ =	shalt  }
0x5b: {  	_ =	shalt  }
0x5c: {  	_ =	shalt  }
0x5d: {  	_ =	shalt  }
0x5e: {  	_ =	shalt  }
0x5f: {  	_ =	shalt  }
0x60: {  	_ =	shalt  }
0x61: {  	_ =	shalt  }
0x62: {  	_ =	shalt  }
0x63: {  	_ =	shalt  }
0x64: {  	_ =	shalt  }
0x65: {  	_ =	shalt  }
0x66: {  	_ =	shalt  }
0x67: {  	_ =	shalt  }
0x68: {  	_ =	shalt  }
0x69: {  	_ =	shalt  }
0x6a: {  	_ =	shalt  }
0x6b: {  	_ =	shalt  }
0x6c: {  	_ =	shalt  }
0x6d: {  	_ =	shalt  }
0x6e: {  	_ =	shalt  }
0x6f: {  	_ =	shalt  }
0x70: {  	_ =	shalt  }
0x71: {  	_ =	shalt  }
0x72: {  	_ =	shalt  }
0x73: {  	_ =	shalt  }
0x74: {  	_ =	shalt  }
0x75: {  	_ =	shalt  }
0x76: {  	_ =	shalt  }
0x77: {  	_ =	shalt  }
0x78: {  	_ =	shalt  }
0x79: {  	_ =	shalt  }
0x7a: {  	_ =	shalt  }
0x7b: {  	_ =	shalt  }
0x7c: {  	_ =	shalt  }
0x7d: {  	_ =	shalt  }
0x7e: {  	_ =	shalt  }
0x7f: {  	_ =	shalt  }
0x80: {  	_ =	shalt  }
0x81: {  	_ =	shalt  }
0x82: {  	_ =	shalt  }
0x83: {  	_ =	shalt  }
0x84: {  	_ =	shalt  }
0x85: {  	_ =	shalt  }
0x86: {  	_ =	shalt  }
0x87: {  	_ =	shalt  }
.Lfunc_end0:
.L_simem_size_0:
called_computation_lowered:
.L_overlay_start_0:
0x88: {  	s2 =	sld [smem:$0x3FD9]  }
0x89: {  	s3 =	sld [smem:$0x3FFE];
	_ =	sdelay $0x1  }
0x8a: {  	s1 =	srdreg.scid  }
0x8b: {  	s0 =	sand.u32 $0x1, s1  }
0x8c: {  	s17 =	sshll.u32 s0, $0xA;
	s2 =	sadd.s32 s3, s2  }
0x8d: {  	s2 =	sadd.s32 s2, s17  }
0x8e: {  	[smem:$0x3F9A] =	sst s2  }
0x8f: {  	_ = 	snop  }
0x90: {  	s2 =	sld [smem:$0x3FD0];
	(tm) =	ssettm $0x1  }
0x91: {  	s18 =	sld [smem:$0x3FFB];
	_ =	sdelay $0x3  }
0x92: {  	_ =	strace s18  }
0x93: {  	s3 =	sld [smem:$0x3FFC];
	_ =	sdelay $0x3  }
0x94: {  	_ =	strace s3  }
0x95: {  	s3 =	sld [smem:$0x3FFD];
	_ =	sdelay $0x3  }
0x96: {  	_ =	strace s3  }
0x97: {  	_ =	strace $0x8FFFFFFF  }
0x98: {  	s19 =	sld [smem:$0x3FDB];
	_ =	sdelay $0x1  }
0x99: {  	s4 =	simm.s32 $_scs_section_size  }
0x9a: {  	s5 =	simm.s32 $_size__tile_overlayer_lowered;
	s6 =	simm.s32 $_tile_overlayer_lowered  }
0x9b: {  	s22 =	simm.s32 $0x1BFF;
	s21 =	sshll.u32 s6, $0x1;
	s3 =	sadd.s32 s4, s19  }
0x9c: {  	s7 =	simm.s32 $0x0;
	s20 =	sshll.u32 s5, $0x1;
	s5 =	sadd.s32 s21, s3  }
0x9d: {  	[timem:s7], [sflag:s22] =	dma.local [hbm:s5], s20  }
0x9e: {  	_ =	swait.ge [sflag:s22], s20  }
0x9f: {  	s4 =	ssub.s32 $0x0, s20;
	[sflag:s22] =	ssyncset.done $0x0  }
0xa0: {  	[sflag:s22] =	ssyncadd.s32 s4;
	_ =	sdelay $0x1  }
0xa1: {  	s23 =	simm.s32 $0x1B8B  }
0xa2: {  	_ =	swait.ge [sflag:s23], $0x1  }
0xa3: {  	[sflag:s23] =	ssyncset.done $0x0  }
0xa4: {  	s25 =	simm.s32 $0x1B8E;
	s24 =	sld [smem:$0x3FFE];
	[sflag:s23] =	ssyncadd.s32 $0xFFFFFFFF  }
0xa5: {  	s26 =	simm.s32 $execute0_lowered;
	[smem:$0x3FD2] =	sst s25  }
0xa6: {  	s5 =	sshll.u32 s26, $0x1;
	_ =	strace $0x80000046;
	[dreg:$0x1] =	wrdreg $0xFFFFFFFF  }
0xa7: {  	s28 =	simm.s32 $_size_execute0_lowered;
	s3 =	sadd.s32 s3, s5;
	[dreg:$0x0] =	wrdreg $0x0  }
0xa8: {  	s5 =	sshll.u32 s28, $0x1;
	[dreg:$0x2] =	wrdreg s3  }
0xa9: {  	[dreg:$0x3] =	wrdreg s5  }
0xaa: {  	[dreg:$0x4] =	wrdreg $0xC0  }
0xab: {  	_ =	task [dreg:s7], $0x5FFFF  }
0xac: {  	[dreg:$0x1] =	wrdreg $0xFFFFFFFF  }
0xad: {  	[dreg:$0x0] =	wrdreg $0x60  }
0xae: {  	[dreg:$0x2] =	wrdreg s2  }
0xaf: {  	[dreg:$0x3] =	wrdreg s24  }
0xb0: {  	[dreg:$0x4] =	wrdreg $0x9  }
0xb1: {  	_ =	task.clear_ibuf [dreg:s7], $0x5FFFF;
	_ =	strace $0x90000046  }
0xb2: {  	s29 =	simm.s32 $0x9;
	_ =	strace $0x80000048  }
0xb3: {  	_ =	swait.ge [sflag:s29], $0x1  }
0xb4: {  	[sflag:s29] =	ssyncadd.s32 $0xFFFFFFFF  }
0xb5: {  	_ =	strace $0x90000048  }
0xb6: {  	_ =	sfence  }
0xb7: {  	s30 =	sld [smem:$0x0];
	_ =	sdelay $0x2  }
0xb8: {  	s31 =	sshll.u32 s1, $0xD;
	s1 =	sshrl.u32 s1, $0x2  }
0xb9: {  	s3 =	sand.u32 $0x4000, s31;
	s1 =	sadd.s32 s1, s30  }
0xba: {  	s0 =	sor.u32 s3, s0;
	s1 =	sshll.u32 s1, $0x11  }
0xbb: {  	s0 =	sor.u32 s1, s0  }
0xbc: {  	s0 =	sadd.s32 $0x8F2B, s0  }
0xbd: {  	[sflag:s0] =	ssyncadd.remote.s32 $0x1  }
0xbe: {  	_ =	sfence.sel $0xFFFF  }
0xbf: {  	[dreg:$0x0] =	wrdreg $0xFFFFFFFF;
	(pc) =	sbr.abs _section_cstart, $3  }
0xc0: {  	[dreg:$0x1] =	wrdreg $0xFFFFFFFF  }
0xc1: {  	_ =	task.clear_ibuf [dreg:s7], $0x2FFFF;
	_ =	strace $0x9FFFFFFF  }
0xc2: {  	(tm) =	ssettm $0x7FFFFFFF  }
0xc3: {  	_ =	shalt  }
tec
execute0_lowered:
.L_overlay_start_1:
0x0: {  	(tag) =	ssettag $0x1  }
0x1: {  	s1 =	rddreg [dreg:$0x0]  }
0x2: {  	s0 =	rddreg [dreg:$0x1]  }
0x3: {  	s2 =	srdreg.scid;
	s3 =	simm.s32 $0x0;
	s4 =	stileid.u32  }
0x4: {  	s13 =	sand.u32 $0x1, s2;
	[smem:$0x7FF] =	sst s3;
	s14 =	sshll.u32 s4, $0x9  }
0x5: {  	s12 =	sadd.s32 $0x8800, s0;
	s7 =	sadd.s32 $0x8C00, s0;
	s15 =	sshll.u32 s13, $0x8  }
0x6: {  	s8 =	sadd.s32 $0x3C9000, s0;
	s2 =	sadd.s32 $0x489000, s0;
	s14 =	sor.u32 s15, s14  }
0x7: {  	s10 =	sadd.s32 $0x1A9000, s0;
	s11 =	sadd.s32 $0x1C9000, s0;
	s4 =	sshrl.u32 s14, $0x3  }
0x8: {  	_ =	strace $0x80000047;
	s19 =	sshll.u32 s14, $0x4;
	s5 =	sadd.s32 s12, s4  }
0x9: {  	s6 =	smul.u32 $0x300, s4;
	s4 =	sadd.s32 s7, s4;
	[dreg:$0x3] =	wrdreg s5  }
0xa: {  	s21 =	sor.u32 $0x40, s14;
	s20 =	sadd.s32 s10, s19;
	[dreg:$0x4] =	wrdreg s4  }
0xb: {  	s22 =	sadd.s32 s11, s19;
	s23 =	sshrl.u32 s21, $0x3;
	[dreg:$0x8] =	wrdreg s20  }
0xc: {  	s28 =	sor.u32 $0x80, s14;
	[dreg:$0x9] =	wrdreg s22;
	s24 =	sadd.s32 s12, s23  }
0xd: {  	s29 =	sshrl.u32 s28, $0x3;
	s5 =	sadd.s32 s7, s23;
	[dreg:$0xa] =	wrdreg s24  }
0xe: {  	s9 =	sadd.s32 $0x549000, s0;
	s30 =	sadd.s32 s12, s29;
	[dreg:$0xb] =	wrdreg s5  }
0xf: {  	s14 =	sor.u32 $0xC0, s14;
	s16 =	sadd.s32 s8, s6;
	[dreg:$0x11] =	wrdreg s30  }
0x10: {  	s15 =	smul.u32 $0x300, s23;
	s17 =	sadd.s32 s2, s6;
	[dreg:$0x5] =	wrdreg s16  }
0x11: {  	s23 =	sshrl.u32 s14, $0x3;
	s18 =	sadd.s32 s9, s6;
	[dreg:$0x6] =	wrdreg s17  }
0x12: {  	s12 =	sadd.s32 s12, s23;
	[dreg:$0x7] =	wrdreg s18  }
0x13: {  	s16 =	sadd.s32 s8, s15;
	[dreg:$0x18] =	wrdreg s12  }
0x14: {  	s31 =	ssub.s32 $0x2, s13;
	s25 =	sadd.s32 s2, s15;
	[dreg:$0xc] =	wrdreg s16  }
0x15: {  	s6 =	sshll.u32 s21, $0x4;
	s15 =	sadd.s32 s9, s15;
	[dreg:$0xd] =	wrdreg s25  }
0x16: {  	s13 =	sshrl.u32 s31, $0x1;
	s26 =	sadd.s32 s10, s6;
	[dreg:$0xe] =	wrdreg s15  }
0x17: {  	s4 =	sadd.s32 $0x9000, s0;
	s6 =	sadd.s32 s11, s6;
	[dreg:$0xf] =	wrdreg s26  }
0x18: {  	s5 =	sadd.s32 $0xC9000, s0;
	s18 =	sadd.s32 $0x189000, s0;
	[dreg:$0x10] =	wrdreg s6  }
0x19: {  	s24 =	smul.u32 $0x300, s23;
	[smem:$0x7FD] =	sst s18;
	s15 =	sadd.s32 s7, s29  }
0x1a: {  	s17 =	smul.u32 $0x300, s29;
	s25 =	sadd.s32 s7, s23;
	[dreg:$0x12] =	wrdreg s15  }
0x1b: {  	s12 =	sadd.s32 $0xC9200, s0;
	s26 =	sadd.s32 s8, s24;
	[dreg:$0x19] =	wrdreg s25  }
0x1c: {  	s16 =	sshll.u32 s28, $0x4;
	s28 =	sadd.s32 s9, s24;
	[dreg:$0x1a] =	wrdreg s26  }
0x1d: {  	s6 =	ssub.s32 s31, s13;
	s18 =	sadd.s32 s8, s17;
	[dreg:$0x1c] =	wrdreg s28  }
0x1e: {  	s7 =	sadd.s32 $0x100, s1;
	s19 =	sadd.s32 s2, s17;
	[dreg:$0x13] =	wrdreg s18  }
0x1f: {  	s29 =	sshll.u32 s14, $0x4;
	s20 =	sadd.s32 s9, s17;
	[dreg:$0x14] =	wrdreg s19  }
0x20: {  	s14 =	simm.s32 $0x2;
	s21 =	sadd.s32 s10, s16;
	[dreg:$0x15] =	wrdreg s20  }
0x21: {  	s23 =	simm.s32 $0x1;
	s22 =	sadd.s32 s11, s16;
	[dreg:$0x16] =	wrdreg s21  }
0x22: {  	s8 =	sadd.s32 $0x200, s1;
	s2 =	sadd.s32 s2, s24;
	[dreg:$0x17] =	wrdreg s22  }
0x23: {  	v2 =	vlaneseq.u32;
	s9 =	sadd.s32 $0x9100, s0;
	s30 =	sadd.s32 s10, s29;
	[dreg:$0x1b] =	wrdreg s2  }
0x24: {  	vm0 =	vmmov $0xffff;
	v1 =	vshrl.u32 v2, $0x3;
	s10 =	sadd.s32 $0x9200, s0;
	s31 =	sadd.s32 s11, s29;
	[dreg:$0x1d] =	wrdreg s30  }
0x25: {  	v0 =	vand.u32 $0x7, v2;
	v2 =	vor.u32 $0x8, v2;
	v1 =	vmul.u32 $0x8, v1;
	s11 =	sadd.s32 $0xC9100, s0;
	s0 =	smax.u32 s6, $0x1;
	[dreg:$0x1e] =	wrdreg s31  }
.LBB2_1:
0x26: {  	[dreg:$0x1f] =	wrdreg s0  }
0x27: {  	s25 =	rddreg [dreg:$0x3]  }
0x28: {  	[tilespmem:s3], [sflag:$0x2] =	stream.linear.gather [hbm4b:s25+s3], $0x40, $0x38;
	[tilespmem:$0xE100] =	vst v63  }
0x29: {  	_ =	swait.ge [sflag:s14], $0x40  }
0x2a: {  	s1 =	rddreg [dreg:$0x4];
	[sflag:s14] =	ssyncset.done $0x0  }
0x2b: {  	s2 =	simm.s32 $0x80;
	[sflag:s14] =	ssyncadd.s32 $0xFFFFFFC0  }
0x2c: {  	[tilespmem:s2], [sflag:$0x2] =	stream.linear.gather [hbm4b:s1+s3], $0x40, $0x38;
	[tilespmem:$0xE100] =	vst v63  }
0x2d: {  	_ =	swait.ge [sflag:s14], $0x40  }
0x2e: {  	[sflag:s14] =	ssyncset.done $0x0  }
0x2f: {  	[sflag:s14] =	ssyncadd.s32 $0xFFFFFFC0  }
0x30: {  	v3 =	vld [tilespmem:$0x0];
	_ =	sdelay $0x4  }
0x31: {  	v4 =	vshrl.u32 v3, $0x3  }
0x32: {  	v4 =	vmul.u32 $0x30, v4  }
0x33: {  	v3 =	vand.u32 $0x7, v3  }
0x34: {  	v3 =	vor.u32 v3, v4  }
0x35: {  	v4 =	vperm.xlane v3, v0;
	_ =	sdelay $0x1  }
0x36: {  	v4 =	vadd.s32 v1, v4;
	_ =	sdelay $0x3  }
0x37: {  	s6 =	simm.s32 $0x100;
	s1 =	rddreg [dreg:$0x0];
	v3 =	vperm.xlane v3, v2  }
0x38: {  	[tilespmem:s6], [sflag:$0x1] =	stream.indirect_vreg.gather [hbm4b:s1+s3], $0x80, v4, vm0, $0xb8;
	[tilespmem:$0xE100] =	vst v63  }
0x39: {  	s13 =	simm.s32 $0x900;
	v3 =	vadd.s32 v1, v3  }
0x3a: {  	[tilespmem:s13], [sflag:$0x1] =	stream.indirect_vreg.gather [hbm4b:s7+s3], $0x80, v4, vm0, $0xb8;
	[tilespmem:$0xE100] =	vst v63  }
0x3b: {  	s15 =	simm.s32 $0x1100  }
0x3c: {  	[tilespmem:s15], [sflag:$0x1] =	stream.indirect_vreg.gather [hbm4b:s8+s3], $0x80, v4, vm0, $0xb8;
	[tilespmem:$0xE100] =	vst v63  }
0x3d: {  	s16 =	simm.s32 $0x1900  }
0x3e: {  	[tilespmem:s16], [sflag:$0x1] =	stream.indirect_vreg.gather [hbm4b:s1+s3], $0x80, v3, vm0, $0xb8;
	[tilespmem:$0xE100] =	vst v63  }
0x3f: {  	s17 =	simm.s32 $0x2100  }
0x40: {  	[tilespmem:s17], [sflag:$0x1] =	stream.indirect_vreg.gather [hbm4b:s7+s3], $0x80, v3, vm0, $0xb8;
	[tilespmem:$0xE100] =	vst v63  }
0x41: {  	s18 =	simm.s32 $0x2900  }
0x42: {  	[tilespmem:s18], [sflag:$0x1] =	stream.indirect_vreg.gather [hbm4b:s8+s3], $0x80, v3, vm0, $0xb8;
	[tilespmem:$0xE100] =	vst v63  }
0x43: {  	v3 =	vld [tilespmem:$0x10];
	_ =	sdelay $0x4  }
0x44: {  	v17 =	vshrl.u32 v3, $0x3  }
0x45: {  	v4 =	vmul.u32 $0x30, v17  }
0x46: {  	v3 =	vand.u32 $0x7, v3  }
0x47: {  	v3 =	vor.u32 v3, v4  }
0x48: {  	v4 =	vperm.xlane v3, v0;
	_ =	sdelay $0x1  }
0x49: {  	v4 =	vadd.s32 v1, v4;
	_ =	sdelay $0x3  }
0x4a: {  	s19 =	simm.s32 $0x3100;
	v3 =	vperm.xlane v3, v2  }
0x4b: {  	[tilespmem:s19], [sflag:$0x1] =	stream.indirect_vreg.gather [hbm4b:s1+s3], $0x80, v4, vm0, $0xb8;
	[tilespmem:$0xE100] =	vst v63  }
0x4c: {  	s20 =	simm.s32 $0x3900;
	v3 =	vadd.s32 v1, v3  }
0x4d: {  	[tilespmem:s20], [sflag:$0x1] =	stream.indirect_vreg.gather [hbm4b:s7+s3], $0x80, v4, vm0, $0xb8;
	[tilespmem:$0xE100] =	vst v63  }
0x4e: {  	s21 =	simm.s32 $0x4100  }
0x4f: {  	[tilespmem:s21], [sflag:$0x1] =	stream.indirect_vreg.gather [hbm4b:s8+s3], $0x80, v4, vm0, $0xb8;
	[tilespmem:$0xE100] =	vst v63  }
0x50: {  	s22 =	simm.s32 $0x4900  }
0x51: {  	[tilespmem:s22], [sflag:$0x1] =	stream.indirect_vreg.gather [hbm4b:s1+s3], $0x80, v3, vm0, $0xb8;
	[tilespmem:$0xE100] =	vst v63  }
0x52: {  	s24 =	simm.s32 $0x5100  }
0x53: {  	[tilespmem:s24], [sflag:$0x1] =	stream.indirect_vreg.gather [hbm4b:s7+s3], $0x80, v3, vm0, $0xb8;
	[tilespmem:$0xE100] =	vst v63  }
0x54: {  	s25 =	simm.s32 $0x5900  }
0x55: {  	[tilespmem:s25], [sflag:$0x1] =	stream.indirect_vreg.gather [hbm4b:s8+s3], $0x80, v3, vm0, $0xb8;
	[tilespmem:$0xE100] =	vst v63  }
0x56: {  	v3 =	vld [tilespmem:$0x20];
	_ =	sdelay $0x4  }
0x57: {  	v18 =	vshrl.u32 v3, $0x3  }
0x58: {  	v4 =	vmul.u32 $0x30, v18  }
0x59: {  	v3 =	vand.u32 $0x7, v3  }
0x5a: {  	v3 =	vor.u32 v3, v4  }
0x5b: {  	v4 =	vperm.xlane v3, v0;
	_ =	sdelay $0x1  }
0x5c: {  	v4 =	vadd.s32 v1, v4;
	_ =	sdelay $0x3  }
0x5d: {  	s28 =	simm.s32 $0x6100;
	v3 =	vperm.xlane v3, v2  }
0x5e: {  	[tilespmem:s28], [sflag:$0x1] =	stream.indirect_vreg.gather [hbm4b:s1+s3], $0x80, v4, vm0, $0xb8;
	[tilespmem:$0xE100] =	vst v63  }
0x5f: {  	s29 =	simm.s32 $0x6900;
	v3 =	vadd.s32 v1, v3  }
0x60: {  	[tilespmem:s29], [sflag:$0x1] =	stream.indirect_vreg.gather [hbm4b:s7+s3], $0x80, v4, vm0, $0xb8;
	[tilespmem:$0xE100] =	vst v63  }
0x61: {  	s31 =	simm.s32 $0x7100  }
0x62: {  	[tilespmem:s31], [sflag:$0x1] =	stream.indirect_vreg.gather [hbm4b:s8+s3], $0x80, v4, vm0, $0xb8;
	[tilespmem:$0xE100] =	vst v63  }
0x63: {  	s18 =	simm.s32 $0x7900  }
0x64: {  	[tilespmem:s18], [sflag:$0x1] =	stream.indirect_vreg.gather [hbm4b:s1+s3], $0x80, v3, vm0, $0xb8;
	[tilespmem:$0xE100] =	vst v63  }
0x65: {  	s25 =	simm.s32 $0x8100  }
0x66: {  	[tilespmem:s25], [sflag:$0x1] =	stream.indirect_vreg.gather [hbm4b:s7+s3], $0x80, v3, vm0, $0xb8;
	[tilespmem:$0xE100] =	vst v63  }
0x67: {  	s28 =	simm.s32 $0x8900  }
0x68: {  	[tilespmem:s28], [sflag:$0x1] =	stream.indirect_vreg.gather [hbm4b:s8+s3], $0x80, v3, vm0, $0xb8;
	[tilespmem:$0xE100] =	vst v63  }
0x69: {  	v3 =	vld [tilespmem:$0x30];
	_ =	sdelay $0x4  }
0x6a: {  	v19 =	vshrl.u32 v3, $0x3  }
0x6b: {  	v4 =	vmul.u32 $0x30, v19  }
0x6c: {  	v3 =	vand.u32 $0x7, v3  }
0x6d: {  	v3 =	vor.u32 v3, v4  }
0x6e: {  	v4 =	vperm.xlane v3, v0;
	_ =	sdelay $0x1  }
0x6f: {  	v4 =	vadd.s32 v1, v4;
	_ =	sdelay $0x3  }
0x70: {  	s29 =	simm.s32 $0x9100;
	v3 =	vperm.xlane v3, v2  }
0x71: {  	[tilespmem:s29], [sflag:$0x1] =	stream.indirect_vreg.gather [hbm4b:s1+s3], $0x80, v4, vm0, $0xb8;
	[tilespmem:$0xE100] =	vst v63  }
0x72: {  	s31 =	simm.s32 $0x9900;
	v3 =	vadd.s32 v1, v3  }
0x73: {  	[tilespmem:s31], [sflag:$0x1] =	stream.indirect_vreg.gather [hbm4b:s7+s3], $0x80, v4, vm0, $0xb8;
	[tilespmem:$0xE100] =	vst v63  }
0x74: {  	s25 =	simm.s32 $0xA100  }
0x75: {  	[tilespmem:s25], [sflag:$0x1] =	stream.indirect_vreg.gather [hbm4b:s8+s3], $0x80, v4, vm0, $0xb8;
	[tilespmem:$0xE100] =	vst v63  }
0x76: {  	s31 =	simm.s32 $0xA900  }
0x77: {  	[tilespmem:s31], [sflag:$0x1] =	stream.indirect_vreg.gather [hbm4b:s1+s3], $0x80, v3, vm0, $0xb8;
	[tilespmem:$0xE100] =	vst v63  }
0x78: {  	s25 =	simm.s32 $0xB100  }
0x79: {  	[tilespmem:s25], [sflag:$0x1] =	stream.indirect_vreg.gather [hbm4b:s7+s3], $0x80, v3, vm0, $0xb8;
	[tilespmem:$0xE100] =	vst v63  }
0x7a: {  	s31 =	simm.s32 $0xB900  }
0x7b: {  	[tilespmem:s31], [sflag:$0x1] =	stream.indirect_vreg.gather [hbm4b:s8+s3], $0x80, v3, vm0, $0xb8;
	[tilespmem:$0xE100] =	vst v63  }
0x7c: {  	_ =	swait.ge [sflag:s23], $0xC000  }
0x7d: {  	[sflag:s23] =	ssyncset.done $0x0  }
0x7e: {  	s0 =	simm.s32 $0x100;
	s25 =	rddreg [dreg:$0x5];
	[sflag:s23] =	ssyncadd.s32 $0xFFFF4000  }
0x7f: {  	[hbm4b:s25+s3] =	stream.linear.scatter [tilespmem:s0], [sflag:$0x2], $0xC000, $0x38;
	[tilespmem:$0xE100] =	vst v63  }
0x80: {  	_ =	swait.ge [sflag:s14], $0xC000  }
0x81: {  	[sflag:s14] =	ssyncset.done $0x0  }
0x82: {  	[sflag:s14] =	ssyncadd.s32 $0xFFFF4000  }
0x83: {  	v3 =	vld [tilespmem:$0x0];
	_ =	sdelay $0x4  }
0x84: {  	v20 =	vshrl.u32 v3, $0x3  }
0x85: {  	v4 =	vmul.u32 $0x30, v20  }
0x86: {  	v3 =	vand.u32 $0x7, v3  }
0x87: {  	v3 =	vor.u32 v3, v4  }
0x88: {  	v4 =	vperm.xlane v3, v0;
	_ =	sdelay $0x1  }
0x89: {  	v4 =	vadd.s32 v1, v4;
	_ =	sdelay $0x3  }
0x8a: {  	v3 =	vperm.xlane v3, v2  }
0x8b: {  	[tilespmem:s0], [sflag:$0x1] =	stream.indirect_vreg.gather [hbm4b:s4+s3], $0x80, v4, vm0, $0xb8;
	[tilespmem:$0xE100] =	vst v63  }
0x8c: {  	s26 =	simm.s32 $0x900;
	v3 =	vadd.s32 v1, v3  }
0x8d: {  	[tilespmem:s26], [sflag:$0x1] =	stream.indirect_vreg.gather [hbm4b:s9+s3], $0x80, v4, vm0, $0xb8;
	[tilespmem:$0xE100] =	vst v63  }
0x8e: {  	s15 =	simm.s32 $0x1100  }
0x8f: {  	[tilespmem:s15], [sflag:$0x1] =	stream.indirect_vreg.gather [hbm4b:s10+s3], $0x80, v4, vm0, $0xb8;
	[tilespmem:$0xE100] =	vst v63  }
0x90: {  	s13 =	simm.s32 $0x1900  }
0x91: {  	[tilespmem:s13], [sflag:$0x1] =	stream.indirect_vreg.gather [hbm4b:s4+s3], $0x80, v3, vm0, $0xb8;
	[tilespmem:$0xE100] =	vst v63  }
0x92: {  	s6 =	simm.s32 $0x2100  }
0x93: {  	[tilespmem:s6], [sflag:$0x1] =	stream.indirect_vreg.gather [hbm4b:s9+s3], $0x80, v3, vm0, $0xb8;
	[tilespmem:$0xE100] =	vst v63  }
0x94: {  	s2 =	simm.s32 $0x2900  }
0x95: {  	[tilespmem:s2], [sflag:$0x1] =	stream.indirect_vreg.gather [hbm4b:s10+s3], $0x80, v3, vm0, $0xb8;
	[tilespmem:$0xE100] =	vst v63  }
0x96: {  	v3 =	vld [tilespmem:$0x10];
	_ =	sdelay $0x4  }
0x97: {  	v21 =	vshrl.u32 v3, $0x3  }
0x98: {  	v4 =	vmul.u32 $0x30, v21  }
0x99: {  	v3 =	vand.u32 $0x7, v3  }
0x9a: {  	v3 =	vor.u32 v3, v4  }
0x9b: {  	v4 =	vperm.xlane v3, v0;
	_ =	sdelay $0x1  }
0x9c: {  	v4 =	vadd.s32 v1, v4;
	_ =	sdelay $0x3  }
0x9d: {  	s17 =	simm.s32 $0x3100;
	v3 =	vperm.xlane v3, v2  }
0x9e: {  	[tilespmem:s17], [sflag:$0x1] =	stream.indirect_vreg.gather [hbm4b:s4+s3], $0x80, v4, vm0, $0xb8;
	[tilespmem:$0xE100] =	vst v63  }
0x9f: {  	s6 =	simm.s32 $0x3900;
	v3 =	vadd.s32 v1, v3  }
0xa0: {  	[tilespmem:s6], [sflag:$0x1] =	stream.indirect_vreg.gather [hbm4b:s9+s3], $0x80, v4, vm0, $0xb8;
	[tilespmem:$0xE100] =	vst v63  }
0xa1: {  	s20 =	simm.s32 $0x4100  }
0xa2: {  	[tilespmem:s20], [sflag:$0x1] =	stream.indirect_vreg.gather [hbm4b:s10+s3], $0x80, v4, vm0, $0xb8;
	[tilespmem:$0xE100] =	vst v63  }
0xa3: {  	s19 =	simm.s32 $0x4900  }
0xa4: {  	[tilespmem:s19], [sflag:$0x1] =	stream.indirect_vreg.gather [hbm4b:s4+s3], $0x80, v3, vm0, $0xb8;
	[tilespmem:$0xE100] =	vst v63  }
0xa5: {  	s21 =	simm.s32 $0x5100  }
0xa6: {  	[tilespmem:s21], [sflag:$0x1] =	stream.indirect_vreg.gather [hbm4b:s9+s3], $0x80, v3, vm0, $0xb8;
	[tilespmem:$0xE100] =	vst v63  }
0xa7: {  	s30 =	simm.s32 $0x5900  }
0xa8: {  	[tilespmem:s30], [sflag:$0x1] =	stream.indirect_vreg.gather [hbm4b:s10+s3], $0x80, v3, vm0, $0xb8;
	[tilespmem:$0xE100] =	vst v63  }
0xa9: {  	v3 =	vld [tilespmem:$0x20];
	_ =	sdelay $0x4  }
0xaa: {  	v22 =	vshrl.u32 v3, $0x3  }
0xab: {  	v4 =	vmul.u32 $0x30, v22  }
0xac: {  	v3 =	vand.u32 $0x7, v3  }
0xad: {  	v3 =	vor.u32 v3, v4  }
0xae: {  	v4 =	vperm.xlane v3, v0;
	_ =	sdelay $0x1  }
0xaf: {  	v4 =	vadd.s32 v1, v4;
	_ =	sdelay $0x3  }
0xb0: {  	s16 =	simm.s32 $0x6100;
	v3 =	vperm.xlane v3, v2  }
0xb1: {  	[tilespmem:s16], [sflag:$0x1] =	stream.indirect_vreg.gather [hbm4b:s4+s3], $0x80, v4, vm0, $0xb8;
	[tilespmem:$0xE100] =	vst v63  }
0xb2: {  	s22 =	simm.s32 $0x6900;
	v3 =	vadd.s32 v1, v3  }
0xb3: {  	[tilespmem:s22], [sflag:$0x1] =	stream.indirect_vreg.gather [hbm4b:s9+s3], $0x80, v4, vm0, $0xb8;
	[tilespmem:$0xE100] =	vst v63  }
0xb4: {  	s24 =	simm.s32 $0x7100  }
0xb5: {  	[tilespmem:s24], [sflag:$0x1] =	stream.indirect_vreg.gather [hbm4b:s10+s3], $0x80, v4, vm0, $0xb8;
	[tilespmem:$0xE100] =	vst v63  }
0xb6: {  	s18 =	simm.s32 $0x7900  }
0xb7: {  	[tilespmem:s18], [sflag:$0x1] =	stream.indirect_vreg.gather [hbm4b:s4+s3], $0x80, v3, vm0, $0xb8;
	[tilespmem:$0xE100] =	vst v63  }
0xb8: {  	s13 =	simm.s32 $0x8100  }
0xb9: {  	[tilespmem:s13], [sflag:$0x1] =	stream.indirect_vreg.gather [hbm4b:s9+s3], $0x80, v3, vm0, $0xb8;
	[tilespmem:$0xE100] =	vst v63  }
0xba: {  	s28 =	simm.s32 $0x8900  }
0xbb: {  	[tilespmem:s28], [sflag:$0x1] =	stream.indirect_vreg.gather [hbm4b:s10+s3], $0x80, v3, vm0, $0xb8;
	[tilespmem:$0xE100] =	vst v63  }
0xbc: {  	v3 =	vld [tilespmem:$0x30];
	_ =	sdelay $0x4  }
0xbd: {  	v23 =	vshrl.u32 v3, $0x3  }
0xbe: {  	v4 =	vmul.u32 $0x30, v23  }
0xbf: {  	v3 =	vand.u32 $0x7, v3  }
0xc0: {  	v3 =	vor.u32 v3, v4  }
0xc1: {  	v4 =	vperm.xlane v3, v0;
	_ =	sdelay $0x1  }
0xc2: {  	v4 =	vadd.s32 v1, v4;
	_ =	sdelay $0x3  }
0xc3: {  	s29 =	simm.s32 $0x9100;
	v3 =	vperm.xlane v3, v2  }
0xc4: {  	[tilespmem:s29], [sflag:$0x1] =	stream.indirect_vreg.gather [hbm4b:s4+s3], $0x80, v4, vm0, $0xb8;
	[tilespmem:$0xE100] =	vst v63  }
0xc5: {  	s0 =	simm.s32 $0x9900;
	v3 =	vadd.s32 v1, v3  }
0xc6: {  	[tilespmem:s0], [sflag:$0x1] =	stream.indirect_vreg.gather [hbm4b:s9+s3], $0x80, v4, vm0, $0xb8;
	[tilespmem:$0xE100] =	vst v63  }
0xc7: {  	s15 =	simm.s32 $0xA100  }
0xc8: {  	[tilespmem:s15], [sflag:$0x1] =	stream.indirect_vreg.gather [hbm4b:s10+s3], $0x80, v4, vm0, $0xb8;
	[tilespmem:$0xE100] =	vst v63  }
0xc9: {  	s16 =	simm.s32 $0xA900  }
0xca: {  	[tilespmem:s16], [sflag:$0x1] =	stream.indirect_vreg.gather [hbm4b:s4+s3], $0x80, v3, vm0, $0xb8;
	[tilespmem:$0xE100] =	vst v63  }
0xcb: {  	s25 =	simm.s32 $0xB100  }
0xcc: {  	[tilespmem:s25], [sflag:$0x1] =	stream.indirect_vreg.gather [hbm4b:s9+s3], $0x80, v3, vm0, $0xb8;
	[tilespmem:$0xE100] =	vst v63  }
0xcd: {  	s31 =	simm.s32 $0xB900  }
0xce: {  	[tilespmem:s31], [sflag:$0x1] =	stream.indirect_vreg.gather [hbm4b:s10+s3], $0x80, v3, vm0, $0xb8;
	[tilespmem:$0xE100] =	vst v63  }
0xcf: {  	_ =	swait.ge [sflag:s23], $0xC000  }
0xd0: {  	[sflag:s23] =	ssyncset.done $0x0  }
0xd1: {  	s31 =	simm.s32 $0x100;
	s25 =	rddreg [dreg:$0x6];
	[sflag:s23] =	ssyncadd.s32 $0xFFFF4000  }
0xd2: {  	[hbm4b:s25+s3] =	stream.linear.scatter [tilespmem:s31], [sflag:$0x2], $0xC000, $0x38;
	[tilespmem:$0xE100] =	vst v63  }
0xd3: {  	_ =	swait.ge [sflag:s14], $0xC000  }
0xd4: {  	[sflag:s14] =	ssyncset.done $0x0  }
0xd5: {  	[sflag:s14] =	ssyncadd.s32 $0xFFFF4000  }
0xd6: {  	v3 =	vld [tilespmem:$0x80];
	_ =	sdelay $0x4  }
0xd7: {  	v24 =	vshrl.u32 v3, $0x3  }
0xd8: {  	v4 =	vmul.u32 $0x30, v24  }
0xd9: {  	v3 =	vand.u32 $0x7, v3  }
0xda: {  	v3 =	vor.u32 v3, v4  }
0xdb: {  	v4 =	vperm.xlane v3, v0;
	_ =	sdelay $0x1  }
0xdc: {  	v4 =	vadd.s32 v1, v4;
	_ =	sdelay $0x3  }
0xdd: {  	v3 =	vperm.xlane v3, v2  }
0xde: {  	[tilespmem:s31], [sflag:$0x1] =	stream.indirect_vreg.gather [hbm4b:s5+s3], $0x80, v4, vm0, $0xb8;
	[tilespmem:$0xE100] =	vst v63  }
0xdf: {  	s25 =	simm.s32 $0x900;
	v3 =	vadd.s32 v1, v3  }
0xe0: {  	[tilespmem:s25], [sflag:$0x1] =	stream.indirect_vreg.gather [hbm4b:s11+s3], $0x80, v4, vm0, $0xb8;
	[tilespmem:$0xE100] =	vst v63  }
0xe1: {  	s25 =	simm.s32 $0x1100  }
0xe2: {  	[tilespmem:s25], [sflag:$0x1] =	stream.indirect_vreg.gather [hbm4b:s12+s3], $0x80, v4, vm0, $0xb8;
	[tilespmem:$0xE100] =	vst v63  }
0xe3: {  	s25 =	simm.s32 $0x1900  }
0xe4: {  	[tilespmem:s25], [sflag:$0x1] =	stream.indirect_vreg.gather [hbm4b:s5+s3], $0x80, v3, vm0, $0xb8;
	[tilespmem:$0xE100] =	vst v63  }
0xe5: {  	s25 =	simm.s32 $0x2100  }
0xe6: {  	[tilespmem:s25], [sflag:$0x1] =	stream.indirect_vreg.gather [hbm4b:s11+s3], $0x80, v3, vm0, $0xb8;
	[tilespmem:$0xE100] =	vst v63  }
0xe7: {  	s25 =	simm.s32 $0x2900  }
0xe8: {  	[tilespmem:s25], [sflag:$0x1] =	stream.indirect_vreg.gather [hbm4b:s12+s3], $0x80, v3, vm0, $0xb8;
	[tilespmem:$0xE100] =	vst v63  }
0xe9: {  	v3 =	vld [tilespmem:$0x90];
	_ =	sdelay $0x4  }
0xea: {  	v25 =	vshrl.u32 v3, $0x3  }
0xeb: {  	v4 =	vmul.u32 $0x30, v25  }
0xec: {  	v3 =	vand.u32 $0x7, v3  }
0xed: {  	v3 =	vor.u32 v3, v4  }
0xee: {  	v4 =	vperm.xlane v3, v0;
	_ =	sdelay $0x1  }
0xef: {  	v4 =	vadd.s32 v1, v4;
	_ =	sdelay $0x3  }
0xf0: {  	s26 =	simm.s32 $0x3100;
	v3 =	vperm.xlane v3, v2  }
0xf1: {  	[tilespmem:s26], [sflag:$0x1] =	stream.indirect_vreg.gather [hbm4b:s5+s3], $0x80, v4, vm0, $0xb8;
	[tilespmem:$0xE100] =	vst v63  }
0xf2: {  	s17 =	simm.s32 $0x3900;
	v3 =	vadd.s32 v1, v3  }
0xf3: {  	[tilespmem:s17], [sflag:$0x1] =	stream.indirect_vreg.gather [hbm4b:s11+s3], $0x80, v4, vm0, $0xb8;
	[tilespmem:$0xE100] =	vst v63  }
0xf4: {  	s20 =	simm.s32 $0x4100  }
0xf5: {  	[tilespmem:s20], [sflag:$0x1] =	stream.indirect_vreg.gather [hbm4b:s12+s3], $0x80, v4, vm0, $0xb8;
	[tilespmem:$0xE100] =	vst v63  }
0xf6: {  	s19 =	simm.s32 $0x4900  }
0xf7: {  	[tilespmem:s19], [sflag:$0x1] =	stream.indirect_vreg.gather [hbm4b:s5+s3], $0x80, v3, vm0, $0xb8;
	[tilespmem:$0xE100] =	vst v63  }
0xf8: {  	s21 =	simm.s32 $0x5100  }
0xf9: {  	[tilespmem:s21], [sflag:$0x1] =	stream.indirect_vreg.gather [hbm4b:s11+s3], $0x80, v3, vm0, $0xb8;
	[tilespmem:$0xE100] =	vst v63  }
0xfa: {  	s30 =	simm.s32 $0x5900  }
0xfb: {  	[tilespmem:s30], [sflag:$0x1] =	stream.indirect_vreg.gather [hbm4b:s12+s3], $0x80, v3, vm0, $0xb8;
	[tilespmem:$0xE100] =	vst v63  }
0xfc: {  	v3 =	vld [tilespmem:$0xA0];
	_ =	sdelay $0x4  }
0xfd: {  	v26 =	vshrl.u32 v3, $0x3  }
0xfe: {  	v4 =	vmul.u32 $0x30, v26  }
0xff: {  	v3 =	vand.u32 $0x7, v3  }
0x100: {  	v3 =	vor.u32 v3, v4  }
0x101: {  	v4 =	vperm.xlane v3, v0;
	_ =	sdelay $0x1  }
0x102: {  	v4 =	vadd.s32 v1, v4;
	_ =	sdelay $0x3  }
0x103: {  	s26 =	simm.s32 $0x6100;
	v3 =	vperm.xlane v3, v2  }
0x104: {  	[tilespmem:s26], [sflag:$0x1] =	stream.indirect_vreg.gather [hbm4b:s5+s3], $0x80, v4, vm0, $0xb8;
	[tilespmem:$0xE100] =	vst v63  }
0x105: {  	s22 =	simm.s32 $0x6900;
	v3 =	vadd.s32 v1, v3  }
0x106: {  	[tilespmem:s22], [sflag:$0x1] =	stream.indirect_vreg.gather [hbm4b:s11+s3], $0x80, v4, vm0, $0xb8;
	[tilespmem:$0xE100] =	vst v63  }
0x107: {  	s24 =	simm.s32 $0x7100  }
0x108: {  	[tilespmem:s24], [sflag:$0x1] =	stream.indirect_vreg.gather [hbm4b:s12+s3], $0x80, v4, vm0, $0xb8;
	[tilespmem:$0xE100] =	vst v63  }
0x109: {  	s18 =	simm.s32 $0x7900  }
0x10a: {  	[tilespmem:s18], [sflag:$0x1] =	stream.indirect_vreg.gather [hbm4b:s5+s3], $0x80, v3, vm0, $0xb8;
	[tilespmem:$0xE100] =	vst v63  }
0x10b: {  	s6 =	simm.s32 $0x8100  }
0x10c: {  	[tilespmem:s6], [sflag:$0x1] =	stream.indirect_vreg.gather [hbm4b:s11+s3], $0x80, v3, vm0, $0xb8;
	[tilespmem:$0xE100] =	vst v63  }
0x10d: {  	s28 =	simm.s32 $0x8900  }
0x10e: {  	[tilespmem:s28], [sflag:$0x1] =	stream.indirect_vreg.gather [hbm4b:s12+s3], $0x80, v3, vm0, $0xb8;
	[tilespmem:$0xE100] =	vst v63  }
0x10f: {  	v3 =	vld [tilespmem:$0xB0];
	_ =	sdelay $0x4  }
0x110: {  	v27 =	vshrl.u32 v3, $0x3  }
0x111: {  	v4 =	vmul.u32 $0x30, v27  }
0x112: {  	v3 =	vand.u32 $0x7, v3  }
0x113: {  	v3 =	vor.u32 v3, v4  }
0x114: {  	v4 =	vperm.xlane v3, v0;
	_ =	sdelay $0x1  }
0x115: {  	v4 =	vadd.s32 v1, v4;
	_ =	sdelay $0x3  }
0x116: {  	s29 =	simm.s32 $0x9100;
	v3 =	vperm.xlane v3, v2  }
0x117: {  	[tilespmem:s29], [sflag:$0x1] =	stream.indirect_vreg.gather [hbm4b:s5+s3], $0x80, v4, vm0, $0xb8;
	[tilespmem:$0xE100] =	vst v63  }
0x118: {  	v3 =	vadd.s32 v1, v3  }
0x119: {  	[tilespmem:s0], [sflag:$0x1] =	stream.indirect_vreg.gather [hbm4b:s11+s3], $0x80, v4, vm0, $0xb8;
	[tilespmem:$0xE100] =	vst v63  }
0x11a: {  	s13 =	simm.s32 $0xA100  }
0x11b: {  	[tilespmem:s13], [sflag:$0x1] =	stream.indirect_vreg.gather [hbm4b:s12+s3], $0x80, v4, vm0, $0xb8;
	[tilespmem:$0xE100] =	vst v63  }
0x11c: {  	s15 =	simm.s32 $0xA900  }
0x11d: {  	[tilespmem:s15], [sflag:$0x1] =	stream.indirect_vreg.gather [hbm4b:s5+s3], $0x80, v3, vm0, $0xb8;
	[tilespmem:$0xE100] =	vst v63  }
0x11e: {  	s16 =	simm.s32 $0xB100  }
0x11f: {  	[tilespmem:s16], [sflag:$0x1] =	stream.indirect_vreg.gather [hbm4b:s11+s3], $0x80, v3, vm0, $0xb8;
	[tilespmem:$0xE100] =	vst v63  }
0x120: {  	s2 =	simm.s32 $0xB900  }
0x121: {  	[tilespmem:s2], [sflag:$0x1] =	stream.indirect_vreg.gather [hbm4b:s12+s3], $0x80, v3, vm0, $0xb8;
	[tilespmem:$0xE100] =	vst v63  }
0x122: {  	_ =	swait.ge [sflag:s23], $0xC000  }
0x123: {  	[sflag:s23] =	ssyncset.done $0x0  }
0x124: {  	s31 =	simm.s32 $0x100;
	s30 =	rddreg [dreg:$0x7];
	[sflag:s23] =	ssyncadd.s32 $0xFFFF4000  }
0x125: {  	[hbm4b:s30+s3] =	stream.linear.scatter [tilespmem:s31], [sflag:$0x2], $0xC000, $0x38;
	[tilespmem:$0xE100] =	vst v63  }
0x126: {  	_ =	swait.ge [sflag:s14], $0xC000  }
0x127: {  	s16 =	sld [smem:$0x7FD]  }
0x128: {  	[sflag:s14] =	ssyncset.done $0x0  }
0x129: {  	s17 =	simm.s32 $0xC100;
	s6 =	simm.s32 $0x40;
	[sflag:s14] =	ssyncadd.s32 $0xFFFF4000  }
0x12a: {  	[tilespmem:s17], [sflag:$0x1] =	stream.indirect.gather [hbm4b:s16+s6], $0x80, s3, s6, $0xb8;
	[tilespmem:$0xE100] =	vst v63  }
0x12b: {  	_ =	swait.ge [sflag:s23], $0x2000  }
0x12c: {  	[sflag:s23] =	ssyncset.done $0x0  }
0x12d: {  	s18 =	rddreg [dreg:$0x8];
	[sflag:s23] =	ssyncadd.s32 $0xFFFFE000  }
0x12e: {  	[hbm4b:s18+s3] =	stream.linear.scatter [tilespmem:s17], [sflag:$0x2], $0x2000, $0x38;
	[tilespmem:$0xE100] =	vst v63  }
0x12f: {  	_ =	swait.ge [sflag:s14], $0x2000  }
0x130: {  	[sflag:s14] =	ssyncset.done $0x0  }
0x131: {  	s19 =	simm.s32 $0x80;
	[sflag:s14] =	ssyncadd.s32 $0xFFFFE000  }
0x132: {  	[tilespmem:s17], [sflag:$0x1] =	stream.indirect.gather [hbm4b:s16+s6], $0x80, s19, s6, $0xb8;
	[tilespmem:$0xE100] =	vst v63  }
0x133: {  	_ =	swait.ge [sflag:s23], $0x2000  }
0x134: {  	[sflag:s23] =	ssyncset.done $0x0  }
0x135: {  	s20 =	rddreg [dreg:$0x9];
	[sflag:s23] =	ssyncadd.s32 $0xFFFFE000  }
0x136: {  	[hbm4b:s20+s3] =	stream.linear.scatter [tilespmem:s17], [sflag:$0x2], $0x2000, $0x38;
	[tilespmem:$0xE100] =	vst v63  }
0x137: {  	_ =	swait.ge [sflag:s14], $0x2000  }
0x138: {  	[sflag:s14] =	ssyncset.done $0x0  }
0x139: {  	s21 =	rddreg [dreg:$0xa];
	[sflag:s14] =	ssyncadd.s32 $0xFFFFE000  }
0x13a: {  	[tilespmem:s3], [sflag:$0x2] =	stream.linear.gather [hbm4b:s21+s3], $0x40, $0x38;
	[tilespmem:$0xE100] =	vst v63  }
0x13b: {  	_ =	swait.ge [sflag:s14], $0x40  }
0x13c: {  	[sflag:s14] =	ssyncset.done $0x0  }
0x13d: {  	s22 =	rddreg [dreg:$0xb];
	[sflag:s14] =	ssyncadd.s32 $0xFFFFFFC0  }
0x13e: {  	[tilespmem:s19], [sflag:$0x2] =	stream.linear.gather [hbm4b:s22+s3], $0x40, $0x38;
	[tilespmem:$0xE100] =	vst v63  }
0x13f: {  	_ =	swait.ge [sflag:s14], $0x40  }
0x140: {  	[sflag:s14] =	ssyncset.done $0x0  }
0x141: {  	[sflag:s14] =	ssyncadd.s32 $0xFFFFFFC0  }
0x142: {  	v3 =	vld [tilespmem:$0x0];
	_ =	sdelay $0x4  }
0x143: {  	v28 =	vshrl.u32 v3, $0x3  }
0x144: {  	v4 =	vmul.u32 $0x30, v28  }
0x145: {  	v3 =	vand.u32 $0x7, v3  }
0x146: {  	v3 =	vor.u32 v3, v4  }
0x147: {  	v4 =	vperm.xlane v3, v0;
	_ =	sdelay $0x1  }
0x148: {  	v4 =	vadd.s32 v1, v4;
	_ =	sdelay $0x3  }
0x149: {  	s31 =	simm.s32 $0x100;
	v3 =	vperm.xlane v3, v2  }
0x14a: {  	[tilespmem:s31], [sflag:$0x1] =	stream.indirect_vreg.gather [hbm4b:s1+s3], $0x80, v4, vm0, $0xb8;
	[tilespmem:$0xE100] =	vst v63  }
0x14b: {  	s26 =	simm.s32 $0x900;
	v3 =	vadd.s32 v1, v3  }
0x14c: {  	[tilespmem:s26], [sflag:$0x1] =	stream.indirect_vreg.gather [hbm4b:s7+s3], $0x80, v4, vm0, $0xb8;
	[tilespmem:$0xE100] =	vst v63  }
0x14d: {  	s28 =	simm.s32 $0x1100  }
0x14e: {  	[tilespmem:s28], [sflag:$0x1] =	stream.indirect_vreg.gather [hbm4b:s8+s3], $0x80, v4, vm0, $0xb8;
	[tilespmem:$0xE100] =	vst v63  }
0x14f: {  	s29 =	simm.s32 $0x1900  }
0x150: {  	[tilespmem:s29], [sflag:$0x1] =	stream.indirect_vreg.gather [hbm4b:s1+s3], $0x80, v3, vm0, $0xb8;
	[tilespmem:$0xE100] =	vst v63  }
0x151: {  	s30 =	simm.s32 $0x2100  }
0x152: {  	[tilespmem:s30], [sflag:$0x1] =	stream.indirect_vreg.gather [hbm4b:s7+s3], $0x80, v3, vm0, $0xb8;
	[tilespmem:$0xE100] =	vst v63  }
0x153: {  	s24 =	simm.s32 $0x2900  }
0x154: {  	[tilespmem:s24], [sflag:$0x1] =	stream.indirect_vreg.gather [hbm4b:s8+s3], $0x80, v3, vm0, $0xb8;
	[tilespmem:$0xE100] =	vst v63  }
0x155: {  	v3 =	vld [tilespmem:$0x10];
	_ =	sdelay $0x4  }
0x156: {  	v29 =	vshrl.u32 v3, $0x3  }
0x157: {  	v4 =	vmul.u32 $0x30, v29  }
0x158: {  	v3 =	vand.u32 $0x7, v3  }
0x159: {  	v3 =	vor.u32 v3, v4  }
0x15a: {  	v4 =	vperm.xlane v3, v0;
	_ =	sdelay $0x1  }
0x15b: {  	v4 =	vadd.s32 v1, v4;
	_ =	sdelay $0x3  }
0x15c: {  	s24 =	simm.s32 $0x3100;
	v3 =	vperm.xlane v3, v2  }
0x15d: {  	[tilespmem:s24], [sflag:$0x1] =	stream.indirect_vreg.gather [hbm4b:s1+s3], $0x80, v4, vm0, $0xb8;
	[tilespmem:$0xE100] =	vst v63  }
0x15e: {  	s15 =	simm.s32 $0x3900;
	v3 =	vadd.s32 v1, v3  }
0x15f: {  	[tilespmem:s15], [sflag:$0x1] =	stream.indirect_vreg.gather [hbm4b:s7+s3], $0x80, v4, vm0, $0xb8;
	[tilespmem:$0xE100] =	vst v63  }
0x160: {  	s19 =	simm.s32 $0x4100  }
0x161: {  	[tilespmem:s19], [sflag:$0x1] =	stream.indirect_vreg.gather [hbm4b:s8+s3], $0x80, v4, vm0, $0xb8;
	[tilespmem:$0xE100] =	vst v63  }
0x162: {  	s18 =	simm.s32 $0x4900  }
0x163: {  	[tilespmem:s18], [sflag:$0x1] =	stream.indirect_vreg.gather [hbm4b:s1+s3], $0x80, v3, vm0, $0xb8;
	[tilespmem:$0xE100] =	vst v63  }
0x164: {  	s20 =	simm.s32 $0x5100  }
0x165: {  	[tilespmem:s20], [sflag:$0x1] =	stream.indirect_vreg.gather [hbm4b:s7+s3], $0x80, v3, vm0, $0xb8;
	[tilespmem:$0xE100] =	vst v63  }
0x166: {  	s31 =	simm.s32 $0x5900  }
0x167: {  	[tilespmem:s31], [sflag:$0x1] =	stream.indirect_vreg.gather [hbm4b:s8+s3], $0x80, v3, vm0, $0xb8;
	[tilespmem:$0xE100] =	vst v63  }
0x168: {  	v3 =	vld [tilespmem:$0x20];
	_ =	sdelay $0x4  }
0x169: {  	v30 =	vshrl.u32 v3, $0x3  }
0x16a: {  	v4 =	vmul.u32 $0x30, v30  }
0x16b: {  	v3 =	vand.u32 $0x7, v3  }
0x16c: {  	v3 =	vor.u32 v3, v4  }
0x16d: {  	v4 =	vperm.xlane v3, v0;
	_ =	sdelay $0x1  }
0x16e: {  	v4 =	vadd.s32 v1, v4;
	_ =	sdelay $0x3  }
0x16f: {  	s25 =	simm.s32 $0x6100;
	v3 =	vperm.xlane v3, v2  }
0x170: {  	[tilespmem:s25], [sflag:$0x1] =	stream.indirect_vreg.gather [hbm4b:s1+s3], $0x80, v4, vm0, $0xb8;
	[tilespmem:$0xE100] =	vst v63  }
0x171: {  	s21 =	simm.s32 $0x6900;
	v3 =	vadd.s32 v1, v3  }
0x172: {  	[tilespmem:s21], [sflag:$0x1] =	stream.indirect_vreg.gather [hbm4b:s7+s3], $0x80, v4, vm0, $0xb8;
	[tilespmem:$0xE100] =	vst v63  }
0x173: {  	s22 =	simm.s32 $0x7100  }
0x174: {  	[tilespmem:s22], [sflag:$0x1] =	stream.indirect_vreg.gather [hbm4b:s8+s3], $0x80, v4, vm0, $0xb8;
	[tilespmem:$0xE100] =	vst v63  }
0x175: {  	s17 =	simm.s32 $0x7900  }
0x176: {  	[tilespmem:s17], [sflag:$0x1] =	stream.indirect_vreg.gather [hbm4b:s1+s3], $0x80, v3, vm0, $0xb8;
	[tilespmem:$0xE100] =	vst v63  }
0x177: {  	s2 =	simm.s32 $0x8100  }
0x178: {  	[tilespmem:s2], [sflag:$0x1] =	stream.indirect_vreg.gather [hbm4b:s7+s3], $0x80, v3, vm0, $0xb8;
	[tilespmem:$0xE100] =	vst v63  }
0x179: {  	s16 =	simm.s32 $0x8900  }
0x17a: {  	[tilespmem:s16], [sflag:$0x1] =	stream.indirect_vreg.gather [hbm4b:s8+s3], $0x80, v3, vm0, $0xb8;
	[tilespmem:$0xE100] =	vst v63  }
0x17b: {  	v3 =	vld [tilespmem:$0x30];
	_ =	sdelay $0x4  }
0x17c: {  	v31 =	vshrl.u32 v3, $0x3  }
0x17d: {  	v4 =	vmul.u32 $0x30, v31  }
0x17e: {  	v3 =	vand.u32 $0x7, v3  }
0x17f: {  	v3 =	vor.u32 v3, v4  }
0x180: {  	v4 =	vperm.xlane v3, v0;
	_ =	sdelay $0x1  }
0x181: {  	v4 =	vadd.s32 v1, v4;
	_ =	sdelay $0x3  }
0x182: {  	s6 =	simm.s32 $0x9100;
	v3 =	vperm.xlane v3, v2  }
0x183: {  	[tilespmem:s6], [sflag:$0x1] =	stream.indirect_vreg.gather [hbm4b:s1+s3], $0x80, v4, vm0, $0xb8;
	[tilespmem:$0xE100] =	vst v63  }
0x184: {  	s13 =	simm.s32 $0x9900;
	v3 =	vadd.s32 v1, v3  }
0x185: {  	[tilespmem:s13], [sflag:$0x1] =	stream.indirect_vreg.gather [hbm4b:s7+s3], $0x80, v4, vm0, $0xb8;
	[tilespmem:$0xE100] =	vst v63  }
0x186: {  	s2 =	simm.s32 $0xA100  }
0x187: {  	[tilespmem:s2], [sflag:$0x1] =	stream.indirect_vreg.gather [hbm4b:s8+s3], $0x80, v4, vm0, $0xb8;
	[tilespmem:$0xE100] =	vst v63  }
0x188: {  	s6 =	simm.s32 $0xA900  }
0x189: {  	[tilespmem:s6], [sflag:$0x1] =	stream.indirect_vreg.gather [hbm4b:s1+s3], $0x80, v3, vm0, $0xb8;
	[tilespmem:$0xE100] =	vst v63  }
0x18a: {  	s13 =	simm.s32 $0xB100  }
0x18b: {  	[tilespmem:s13], [sflag:$0x1] =	stream.indirect_vreg.gather [hbm4b:s7+s3], $0x80, v3, vm0, $0xb8;
	[tilespmem:$0xE100] =	vst v63  }
0x18c: {  	s25 =	simm.s32 $0xB900  }
0x18d: {  	[tilespmem:s25], [sflag:$0x1] =	stream.indirect_vreg.gather [hbm4b:s8+s3], $0x80, v3, vm0, $0xb8;
	[tilespmem:$0xE100] =	vst v63  }
0x18e: {  	_ =	swait.ge [sflag:s23], $0xC000  }
0x18f: {  	[sflag:s23] =	ssyncset.done $0x0  }
0x190: {  	s0 =	simm.s32 $0x100;
	s25 =	rddreg [dreg:$0xc];
	[sflag:s23] =	ssyncadd.s32 $0xFFFF4000  }
0x191: {  	[hbm4b:s25+s3] =	stream.linear.scatter [tilespmem:s0], [sflag:$0x2], $0xC000, $0x38;
	[tilespmem:$0xE100] =	vst v63  }
0x192: {  	_ =	swait.ge [sflag:s14], $0xC000  }
0x193: {  	[sflag:s14] =	ssyncset.done $0x0  }
0x194: {  	[sflag:s14] =	ssyncadd.s32 $0xFFFF4000  }
0x195: {  	v3 =	vld [tilespmem:$0x0];
	_ =	sdelay $0x4  }
0x196: {  	v32 =	vshrl.u32 v3, $0x3  }
0x197: {  	v4 =	vmul.u32 $0x30, v32  }
0x198: {  	v3 =	vand.u32 $0x7, v3  }
0x199: {  	v3 =	vor.u32 v3, v4  }
0x19a: {  	v4 =	vperm.xlane v3, v0;
	_ =	sdelay $0x1  }
0x19b: {  	v4 =	vadd.s32 v1, v4;
	_ =	sdelay $0x3  }
0x19c: {  	v3 =	vperm.xlane v3, v2  }
0x19d: {  	[tilespmem:s0], [sflag:$0x1] =	stream.indirect_vreg.gather [hbm4b:s4+s3], $0x80, v4, vm0, $0xb8;
	[tilespmem:$0xE100] =	vst v63  }
0x19e: {  	v3 =	vadd.s32 v1, v3  }
0x19f: {  	[tilespmem:s26], [sflag:$0x1] =	stream.indirect_vreg.gather [hbm4b:s9+s3], $0x80, v4, vm0, $0xb8;
	[tilespmem:$0xE100] =	vst v63  }
0x1a0: {  	_ = 	snop  }
0x1a1: {  	[tilespmem:s28], [sflag:$0x1] =	stream.indirect_vreg.gather [hbm4b:s10+s3], $0x80, v4, vm0, $0xb8;
	[tilespmem:$0xE100] =	vst v63  }
0x1a2: {  	_ = 	snop  }
0x1a3: {  	[tilespmem:s29], [sflag:$0x1] =	stream.indirect_vreg.gather [hbm4b:s4+s3], $0x80, v3, vm0, $0xb8;
	[tilespmem:$0xE100] =	vst v63  }
0x1a4: {  	_ = 	snop  }
0x1a5: {  	[tilespmem:s30], [sflag:$0x1] =	stream.indirect_vreg.gather [hbm4b:s9+s3], $0x80, v3, vm0, $0xb8;
	[tilespmem:$0xE100] =	vst v63  }
0x1a6: {  	s30 =	simm.s32 $0x2900  }
0x1a7: {  	[tilespmem:s30], [sflag:$0x1] =	stream.indirect_vreg.gather [hbm4b:s10+s3], $0x80, v3, vm0, $0xb8;
	[tilespmem:$0xE100] =	vst v63  }
0x1a8: {  	v3 =	vld [tilespmem:$0x10];
	_ =	sdelay $0x4  }
0x1a9: {  	v33 =	vshrl.u32 v3, $0x3  }
0x1aa: {  	v4 =	vmul.u32 $0x30, v33  }
0x1ab: {  	v3 =	vand.u32 $0x7, v3  }
0x1ac: {  	v3 =	vor.u32 v3, v4  }
0x1ad: {  	v4 =	vperm.xlane v3, v0;
	_ =	sdelay $0x1  }
0x1ae: {  	v4 =	vadd.s32 v1, v4;
	_ =	sdelay $0x3  }
0x1af: {  	v3 =	vperm.xlane v3, v2  }
0x1b0: {  	[tilespmem:s24], [sflag:$0x1] =	stream.indirect_vreg.gather [hbm4b:s4+s3], $0x80, v4, vm0, $0xb8;
	[tilespmem:$0xE100] =	vst v63  }
0x1b1: {  	v3 =	vadd.s32 v1, v3  }
0x1b2: {  	[tilespmem:s15], [sflag:$0x1] =	stream.indirect_vreg.gather [hbm4b:s9+s3], $0x80, v4, vm0, $0xb8;
	[tilespmem:$0xE100] =	vst v63  }
0x1b3: {  	_ = 	snop  }
0x1b4: {  	[tilespmem:s19], [sflag:$0x1] =	stream.indirect_vreg.gather [hbm4b:s10+s3], $0x80, v4, vm0, $0xb8;
	[tilespmem:$0xE100] =	vst v63  }
0x1b5: {  	_ = 	snop  }
0x1b6: {  	[tilespmem:s18], [sflag:$0x1] =	stream.indirect_vreg.gather [hbm4b:s4+s3], $0x80, v3, vm0, $0xb8;
	[tilespmem:$0xE100] =	vst v63  }
0x1b7: {  	_ = 	snop  }
0x1b8: {  	[tilespmem:s20], [sflag:$0x1] =	stream.indirect_vreg.gather [hbm4b:s9+s3], $0x80, v3, vm0, $0xb8;
	[tilespmem:$0xE100] =	vst v63  }
0x1b9: {  	_ = 	snop  }
0x1ba: {  	[tilespmem:s31], [sflag:$0x1] =	stream.indirect_vreg.gather [hbm4b:s10+s3], $0x80, v3, vm0, $0xb8;
	[tilespmem:$0xE100] =	vst v63  }
0x1bb: {  	v3 =	vld [tilespmem:$0x20];
	_ =	sdelay $0x4  }
0x1bc: {  	v34 =	vshrl.u32 v3, $0x3  }
0x1bd: {  	v4 =	vmul.u32 $0x30, v34  }
0x1be: {  	v3 =	vand.u32 $0x7, v3  }
0x1bf: {  	v3 =	vor.u32 v3, v4  }
0x1c0: {  	v4 =	vperm.xlane v3, v0;
	_ =	sdelay $0x1  }
0x1c1: {  	v4 =	vadd.s32 v1, v4;
	_ =	sdelay $0x3  }
0x1c2: {  	s15 =	simm.s32 $0x6100;
	v3 =	vperm.xlane v3, v2  }
0x1c3: {  	[tilespmem:s15], [sflag:$0x1] =	stream.indirect_vreg.gather [hbm4b:s4+s3], $0x80, v4, vm0, $0xb8;
	[tilespmem:$0xE100] =	vst v63  }
0x1c4: {  	v3 =	vadd.s32 v1, v3  }
0x1c5: {  	[tilespmem:s21], [sflag:$0x1] =	stream.indirect_vreg.gather [hbm4b:s9+s3], $0x80, v4, vm0, $0xb8;
	[tilespmem:$0xE100] =	vst v63  }
0x1c6: {  	_ = 	snop  }
0x1c7: {  	[tilespmem:s22], [sflag:$0x1] =	stream.indirect_vreg.gather [hbm4b:s10+s3], $0x80, v4, vm0, $0xb8;
	[tilespmem:$0xE100] =	vst v63  }
0x1c8: {  	_ = 	snop  }
0x1c9: {  	[tilespmem:s17], [sflag:$0x1] =	stream.indirect_vreg.gather [hbm4b:s4+s3], $0x80, v3, vm0, $0xb8;
	[tilespmem:$0xE100] =	vst v63  }
0x1ca: {  	s21 =	simm.s32 $0x8100  }
0x1cb: {  	[tilespmem:s21], [sflag:$0x1] =	stream.indirect_vreg.gather [hbm4b:s9+s3], $0x80, v3, vm0, $0xb8;
	[tilespmem:$0xE100] =	vst v63  }
0x1cc: {  	_ = 	snop  }
0x1cd: {  	[tilespmem:s16], [sflag:$0x1] =	stream.indirect_vreg.gather [hbm4b:s10+s3], $0x80, v3, vm0, $0xb8;
	[tilespmem:$0xE100] =	vst v63  }
0x1ce: {  	v3 =	vld [tilespmem:$0x30];
	_ =	sdelay $0x4  }
0x1cf: {  	v35 =	vshrl.u32 v3, $0x3  }
0x1d0: {  	v4 =	vmul.u32 $0x30, v35  }
0x1d1: {  	v3 =	vand.u32 $0x7, v3  }
0x1d2: {  	v3 =	vor.u32 v3, v4  }
0x1d3: {  	v4 =	vperm.xlane v3, v0;
	_ =	sdelay $0x1  }
0x1d4: {  	v4 =	vadd.s32 v1, v4;
	_ =	sdelay $0x3  }
0x1d5: {  	s25 =	simm.s32 $0x9100;
	v3 =	vperm.xlane v3, v2  }
0x1d6: {  	[tilespmem:s25], [sflag:$0x1] =	stream.indirect_vreg.gather [hbm4b:s4+s3], $0x80, v4, vm0, $0xb8;
	[tilespmem:$0xE100] =	vst v63  }
0x1d7: {  	s16 =	simm.s32 $0x9900;
	v3 =	vadd.s32 v1, v3  }
0x1d8: {  	[tilespmem:s16], [sflag:$0x1] =	stream.indirect_vreg.gather [hbm4b:s9+s3], $0x80, v4, vm0, $0xb8;
	[tilespmem:$0xE100] =	vst v63  }
0x1d9: {  	_ = 	snop  }
0x1da: {  	[tilespmem:s2], [sflag:$0x1] =	stream.indirect_vreg.gather [hbm4b:s10+s3], $0x80, v4, vm0, $0xb8;
	[tilespmem:$0xE100] =	vst v63  }
0x1db: {  	_ = 	snop  }
0x1dc: {  	[tilespmem:s6], [sflag:$0x1] =	stream.indirect_vreg.gather [hbm4b:s4+s3], $0x80, v3, vm0, $0xb8;
	[tilespmem:$0xE100] =	vst v63  }
0x1dd: {  	_ = 	snop  }
0x1de: {  	[tilespmem:s13], [sflag:$0x1] =	stream.indirect_vreg.gather [hbm4b:s9+s3], $0x80, v3, vm0, $0xb8;
	[tilespmem:$0xE100] =	vst v63  }
0x1df: {  	s25 =	simm.s32 $0xB900  }
0x1e0: {  	[tilespmem:s25], [sflag:$0x1] =	stream.indirect_vreg.gather [hbm4b:s10+s3], $0x80, v3, vm0, $0xb8;
	[tilespmem:$0xE100] =	vst v63  }
0x1e1: {  	_ =	swait.ge [sflag:s23], $0xC000  }
0x1e2: {  	[sflag:s23] =	ssyncset.done $0x0  }
0x1e3: {  	s6 =	simm.s32 $0x100;
	s0 =	rddreg [dreg:$0xd];
	[sflag:s23] =	ssyncadd.s32 $0xFFFF4000  }
0x1e4: {  	[hbm4b:s0+s3] =	stream.linear.scatter [tilespmem:s6], [sflag:$0x2], $0xC000, $0x38;
	[tilespmem:$0xE100] =	vst v63  }
0x1e5: {  	_ =	swait.ge [sflag:s14], $0xC000  }
0x1e6: {  	[sflag:s14] =	ssyncset.done $0x0  }
0x1e7: {  	[sflag:s14] =	ssyncadd.s32 $0xFFFF4000  }
0x1e8: {  	v3 =	vld [tilespmem:$0x80];
	_ =	sdelay $0x4  }
0x1e9: {  	v36 =	vshrl.u32 v3, $0x3  }
0x1ea: {  	v4 =	vmul.u32 $0x30, v36  }
0x1eb: {  	v3 =	vand.u32 $0x7, v3  }
0x1ec: {  	v3 =	vor.u32 v3, v4  }
0x1ed: {  	v4 =	vperm.xlane v3, v0;
	_ =	sdelay $0x1  }
0x1ee: {  	v4 =	vadd.s32 v1, v4;
	_ =	sdelay $0x3  }
0x1ef: {  	v3 =	vperm.xlane v3, v2  }
0x1f0: {  	[tilespmem:s6], [sflag:$0x1] =	stream.indirect_vreg.gather [hbm4b:s5+s3], $0x80, v4, vm0, $0xb8;
	[tilespmem:$0xE100] =	vst v63  }
0x1f1: {  	s25 =	simm.s32 $0x900;
	v3 =	vadd.s32 v1, v3  }
0x1f2: {  	[tilespmem:s25], [sflag:$0x1] =	stream.indirect_vreg.gather [hbm4b:s11+s3], $0x80, v4, vm0, $0xb8;
	[tilespmem:$0xE100] =	vst v63  }
0x1f3: {  	s25 =	simm.s32 $0x1100  }
0x1f4: {  	[tilespmem:s25], [sflag:$0x1] =	stream.indirect_vreg.gather [hbm4b:s12+s3], $0x80, v4, vm0, $0xb8;
	[tilespmem:$0xE100] =	vst v63  }
0x1f5: {  	s26 =	simm.s32 $0x1900  }
0x1f6: {  	[tilespmem:s26], [sflag:$0x1] =	stream.indirect_vreg.gather [hbm4b:s5+s3], $0x80, v3, vm0, $0xb8;
	[tilespmem:$0xE100] =	vst v63  }
0x1f7: {  	s26 =	simm.s32 $0x2100  }
0x1f8: {  	[tilespmem:s26], [sflag:$0x1] =	stream.indirect_vreg.gather [hbm4b:s11+s3], $0x80, v3, vm0, $0xb8;
	[tilespmem:$0xE100] =	vst v63  }
0x1f9: {  	s29 =	simm.s32 $0x2900  }
0x1fa: {  	[tilespmem:s29], [sflag:$0x1] =	stream.indirect_vreg.gather [hbm4b:s12+s3], $0x80, v3, vm0, $0xb8;
	[tilespmem:$0xE100] =	vst v63  }
0x1fb: {  	v3 =	vld [tilespmem:$0x90];
	_ =	sdelay $0x4  }
0x1fc: {  	v37 =	vshrl.u32 v3, $0x3  }
0x1fd: {  	v4 =	vmul.u32 $0x30, v37  }
0x1fe: {  	v3 =	vand.u32 $0x7, v3  }
0x1ff: {  	v3 =	vor.u32 v3, v4  }
0x200: {  	v4 =	vperm.xlane v3, v0;
	_ =	sdelay $0x1  }
0x201: {  	v4 =	vadd.s32 v1, v4;
	_ =	sdelay $0x3  }
0x202: {  	s30 =	simm.s32 $0x3100;
	v3 =	vperm.xlane v3, v2  }
0x203: {  	[tilespmem:s30], [sflag:$0x1] =	stream.indirect_vreg.gather [hbm4b:s5+s3], $0x80, v4, vm0, $0xb8;
	[tilespmem:$0xE100] =	vst v63  }
0x204: {  	s24 =	simm.s32 $0x3900;
	v3 =	vadd.s32 v1, v3  }
0x205: {  	[tilespmem:s24], [sflag:$0x1] =	stream.indirect_vreg.gather [hbm4b:s11+s3], $0x80, v4, vm0, $0xb8;
	[tilespmem:$0xE100] =	vst v63  }
0x206: {  	s19 =	simm.s32 $0x4100  }
0x207: {  	[tilespmem:s19], [sflag:$0x1] =	stream.indirect_vreg.gather [hbm4b:s12+s3], $0x80, v4, vm0, $0xb8;
	[tilespmem:$0xE100] =	vst v63  }
0x208: {  	s18 =	simm.s32 $0x4900  }
0x209: {  	[tilespmem:s18], [sflag:$0x1] =	stream.indirect_vreg.gather [hbm4b:s5+s3], $0x80, v3, vm0, $0xb8;
	[tilespmem:$0xE100] =	vst v63  }
0x20a: {  	s20 =	simm.s32 $0x5100  }
0x20b: {  	[tilespmem:s20], [sflag:$0x1] =	stream.indirect_vreg.gather [hbm4b:s11+s3], $0x80, v3, vm0, $0xb8;
	[tilespmem:$0xE100] =	vst v63  }
0x20c: {  	s31 =	simm.s32 $0x5900  }
0x20d: {  	[tilespmem:s31], [sflag:$0x1] =	stream.indirect_vreg.gather [hbm4b:s12+s3], $0x80, v3, vm0, $0xb8;
	[tilespmem:$0xE100] =	vst v63  }
0x20e: {  	v3 =	vld [tilespmem:$0xA0];
	_ =	sdelay $0x4  }
0x20f: {  	v38 =	vshrl.u32 v3, $0x3  }
0x210: {  	v4 =	vmul.u32 $0x30, v38  }
0x211: {  	v3 =	vand.u32 $0x7, v3  }
0x212: {  	v3 =	vor.u32 v3, v4  }
0x213: {  	v4 =	vperm.xlane v3, v0;
	_ =	sdelay $0x1  }
0x214: {  	v4 =	vadd.s32 v1, v4;
	_ =	sdelay $0x3  }
0x215: {  	s28 =	simm.s32 $0x6100;
	v3 =	vperm.xlane v3, v2  }
0x216: {  	[tilespmem:s28], [sflag:$0x1] =	stream.indirect_vreg.gather [hbm4b:s5+s3], $0x80, v4, vm0, $0xb8;
	[tilespmem:$0xE100] =	vst v63  }
0x217: {  	s18 =	simm.s32 $0x6900;
	v3 =	vadd.s32 v1, v3  }
0x218: {  	[tilespmem:s18], [sflag:$0x1] =	stream.indirect_vreg.gather [hbm4b:s11+s3], $0x80, v4, vm0, $0xb8;
	[tilespmem:$0xE100] =	vst v63  }
0x219: {  	s22 =	simm.s32 $0x7100  }
0x21a: {  	[tilespmem:s22], [sflag:$0x1] =	stream.indirect_vreg.gather [hbm4b:s12+s3], $0x80, v4, vm0, $0xb8;
	[tilespmem:$0xE100] =	vst v63  }
0x21b: {  	s17 =	simm.s32 $0x7900  }
0x21c: {  	[tilespmem:s17], [sflag:$0x1] =	stream.indirect_vreg.gather [hbm4b:s5+s3], $0x80, v3, vm0, $0xb8;
	[tilespmem:$0xE100] =	vst v63  }
0x21d: {  	s19 =	simm.s32 $0x8100  }
0x21e: {  	[tilespmem:s19], [sflag:$0x1] =	stream.indirect_vreg.gather [hbm4b:s11+s3], $0x80, v3, vm0, $0xb8;
	[tilespmem:$0xE100] =	vst v63  }
0x21f: {  	s15 =	simm.s32 $0x8900  }
0x220: {  	[tilespmem:s15], [sflag:$0x1] =	stream.indirect_vreg.gather [hbm4b:s12+s3], $0x80, v3, vm0, $0xb8;
	[tilespmem:$0xE100] =	vst v63  }
0x221: {  	v3 =	vld [tilespmem:$0xB0];
	_ =	sdelay $0x4  }
0x222: {  	v39 =	vshrl.u32 v3, $0x3  }
0x223: {  	v4 =	vmul.u32 $0x30, v39  }
0x224: {  	v3 =	vand.u32 $0x7, v3  }
0x225: {  	v3 =	vor.u32 v3, v4  }
0x226: {  	v4 =	vperm.xlane v3, v0;
	_ =	sdelay $0x1  }
0x227: {  	v4 =	vadd.s32 v1, v4;
	_ =	sdelay $0x3  }
0x228: {  	s21 =	simm.s32 $0x9100;
	v3 =	vperm.xlane v3, v2  }
0x229: {  	[tilespmem:s21], [sflag:$0x1] =	stream.indirect_vreg.gather [hbm4b:s5+s3], $0x80, v4, vm0, $0xb8;
	[tilespmem:$0xE100] =	vst v63  }
0x22a: {  	s20 =	simm.s32 $0x9900;
	v3 =	vadd.s32 v1, v3  }
0x22b: {  	[tilespmem:s20], [sflag:$0x1] =	stream.indirect_vreg.gather [hbm4b:s11+s3], $0x80, v4, vm0, $0xb8;
	[tilespmem:$0xE100] =	vst v63  }
0x22c: {  	s2 =	simm.s32 $0xA100  }
0x22d: {  	[tilespmem:s2], [sflag:$0x1] =	stream.indirect_vreg.gather [hbm4b:s12+s3], $0x80, v4, vm0, $0xb8;
	[tilespmem:$0xE100] =	vst v63  }
0x22e: {  	s16 =	simm.s32 $0xA900  }
0x22f: {  	[tilespmem:s16], [sflag:$0x1] =	stream.indirect_vreg.gather [hbm4b:s5+s3], $0x80, v3, vm0, $0xb8;
	[tilespmem:$0xE100] =	vst v63  }
0x230: {  	s13 =	simm.s32 $0xB100  }
0x231: {  	[tilespmem:s13], [sflag:$0x1] =	stream.indirect_vreg.gather [hbm4b:s11+s3], $0x80, v3, vm0, $0xb8;
	[tilespmem:$0xE100] =	vst v63  }
0x232: {  	s21 =	simm.s32 $0xB900  }
0x233: {  	[tilespmem:s21], [sflag:$0x1] =	stream.indirect_vreg.gather [hbm4b:s12+s3], $0x80, v3, vm0, $0xb8;
	[tilespmem:$0xE100] =	vst v63  }
0x234: {  	_ =	swait.ge [sflag:s23], $0xC000  }
0x235: {  	[sflag:s23] =	ssyncset.done $0x0  }
0x236: {  	s0 =	simm.s32 $0x100;
	s22 =	rddreg [dreg:$0xe];
	[sflag:s23] =	ssyncadd.s32 $0xFFFF4000  }
0x237: {  	[hbm4b:s22+s3] =	stream.linear.scatter [tilespmem:s0], [sflag:$0x2], $0xC000, $0x38;
	[tilespmem:$0xE100] =	vst v63  }
0x238: {  	_ =	swait.ge [sflag:s14], $0xC000  }
0x239: {  	s28 =	sld [smem:$0x7FD]  }
0x23a: {  	[sflag:s14] =	ssyncset.done $0x0  }
0x23b: {  	s26 =	simm.s32 $0xC100;
	s24 =	simm.s32 $0x40;
	[sflag:s14] =	ssyncadd.s32 $0xFFFF4000  }
0x23c: {  	[tilespmem:s26], [sflag:$0x1] =	stream.indirect.gather [hbm4b:s28+s24], $0x80, s3, s24, $0xb8;
	[tilespmem:$0xE100] =	vst v63  }
0x23d: {  	_ =	swait.ge [sflag:s23], $0x2000  }
0x23e: {  	[sflag:s23] =	ssyncset.done $0x0  }
0x23f: {  	s29 =	rddreg [dreg:$0xf];
	[sflag:s23] =	ssyncadd.s32 $0xFFFFE000  }
0x240: {  	[hbm4b:s29+s3] =	stream.linear.scatter [tilespmem:s26], [sflag:$0x2], $0x2000, $0x38;
	[tilespmem:$0xE100] =	vst v63  }
0x241: {  	_ =	swait.ge [sflag:s14], $0x2000  }
0x242: {  	[sflag:s14] =	ssyncset.done $0x0  }
0x243: {  	s30 =	simm.s32 $0x80;
	[sflag:s14] =	ssyncadd.s32 $0xFFFFE000  }
0x244: {  	[tilespmem:s26], [sflag:$0x1] =	stream.indirect.gather [hbm4b:s28+s24], $0x80, s30, s24, $0xb8;
	[tilespmem:$0xE100] =	vst v63  }
0x245: {  	_ =	swait.ge [sflag:s23], $0x2000  }
0x246: {  	[sflag:s23] =	ssyncset.done $0x0  }
0x247: {  	s31 =	rddreg [dreg:$0x10];
	[sflag:s23] =	ssyncadd.s32 $0xFFFFE000  }
0x248: {  	[hbm4b:s31+s3] =	stream.linear.scatter [tilespmem:s26], [sflag:$0x2], $0x2000, $0x38;
	[tilespmem:$0xE100] =	vst v63  }
0x249: {  	_ =	swait.ge [sflag:s14], $0x2000  }
0x24a: {  	[sflag:s14] =	ssyncset.done $0x0  }
0x24b: {  	s0 =	rddreg [dreg:$0x11];
	[sflag:s14] =	ssyncadd.s32 $0xFFFFE000  }
0x24c: {  	[tilespmem:s3], [sflag:$0x2] =	stream.linear.gather [hbm4b:s0+s3], $0x40, $0x38;
	[tilespmem:$0xE100] =	vst v63  }
0x24d: {  	_ =	swait.ge [sflag:s14], $0x40  }
0x24e: {  	[sflag:s14] =	ssyncset.done $0x0  }
0x24f: {  	s2 =	rddreg [dreg:$0x12];
	[sflag:s14] =	ssyncadd.s32 $0xFFFFFFC0  }
0x250: {  	[tilespmem:s30], [sflag:$0x2] =	stream.linear.gather [hbm4b:s2+s3], $0x40, $0x38;
	[tilespmem:$0xE100] =	vst v63  }
0x251: {  	_ =	swait.ge [sflag:s14], $0x40  }
0x252: {  	[sflag:s14] =	ssyncset.done $0x0  }
0x253: {  	[sflag:s14] =	ssyncadd.s32 $0xFFFFFFC0  }
0x254: {  	v3 =	vld [tilespmem:$0x0];
	_ =	sdelay $0x4  }
0x255: {  	v40 =	vshrl.u32 v3, $0x3  }
0x256: {  	v4 =	vmul.u32 $0x30, v40  }
0x257: {  	v3 =	vand.u32 $0x7, v3  }
0x258: {  	v3 =	vor.u32 v3, v4  }
0x259: {  	v4 =	vperm.xlane v3, v0;
	_ =	sdelay $0x1  }
0x25a: {  	v4 =	vadd.s32 v1, v4;
	_ =	sdelay $0x3  }
0x25b: {  	s0 =	simm.s32 $0x100;
	v3 =	vperm.xlane v3, v2  }
0x25c: {  	[tilespmem:s0], [sflag:$0x1] =	stream.indirect_vreg.gather [hbm4b:s1+s3], $0x80, v4, vm0, $0xb8;
	[tilespmem:$0xE100] =	vst v63  }
0x25d: {  	s6 =	simm.s32 $0x900;
	v3 =	vadd.s32 v1, v3  }
0x25e: {  	[tilespmem:s6], [sflag:$0x1] =	stream.indirect_vreg.gather [hbm4b:s7+s3], $0x80, v4, vm0, $0xb8;
	[tilespmem:$0xE100] =	vst v63  }
0x25f: {  	s13 =	simm.s32 $0x1100  }
0x260: {  	[tilespmem:s13], [sflag:$0x1] =	stream.indirect_vreg.gather [hbm4b:s8+s3], $0x80, v4, vm0, $0xb8;
	[tilespmem:$0xE100] =	vst v63  }
0x261: {  	s16 =	simm.s32 $0x1900  }
0x262: {  	[tilespmem:s16], [sflag:$0x1] =	stream.indirect_vreg.gather [hbm4b:s1+s3], $0x80, v3, vm0, $0xb8;
	[tilespmem:$0xE100] =	vst v63  }
0x263: {  	s15 =	simm.s32 $0x2100  }
0x264: {  	[tilespmem:s15], [sflag:$0x1] =	stream.indirect_vreg.gather [hbm4b:s7+s3], $0x80, v3, vm0, $0xb8;
	[tilespmem:$0xE100] =	vst v63  }
0x265: {  	s20 =	simm.s32 $0x2900  }
0x266: {  	[tilespmem:s20], [sflag:$0x1] =	stream.indirect_vreg.gather [hbm4b:s8+s3], $0x80, v3, vm0, $0xb8;
	[tilespmem:$0xE100] =	vst v63  }
0x267: {  	v3 =	vld [tilespmem:$0x10];
	_ =	sdelay $0x4  }
0x268: {  	v41 =	vshrl.u32 v3, $0x3  }
0x269: {  	v4 =	vmul.u32 $0x30, v41  }
0x26a: {  	v3 =	vand.u32 $0x7, v3  }
0x26b: {  	v3 =	vor.u32 v3, v4  }
0x26c: {  	v4 =	vperm.xlane v3, v0;
	_ =	sdelay $0x1  }
0x26d: {  	v4 =	vadd.s32 v1, v4;
	_ =	sdelay $0x3  }
0x26e: {  	s30 =	simm.s32 $0x3100;
	v3 =	vperm.xlane v3, v2  }
0x26f: {  	[tilespmem:s30], [sflag:$0x1] =	stream.indirect_vreg.gather [hbm4b:s1+s3], $0x80, v4, vm0, $0xb8;
	[tilespmem:$0xE100] =	vst v63  }
0x270: {  	s13 =	simm.s32 $0x3900;
	v3 =	vadd.s32 v1, v3  }
0x271: {  	[tilespmem:s13], [sflag:$0x1] =	stream.indirect_vreg.gather [hbm4b:s7+s3], $0x80, v4, vm0, $0xb8;
	[tilespmem:$0xE100] =	vst v63  }
0x272: {  	s31 =	simm.s32 $0x4100  }
0x273: {  	[tilespmem:s31], [sflag:$0x1] =	stream.indirect_vreg.gather [hbm4b:s8+s3], $0x80, v4, vm0, $0xb8;
	[tilespmem:$0xE100] =	vst v63  }
0x274: {  	s29 =	simm.s32 $0x4900  }
0x275: {  	[tilespmem:s29], [sflag:$0x1] =	stream.indirect_vreg.gather [hbm4b:s1+s3], $0x80, v3, vm0, $0xb8;
	[tilespmem:$0xE100] =	vst v63  }
0x276: {  	s6 =	simm.s32 $0x5100  }
0x277: {  	[tilespmem:s6], [sflag:$0x1] =	stream.indirect_vreg.gather [hbm4b:s7+s3], $0x80, v3, vm0, $0xb8;
	[tilespmem:$0xE100] =	vst v63  }
0x278: {  	s21 =	simm.s32 $0x5900  }
0x279: {  	[tilespmem:s21], [sflag:$0x1] =	stream.indirect_vreg.gather [hbm4b:s8+s3], $0x80, v3, vm0, $0xb8;
	[tilespmem:$0xE100] =	vst v63  }
0x27a: {  	v3 =	vld [tilespmem:$0x20];
	_ =	sdelay $0x4  }
0x27b: {  	v42 =	vshrl.u32 v3, $0x3  }
0x27c: {  	v4 =	vmul.u32 $0x30, v42  }
0x27d: {  	v3 =	vand.u32 $0x7, v3  }
0x27e: {  	v3 =	vor.u32 v3, v4  }
0x27f: {  	v4 =	vperm.xlane v3, v0;
	_ =	sdelay $0x1  }
0x280: {  	v4 =	vadd.s32 v1, v4;
	_ =	sdelay $0x3  }
0x281: {  	s24 =	simm.s32 $0x6100;
	v3 =	vperm.xlane v3, v2  }
0x282: {  	[tilespmem:s24], [sflag:$0x1] =	stream.indirect_vreg.gather [hbm4b:s1+s3], $0x80, v4, vm0, $0xb8;
	[tilespmem:$0xE100] =	vst v63  }
0x283: {  	s17 =	simm.s32 $0x6900;
	v3 =	vadd.s32 v1, v3  }
0x284: {  	[tilespmem:s17], [sflag:$0x1] =	stream.indirect_vreg.gather [hbm4b:s7+s3], $0x80, v4, vm0, $0xb8;
	[tilespmem:$0xE100] =	vst v63  }
0x285: {  	s15 =	simm.s32 $0x7100  }
0x286: {  	[tilespmem:s15], [sflag:$0x1] =	stream.indirect_vreg.gather [hbm4b:s8+s3], $0x80, v4, vm0, $0xb8;
	[tilespmem:$0xE100] =	vst v63  }
0x287: {  	s28 =	simm.s32 $0x7900  }
0x288: {  	[tilespmem:s28], [sflag:$0x1] =	stream.indirect_vreg.gather [hbm4b:s1+s3], $0x80, v3, vm0, $0xb8;
	[tilespmem:$0xE100] =	vst v63  }
0x289: {  	s2 =	simm.s32 $0x8100  }
0x28a: {  	[tilespmem:s2], [sflag:$0x1] =	stream.indirect_vreg.gather [hbm4b:s7+s3], $0x80, v3, vm0, $0xb8;
	[tilespmem:$0xE100] =	vst v63  }
0x28b: {  	s18 =	simm.s32 $0x8900  }
0x28c: {  	[tilespmem:s18], [sflag:$0x1] =	stream.indirect_vreg.gather [hbm4b:s8+s3], $0x80, v3, vm0, $0xb8;
	[tilespmem:$0xE100] =	vst v63  }
0x28d: {  	v3 =	vld [tilespmem:$0x30];
	_ =	sdelay $0x4  }
0x28e: {  	v43 =	vshrl.u32 v3, $0x3  }
0x28f: {  	v4 =	vmul.u32 $0x30, v43  }
0x290: {  	v3 =	vand.u32 $0x7, v3  }
0x291: {  	v3 =	vor.u32 v3, v4  }
0x292: {  	v4 =	vperm.xlane v3, v0;
	_ =	sdelay $0x1  }
0x293: {  	v4 =	vadd.s32 v1, v4;
	_ =	sdelay $0x3  }
0x294: {  	s22 =	simm.s32 $0x9100;
	v3 =	vperm.xlane v3, v2  }
0x295: {  	[tilespmem:s22], [sflag:$0x1] =	stream.indirect_vreg.gather [hbm4b:s1+s3], $0x80, v4, vm0, $0xb8;
	[tilespmem:$0xE100] =	vst v63  }
0x296: {  	s19 =	simm.s32 $0x9900;
	v3 =	vadd.s32 v1, v3  }
0x297: {  	[tilespmem:s19], [sflag:$0x1] =	stream.indirect_vreg.gather [hbm4b:s7+s3], $0x80, v4, vm0, $0xb8;
	[tilespmem:$0xE100] =	vst v63  }
0x298: {  	s17 =	simm.s32 $0xA100  }
0x299: {  	[tilespmem:s17], [sflag:$0x1] =	stream.indirect_vreg.gather [hbm4b:s8+s3], $0x80, v4, vm0, $0xb8;
	[tilespmem:$0xE100] =	vst v63  }
0x29a: {  	s18 =	simm.s32 $0xA900  }
0x29b: {  	[tilespmem:s18], [sflag:$0x1] =	stream.indirect_vreg.gather [hbm4b:s1+s3], $0x80, v3, vm0, $0xb8;
	[tilespmem:$0xE100] =	vst v63  }
0x29c: {  	s19 =	simm.s32 $0xB100  }
0x29d: {  	[tilespmem:s19], [sflag:$0x1] =	stream.indirect_vreg.gather [hbm4b:s7+s3], $0x80, v3, vm0, $0xb8;
	[tilespmem:$0xE100] =	vst v63  }
0x29e: {  	s26 =	simm.s32 $0xB900  }
0x29f: {  	[tilespmem:s26], [sflag:$0x1] =	stream.indirect_vreg.gather [hbm4b:s8+s3], $0x80, v3, vm0, $0xb8;
	[tilespmem:$0xE100] =	vst v63  }
0x2a0: {  	_ =	swait.ge [sflag:s23], $0xC000  }
0x2a1: {  	[sflag:s23] =	ssyncset.done $0x0  }
0x2a2: {  	s25 =	rddreg [dreg:$0x13];
	[sflag:s23] =	ssyncadd.s32 $0xFFFF4000  }
0x2a3: {  	[hbm4b:s25+s3] =	stream.linear.scatter [tilespmem:s0], [sflag:$0x2], $0xC000, $0x38;
	[tilespmem:$0xE100] =	vst v63  }
0x2a4: {  	_ =	swait.ge [sflag:s14], $0xC000  }
0x2a5: {  	[sflag:s14] =	ssyncset.done $0x0  }
0x2a6: {  	[sflag:s14] =	ssyncadd.s32 $0xFFFF4000  }
0x2a7: {  	v3 =	vld [tilespmem:$0x0];
	_ =	sdelay $0x4  }
0x2a8: {  	v44 =	vshrl.u32 v3, $0x3  }
0x2a9: {  	v4 =	vmul.u32 $0x30, v44  }
0x2aa: {  	v3 =	vand.u32 $0x7, v3  }
0x2ab: {  	v3 =	vor.u32 v3, v4  }
0x2ac: {  	v4 =	vperm.xlane v3, v0;
	_ =	sdelay $0x1  }
0x2ad: {  	v4 =	vadd.s32 v1, v4;
	_ =	sdelay $0x3  }
0x2ae: {  	v3 =	vperm.xlane v3, v2  }
0x2af: {  	[tilespmem:s0], [sflag:$0x1] =	stream.indirect_vreg.gather [hbm4b:s4+s3], $0x80, v4, vm0, $0xb8;
	[tilespmem:$0xE100] =	vst v63  }
0x2b0: {  	s25 =	simm.s32 $0x900;
	v3 =	vadd.s32 v1, v3  }
0x2b1: {  	[tilespmem:s25], [sflag:$0x1] =	stream.indirect_vreg.gather [hbm4b:s9+s3], $0x80, v4, vm0, $0xb8;
	[tilespmem:$0xE100] =	vst v63  }
0x2b2: {  	s25 =	simm.s32 $0x1100  }
0x2b3: {  	[tilespmem:s25], [sflag:$0x1] =	stream.indirect_vreg.gather [hbm4b:s10+s3], $0x80, v4, vm0, $0xb8;
	[tilespmem:$0xE100] =	vst v63  }
0x2b4: {  	_ = 	snop  }
0x2b5: {  	[tilespmem:s16], [sflag:$0x1] =	stream.indirect_vreg.gather [hbm4b:s4+s3], $0x80, v3, vm0, $0xb8;
	[tilespmem:$0xE100] =	vst v63  }
0x2b6: {  	s25 =	simm.s32 $0x2100  }
0x2b7: {  	[tilespmem:s25], [sflag:$0x1] =	stream.indirect_vreg.gather [hbm4b:s9+s3], $0x80, v3, vm0, $0xb8;
	[tilespmem:$0xE100] =	vst v63  }
0x2b8: {  	_ = 	snop  }
0x2b9: {  	[tilespmem:s20], [sflag:$0x1] =	stream.indirect_vreg.gather [hbm4b:s10+s3], $0x80, v3, vm0, $0xb8;
	[tilespmem:$0xE100] =	vst v63  }
0x2ba: {  	v3 =	vld [tilespmem:$0x10];
	_ =	sdelay $0x4  }
0x2bb: {  	v45 =	vshrl.u32 v3, $0x3  }
0x2bc: {  	v4 =	vmul.u32 $0x30, v45  }
0x2bd: {  	v3 =	vand.u32 $0x7, v3  }
0x2be: {  	v3 =	vor.u32 v3, v4  }
0x2bf: {  	v4 =	vperm.xlane v3, v0;
	_ =	sdelay $0x1  }
0x2c0: {  	v4 =	vadd.s32 v1, v4;
	_ =	sdelay $0x3  }
0x2c1: {  	v3 =	vperm.xlane v3, v2  }
0x2c2: {  	[tilespmem:s30], [sflag:$0x1] =	stream.indirect_vreg.gather [hbm4b:s4+s3], $0x80, v4, vm0, $0xb8;
	[tilespmem:$0xE100] =	vst v63  }
0x2c3: {  	v3 =	vadd.s32 v1, v3  }
0x2c4: {  	[tilespmem:s13], [sflag:$0x1] =	stream.indirect_vreg.gather [hbm4b:s9+s3], $0x80, v4, vm0, $0xb8;
	[tilespmem:$0xE100] =	vst v63  }
0x2c5: {  	_ = 	snop  }
0x2c6: {  	[tilespmem:s31], [sflag:$0x1] =	stream.indirect_vreg.gather [hbm4b:s10+s3], $0x80, v4, vm0, $0xb8;
	[tilespmem:$0xE100] =	vst v63  }
0x2c7: {  	_ = 	snop  }
0x2c8: {  	[tilespmem:s29], [sflag:$0x1] =	stream.indirect_vreg.gather [hbm4b:s4+s3], $0x80, v3, vm0, $0xb8;
	[tilespmem:$0xE100] =	vst v63  }
0x2c9: {  	_ = 	snop  }
0x2ca: {  	[tilespmem:s6], [sflag:$0x1] =	stream.indirect_vreg.gather [hbm4b:s9+s3], $0x80, v3, vm0, $0xb8;
	[tilespmem:$0xE100] =	vst v63  }
0x2cb: {  	_ = 	snop  }
0x2cc: {  	[tilespmem:s21], [sflag:$0x1] =	stream.indirect_vreg.gather [hbm4b:s10+s3], $0x80, v3, vm0, $0xb8;
	[tilespmem:$0xE100] =	vst v63  }
0x2cd: {  	v3 =	vld [tilespmem:$0x20];
	_ =	sdelay $0x4  }
0x2ce: {  	v46 =	vshrl.u32 v3, $0x3  }
0x2cf: {  	v4 =	vmul.u32 $0x30, v46  }
0x2d0: {  	v3 =	vand.u32 $0x7, v3  }
0x2d1: {  	v3 =	vor.u32 v3, v4  }
0x2d2: {  	v4 =	vperm.xlane v3, v0;
	_ =	sdelay $0x1  }
0x2d3: {  	v4 =	vadd.s32 v1, v4;
	_ =	sdelay $0x3  }
0x2d4: {  	v3 =	vperm.xlane v3, v2  }
0x2d5: {  	[tilespmem:s24], [sflag:$0x1] =	stream.indirect_vreg.gather [hbm4b:s4+s3], $0x80, v4, vm0, $0xb8;
	[tilespmem:$0xE100] =	vst v63  }
0x2d6: {  	s6 =	simm.s32 $0x6900;
	v3 =	vadd.s32 v1, v3  }
0x2d7: {  	[tilespmem:s6], [sflag:$0x1] =	stream.indirect_vreg.gather [hbm4b:s9+s3], $0x80, v4, vm0, $0xb8;
	[tilespmem:$0xE100] =	vst v63  }
0x2d8: {  	_ = 	snop  }
0x2d9: {  	[tilespmem:s15], [sflag:$0x1] =	stream.indirect_vreg.gather [hbm4b:s10+s3], $0x80, v4, vm0, $0xb8;
	[tilespmem:$0xE100] =	vst v63  }
0x2da: {  	_ = 	snop  }
0x2db: {  	[tilespmem:s28], [sflag:$0x1] =	stream.indirect_vreg.gather [hbm4b:s4+s3], $0x80, v3, vm0, $0xb8;
	[tilespmem:$0xE100] =	vst v63  }
0x2dc: {  	_ = 	snop  }
0x2dd: {  	[tilespmem:s2], [sflag:$0x1] =	stream.indirect_vreg.gather [hbm4b:s9+s3], $0x80, v3, vm0, $0xb8;
	[tilespmem:$0xE100] =	vst v63  }
0x2de: {  	s13 =	simm.s32 $0x8900  }
0x2df: {  	[tilespmem:s13], [sflag:$0x1] =	stream.indirect_vreg.gather [hbm4b:s10+s3], $0x80, v3, vm0, $0xb8;
	[tilespmem:$0xE100] =	vst v63  }
0x2e0: {  	v3 =	vld [tilespmem:$0x30];
	_ =	sdelay $0x4  }
0x2e1: {  	v47 =	vshrl.u32 v3, $0x3  }
0x2e2: {  	v4 =	vmul.u32 $0x30, v47  }
0x2e3: {  	v3 =	vand.u32 $0x7, v3  }
0x2e4: {  	v3 =	vor.u32 v3, v4  }
0x2e5: {  	v4 =	vperm.xlane v3, v0;
	_ =	sdelay $0x1  }
0x2e6: {  	v4 =	vadd.s32 v1, v4;
	_ =	sdelay $0x3  }
0x2e7: {  	v3 =	vperm.xlane v3, v2  }
0x2e8: {  	[tilespmem:s22], [sflag:$0x1] =	stream.indirect_vreg.gather [hbm4b:s4+s3], $0x80, v4, vm0, $0xb8;
	[tilespmem:$0xE100] =	vst v63  }
0x2e9: {  	s15 =	simm.s32 $0x9900;
	v3 =	vadd.s32 v1, v3  }
0x2ea: {  	[tilespmem:s15], [sflag:$0x1] =	stream.indirect_vreg.gather [hbm4b:s9+s3], $0x80, v4, vm0, $0xb8;
	[tilespmem:$0xE100] =	vst v63  }
0x2eb: {  	_ = 	snop  }
0x2ec: {  	[tilespmem:s17], [sflag:$0x1] =	stream.indirect_vreg.gather [hbm4b:s10+s3], $0x80, v4, vm0, $0xb8;
	[tilespmem:$0xE100] =	vst v63  }
0x2ed: {  	_ = 	snop  }
0x2ee: {  	[tilespmem:s18], [sflag:$0x1] =	stream.indirect_vreg.gather [hbm4b:s4+s3], $0x80, v3, vm0, $0xb8;
	[tilespmem:$0xE100] =	vst v63  }
0x2ef: {  	_ = 	snop  }
0x2f0: {  	[tilespmem:s19], [sflag:$0x1] =	stream.indirect_vreg.gather [hbm4b:s9+s3], $0x80, v3, vm0, $0xb8;
	[tilespmem:$0xE100] =	vst v63  }
0x2f1: {  	_ = 	snop  }
0x2f2: {  	[tilespmem:s26], [sflag:$0x1] =	stream.indirect_vreg.gather [hbm4b:s10+s3], $0x80, v3, vm0, $0xb8;
	[tilespmem:$0xE100] =	vst v63  }
0x2f3: {  	_ =	swait.ge [sflag:s23], $0xC000  }
0x2f4: {  	[sflag:s23] =	ssyncset.done $0x0  }
0x2f5: {  	s19 =	simm.s32 $0x100;
	s18 =	rddreg [dreg:$0x14];
	[sflag:s23] =	ssyncadd.s32 $0xFFFF4000  }
0x2f6: {  	[hbm4b:s18+s3] =	stream.linear.scatter [tilespmem:s19], [sflag:$0x2], $0xC000, $0x38;
	[tilespmem:$0xE100] =	vst v63  }
0x2f7: {  	_ =	swait.ge [sflag:s14], $0xC000  }
0x2f8: {  	[sflag:s14] =	ssyncset.done $0x0  }
0x2f9: {  	[sflag:s14] =	ssyncadd.s32 $0xFFFF4000  }
0x2fa: {  	v3 =	vld [tilespmem:$0x80];
	_ =	sdelay $0x4  }
0x2fb: {  	v48 =	vshrl.u32 v3, $0x3  }
0x2fc: {  	v4 =	vmul.u32 $0x30, v48  }
0x2fd: {  	v3 =	vand.u32 $0x7, v3  }
0x2fe: {  	v3 =	vor.u32 v3, v4  }
0x2ff: {  	v4 =	vperm.xlane v3, v0;
	_ =	sdelay $0x1  }
0x300: {  	v4 =	vadd.s32 v1, v4;
	_ =	sdelay $0x3  }
0x301: {  	v3 =	vperm.xlane v3, v2  }
0x302: {  	[tilespmem:s19], [sflag:$0x1] =	stream.indirect_vreg.gather [hbm4b:s5+s3], $0x80, v4, vm0, $0xb8;
	[tilespmem:$0xE100] =	vst v63  }
0x303: {  	s22 =	simm.s32 $0x900;
	v3 =	vadd.s32 v1, v3  }
0x304: {  	[tilespmem:s22], [sflag:$0x1] =	stream.indirect_vreg.gather [hbm4b:s11+s3], $0x80, v4, vm0, $0xb8;
	[tilespmem:$0xE100] =	vst v63  }
0x305: {  	s25 =	simm.s32 $0x1100  }
0x306: {  	[tilespmem:s25], [sflag:$0x1] =	stream.indirect_vreg.gather [hbm4b:s12+s3], $0x80, v4, vm0, $0xb8;
	[tilespmem:$0xE100] =	vst v63  }
0x307: {  	s16 =	simm.s32 $0x1900  }
0x308: {  	[tilespmem:s16], [sflag:$0x1] =	stream.indirect_vreg.gather [hbm4b:s5+s3], $0x80, v3, vm0, $0xb8;
	[tilespmem:$0xE100] =	vst v63  }
0x309: {  	s26 =	simm.s32 $0x2100  }
0x30a: {  	[tilespmem:s26], [sflag:$0x1] =	stream.indirect_vreg.gather [hbm4b:s11+s3], $0x80, v3, vm0, $0xb8;
	[tilespmem:$0xE100] =	vst v63  }
0x30b: {  	s19 =	simm.s32 $0x2900  }
0x30c: {  	[tilespmem:s19], [sflag:$0x1] =	stream.indirect_vreg.gather [hbm4b:s12+s3], $0x80, v3, vm0, $0xb8;
	[tilespmem:$0xE100] =	vst v63  }
0x30d: {  	v3 =	vld [tilespmem:$0x90];
	_ =	sdelay $0x4  }
0x30e: {  	v49 =	vshrl.u32 v3, $0x3  }
0x30f: {  	v4 =	vmul.u32 $0x30, v49  }
0x310: {  	v3 =	vand.u32 $0x7, v3  }
0x311: {  	v3 =	vor.u32 v3, v4  }
0x312: {  	v4 =	vperm.xlane v3, v0;
	_ =	sdelay $0x1  }
0x313: {  	v4 =	vadd.s32 v1, v4;
	_ =	sdelay $0x3  }
0x314: {  	s30 =	simm.s32 $0x3100;
	v3 =	vperm.xlane v3, v2  }
0x315: {  	[tilespmem:s30], [sflag:$0x1] =	stream.indirect_vreg.gather [hbm4b:s5+s3], $0x80, v4, vm0, $0xb8;
	[tilespmem:$0xE100] =	vst v63  }
0x316: {  	s20 =	simm.s32 $0x3900;
	v3 =	vadd.s32 v1, v3  }
0x317: {  	[tilespmem:s20], [sflag:$0x1] =	stream.indirect_vreg.gather [hbm4b:s11+s3], $0x80, v4, vm0, $0xb8;
	[tilespmem:$0xE100] =	vst v63  }
0x318: {  	s20 =	simm.s32 $0x4100  }
0x319: {  	[tilespmem:s20], [sflag:$0x1] =	stream.indirect_vreg.gather [hbm4b:s12+s3], $0x80, v4, vm0, $0xb8;
	[tilespmem:$0xE100] =	vst v63  }
0x31a: {  	s22 =	simm.s32 $0x4900  }
0x31b: {  	[tilespmem:s22], [sflag:$0x1] =	stream.indirect_vreg.gather [hbm4b:s5+s3], $0x80, v3, vm0, $0xb8;
	[tilespmem:$0xE100] =	vst v63  }
0x31c: {  	s25 =	simm.s32 $0x5100  }
0x31d: {  	[tilespmem:s25], [sflag:$0x1] =	stream.indirect_vreg.gather [hbm4b:s11+s3], $0x80, v3, vm0, $0xb8;
	[tilespmem:$0xE100] =	vst v63  }
0x31e: {  	s31 =	simm.s32 $0x5900  }
0x31f: {  	[tilespmem:s31], [sflag:$0x1] =	stream.indirect_vreg.gather [hbm4b:s12+s3], $0x80, v3, vm0, $0xb8;
	[tilespmem:$0xE100] =	vst v63  }
0x320: {  	v3 =	vld [tilespmem:$0xA0];
	_ =	sdelay $0x4  }
0x321: {  	v50 =	vshrl.u32 v3, $0x3  }
0x322: {  	v4 =	vmul.u32 $0x30, v50  }
0x323: {  	v3 =	vand.u32 $0x7, v3  }
0x324: {  	v3 =	vor.u32 v3, v4  }
0x325: {  	v4 =	vperm.xlane v3, v0;
	_ =	sdelay $0x1  }
0x326: {  	v4 =	vadd.s32 v1, v4;
	_ =	sdelay $0x3  }
0x327: {  	s29 =	simm.s32 $0x6100;
	v3 =	vperm.xlane v3, v2  }
0x328: {  	[tilespmem:s29], [sflag:$0x1] =	stream.indirect_vreg.gather [hbm4b:s5+s3], $0x80, v4, vm0, $0xb8;
	[tilespmem:$0xE100] =	vst v63  }
0x329: {  	s6 =	simm.s32 $0x6900;
	v3 =	vadd.s32 v1, v3  }
0x32a: {  	[tilespmem:s6], [sflag:$0x1] =	stream.indirect_vreg.gather [hbm4b:s11+s3], $0x80, v4, vm0, $0xb8;
	[tilespmem:$0xE100] =	vst v63  }
0x32b: {  	s26 =	simm.s32 $0x7100  }
0x32c: {  	[tilespmem:s26], [sflag:$0x1] =	stream.indirect_vreg.gather [hbm4b:s12+s3], $0x80, v4, vm0, $0xb8;
	[tilespmem:$0xE100] =	vst v63  }
0x32d: {  	s28 =	simm.s32 $0x7900  }
0x32e: {  	[tilespmem:s28], [sflag:$0x1] =	stream.indirect_vreg.gather [hbm4b:s5+s3], $0x80, v3, vm0, $0xb8;
	[tilespmem:$0xE100] =	vst v63  }
0x32f: {  	s2 =	simm.s32 $0x8100  }
0x330: {  	[tilespmem:s2], [sflag:$0x1] =	stream.indirect_vreg.gather [hbm4b:s11+s3], $0x80, v3, vm0, $0xb8;
	[tilespmem:$0xE100] =	vst v63  }
0x331: {  	s28 =	simm.s32 $0x8900  }
0x332: {  	[tilespmem:s28], [sflag:$0x1] =	stream.indirect_vreg.gather [hbm4b:s12+s3], $0x80, v3, vm0, $0xb8;
	[tilespmem:$0xE100] =	vst v63  }
0x333: {  	v3 =	vld [tilespmem:$0xB0];
	_ =	sdelay $0x4  }
0x334: {  	v51 =	vshrl.u32 v3, $0x3  }
0x335: {  	v4 =	vmul.u32 $0x30, v51  }
0x336: {  	v3 =	vand.u32 $0x7, v3  }
0x337: {  	v3 =	vor.u32 v3, v4  }
0x338: {  	v4 =	vperm.xlane v3, v0;
	_ =	sdelay $0x1  }
0x339: {  	v4 =	vadd.s32 v1, v4;
	_ =	sdelay $0x3  }
0x33a: {  	s24 =	simm.s32 $0x9100;
	v3 =	vperm.xlane v3, v2  }
0x33b: {  	[tilespmem:s24], [sflag:$0x1] =	stream.indirect_vreg.gather [hbm4b:s5+s3], $0x80, v4, vm0, $0xb8;
	[tilespmem:$0xE100] =	vst v63  }
0x33c: {  	s21 =	simm.s32 $0x9900;
	v3 =	vadd.s32 v1, v3  }
0x33d: {  	[tilespmem:s21], [sflag:$0x1] =	stream.indirect_vreg.gather [hbm4b:s11+s3], $0x80, v4, vm0, $0xb8;
	[tilespmem:$0xE100] =	vst v63  }
0x33e: {  	s0 =	simm.s32 $0xA100  }
0x33f: {  	[tilespmem:s0], [sflag:$0x1] =	stream.indirect_vreg.gather [hbm4b:s12+s3], $0x80, v4, vm0, $0xb8;
	[tilespmem:$0xE100] =	vst v63  }
0x340: {  	s13 =	simm.s32 $0xA900  }
0x341: {  	[tilespmem:s13], [sflag:$0x1] =	stream.indirect_vreg.gather [hbm4b:s5+s3], $0x80, v3, vm0, $0xb8;
	[tilespmem:$0xE100] =	vst v63  }
0x342: {  	s15 =	simm.s32 $0xB100  }
0x343: {  	[tilespmem:s15], [sflag:$0x1] =	stream.indirect_vreg.gather [hbm4b:s11+s3], $0x80, v3, vm0, $0xb8;
	[tilespmem:$0xE100] =	vst v63  }
0x344: {  	s17 =	simm.s32 $0xB900  }
0x345: {  	[tilespmem:s17], [sflag:$0x1] =	stream.indirect_vreg.gather [hbm4b:s12+s3], $0x80, v3, vm0, $0xb8;
	[tilespmem:$0xE100] =	vst v63  }
0x346: {  	_ =	swait.ge [sflag:s23], $0xC000  }
0x347: {  	[sflag:s23] =	ssyncset.done $0x0  }
0x348: {  	s18 =	simm.s32 $0x100;
	s29 =	rddreg [dreg:$0x15];
	[sflag:s23] =	ssyncadd.s32 $0xFFFF4000  }
0x349: {  	[hbm4b:s29+s3] =	stream.linear.scatter [tilespmem:s18], [sflag:$0x2], $0xC000, $0x38;
	[tilespmem:$0xE100] =	vst v63  }
0x34a: {  	_ =	swait.ge [sflag:s14], $0xC000  }
0x34b: {  	s30 =	sld [smem:$0x7FD]  }
0x34c: {  	[sflag:s14] =	ssyncset.done $0x0  }
0x34d: {  	s31 =	simm.s32 $0x40;
	s6 =	simm.s32 $0xC100;
	[sflag:s14] =	ssyncadd.s32 $0xFFFF4000  }
0x34e: {  	[tilespmem:s6], [sflag:$0x1] =	stream.indirect.gather [hbm4b:s30+s31], $0x80, s3, s31, $0xb8;
	[tilespmem:$0xE100] =	vst v63  }
0x34f: {  	_ =	swait.ge [sflag:s23], $0x2000  }
0x350: {  	[sflag:s23] =	ssyncset.done $0x0  }
0x351: {  	s13 =	rddreg [dreg:$0x16];
	[sflag:s23] =	ssyncadd.s32 $0xFFFFE000  }
0x352: {  	[hbm4b:s13+s3] =	stream.linear.scatter [tilespmem:s6], [sflag:$0x2], $0x2000, $0x38;
	[tilespmem:$0xE100] =	vst v63  }
0x353: {  	_ =	swait.ge [sflag:s14], $0x2000  }
0x354: {  	[sflag:s14] =	ssyncset.done $0x0  }
0x355: {  	s16 =	simm.s32 $0x80;
	[sflag:s14] =	ssyncadd.s32 $0xFFFFE000  }
0x356: {  	[tilespmem:s6], [sflag:$0x1] =	stream.indirect.gather [hbm4b:s30+s31], $0x80, s16, s31, $0xb8;
	[tilespmem:$0xE100] =	vst v63  }
0x357: {  	_ =	swait.ge [sflag:s23], $0x2000  }
0x358: {  	[sflag:s23] =	ssyncset.done $0x0  }
0x359: {  	s17 =	rddreg [dreg:$0x17];
	[sflag:s23] =	ssyncadd.s32 $0xFFFFE000  }
0x35a: {  	[hbm4b:s17+s3] =	stream.linear.scatter [tilespmem:s6], [sflag:$0x2], $0x2000, $0x38;
	[tilespmem:$0xE100] =	vst v63  }
0x35b: {  	_ =	swait.ge [sflag:s14], $0x2000  }
0x35c: {  	[sflag:s14] =	ssyncset.done $0x0  }
0x35d: {  	s18 =	rddreg [dreg:$0x18];
	[sflag:s14] =	ssyncadd.s32 $0xFFFFE000  }
0x35e: {  	[tilespmem:s3], [sflag:$0x2] =	stream.linear.gather [hbm4b:s18+s3], $0x40, $0x38;
	[tilespmem:$0xE100] =	vst v63  }
0x35f: {  	_ =	swait.ge [sflag:s14], $0x40  }
0x360: {  	[sflag:s14] =	ssyncset.done $0x0  }
0x361: {  	s19 =	rddreg [dreg:$0x19];
	[sflag:s14] =	ssyncadd.s32 $0xFFFFFFC0  }
0x362: {  	[tilespmem:s16], [sflag:$0x2] =	stream.linear.gather [hbm4b:s19+s3], $0x40, $0x38;
	[tilespmem:$0xE100] =	vst v63  }
0x363: {  	_ =	swait.ge [sflag:s14], $0x40  }
0x364: {  	[sflag:s14] =	ssyncset.done $0x0  }
0x365: {  	[sflag:s14] =	ssyncadd.s32 $0xFFFFFFC0  }
0x366: {  	v3 =	vld [tilespmem:$0x0];
	_ =	sdelay $0x4  }
0x367: {  	v52 =	vshrl.u32 v3, $0x3  }
0x368: {  	v4 =	vmul.u32 $0x30, v52  }
0x369: {  	v3 =	vand.u32 $0x7, v3  }
0x36a: {  	v3 =	vor.u32 v3, v4  }
0x36b: {  	v4 =	vperm.xlane v3, v0;
	_ =	sdelay $0x1  }
0x36c: {  	v4 =	vadd.s32 v1, v4;
	_ =	sdelay $0x3  }
0x36d: {  	s30 =	simm.s32 $0x100;
	v3 =	vperm.xlane v3, v2  }
0x36e: {  	[tilespmem:s30], [sflag:$0x1] =	stream.indirect_vreg.gather [hbm4b:s1+s3], $0x80, v4, vm0, $0xb8;
	[tilespmem:$0xE100] =	vst v63  }
0x36f: {  	s26 =	simm.s32 $0x900;
	v3 =	vadd.s32 v1, v3  }
0x370: {  	[tilespmem:s26], [sflag:$0x1] =	stream.indirect_vreg.gather [hbm4b:s7+s3], $0x80, v4, vm0, $0xb8;
	[tilespmem:$0xE100] =	vst v63  }
0x371: {  	s2 =	simm.s32 $0x1100  }
0x372: {  	[tilespmem:s2], [sflag:$0x1] =	stream.indirect_vreg.gather [hbm4b:s8+s3], $0x80, v4, vm0, $0xb8;
	[tilespmem:$0xE100] =	vst v63  }
0x373: {  	s13 =	simm.s32 $0x1900  }
0x374: {  	[tilespmem:s13], [sflag:$0x1] =	stream.indirect_vreg.gather [hbm4b:s1+s3], $0x80, v3, vm0, $0xb8;
	[tilespmem:$0xE100] =	vst v63  }
0x375: {  	s6 =	simm.s32 $0x2100  }
0x376: {  	[tilespmem:s6], [sflag:$0x1] =	stream.indirect_vreg.gather [hbm4b:s7+s3], $0x80, v3, vm0, $0xb8;
	[tilespmem:$0xE100] =	vst v63  }
0x377: {  	s15 =	simm.s32 $0x2900  }
0x378: {  	[tilespmem:s15], [sflag:$0x1] =	stream.indirect_vreg.gather [hbm4b:s8+s3], $0x80, v3, vm0, $0xb8;
	[tilespmem:$0xE100] =	vst v63  }
0x379: {  	v3 =	vld [tilespmem:$0x10];
	_ =	sdelay $0x4  }
0x37a: {  	v53 =	vshrl.u32 v3, $0x3  }
0x37b: {  	v4 =	vmul.u32 $0x30, v53  }
0x37c: {  	v3 =	vand.u32 $0x7, v3  }
0x37d: {  	v3 =	vor.u32 v3, v4  }
0x37e: {  	v4 =	vperm.xlane v3, v0;
	_ =	sdelay $0x1  }
0x37f: {  	v4 =	vadd.s32 v1, v4;
	_ =	sdelay $0x3  }
0x380: {  	s24 =	simm.s32 $0x3100;
	v3 =	vperm.xlane v3, v2  }
0x381: {  	[tilespmem:s24], [sflag:$0x1] =	stream.indirect_vreg.gather [hbm4b:s1+s3], $0x80, v4, vm0, $0xb8;
	[tilespmem:$0xE100] =	vst v63  }
0x382: {  	s29 =	simm.s32 $0x3900;
	v3 =	vadd.s32 v1, v3  }
0x383: {  	[tilespmem:s29], [sflag:$0x1] =	stream.indirect_vreg.gather [hbm4b:s7+s3], $0x80, v4, vm0, $0xb8;
	[tilespmem:$0xE100] =	vst v63  }
0x384: {  	s17 =	simm.s32 $0x4100  }
0x385: {  	[tilespmem:s17], [sflag:$0x1] =	stream.indirect_vreg.gather [hbm4b:s8+s3], $0x80, v4, vm0, $0xb8;
	[tilespmem:$0xE100] =	vst v63  }
0x386: {  	s16 =	simm.s32 $0x4900  }
0x387: {  	[tilespmem:s16], [sflag:$0x1] =	stream.indirect_vreg.gather [hbm4b:s1+s3], $0x80, v3, vm0, $0xb8;
	[tilespmem:$0xE100] =	vst v63  }
0x388: {  	s18 =	simm.s32 $0x5100  }
0x389: {  	[tilespmem:s18], [sflag:$0x1] =	stream.indirect_vreg.gather [hbm4b:s7+s3], $0x80, v3, vm0, $0xb8;
	[tilespmem:$0xE100] =	vst v63  }
0x38a: {  	s20 =	simm.s32 $0x5900  }
0x38b: {  	[tilespmem:s20], [sflag:$0x1] =	stream.indirect_vreg.gather [hbm4b:s8+s3], $0x80, v3, vm0, $0xb8;
	[tilespmem:$0xE100] =	vst v63  }
0x38c: {  	v3 =	vld [tilespmem:$0x20];
	_ =	sdelay $0x4  }
0x38d: {  	v54 =	vshrl.u32 v3, $0x3  }
0x38e: {  	v4 =	vmul.u32 $0x30, v54  }
0x38f: {  	v3 =	vand.u32 $0x7, v3  }
0x390: {  	v3 =	vor.u32 v3, v4  }
0x391: {  	v4 =	vperm.xlane v3, v0;
	_ =	sdelay $0x1  }
0x392: {  	v4 =	vadd.s32 v1, v4;
	_ =	sdelay $0x3  }
0x393: {  	s21 =	simm.s32 $0x6100;
	v3 =	vperm.xlane v3, v2  }
0x394: {  	[tilespmem:s21], [sflag:$0x1] =	stream.indirect_vreg.gather [hbm4b:s1+s3], $0x80, v4, vm0, $0xb8;
	[tilespmem:$0xE100] =	vst v63  }
0x395: {  	s28 =	simm.s32 $0x6900;
	v3 =	vadd.s32 v1, v3  }
0x396: {  	[tilespmem:s28], [sflag:$0x1] =	stream.indirect_vreg.gather [hbm4b:s7+s3], $0x80, v4, vm0, $0xb8;
	[tilespmem:$0xE100] =	vst v63  }
0x397: {  	s19 =	simm.s32 $0x7100  }
0x398: {  	[tilespmem:s19], [sflag:$0x1] =	stream.indirect_vreg.gather [hbm4b:s8+s3], $0x80, v4, vm0, $0xb8;
	[tilespmem:$0xE100] =	vst v63  }
0x399: {  	s22 =	simm.s32 $0x7900  }
0x39a: {  	[tilespmem:s22], [sflag:$0x1] =	stream.indirect_vreg.gather [hbm4b:s1+s3], $0x80, v3, vm0, $0xb8;
	[tilespmem:$0xE100] =	vst v63  }
0x39b: {  	s20 =	simm.s32 $0x8100  }
0x39c: {  	[tilespmem:s20], [sflag:$0x1] =	stream.indirect_vreg.gather [hbm4b:s7+s3], $0x80, v3, vm0, $0xb8;
	[tilespmem:$0xE100] =	vst v63  }
0x39d: {  	s21 =	simm.s32 $0x8900  }
0x39e: {  	[tilespmem:s21], [sflag:$0x1] =	stream.indirect_vreg.gather [hbm4b:s8+s3], $0x80, v3, vm0, $0xb8;
	[tilespmem:$0xE100] =	vst v63  }
0x39f: {  	v3 =	vld [tilespmem:$0x30];
	_ =	sdelay $0x4  }
0x3a0: {  	v55 =	vshrl.u32 v3, $0x3  }
0x3a1: {  	v4 =	vmul.u32 $0x30, v55  }
0x3a2: {  	v3 =	vand.u32 $0x7, v3  }
0x3a3: {  	v3 =	vor.u32 v3, v4  }
0x3a4: {  	v4 =	vperm.xlane v3, v0;
	_ =	sdelay $0x1  }
0x3a5: {  	v4 =	vadd.s32 v1, v4;
	_ =	sdelay $0x3  }
0x3a6: {  	s25 =	simm.s32 $0x9100;
	v3 =	vperm.xlane v3, v2  }
0x3a7: {  	[tilespmem:s25], [sflag:$0x1] =	stream.indirect_vreg.gather [hbm4b:s1+s3], $0x80, v4, vm0, $0xb8;
	[tilespmem:$0xE100] =	vst v63  }
0x3a8: {  	s31 =	simm.s32 $0x9900;
	v3 =	vadd.s32 v1, v3  }
0x3a9: {  	[tilespmem:s31], [sflag:$0x1] =	stream.indirect_vreg.gather [hbm4b:s7+s3], $0x80, v4, vm0, $0xb8;
	[tilespmem:$0xE100] =	vst v63  }
0x3aa: {  	s22 =	simm.s32 $0xA100  }
0x3ab: {  	[tilespmem:s22], [sflag:$0x1] =	stream.indirect_vreg.gather [hbm4b:s8+s3], $0x80, v4, vm0, $0xb8;
	[tilespmem:$0xE100] =	vst v63  }
0x3ac: {  	s0 =	simm.s32 $0xA900  }
0x3ad: {  	[tilespmem:s0], [sflag:$0x1] =	stream.indirect_vreg.gather [hbm4b:s1+s3], $0x80, v3, vm0, $0xb8;
	[tilespmem:$0xE100] =	vst v63  }
0x3ae: {  	s1 =	simm.s32 $0xB100  }
0x3af: {  	[tilespmem:s1], [sflag:$0x1] =	stream.indirect_vreg.gather [hbm4b:s7+s3], $0x80, v3, vm0, $0xb8;
	[tilespmem:$0xE100] =	vst v63  }
0x3b0: {  	s25 =	simm.s32 $0xB900  }
0x3b1: {  	[tilespmem:s25], [sflag:$0x1] =	stream.indirect_vreg.gather [hbm4b:s8+s3], $0x80, v3, vm0, $0xb8;
	[tilespmem:$0xE100] =	vst v63  }
0x3b2: {  	_ =	swait.ge [sflag:s23], $0xC000  }
0x3b3: {  	[sflag:s23] =	ssyncset.done $0x0  }
0x3b4: {  	s25 =	rddreg [dreg:$0x1a];
	[sflag:s23] =	ssyncadd.s32 $0xFFFF4000  }
0x3b5: {  	[hbm4b:s25+s3] =	stream.linear.scatter [tilespmem:s30], [sflag:$0x2], $0xC000, $0x38;
	[tilespmem:$0xE100] =	vst v63  }
0x3b6: {  	_ =	swait.ge [sflag:s14], $0xC000  }
0x3b7: {  	[sflag:s14] =	ssyncset.done $0x0  }
0x3b8: {  	[sflag:s14] =	ssyncadd.s32 $0xFFFF4000  }
0x3b9: {  	v3 =	vld [tilespmem:$0x0];
	_ =	sdelay $0x4  }
0x3ba: {  	v56 =	vshrl.u32 v3, $0x3  }
0x3bb: {  	v4 =	vmul.u32 $0x30, v56  }
0x3bc: {  	v3 =	vand.u32 $0x7, v3  }
0x3bd: {  	v3 =	vor.u32 v3, v4  }
0x3be: {  	v4 =	vperm.xlane v3, v0;
	_ =	sdelay $0x1  }
0x3bf: {  	v4 =	vadd.s32 v1, v4;
	_ =	sdelay $0x3  }
0x3c0: {  	v3 =	vperm.xlane v3, v2  }
0x3c1: {  	[tilespmem:s30], [sflag:$0x1] =	stream.indirect_vreg.gather [hbm4b:s4+s3], $0x80, v4, vm0, $0xb8;
	[tilespmem:$0xE100] =	vst v63  }
0x3c2: {  	v3 =	vadd.s32 v1, v3  }
0x3c3: {  	[tilespmem:s26], [sflag:$0x1] =	stream.indirect_vreg.gather [hbm4b:s9+s3], $0x80, v4, vm0, $0xb8;
	[tilespmem:$0xE100] =	vst v63  }
0x3c4: {  	_ = 	snop  }
0x3c5: {  	[tilespmem:s2], [sflag:$0x1] =	stream.indirect_vreg.gather [hbm4b:s10+s3], $0x80, v4, vm0, $0xb8;
	[tilespmem:$0xE100] =	vst v63  }
0x3c6: {  	_ = 	snop  }
0x3c7: {  	[tilespmem:s13], [sflag:$0x1] =	stream.indirect_vreg.gather [hbm4b:s4+s3], $0x80, v3, vm0, $0xb8;
	[tilespmem:$0xE100] =	vst v63  }
0x3c8: {  	_ = 	snop  }
0x3c9: {  	[tilespmem:s6], [sflag:$0x1] =	stream.indirect_vreg.gather [hbm4b:s9+s3], $0x80, v3, vm0, $0xb8;
	[tilespmem:$0xE100] =	vst v63  }
0x3ca: {  	_ = 	snop  }
0x3cb: {  	[tilespmem:s15], [sflag:$0x1] =	stream.indirect_vreg.gather [hbm4b:s10+s3], $0x80, v3, vm0, $0xb8;
	[tilespmem:$0xE100] =	vst v63  }
0x3cc: {  	v3 =	vld [tilespmem:$0x10];
	_ =	sdelay $0x4  }
0x3cd: {  	v57 =	vshrl.u32 v3, $0x3  }
0x3ce: {  	v4 =	vmul.u32 $0x30, v57  }
0x3cf: {  	v3 =	vand.u32 $0x7, v3  }
0x3d0: {  	v3 =	vor.u32 v3, v4  }
0x3d1: {  	v4 =	vperm.xlane v3, v0;
	_ =	sdelay $0x1  }
0x3d2: {  	v4 =	vadd.s32 v1, v4;
	_ =	sdelay $0x3  }
0x3d3: {  	v3 =	vperm.xlane v3, v2  }
0x3d4: {  	[tilespmem:s24], [sflag:$0x1] =	stream.indirect_vreg.gather [hbm4b:s4+s3], $0x80, v4, vm0, $0xb8;
	[tilespmem:$0xE100] =	vst v63  }
0x3d5: {  	v3 =	vadd.s32 v1, v3  }
0x3d6: {  	[tilespmem:s29], [sflag:$0x1] =	stream.indirect_vreg.gather [hbm4b:s9+s3], $0x80, v4, vm0, $0xb8;
	[tilespmem:$0xE100] =	vst v63  }
0x3d7: {  	_ = 	snop  }
0x3d8: {  	[tilespmem:s17], [sflag:$0x1] =	stream.indirect_vreg.gather [hbm4b:s10+s3], $0x80, v4, vm0, $0xb8;
	[tilespmem:$0xE100] =	vst v63  }
0x3d9: {  	_ = 	snop  }
0x3da: {  	[tilespmem:s16], [sflag:$0x1] =	stream.indirect_vreg.gather [hbm4b:s4+s3], $0x80, v3, vm0, $0xb8;
	[tilespmem:$0xE100] =	vst v63  }
0x3db: {  	_ = 	snop  }
0x3dc: {  	[tilespmem:s18], [sflag:$0x1] =	stream.indirect_vreg.gather [hbm4b:s9+s3], $0x80, v3, vm0, $0xb8;
	[tilespmem:$0xE100] =	vst v63  }
0x3dd: {  	s26 =	simm.s32 $0x5900  }
0x3de: {  	[tilespmem:s26], [sflag:$0x1] =	stream.indirect_vreg.gather [hbm4b:s10+s3], $0x80, v3, vm0, $0xb8;
	[tilespmem:$0xE100] =	vst v63  }
0x3df: {  	v3 =	vld [tilespmem:$0x20];
	_ =	sdelay $0x4  }
0x3e0: {  	v58 =	vshrl.u32 v3, $0x3  }
0x3e1: {  	v4 =	vmul.u32 $0x30, v58  }
0x3e2: {  	v3 =	vand.u32 $0x7, v3  }
0x3e3: {  	v3 =	vor.u32 v3, v4  }
0x3e4: {  	v4 =	vperm.xlane v3, v0;
	_ =	sdelay $0x1  }
0x3e5: {  	v4 =	vadd.s32 v1, v4;
	_ =	sdelay $0x3  }
0x3e6: {  	s26 =	simm.s32 $0x6100;
	v3 =	vperm.xlane v3, v2  }
0x3e7: {  	[tilespmem:s26], [sflag:$0x1] =	stream.indirect_vreg.gather [hbm4b:s4+s3], $0x80, v4, vm0, $0xb8;
	[tilespmem:$0xE100] =	vst v63  }
0x3e8: {  	v3 =	vadd.s32 v1, v3  }
0x3e9: {  	[tilespmem:s28], [sflag:$0x1] =	stream.indirect_vreg.gather [hbm4b:s9+s3], $0x80, v4, vm0, $0xb8;
	[tilespmem:$0xE100] =	vst v63  }
0x3ea: {  	_ = 	snop  }
0x3eb: {  	[tilespmem:s19], [sflag:$0x1] =	stream.indirect_vreg.gather [hbm4b:s10+s3], $0x80, v4, vm0, $0xb8;
	[tilespmem:$0xE100] =	vst v63  }
0x3ec: {  	s28 =	simm.s32 $0x7900  }
0x3ed: {  	[tilespmem:s28], [sflag:$0x1] =	stream.indirect_vreg.gather [hbm4b:s4+s3], $0x80, v3, vm0, $0xb8;
	[tilespmem:$0xE100] =	vst v63  }
0x3ee: {  	_ = 	snop  }
0x3ef: {  	[tilespmem:s20], [sflag:$0x1] =	stream.indirect_vreg.gather [hbm4b:s9+s3], $0x80, v3, vm0, $0xb8;
	[tilespmem:$0xE100] =	vst v63  }
0x3f0: {  	_ = 	snop  }
0x3f1: {  	[tilespmem:s21], [sflag:$0x1] =	stream.indirect_vreg.gather [hbm4b:s10+s3], $0x80, v3, vm0, $0xb8;
	[tilespmem:$0xE100] =	vst v63  }
0x3f2: {  	v3 =	vld [tilespmem:$0x30];
	_ =	sdelay $0x4  }
0x3f3: {  	v59 =	vshrl.u32 v3, $0x3  }
0x3f4: {  	v4 =	vmul.u32 $0x30, v59  }
0x3f5: {  	v3 =	vand.u32 $0x7, v3  }
0x3f6: {  	v3 =	vor.u32 v3, v4  }
0x3f7: {  	v4 =	vperm.xlane v3, v0;
	_ =	sdelay $0x1  }
0x3f8: {  	v4 =	vadd.s32 v1, v4;
	_ =	sdelay $0x3  }
0x3f9: {  	s28 =	simm.s32 $0x9100;
	v3 =	vperm.xlane v3, v2  }
0x3fa: {  	[tilespmem:s28], [sflag:$0x1] =	stream.indirect_vreg.gather [hbm4b:s4+s3], $0x80, v4, vm0, $0xb8;
	[tilespmem:$0xE100] =	vst v63  }
0x3fb: {  	v3 =	vadd.s32 v1, v3  }
0x3fc: {  	[tilespmem:s31], [sflag:$0x1] =	stream.indirect_vreg.gather [hbm4b:s9+s3], $0x80, v4, vm0, $0xb8;
	[tilespmem:$0xE100] =	vst v63  }
0x3fd: {  	_ = 	snop  }
0x3fe: {  	[tilespmem:s22], [sflag:$0x1] =	stream.indirect_vreg.gather [hbm4b:s10+s3], $0x80, v4, vm0, $0xb8;
	[tilespmem:$0xE100] =	vst v63  }
0x3ff: {  	_ = 	snop  }
0x400: {  	[tilespmem:s0], [sflag:$0x1] =	stream.indirect_vreg.gather [hbm4b:s4+s3], $0x80, v3, vm0, $0xb8;
	[tilespmem:$0xE100] =	vst v63  }
0x401: {  	_ = 	snop  }
0x402: {  	[tilespmem:s1], [sflag:$0x1] =	stream.indirect_vreg.gather [hbm4b:s9+s3], $0x80, v3, vm0, $0xb8;
	[tilespmem:$0xE100] =	vst v63  }
0x403: {  	s25 =	simm.s32 $0xB900  }
0x404: {  	[tilespmem:s25], [sflag:$0x1] =	stream.indirect_vreg.gather [hbm4b:s10+s3], $0x80, v3, vm0, $0xb8;
	[tilespmem:$0xE100] =	vst v63  }
0x405: {  	_ =	swait.ge [sflag:s23], $0xC000  }
0x406: {  	[sflag:s23] =	ssyncset.done $0x0  }
0x407: {  	s30 =	simm.s32 $0x100;
	s0 =	rddreg [dreg:$0x1b];
	[sflag:s23] =	ssyncadd.s32 $0xFFFF4000  }
0x408: {  	[hbm4b:s0+s3] =	stream.linear.scatter [tilespmem:s30], [sflag:$0x2], $0xC000, $0x38;
	[tilespmem:$0xE100] =	vst v63  }
0x409: {  	_ =	swait.ge [sflag:s14], $0xC000  }
0x40a: {  	[sflag:s14] =	ssyncset.done $0x0  }
0x40b: {  	[sflag:s14] =	ssyncadd.s32 $0xFFFF4000  }
0x40c: {  	v3 =	vld [tilespmem:$0x80];
	_ =	sdelay $0x4  }
0x40d: {  	v60 =	vshrl.u32 v3, $0x3  }
0x40e: {  	v4 =	vmul.u32 $0x30, v60  }
0x40f: {  	v3 =	vand.u32 $0x7, v3  }
0x410: {  	v3 =	vor.u32 v3, v4  }
0x411: {  	v4 =	vperm.xlane v3, v0;
	_ =	sdelay $0x1  }
0x412: {  	v4 =	vadd.s32 v1, v4;
	_ =	sdelay $0x3  }
0x413: {  	v3 =	vperm.xlane v3, v2  }
0x414: {  	[tilespmem:s30], [sflag:$0x1] =	stream.indirect_vreg.gather [hbm4b:s5+s3], $0x80, v4, vm0, $0xb8;
	[tilespmem:$0xE100] =	vst v63  }
0x415: {  	s25 =	simm.s32 $0x900;
	v3 =	vadd.s32 v1, v3  }
0x416: {  	[tilespmem:s25], [sflag:$0x1] =	stream.indirect_vreg.gather [hbm4b:s11+s3], $0x80, v4, vm0, $0xb8;
	[tilespmem:$0xE100] =	vst v63  }
0x417: {  	s2 =	simm.s32 $0x1100  }
0x418: {  	[tilespmem:s2], [sflag:$0x1] =	stream.indirect_vreg.gather [hbm4b:s12+s3], $0x80, v4, vm0, $0xb8;
	[tilespmem:$0xE100] =	vst v63  }
0x419: {  	s13 =	simm.s32 $0x1900  }
0x41a: {  	[tilespmem:s13], [sflag:$0x1] =	stream.indirect_vreg.gather [hbm4b:s5+s3], $0x80, v3, vm0, $0xb8;
	[tilespmem:$0xE100] =	vst v63  }
0x41b: {  	s6 =	simm.s32 $0x2100  }
0x41c: {  	[tilespmem:s6], [sflag:$0x1] =	stream.indirect_vreg.gather [hbm4b:s11+s3], $0x80, v3, vm0, $0xb8;
	[tilespmem:$0xE100] =	vst v63  }
0x41d: {  	s15 =	simm.s32 $0x2900  }
0x41e: {  	[tilespmem:s15], [sflag:$0x1] =	stream.indirect_vreg.gather [hbm4b:s12+s3], $0x80, v3, vm0, $0xb8;
	[tilespmem:$0xE100] =	vst v63  }
0x41f: {  	v3 =	vld [tilespmem:$0x90];
	_ =	sdelay $0x4  }
0x420: {  	v61 =	vshrl.u32 v3, $0x3  }
0x421: {  	v4 =	vmul.u32 $0x30, v61  }
0x422: {  	v3 =	vand.u32 $0x7, v3  }
0x423: {  	v3 =	vor.u32 v3, v4  }
0x424: {  	v4 =	vperm.xlane v3, v0;
	_ =	sdelay $0x1  }
0x425: {  	v4 =	vadd.s32 v1, v4;
	_ =	sdelay $0x3  }
0x426: {  	s24 =	simm.s32 $0x3100;
	v3 =	vperm.xlane v3, v2  }
0x427: {  	[tilespmem:s24], [sflag:$0x1] =	stream.indirect_vreg.gather [hbm4b:s5+s3], $0x80, v4, vm0, $0xb8;
	[tilespmem:$0xE100] =	vst v63  }
0x428: {  	s29 =	simm.s32 $0x3900;
	v3 =	vadd.s32 v1, v3  }
0x429: {  	[tilespmem:s29], [sflag:$0x1] =	stream.indirect_vreg.gather [hbm4b:s11+s3], $0x80, v4, vm0, $0xb8;
	[tilespmem:$0xE100] =	vst v63  }
0x42a: {  	s17 =	simm.s32 $0x4100  }
0x42b: {  	[tilespmem:s17], [sflag:$0x1] =	stream.indirect_vreg.gather [hbm4b:s12+s3], $0x80, v4, vm0, $0xb8;
	[tilespmem:$0xE100] =	vst v63  }
0x42c: {  	s16 =	simm.s32 $0x4900  }
0x42d: {  	[tilespmem:s16], [sflag:$0x1] =	stream.indirect_vreg.gather [hbm4b:s5+s3], $0x80, v3, vm0, $0xb8;
	[tilespmem:$0xE100] =	vst v63  }
0x42e: {  	s18 =	simm.s32 $0x5100  }
0x42f: {  	[tilespmem:s18], [sflag:$0x1] =	stream.indirect_vreg.gather [hbm4b:s11+s3], $0x80, v3, vm0, $0xb8;
	[tilespmem:$0xE100] =	vst v63  }
0x430: {  	s16 =	simm.s32 $0x5900  }
0x431: {  	[tilespmem:s16], [sflag:$0x1] =	stream.indirect_vreg.gather [hbm4b:s12+s3], $0x80, v3, vm0, $0xb8;
	[tilespmem:$0xE100] =	vst v63  }
0x432: {  	v3 =	vld [tilespmem:$0xA0];
	_ =	sdelay $0x4  }
0x433: {  	v62 =	vshrl.u32 v3, $0x3  }
0x434: {  	v4 =	vmul.u32 $0x30, v62  }
0x435: {  	v3 =	vand.u32 $0x7, v3  }
0x436: {  	v3 =	vor.u32 v3, v4  }
0x437: {  	v4 =	vperm.xlane v3, v0;
	_ =	sdelay $0x1  }
0x438: {  	v4 =	vadd.s32 v1, v4;
	_ =	sdelay $0x3  }
0x439: {  	s17 =	simm.s32 $0x6100;
	v3 =	vperm.xlane v3, v2  }
0x43a: {  	[tilespmem:s17], [sflag:$0x1] =	stream.indirect_vreg.gather [hbm4b:s5+s3], $0x80, v4, vm0, $0xb8;
	[tilespmem:$0xE100] =	vst v63  }
0x43b: {  	s26 =	simm.s32 $0x6900;
	v3 =	vadd.s32 v1, v3  }
0x43c: {  	[tilespmem:s26], [sflag:$0x1] =	stream.indirect_vreg.gather [hbm4b:s11+s3], $0x80, v4, vm0, $0xb8;
	[tilespmem:$0xE100] =	vst v63  }
0x43d: {  	s19 =	simm.s32 $0x7100  }
0x43e: {  	[tilespmem:s19], [sflag:$0x1] =	stream.indirect_vreg.gather [hbm4b:s12+s3], $0x80, v4, vm0, $0xb8;
	[tilespmem:$0xE100] =	vst v63  }
0x43f: {  	s18 =	simm.s32 $0x7900  }
0x440: {  	[tilespmem:s18], [sflag:$0x1] =	stream.indirect_vreg.gather [hbm4b:s5+s3], $0x80, v3, vm0, $0xb8;
	[tilespmem:$0xE100] =	vst v63  }
0x441: {  	s20 =	simm.s32 $0x8100  }
0x442: {  	[tilespmem:s20], [sflag:$0x1] =	stream.indirect_vreg.gather [hbm4b:s11+s3], $0x80, v3, vm0, $0xb8;
	[tilespmem:$0xE100] =	vst v63  }
0x443: {  	s21 =	simm.s32 $0x8900  }
0x444: {  	[tilespmem:s21], [sflag:$0x1] =	stream.indirect_vreg.gather [hbm4b:s12+s3], $0x80, v3, vm0, $0xb8;
	[tilespmem:$0xE100] =	vst v63  }
0x445: {  	v3 =	vld [tilespmem:$0xB0];
	_ =	sdelay $0x4  }
0x446: {  	v63 =	vshrl.u32 v3, $0x3  }
0x447: {  	v4 =	vmul.u32 $0x30, v63  }
0x448: {  	v3 =	vand.u32 $0x7, v3  }
0x449: {  	v3 =	vor.u32 v3, v4  }
0x44a: {  	v4 =	vperm.xlane v3, v0;
	_ =	sdelay $0x1  }
0x44b: {  	v4 =	vadd.s32 v1, v4;
	_ =	sdelay $0x3  }
0x44c: {  	s19 =	simm.s32 $0x9100;
	v3 =	vperm.xlane v3, v2  }
0x44d: {  	[tilespmem:s19], [sflag:$0x1] =	stream.indirect_vreg.gather [hbm4b:s5+s3], $0x80, v4, vm0, $0xb8;
	[tilespmem:$0xE100] =	vst v63  }
0x44e: {  	s31 =	simm.s32 $0x9900;
	v3 =	vadd.s32 v1, v3  }
0x44f: {  	[tilespmem:s31], [sflag:$0x1] =	stream.indirect_vreg.gather [hbm4b:s11+s3], $0x80, v4, vm0, $0xb8;
	[tilespmem:$0xE100] =	vst v63  }
0x450: {  	s22 =	simm.s32 $0xA100  }
0x451: {  	[tilespmem:s22], [sflag:$0x1] =	stream.indirect_vreg.gather [hbm4b:s12+s3], $0x80, v4, vm0, $0xb8;
	[tilespmem:$0xE100] =	vst v63  }
0x452: {  	s28 =	simm.s32 $0xA900  }
0x453: {  	[tilespmem:s28], [sflag:$0x1] =	stream.indirect_vreg.gather [hbm4b:s5+s3], $0x80, v3, vm0, $0xb8;
	[tilespmem:$0xE100] =	vst v63  }
0x454: {  	s1 =	simm.s32 $0xB100  }
0x455: {  	[tilespmem:s1], [sflag:$0x1] =	stream.indirect_vreg.gather [hbm4b:s11+s3], $0x80, v3, vm0, $0xb8;
	[tilespmem:$0xE100] =	vst v63  }
0x456: {  	s20 =	simm.s32 $0xB900  }
0x457: {  	[tilespmem:s20], [sflag:$0x1] =	stream.indirect_vreg.gather [hbm4b:s12+s3], $0x80, v3, vm0, $0xb8;
	[tilespmem:$0xE100] =	vst v63  }
0x458: {  	s15 =	rddreg [dreg:$0x1f];
	_ =	swait.ge [sflag:s23], $0xC000  }
0x459: {  	[sflag:s23] =	ssyncset.done $0x0  }
0x45a: {  	s21 =	rddreg [dreg:$0x1c];
	[sflag:s23] =	ssyncadd.s32 $0xFFFF4000  }
0x45b: {  	[hbm4b:s21+s3] =	stream.linear.scatter [tilespmem:s30], [sflag:$0x2], $0xC000, $0x38;
	[tilespmem:$0xE100] =	vst v63  }
0x45c: {  	_ =	swait.ge [sflag:s14], $0xC000  }
0x45d: {  	s26 =	sld [smem:$0x7FD]  }
0x45e: {  	[sflag:s14] =	ssyncset.done $0x0  }
0x45f: {  	s24 =	simm.s32 $0xC100;
	s22 =	simm.s32 $0x40;
	[sflag:s14] =	ssyncadd.s32 $0xFFFF4000  }
0x460: {  	[tilespmem:s24], [sflag:$0x1] =	stream.indirect.gather [hbm4b:s26+s22], $0x80, s3, s22, $0xb8;
	[tilespmem:$0xE100] =	vst v63  }
0x461: {  	_ =	swait.ge [sflag:s23], $0x2000  }
0x462: {  	[sflag:s23] =	ssyncset.done $0x0  }
0x463: {  	s28 =	rddreg [dreg:$0x1d];
	[sflag:s23] =	ssyncadd.s32 $0xFFFFE000  }
0x464: {  	[hbm4b:s28+s3] =	stream.linear.scatter [tilespmem:s24], [sflag:$0x2], $0x2000, $0x38;
	[tilespmem:$0xE100] =	vst v63  }
0x465: {  	_ =	swait.ge [sflag:s14], $0x2000  }
0x466: {  	[sflag:s14] =	ssyncset.done $0x0  }
0x467: {  	s29 =	simm.s32 $0x80;
	[sflag:s14] =	ssyncadd.s32 $0xFFFFE000  }
0x468: {  	[tilespmem:s24], [sflag:$0x1] =	stream.indirect.gather [hbm4b:s26+s22], $0x80, s29, s22, $0xb8;
	[tilespmem:$0xE100] =	vst v63  }
0x469: {  	_ =	swait.ge [sflag:s23], $0x2000  }
0x46a: {  	p0 =	sne.s32 s15, $0x1;
	s30 =	simm.s32 $0xC100;
	[sflag:s23] =	ssyncset.done $0x0  }
.Ltmp0:
0x46b: {  	s31 =	rddreg [dreg:$0x1e];
	[sflag:s23] =	ssyncadd.s32 $0xFFFFE000;
	(pc) =	sbr.rel @p0 .LBB2_1-.Ltmp0, $4  }
0x46c: {  	[hbm4b:s31+s3] =	stream.linear.scatter [tilespmem:s30], [sflag:$0x2], $0x2000, $0x38;
	[tilespmem:$0xE100] =	vst v63  }
0x46d: {  	_ =	swait.ge [sflag:s14], $0x2000  }
0x46e: {  	[sflag:s14] =	ssyncset.done $0x0  }
0x46f: {  	s0 =	sadd.s32 $0xFFFFFFFF, s15;
	[sflag:s14] =	ssyncadd.s32 $0xFFFFE000  }
0x470: {  	_ =	sfence.sel $0x180000  }
0x471: {  	[bflag:$0x0] =	sbarrier.arrive $0xFFFF  }
0x472: {  	_ =	strace $0x90000047  }
0x473: {  	s0 =	stileid.u32;
	[bflag:$0x2] =	sbarrier.arrive $0xFFFF  }
0x474: {  	p0 =	sne.s32 s0, $0x0;
	s0 =	rddreg [dreg:$0x2]  }
0x475: {  	s0 =	sadd.s32 @!p0 $0x100000, s0  }
0x476: {  	[sflag:s0] =	ssyncadd.tile.s32 @!p0 $0x1;
	_ =	shalt  }
.Lfunc_end2:
_tile_overlayer_lowered:
.L_overlay_start_2:
0x477: {  	(tag) =	ssettag $0x2  }
0x478: {  	s0 =	rddreg [dreg:$0x0];
	s2 =	stileid.u32  }
0x479: {  	s1 =	rddreg [dreg:$0x1];
	p0 =	sne.s32 s2, $0x0  }
0x47a: {  	s3 =	rddreg [dreg:$0x2];
	[bflag:$0x3] =	sbarrier.arrive $0xFFFF;
	s2 =	simm.s32 @!p0 $0x1C02  }
0x47b: {  	[timem:s3], [sflag:s2] =	dma.local @!p0 [hbm:s0], s1  }
0x47c: {  	s0 =	simm.s32 @!p0 $0x2  }
0x47d: {  	_ =	swait.ge @!p0 [sflag:s0], s1  }
0x47e: {  	s1 =	ssub.s32 @!p0 $0x0, s1;
	[sflag:s0] =	ssyncset.done @!p0 $0x0  }
0x47f: {  	[sflag:s0] =	ssyncadd.s32 @!p0 s1  }
0x480: {  	[bflag:$0x3] =	sbarrier.arrive $0xFFFF  }
0x481: {  	_ =	shalt  }

</sc_bundles>
